<compile_context>
chip_gen: v7x
topology: tpu7x:2x2x1
jax: 0.10.2.dev20260603
libtpu: 0.0.44.dev20260713+nightly
codegen_flags: <defaults>
</compile_context>

<pallas_src>
import functools

import jax
import jax.numpy as jnp
from jax import lax
from jax.experimental import pallas as pl
from jax.experimental.pallas import tpu as pltpu
from jax.experimental.pallas import tpu_sc as plsc

N = 10000
E = 320000
D_IN = 128
D_H = 128
D_OUT = 64

NC = 2
NS = 16
NW = NC * NS

B = 128
CPW0 = 120
CPW1 = 40
HCH = 40
EPAD = NS * (CPW0 + CPW1) * B
NPAD = 10240
RPT = N // NS
ZPT = NPAD // NS



def _seg_sum_body(with_deg, D, *refs):
    if with_deg:
        (src_hbm, dst_hbm, table_hbm, out_hbm, deg_hbm,
         src_v, dst_v, buf0, buf1, sem0, sem1, acc,
         ones_v, dz_v, semd, dacc) = refs
    else:
        (src_hbm, dst_hbm, table_hbm, out_hbm,
         src_v, dst_v, buf0, buf1, sem0, sem1, acc) = refs

    c = lax.axis_index("c")
    s = lax.axis_index("s")
    _Z16 = jnp.zeros((16,), jnp.float32)
    _O16 = jnp.ones((16,), jnp.float32)

    def _zrow(i, carry):
        for k in range(D // 16):
            buf0[i, pl.ds(k * 16, 16)] = _Z16
        return carry
    lax.fori_loop(0, B, _zrow, 0)
    for t in range(ZPT // B):
        pltpu.sync_copy(buf0, acc.at[pl.ds(s * ZPT + t * B, B)])

    if with_deg:
        def _z1(i, carry):
            dz_v[pl.ds(i * 16, 16)] = _Z16
            return carry
        lax.fori_loop(0, ZPT // 16, _z1, 0)
        pltpu.sync_copy(dz_v, dacc.at[pl.ds(s * ZPT, ZPT)])
        for k in range(B // 16):
            ones_v[pl.ds(k * 16, 16)] = _O16

    plsc.subcore_barrier()

    def _half(g, j, buf, sem):
        pltpu.make_async_copy(table_hbm.at[src_v.at[0]], buf, sem).wait()
        pltpu.sync_copy(buf, acc.at[dst_v.at[j]], add=True)
        if with_deg:
            pltpu.async_copy(ones_v, dacc.at[dst_v.at[j]], semd, add=True)

        @pl.when(g < HCH // 2 - 1)
        def _():
            pltpu.async_copy(table_hbm.at[src_v.at[j + 2]], buf, sem)

    def _step(g, carry):
        _half(g, 2 * g, buf0, sem0)
        _half(g, 2 * g + 1, buf1, sem1)
        return carry

    base_c = jnp.where(c == 0, s * CPW0, NS * CPW0 + s * CPW1)
    nph_c = jnp.where(c == 0, CPW0 // HCH, CPW1 // HCH)
    for phase in range(max(CPW0, CPW1) // HCH):
        @pl.when(phase < nph_c)
        def _():
            pltpu.sync_copy(src_hbm.at[pl.ds(base_c + phase * HCH, HCH)], src_v)
            pltpu.sync_copy(dst_hbm.at[pl.ds(base_c + phase * HCH, HCH)], dst_v)
            pltpu.async_copy(table_hbm.at[src_v.at[0]], buf0, sem0)
            pltpu.async_copy(table_hbm.at[src_v.at[1]], buf1, sem1)
            lax.fori_loop(0, HCH // 2, _step, 0)
            if with_deg:
                def _drain(i, carry):
                    pltpu.make_async_copy(ones_v, dacc.at[dst_v.at[0]],
                                          semd).wait()
                    return carry
                lax.fori_loop(0, HCH, _drain, 0)

    plsc.subcore_barrier()

    pltpu.sync_copy(acc.at[pl.ds(s * ZPT, ZPT)],
                    out_hbm.at[pl.ds(c * NPAD + s * ZPT, ZPT)])
    if with_deg:
        pltpu.sync_copy(dacc.at[pl.ds(s * ZPT, ZPT)],
                        deg_hbm.at[pl.ds(c * NPAD + s * ZPT, ZPT)])


def _make_seg_sum(D, with_deg):
    out_type = [jax.ShapeDtypeStruct((NC * NPAD, D), jnp.float32)]
    scratch = [
        pltpu.VMEM((HCH, B), jnp.int32),
        pltpu.VMEM((HCH, B), jnp.int32),
        pltpu.VMEM((B, D), jnp.float32),
        pltpu.VMEM((B, D), jnp.float32),
        pltpu.SemaphoreType.DMA,
        pltpu.SemaphoreType.DMA,
        pltpu.VMEM_SHARED((NPAD, D), jnp.float32),
    ]
    if with_deg:
        out_type.append(jax.ShapeDtypeStruct((NC * NPAD,), jnp.float32))
        scratch += [
            pltpu.VMEM((B,), jnp.float32),
            pltpu.VMEM((ZPT,), jnp.float32),
            pltpu.SemaphoreType.DMA,
            pltpu.VMEM_SHARED((NPAD,), jnp.float32),
        ]
    mesh = plsc.VectorSubcoreMesh(core_axis_name="c", subcore_axis_name="s")
    return pl.kernel(
        functools.partial(_seg_sum_body, with_deg, D),
        out_type=out_type,
        mesh=mesh,
        scratch_types=scratch,
    )


@functools.lru_cache(maxsize=None)
def _get_seg_sum(D, with_deg):
    return _make_seg_sum(D, with_deg)



RB = 400
GRID = N // RB


def _rows(i):
    return (i, 0)


def _full(i):
    return (0, 0)


def _pair(i):
    return (0, i, 0)


def _tc_call(body, out_shapes, in_specs, out_specs, args):
    return pl.pallas_call(
        body,
        grid=(GRID,),
        in_specs=in_specs,
        out_specs=out_specs,
        out_shape=out_shapes,
    )(*args)


def _k_pre(x, w_cat):
    def body(x_ref, w_ref, a_ref, b_ref):
        res = jnp.dot(x_ref[...], w_ref[...], preferred_element_type=jnp.float32)
        a_ref[...] = res[:, :D_H]
        b_ref[...] = res[:, D_H:]
    return _tc_call(
        body,
        [jax.ShapeDtypeStruct((N, D_H), jnp.float32)] * 2,
        [pl.BlockSpec((RB, D_IN), _rows), pl.BlockSpec((D_IN, 2 * D_H), _full)],
        [pl.BlockSpec((RB, D_H), _rows)] * 2,
        (x, w_cat),
    )


def _k_sage1_gcnpre(p1, dp, r1, b1, wg, bg):
    def body(p_ref, d_ref, r_ref, b_ref, wg_ref, bg_ref,
             xwp_ref, self_ref, deg_ref):
        deg = d_ref[0, :, 0] + d_ref[1, :, 0]
        degc = jnp.maximum(deg, 1.0)
        mean = (p_ref[0] + p_ref[1]) / degc[:, None]
        h1 = jnp.maximum(mean + r_ref[...] + b_ref[...], 0.0)
        xw = jnp.dot(h1, wg_ref[...], preferred_element_type=jnp.float32)
        invs = lax.rsqrt(deg + 1.0)
        xwp_ref[...] = xw * invs[:, None]
        self_ref[...] = xw * (invs * invs)[:, None] + bg_ref[...]
        deg_ref[...] = deg[:, None]
    return _tc_call(
        body,
        [jax.ShapeDtypeStruct((N, D_H), jnp.float32),
         jax.ShapeDtypeStruct((N, D_H), jnp.float32),
         jax.ShapeDtypeStruct((N, 1), jnp.float32)],
        [pl.BlockSpec((2, RB, D_H), _pair),
         pl.BlockSpec((2, RB, 1), _pair),
         pl.BlockSpec((RB, D_H), _rows),
         pl.BlockSpec((1, D_H), _full),
         pl.BlockSpec((D_H, D_H), _full),
         pl.BlockSpec((1, D_H), _full)],
        [pl.BlockSpec((RB, D_H), _rows),
         pl.BlockSpec((RB, D_H), _rows),
         pl.BlockSpec((RB, 1), _rows)],
        (p1, dp, r1, b1, wg, bg),
    )


def _k_gcn_sage3pre(p2, deg, self2, w_cat):
    def body(p_ref, d_ref, s_ref, w_ref, a_ref, b_ref):
        deg = d_ref[..., 0]
        invs = lax.rsqrt(deg + 1.0)
        h2 = jnp.maximum(invs[:, None] * (p_ref[0] + p_ref[1]) + s_ref[...], 0.0)
        res = jnp.dot(h2, w_ref[...], preferred_element_type=jnp.float32)
        a_ref[...] = res[:, :D_H]
        b_ref[...] = res[:, D_H:]
    return _tc_call(
        body,
        [jax.ShapeDtypeStruct((N, D_H), jnp.float32)] * 2,
        [pl.BlockSpec((2, RB, D_H), _pair),
         pl.BlockSpec((RB, 1), _rows),
         pl.BlockSpec((RB, D_H), _rows),
         pl.BlockSpec((D_H, 2 * D_H), _full)],
        [pl.BlockSpec((RB, D_H), _rows)] * 2,
        (p2, deg, self2, w_cat),
    )


def _k_sage3_sage4pre(p3, deg, r3, b3, wr4):
    def body(p_ref, d_ref, r_ref, b_ref, w_ref, h_ref, c_ref):
        degc = jnp.maximum(d_ref[..., 0], 1.0)
        h3 = jnp.maximum((p_ref[0] + p_ref[1]) / degc[:, None]
                         + r_ref[...] + b_ref[...], 0.0)
        h_ref[...] = h3
        c_ref[...] = jnp.dot(h3, w_ref[...], preferred_element_type=jnp.float32)
    return _tc_call(
        body,
        [jax.ShapeDtypeStruct((N, D_H), jnp.float32),
         jax.ShapeDtypeStruct((N, D_OUT), jnp.float32)],
        [pl.BlockSpec((2, RB, D_H), _pair),
         pl.BlockSpec((RB, 1), _rows),
         pl.BlockSpec((RB, D_H), _rows),
         pl.BlockSpec((1, D_H), _full),
         pl.BlockSpec((D_H, D_OUT), _full)],
        [pl.BlockSpec((RB, D_H), _rows),
         pl.BlockSpec((RB, D_OUT), _rows)],
        (p3, deg, r3, b3, wr4),
    )


def _k_out(p4, deg, r4, b4, wl4):
    def body(p_ref, d_ref, r_ref, b_ref, w_ref, o_ref):
        degc = jnp.maximum(d_ref[..., 0], 1.0)
        mean = (p_ref[0] + p_ref[1]) / degc[:, None]
        z = (jnp.dot(mean, w_ref[...], preferred_element_type=jnp.float32)
             + r_ref[...] + b_ref[...])
        m = jnp.max(z, axis=1, keepdims=True)
        lse = jnp.log(jnp.sum(jnp.exp(z - m), axis=1, keepdims=True)) + m
        o_ref[...] = z - lse
    return _tc_call(
        body,
        jax.ShapeDtypeStruct((N, D_OUT), jnp.float32),
        [pl.BlockSpec((2, RB, D_H), _pair),
         pl.BlockSpec((RB, 1), _rows),
         pl.BlockSpec((RB, D_OUT), _rows),
         pl.BlockSpec((1, D_OUT), _full),
         pl.BlockSpec((D_H, D_OUT), _full)],
        pl.BlockSpec((RB, D_OUT), _rows),
        (p4, deg, r4, b4, wl4),
    )


def kernel(x, edge_index, Wl1, Wr1, b1, Wg, bg, Wl3, Wr3, b3, Wl4, Wr4, b4):
    src = edge_index[0].astype(jnp.int32)
    dst = edge_index[1].astype(jnp.int32)
    src_p = jnp.concatenate(
        [src, jnp.zeros((EPAD - E,), jnp.int32)]).reshape(EPAD // B, B)
    dst_p = jnp.concatenate(
        [dst, jnp.full((EPAD - E,), N, jnp.int32)]).reshape(EPAD // B, B)

    b1r = b1.reshape(1, D_H)
    bgr = bg.reshape(1, D_H)
    b3r = b3.reshape(1, D_H)
    b4r = b4.reshape(1, D_OUT)

    y1l, r1 = _k_pre(x, jnp.concatenate([Wl1, Wr1], axis=1))
    p1_flat, degp = _get_seg_sum(D_H, True)(src_p, dst_p, y1l)
    p1 = p1_flat.reshape(NC, NPAD, D_H)
    dp = degp.reshape(NC, NPAD)[:, :, None]

    xw_pre, self2, deg = _k_sage1_gcnpre(p1, dp, r1, b1r, Wg, bgr)

    (p2_flat,) = _get_seg_sum(D_H, False)(src_p, dst_p, xw_pre)
    p2 = p2_flat.reshape(NC, NPAD, D_H)

    y3l, r3 = _k_gcn_sage3pre(p2, deg, self2, jnp.concatenate([Wl3, Wr3], axis=1))

    (p3_flat,) = _get_seg_sum(D_H, False)(src_p, dst_p, y3l)
    p3 = p3_flat.reshape(NC, NPAD, D_H)

    h3, r4 = _k_sage3_sage4pre(p3, deg, r3, b3r, Wr4)

    (p4_flat,) = _get_seg_sum(D_H, False)(src_p, dst_p, h3)
    p4 = p4_flat.reshape(NC, NPAD, D_H)

    return _k_out(p4, deg, r4, b4r, Wl4)

# --- scband reference (transcript-rebuilt; emitter-appended) ---
"""Pipeline reference for scband-hybrid-model-85615878078998 (READ-ONLY COPY).

The authoritative reference and input builder live on the scoring server;
editing this copy changes nothing except your own understanding.
"""

import jax, jax.numpy as jnp
import numpy as np

N = 10000
E = 320000
D_IN = 128
D_H = 128
D_OUT = 64


def setup_inputs(seed: int = 0) -> dict:
    key = jax.random.key(seed)
    ks = jax.random.split(key, 16)
    s = 0.05
    inp = {}
    inp["x"] = jax.random.normal(ks[0], (N, D_IN), dtype=jnp.float32)
    inp["edge_index"] = jax.random.randint(ks[1], (2, E), 0, N)
    # Layer 1: SAGEConv(in -> hidden)
    inp["Wl1"] = s * jax.random.normal(ks[2], (D_IN, D_H), dtype=jnp.float32)
    inp["Wr1"] = s * jax.random.normal(ks[3], (D_IN, D_H), dtype=jnp.float32)
    inp["b1"] = jnp.zeros((D_H,), dtype=jnp.float32)
    # Layer 2: GCNConv(hidden -> hidden)
    inp["Wg"] = s * jax.random.normal(ks[4], (D_H, D_H), dtype=jnp.float32)
    inp["bg"] = jnp.zeros((D_H,), dtype=jnp.float32)
    # Layer 3: SAGEConv(hidden -> hidden)
    inp["Wl3"] = s * jax.random.normal(ks[5], (D_H, D_H), dtype=jnp.float32)
    inp["Wr3"] = s * jax.random.normal(ks[6], (D_H, D_H), dtype=jnp.float32)
    inp["b3"] = jnp.zeros((D_H,), dtype=jnp.float32)
    # Layer 4: SAGEConv(hidden -> out)
    inp["Wl4"] = s * jax.random.normal(ks[7], (D_H, D_OUT), dtype=jnp.float32)
    inp["Wr4"] = s * jax.random.normal(ks[8], (D_H, D_OUT), dtype=jnp.float32)
    inp["b4"] = jnp.zeros((D_OUT,), dtype=jnp.float32)
    return inp


def _sage_conv(x, src, dst, Wl, Wr, b):
    # PyG SAGEConv (mean aggr): out = lin_l(mean_{j in N(i)} x_j) + lin_r(x_i)
    agg = jax.ops.segment_sum(x[src], dst, num_segments=N)
    deg = jax.ops.segment_sum(jnp.ones((src.shape[0],), dtype=x.dtype), dst, num_segments=N)
    mean = agg / jnp.clip(deg, 1.0, None)[:, None]
    return mean @ Wl + x @ Wr + b


def _gcn_conv(x, src, dst, W, b):
    # PyG GCNConv: add self-loops, symmetric normalization D^-1/2 (A+I) D^-1/2 X W + b
    loop = jnp.arange(N, dtype=src.dtype)
    s = jnp.concatenate([src, loop])
    d = jnp.concatenate([dst, loop])
    deg = jax.ops.segment_sum(jnp.ones((s.shape[0],), dtype=x.dtype), d, num_segments=N)
    inv_sqrt = jax.lax.rsqrt(jnp.clip(deg, 1.0, None))
    xw = x @ W
    msg = xw[s] * (inv_sqrt[s] * inv_sqrt[d])[:, None]
    return jax.ops.segment_sum(msg, d, num_segments=N) + b


def reference(x, edge_index, Wl1, Wr1, b1, Wg, bg, Wl3, Wr3, b3, Wl4, Wr4, b4):
    src = edge_index[0]
    dst = edge_index[1]
    # dropout is identity in eval mode (training=False)
    h = jax.nn.relu(_sage_conv(x, src, dst, Wl1, Wr1, b1))
    h = jax.nn.relu(_gcn_conv(h, src, dst, Wg, bg))
    h = jax.nn.relu(_sage_conv(h, src, dst, Wl3, Wr3, b3))
    h = _sage_conv(h, src, dst, Wl4, Wr4, b4)
    return jax.nn.log_softmax(h, axis=1)

if __name__ == "__main__":
    import jax
    _d = setup_inputs()
    print(jax.jit(kernel)(*tuple(_d.values())))

</pallas_src>

<mosaic_0001>
#map = affine_map<(d0, d1) -> (0, 0)>
#map1 = affine_map<(d0, d1) -> (0)>
module attributes {stable_mosaic.version = 14 : i64} {
  func.func @_seg_sum_body(%arg0: i32, %arg1: i32, %arg2: memref<2560x128xi32, #tpu.memory_space<hbm>>, %arg3: memref<2560x128xi32, #tpu.memory_space<hbm>>, %arg4: memref<10000x128xf32, #tpu.memory_space<hbm>>, %arg5: memref<20480x128xf32, #tpu.memory_space<hbm>>, %arg6: memref<20480xf32, #tpu.memory_space<hbm>>, %arg7: memref<40x128xi32, #tpu.memory_space<vmem>>, %arg8: memref<40x128xi32, #tpu.memory_space<vmem>>, %arg9: memref<128x128xf32, #tpu.memory_space<vmem>>, %arg10: memref<128x128xf32, #tpu.memory_space<vmem>>, %arg11: memref<!tpu.dma_semaphore, #tpu.memory_space<semaphore_mem>>, %arg12: memref<!tpu.dma_semaphore, #tpu.memory_space<semaphore_mem>>, %arg13: memref<10240x128xf32, #tpu.memory_space<vmem_shared>>, %arg14: memref<128xf32, #tpu.memory_space<vmem>>, %arg15: memref<640xf32, #tpu.memory_space<vmem>>, %arg16: memref<!tpu.dma_semaphore, #tpu.memory_space<semaphore_mem>>, %arg17: memref<10240xf32, #tpu.memory_space<vmem_shared>>) attributes {dimension_semantics = [#tpu.dimension_semantics<core_parallel>, #tpu.dimension_semantics<subcore_parallel>], iteration_bounds = array<i64: 2, 16>, scalar_prefetch = 0 : i64, scratch_operands = 11 : i64, tpu.core_type = #tpu.core_type<sc_vector_subcore>, window_params = [{transform_indices = #map}, {transform_indices = #map}, {transform_indices = #map}, {transform_indices = #map}, {transform_indices = #map1}]} {
    %broadcast_in_dim3A = arith.constant 0.000000e+00 : f32
    %broadcast_in_dim3A_0 = vector.broadcast %broadcast_in_dim3A : f32 to vector<16xf32>
    %broadcast_in_dim3A_1 = arith.constant 1.000000e+00 : f32
    %broadcast_in_dim3A_2 = vector.broadcast %broadcast_in_dim3A_1 : f32 to vector<16xf32>
    %scan3A = arith.constant 0 : i32
    %scan3A_3 = arith.constant 0 : i32
    %scan3A_4 = arith.constant 128 : i32
    %scan3A_5 = arith.addi %scan3A_3, %scan3A_4 : i32
    %scan3A_6 = arith.constant 1 : i32
    scf.for %scan3A_103 = %scan3A_3 to %scan3A_5 step %scan3A_6  : i32 {
      %swap3A_104 = arith.index_cast %scan3A_103 : i32 to index
      %swap3A_105 = arith.constant 0 : index
      %swap3A_106 = tpu.vector_load %arg9[%swap3A_104, %swap3A_105] {strides = array<i32>} : memref<128x128xf32, #tpu.memory_space<vmem>>, vector<1x16xf32>,
      %swap3A_107 = vector.shape_cast %swap3A_106 : vector<1x16xf32> to vector<16xf32>
      %swap3A_108 = vector.shape_cast %broadcast_in_dim3A_0 : vector<16xf32> to vector<1x16xf32>
      tpu.vector_store %arg9[%swap3A_104, %swap3A_105], %swap3A_108 {strides = array<i32>} : memref<128x128xf32, #tpu.memory_space<vmem>>, vector<1x16xf32>,
      %swap3A_109 = arith.index_cast %scan3A_103 : i32 to index
      %swap3A_110 = arith.constant 16 : index
      %swap3A_111 = tpu.vector_load %arg9[%swap3A_109, %swap3A_110] {strides = array<i32>} : memref<128x128xf32, #tpu.memory_space<vmem>>, vector<1x16xf32>,
      %swap3A_112 = vector.shape_cast %swap3A_111 : vector<1x16xf32> to vector<16xf32>
      %swap3A_113 = vector.shape_cast %broadcast_in_dim3A_0 : vector<16xf32> to vector<1x16xf32>
      tpu.vector_store %arg9[%swap3A_109, %swap3A_110], %swap3A_113 {strides = array<i32>} : memref<128x128xf32, #tpu.memory_space<vmem>>, vector<1x16xf32>,
      %swap3A_114 = arith.index_cast %scan3A_103 : i32 to index
      %swap3A_115 = arith.constant 32 : index
      %swap3A_116 = tpu.vector_load %arg9[%swap3A_114, %swap3A_115] {strides = array<i32>} : memref<128x128xf32, #tpu.memory_space<vmem>>, vector<1x16xf32>,
      %swap3A_117 = vector.shape_cast %swap3A_116 : vector<1x16xf32> to vector<16xf32>
      %swap3A_118 = vector.shape_cast %broadcast_in_dim3A_0 : vector<16xf32> to vector<1x16xf32>
      tpu.vector_store %arg9[%swap3A_114, %swap3A_115], %swap3A_118 {strides = array<i32>} : memref<128x128xf32, #tpu.memory_space<vmem>>, vector<1x16xf32>,
      %swap3A_119 = arith.index_cast %scan3A_103 : i32 to index
      %swap3A_120 = arith.constant 48 : index
      %swap3A_121 = tpu.vector_load %arg9[%swap3A_119, %swap3A_120] {strides = array<i32>} : memref<128x128xf32, #tpu.memory_space<vmem>>, vector<1x16xf32>,
      %swap3A_122 = vector.shape_cast %swap3A_121 : vector<1x16xf32> to vector<16xf32>
      %swap3A_123 = vector.shape_cast %broadcast_in_dim3A_0 : vector<16xf32> to vector<1x16xf32>
      tpu.vector_store %arg9[%swap3A_119, %swap3A_120], %swap3A_123 {strides = array<i32>} : memref<128x128xf32, #tpu.memory_space<vmem>>, vector<1x16xf32>,
      %swap3A_124 = arith.index_cast %scan3A_103 : i32 to index
      %swap3A_125 = arith.constant 64 : index
      %swap3A_126 = tpu.vector_load %arg9[%swap3A_124, %swap3A_125] {strides = array<i32>} : memref<128x128xf32, #tpu.memory_space<vmem>>, vector<1x16xf32>,
      %swap3A_127 = vector.shape_cast %swap3A_126 : vector<1x16xf32> to vector<16xf32>
      %swap3A_128 = vector.shape_cast %broadcast_in_dim3A_0 : vector<16xf32> to vector<1x16xf32>
      tpu.vector_store %arg9[%swap3A_124, %swap3A_125], %swap3A_128 {strides = array<i32>} : memref<128x128xf32, #tpu.memory_space<vmem>>, vector<1x16xf32>,
      %swap3A_129 = arith.index_cast %scan3A_103 : i32 to index
      %swap3A_130 = arith.constant 80 : index
      %swap3A_131 = tpu.vector_load %arg9[%swap3A_129, %swap3A_130] {strides = array<i32>} : memref<128x128xf32, #tpu.memory_space<vmem>>, vector<1x16xf32>,
      %swap3A_132 = vector.shape_cast %swap3A_131 : vector<1x16xf32> to vector<16xf32>
      %swap3A_133 = vector.shape_cast %broadcast_in_dim3A_0 : vector<16xf32> to vector<1x16xf32>
      tpu.vector_store %arg9[%swap3A_129, %swap3A_130], %swap3A_133 {strides = array<i32>} : memref<128x128xf32, #tpu.memory_space<vmem>>, vector<1x16xf32>,
      %swap3A_134 = arith.index_cast %scan3A_103 : i32 to index
      %swap3A_135 = arith.constant 96 : index
      %swap3A_136 = tpu.vector_load %arg9[%swap3A_134, %swap3A_135] {strides = array<i32>} : memref<128x128xf32, #tpu.memory_space<vmem>>, vector<1x16xf32>,
      %swap3A_137 = vector.shape_cast %swap3A_136 : vector<1x16xf32> to vector<16xf32>
      %swap3A_138 = vector.shape_cast %broadcast_in_dim3A_0 : vector<16xf32> to vector<1x16xf32>
      tpu.vector_store %arg9[%swap3A_134, %swap3A_135], %swap3A_138 {strides = array<i32>} : memref<128x128xf32, #tpu.memory_space<vmem>>, vector<1x16xf32>,
      %swap3A_139 = arith.index_cast %scan3A_103 : i32 to index
      %swap3A_140 = arith.constant 112 : index
      %swap3A_141 = tpu.vector_load %arg9[%swap3A_139, %swap3A_140] {strides = array<i32>} : memref<128x128xf32, #tpu.memory_space<vmem>>, vector<1x16xf32>,
      %swap3A_142 = vector.shape_cast %swap3A_141 : vector<1x16xf32> to vector<16xf32>
      %swap3A_143 = vector.shape_cast %broadcast_in_dim3A_0 : vector<16xf32> to vector<1x16xf32>
      tpu.vector_store %arg9[%swap3A_139, %swap3A_140], %swap3A_143 {strides = array<i32>} : memref<128x128xf32, #tpu.memory_space<vmem>>, vector<1x16xf32>,
    }
    %scan3A_7 = arith.constant 128 : i32
    %mul3A = arith.constant 640 : i32
    %mul3A_8 = arith.muli %arg1, %mul3A : i32
    %add3A = arith.constant 0 : i32
    %add3A_9 = arith.addi %mul3A_8, %add3A : i32
    "tpu.region"() ({
      %run_scoped3A = tpu.sem_alloc : memref<!tpu.dma_semaphore, #tpu.memory_space<semaphore_mem>>
      %dma_start3A = arith.constant 0 : i32
      %dma_start3A_103 = tpu.memref_slice %arg13[%add3A_9, %dma_start3A] : memref<10240x128xf32, #tpu.memory_space<vmem_shared>> -> memref<128x128xf32, #tpu.memory_space<vmem_shared>>
      %dma_start3A_104 = arith.constant 0 : i32
      %dma_start3A_105 = tpu.memref_slice %arg13[%add3A_9, %dma_start3A_104] : memref<10240x128xf32, #tpu.memory_space<vmem_shared>> -> memref<128x128xf32, #tpu.memory_space<vmem_shared>>
      tpu.enqueue_dma source(%arg9 : memref<128x128xf32, #tpu.memory_space<vmem>>) target(%dma_start3A_105 : memref<128x128xf32, #tpu.memory_space<vmem_shared>>) target_semaphore(%run_scoped3A : memref<!tpu.dma_semaphore, #tpu.memory_space<semaphore_mem>>)
      %dma_wait3A = arith.constant 0 : i32
      %dma_wait3A_106 = tpu.memref_slice %arg13[%add3A_9, %dma_wait3A] : memref<10240x128xf32, #tpu.memory_space<vmem_shared>> -> memref<128x128xf32, #tpu.memory_space<vmem_shared>>
      %dma_wait3A_107 = arith.constant 0 : i32
      %dma_wait3A_108 = tpu.memref_slice %arg13[%add3A_9, %dma_wait3A_107] : memref<10240x128xf32, #tpu.memory_space<vmem_shared>> -> memref<128x128xf32, #tpu.memory_space<vmem_shared>>
      tpu.wait_dma2 semaphore(%run_scoped3A : memref<!tpu.dma_semaphore, #tpu.memory_space<semaphore_mem>>) src(%arg9 : memref<128x128xf32, #tpu.memory_space<vmem>>) dst(%dma_wait3A_108 : memref<128x128xf32, #tpu.memory_space<vmem_shared>>)
      tpu.yield
    }) : () -> ()
    %mul3A_10 = arith.constant 640 : i32
    %mul3A_11 = arith.muli %arg1, %mul3A_10 : i32
    %add3A_12 = arith.constant 128 : i32
    %add3A_13 = arith.addi %mul3A_11, %add3A_12 : i32
    "tpu.region"() ({
      %run_scoped3A = tpu.sem_alloc : memref<!tpu.dma_semaphore, #tpu.memory_space<semaphore_mem>>
      %dma_start3A = arith.constant 0 : i32
      %dma_start3A_103 = tpu.memref_slice %arg13[%add3A_13, %dma_start3A] : memref<10240x128xf32, #tpu.memory_space<vmem_shared>> -> memref<128x128xf32, #tpu.memory_space<vmem_shared>>
      %dma_start3A_104 = arith.constant 0 : i32
      %dma_start3A_105 = tpu.memref_slice %arg13[%add3A_13, %dma_start3A_104] : memref<10240x128xf32, #tpu.memory_space<vmem_shared>> -> memref<128x128xf32, #tpu.memory_space<vmem_shared>>
      tpu.enqueue_dma source(%arg9 : memref<128x128xf32, #tpu.memory_space<vmem>>) target(%dma_start3A_105 : memref<128x128xf32, #tpu.memory_space<vmem_shared>>) target_semaphore(%run_scoped3A : memref<!tpu.dma_semaphore, #tpu.memory_space<semaphore_mem>>)
      %dma_wait3A = arith.constant 0 : i32
      %dma_wait3A_106 = tpu.memref_slice %arg13[%add3A_13, %dma_wait3A] : memref<10240x128xf32, #tpu.memory_space<vmem_shared>> -> memref<128x128xf32, #tpu.memory_space<vmem_shared>>
      %dma_wait3A_107 = arith.constant 0 : i32
      %dma_wait3A_108 = tpu.memref_slice %arg13[%add3A_13, %dma_wait3A_107] : memref<10240x128xf32, #tpu.memory_space<vmem_shared>> -> memref<128x128xf32, #tpu.memory_space<vmem_shared>>
      tpu.wait_dma2 semaphore(%run_scoped3A : memref<!tpu.dma_semaphore, #tpu.memory_space<semaphore_mem>>) src(%arg9 : memref<128x128xf32, #tpu.memory_space<vmem>>) dst(%dma_wait3A_108 : memref<128x128xf32, #tpu.memory_space<vmem_shared>>)
      tpu.yield
    }) : () -> ()
    %mul3A_14 = arith.constant 640 : i32
    %mul3A_15 = arith.muli %arg1, %mul3A_14 : i32
    %add3A_16 = arith.constant 256 : i32
    %add3A_17 = arith.addi %mul3A_15, %add3A_16 : i32
    "tpu.region"() ({
      %run_scoped3A = tpu.sem_alloc : memref<!tpu.dma_semaphore, #tpu.memory_space<semaphore_mem>>
      %dma_start3A = arith.constant 0 : i32
      %dma_start3A_103 = tpu.memref_slice %arg13[%add3A_17, %dma_start3A] : memref<10240x128xf32, #tpu.memory_space<vmem_shared>> -> memref<128x128xf32, #tpu.memory_space<vmem_shared>>
      %dma_start3A_104 = arith.constant 0 : i32
      %dma_start3A_105 = tpu.memref_slice %arg13[%add3A_17, %dma_start3A_104] : memref<10240x128xf32, #tpu.memory_space<vmem_shared>> -> memref<128x128xf32, #tpu.memory_space<vmem_shared>>
      tpu.enqueue_dma source(%arg9 : memref<128x128xf32, #tpu.memory_space<vmem>>) target(%dma_start3A_105 : memref<128x128xf32, #tpu.memory_space<vmem_shared>>) target_semaphore(%run_scoped3A : memref<!tpu.dma_semaphore, #tpu.memory_space<semaphore_mem>>)
      %dma_wait3A = arith.constant 0 : i32
      %dma_wait3A_106 = tpu.memref_slice %arg13[%add3A_17, %dma_wait3A] : memref<10240x128xf32, #tpu.memory_space<vmem_shared>> -> memref<128x128xf32, #tpu.memory_space<vmem_shared>>
      %dma_wait3A_107 = arith.constant 0 : i32
      %dma_wait3A_108 = tpu.memref_slice %arg13[%add3A_17, %dma_wait3A_107] : memref<10240x128xf32, #tpu.memory_space<vmem_shared>> -> memref<128x128xf32, #tpu.memory_space<vmem_shared>>
      tpu.wait_dma2 semaphore(%run_scoped3A : memref<!tpu.dma_semaphore, #tpu.memory_space<semaphore_mem>>) src(%arg9 : memref<128x128xf32, #tpu.memory_space<vmem>>) dst(%dma_wait3A_108 : memref<128x128xf32, #tpu.memory_space<vmem_shared>>)
      tpu.yield
    }) : () -> ()
    %mul3A_18 = arith.constant 640 : i32
    %mul3A_19 = arith.muli %arg1, %mul3A_18 : i32
    %add3A_20 = arith.constant 384 : i32
    %add3A_21 = arith.addi %mul3A_19, %add3A_20 : i32
    "tpu.region"() ({
      %run_scoped3A = tpu.sem_alloc : memref<!tpu.dma_semaphore, #tpu.memory_space<semaphore_mem>>
      %dma_start3A = arith.constant 0 : i32
      %dma_start3A_103 = tpu.memref_slice %arg13[%add3A_21, %dma_start3A] : memref<10240x128xf32, #tpu.memory_space<vmem_shared>> -> memref<128x128xf32, #tpu.memory_space<vmem_shared>>
      %dma_start3A_104 = arith.constant 0 : i32
      %dma_start3A_105 = tpu.memref_slice %arg13[%add3A_21, %dma_start3A_104] : memref<10240x128xf32, #tpu.memory_space<vmem_shared>> -> memref<128x128xf32, #tpu.memory_space<vmem_shared>>
      tpu.enqueue_dma source(%arg9 : memref<128x128xf32, #tpu.memory_space<vmem>>) target(%dma_start3A_105 : memref<128x128xf32, #tpu.memory_space<vmem_shared>>) target_semaphore(%run_scoped3A : memref<!tpu.dma_semaphore, #tpu.memory_space<semaphore_mem>>)
      %dma_wait3A = arith.constant 0 : i32
      %dma_wait3A_106 = tpu.memref_slice %arg13[%add3A_21, %dma_wait3A] : memref<10240x128xf32, #tpu.memory_space<vmem_shared>> -> memref<128x128xf32, #tpu.memory_space<vmem_shared>>
      %dma_wait3A_107 = arith.constant 0 : i32
      %dma_wait3A_108 = tpu.memref_slice %arg13[%add3A_21, %dma_wait3A_107] : memref<10240x128xf32, #tpu.memory_space<vmem_shared>> -> memref<128x128xf32, #tpu.memory_space<vmem_shared>>
      tpu.wait_dma2 semaphore(%run_scoped3A : memref<!tpu.dma_semaphore, #tpu.memory_space<semaphore_mem>>) src(%arg9 : memref<128x128xf32, #tpu.memory_space<vmem>>) dst(%dma_wait3A_108 : memref<128x128xf32, #tpu.memory_space<vmem_shared>>)
      tpu.yield
    }) : () -> ()
    %mul3A_22 = arith.constant 640 : i32
    %mul3A_23 = arith.muli %arg1, %mul3A_22 : i32
    %add3A_24 = arith.constant 512 : i32
    %add3A_25 = arith.addi %mul3A_23, %add3A_24 : i32
    "tpu.region"() ({
      %run_scoped3A = tpu.sem_alloc : memref<!tpu.dma_semaphore, #tpu.memory_space<semaphore_mem>>
      %dma_start3A = arith.constant 0 : i32
      %dma_start3A_103 = tpu.memref_slice %arg13[%add3A_25, %dma_start3A] : memref<10240x128xf32, #tpu.memory_space<vmem_shared>> -> memref<128x128xf32, #tpu.memory_space<vmem_shared>>
      %dma_start3A_104 = arith.constant 0 : i32
      %dma_start3A_105 = tpu.memref_slice %arg13[%add3A_25, %dma_start3A_104] : memref<10240x128xf32, #tpu.memory_space<vmem_shared>> -> memref<128x128xf32, #tpu.memory_space<vmem_shared>>
      tpu.enqueue_dma source(%arg9 : memref<128x128xf32, #tpu.memory_space<vmem>>) target(%dma_start3A_105 : memref<128x128xf32, #tpu.memory_space<vmem_shared>>) target_semaphore(%run_scoped3A : memref<!tpu.dma_semaphore, #tpu.memory_space<semaphore_mem>>)
      %dma_wait3A = arith.constant 0 : i32
      %dma_wait3A_106 = tpu.memref_slice %arg13[%add3A_25, %dma_wait3A] : memref<10240x128xf32, #tpu.memory_space<vmem_shared>> -> memref<128x128xf32, #tpu.memory_space<vmem_shared>>
      %dma_wait3A_107 = arith.constant 0 : i32
      %dma_wait3A_108 = tpu.memref_slice %arg13[%add3A_25, %dma_wait3A_107] : memref<10240x128xf32, #tpu.memory_space<vmem_shared>> -> memref<128x128xf32, #tpu.memory_space<vmem_shared>>
      tpu.wait_dma2 semaphore(%run_scoped3A : memref<!tpu.dma_semaphore, #tpu.memory_space<semaphore_mem>>) src(%arg9 : memref<128x128xf32, #tpu.memory_space<vmem>>) dst(%dma_wait3A_108 : memref<128x128xf32, #tpu.memory_space<vmem_shared>>)
      tpu.yield
    }) : () -> ()
    %scan3A_26 = arith.constant 0 : i32
    %scan3A_27 = arith.constant 0 : i32
    %scan3A_28 = arith.constant 40 : i32
    %scan3A_29 = arith.addi %scan3A_27, %scan3A_28 : i32
    %scan3A_30 = arith.constant 1 : i32
    scf.for %scan3A_103 = %scan3A_27 to %scan3A_29 step %scan3A_30  : i32 {
      %mul3A_104 = arith.constant 16 : i32
      %mul3A_105 = arith.muli %scan3A_103, %mul3A_104 : i32
      %swap3A_106 = arith.index_cast %mul3A_105 : i32 to index
      %swap3A_107 = tpu.vector_load %arg15[%swap3A_106] {strides = array<i32>} : memref<640xf32, #tpu.memory_space<vmem>>, vector<16xf32>,
      %swap3A_108 = vector.shape_cast %swap3A_107 : vector<16xf32> to vector<16xf32>
      %swap3A_109 = vector.shape_cast %broadcast_in_dim3A_0 : vector<16xf32> to vector<16xf32>
      tpu.vector_store %arg15[%swap3A_106], %swap3A_109 {strides = array<i32>} : memref<640xf32, #tpu.memory_space<vmem>>, vector<16xf32>,
    }
    %scan3A_31 = arith.constant 40 : i32
    %mul3A_32 = arith.constant 640 : i32
    %mul3A_33 = arith.muli %arg1, %mul3A_32 : i32
    "tpu.region"() ({
      %run_scoped3A = tpu.sem_alloc : memref<!tpu.dma_semaphore, #tpu.memory_space<semaphore_mem>>
      %dma_start3A = tpu.memref_slice %arg17[%mul3A_33] : memref<10240xf32, #tpu.memory_space<vmem_shared>> -> memref<640xf32, #tpu.memory_space<vmem_shared>>
      %dma_start3A_103 = tpu.memref_slice %arg17[%mul3A_33] : memref<10240xf32, #tpu.memory_space<vmem_shared>> -> memref<640xf32, #tpu.memory_space<vmem_shared>>
      tpu.enqueue_dma source(%arg15 : memref<640xf32, #tpu.memory_space<vmem>>) target(%dma_start3A_103 : memref<640xf32, #tpu.memory_space<vmem_shared>>) target_semaphore(%run_scoped3A : memref<!tpu.dma_semaphore, #tpu.memory_space<semaphore_mem>>)
      %dma_wait3A = tpu.memref_slice %arg17[%mul3A_33] : memref<10240xf32, #tpu.memory_space<vmem_shared>> -> memref<640xf32, #tpu.memory_space<vmem_shared>>
      %dma_wait3A_104 = tpu.memref_slice %arg17[%mul3A_33] : memref<10240xf32, #tpu.memory_space<vmem_shared>> -> memref<640xf32, #tpu.memory_space<vmem_shared>>
      tpu.wait_dma2 semaphore(%run_scoped3A : memref<!tpu.dma_semaphore, #tpu.memory_space<semaphore_mem>>) src(%arg15 : memref<640xf32, #tpu.memory_space<vmem>>) dst(%dma_wait3A_104 : memref<640xf32, #tpu.memory_space<vmem_shared>>)
      tpu.yield
    }) : () -> ()
    %swap3A = arith.constant 0 : index
    %swap3A_34 = tpu.vector_load %arg14[%swap3A] {strides = array<i32>} : memref<128xf32, #tpu.memory_space<vmem>>, vector<16xf32>,
    %swap3A_35 = vector.shape_cast %swap3A_34 : vector<16xf32> to vector<16xf32>
    %swap3A_36 = vector.shape_cast %broadcast_in_dim3A_2 : vector<16xf32> to vector<16xf32>
    tpu.vector_store %arg14[%swap3A], %swap3A_36 {strides = array<i32>} : memref<128xf32, #tpu.memory_space<vmem>>, vector<16xf32>,
    %swap3A_37 = arith.constant 16 : index
    %swap3A_38 = tpu.vector_load %arg14[%swap3A_37] {strides = array<i32>} : memref<128xf32, #tpu.memory_space<vmem>>, vector<16xf32>,
    %swap3A_39 = vector.shape_cast %swap3A_38 : vector<16xf32> to vector<16xf32>
    %swap3A_40 = vector.shape_cast %broadcast_in_dim3A_2 : vector<16xf32> to vector<16xf32>
    tpu.vector_store %arg14[%swap3A_37], %swap3A_40 {strides = array<i32>} : memref<128xf32, #tpu.memory_space<vmem>>, vector<16xf32>,
    %swap3A_41 = arith.constant 32 : index
    %swap3A_42 = tpu.vector_load %arg14[%swap3A_41] {strides = array<i32>} : memref<128xf32, #tpu.memory_space<vmem>>, vector<16xf32>,
    %swap3A_43 = vector.shape_cast %swap3A_42 : vector<16xf32> to vector<16xf32>
    %swap3A_44 = vector.shape_cast %broadcast_in_dim3A_2 : vector<16xf32> to vector<16xf32>
    tpu.vector_store %arg14[%swap3A_41], %swap3A_44 {strides = array<i32>} : memref<128xf32, #tpu.memory_space<vmem>>, vector<16xf32>,
    %swap3A_45 = arith.constant 48 : index
    %swap3A_46 = tpu.vector_load %arg14[%swap3A_45] {strides = array<i32>} : memref<128xf32, #tpu.memory_space<vmem>>, vector<16xf32>,
    %swap3A_47 = vector.shape_cast %swap3A_46 : vector<16xf32> to vector<16xf32>
    %swap3A_48 = vector.shape_cast %broadcast_in_dim3A_2 : vector<16xf32> to vector<16xf32>
    tpu.vector_store %arg14[%swap3A_45], %swap3A_48 {strides = array<i32>} : memref<128xf32, #tpu.memory_space<vmem>>, vector<16xf32>,
    %swap3A_49 = arith.constant 64 : index
    %swap3A_50 = tpu.vector_load %arg14[%swap3A_49] {strides = array<i32>} : memref<128xf32, #tpu.memory_space<vmem>>, vector<16xf32>,
    %swap3A_51 = vector.shape_cast %swap3A_50 : vector<16xf32> to vector<16xf32>
    %swap3A_52 = vector.shape_cast %broadcast_in_dim3A_2 : vector<16xf32> to vector<16xf32>
    tpu.vector_store %arg14[%swap3A_49], %swap3A_52 {strides = array<i32>} : memref<128xf32, #tpu.memory_space<vmem>>, vector<16xf32>,
    %swap3A_53 = arith.constant 80 : index
    %swap3A_54 = tpu.vector_load %arg14[%swap3A_53] {strides = array<i32>} : memref<128xf32, #tpu.memory_space<vmem>>, vector<16xf32>,
    %swap3A_55 = vector.shape_cast %swap3A_54 : vector<16xf32> to vector<16xf32>
    %swap3A_56 = vector.shape_cast %broadcast_in_dim3A_2 : vector<16xf32> to vector<16xf32>
    tpu.vector_store %arg14[%swap3A_53], %swap3A_56 {strides = array<i32>} : memref<128xf32, #tpu.memory_space<vmem>>, vector<16xf32>,
    %swap3A_57 = arith.constant 96 : index
    %swap3A_58 = tpu.vector_load %arg14[%swap3A_57] {strides = array<i32>} : memref<128xf32, #tpu.memory_space<vmem>>, vector<16xf32>,
    %swap3A_59 = vector.shape_cast %swap3A_58 : vector<16xf32> to vector<16xf32>
    %swap3A_60 = vector.shape_cast %broadcast_in_dim3A_2 : vector<16xf32> to vector<16xf32>
    tpu.vector_store %arg14[%swap3A_57], %swap3A_60 {strides = array<i32>} : memref<128xf32, #tpu.memory_space<vmem>>, vector<16xf32>,
    %swap3A_61 = arith.constant 112 : index
    %swap3A_62 = tpu.vector_load %arg14[%swap3A_61] {strides = array<i32>} : memref<128xf32, #tpu.memory_space<vmem>>, vector<16xf32>,
    %swap3A_63 = vector.shape_cast %swap3A_62 : vector<16xf32> to vector<16xf32>
    %swap3A_64 = vector.shape_cast %broadcast_in_dim3A_2 : vector<16xf32> to vector<16xf32>
    tpu.vector_store %arg14[%swap3A_61], %swap3A_64 {strides = array<i32>} : memref<128xf32, #tpu.memory_space<vmem>>, vector<16xf32>,
    %barrier3A = arith.constant 0 : index
    tpu.barrier barrier_id(%barrier3A)
    %eq3A = arith.constant 0 : i32
    %eq3A_65 = arith.cmpi eq, %arg0, %eq3A : i32
    %mul3A_66 = arith.constant 120 : i32
    %mul3A_67 = arith.muli %arg1, %mul3A_66 : i32
    %mul3A_68 = arith.constant 40 : i32
    %mul3A_69 = arith.muli %arg1, %mul3A_68 : i32
    %add3A_70 = arith.constant 1920 : i32
    %add3A_71 = arith.addi %add3A_70, %mul3A_69 : i32
    %select_n3A = arith.select %eq3A_65, %mul3A_67, %add3A_71 : i32
    %eq3A_72 = arith.constant 0 : i32
    %eq3A_73 = arith.cmpi eq, %arg0, %eq3A_72 : i32
    %jit3A = arith.constant 3 : i32
    %jit3A_74 = arith.constant 1 : i32
    %select_n3A_75 = arith.select %eq3A_73, %jit3A, %jit3A_74 : i32
    %gt3A = arith.constant 0 : i32
    %gt3A_76 = arith.cmpi sgt, %select_n3A_75, %gt3A : i32
    %convert_element_type3A = arith.extui %gt3A_76 : i1 to i32
    %cond3A = arith.constant 0 : i32
    %cond3A_77 = arith.cmpi ne, %convert_element_type3A, %cond3A : i32
    scf.if %cond3A_77 {
      %add3A_103 = arith.constant 0 : i32
      %add3A_104 = arith.addi %select_n3A, %add3A_103 : i32
      "tpu.region"() ({
        %run_scoped3A = tpu.sem_alloc : memref<!tpu.dma_semaphore, #tpu.memory_space<semaphore_mem>>
        %dma_start3A_132 = arith.constant 0 : i32
        %dma_start3A_133 = tpu.memref_slice %arg2[%add3A_104, %dma_start3A_132] : memref<2560x128xi32, #tpu.memory_space<hbm>> -> memref<40x128xi32, #tpu.memory_space<hbm>>
        %dma_start3A_134 = arith.constant 0 : i32
        %dma_start3A_135 = tpu.memref_slice %arg2[%add3A_104, %dma_start3A_134] : memref<2560x128xi32, #tpu.memory_space<hbm>> -> memref<40x128xi32, #tpu.memory_space<hbm>>
        tpu.enqueue_dma source(%dma_start3A_135 : memref<40x128xi32, #tpu.memory_space<hbm>>) target(%arg7 : memref<40x128xi32, #tpu.memory_space<vmem>>) target_semaphore(%run_scoped3A : memref<!tpu.dma_semaphore, #tpu.memory_space<semaphore_mem>>)
        %dma_wait3A = arith.constant 0 : i32
        %dma_wait3A_136 = tpu.memref_slice %arg2[%add3A_104, %dma_wait3A] : memref<2560x128xi32, #tpu.memory_space<hbm>> -> memref<40x128xi32, #tpu.memory_space<hbm>>
        %dma_wait3A_137 = arith.constant 0 : i32
        %dma_wait3A_138 = tpu.memref_slice %arg2[%add3A_104, %dma_wait3A_137] : memref<2560x128xi32, #tpu.memory_space<hbm>> -> memref<40x128xi32, #tpu.memory_space<hbm>>
        tpu.wait_dma2 semaphore(%run_scoped3A : memref<!tpu.dma_semaphore, #tpu.memory_space<semaphore_mem>>) src(%dma_wait3A_138 : memref<40x128xi32, #tpu.memory_space<hbm>>) dst(%arg7 : memref<40x128xi32, #tpu.memory_space<vmem>>)
        tpu.yield
      }) : () -> ()
      %add3A_105 = arith.constant 0 : i32
      %add3A_106 = arith.addi %select_n3A, %add3A_105 : i32
      "tpu.region"() ({
        %run_scoped3A = tpu.sem_alloc : memref<!tpu.dma_semaphore, #tpu.memory_space<semaphore_mem>>
        %dma_start3A_132 = arith.constant 0 : i32
        %dma_start3A_133 = tpu.memref_slice %arg3[%add3A_106, %dma_start3A_132] : memref<2560x128xi32, #tpu.memory_space<hbm>> -> memref<40x128xi32, #tpu.memory_space<hbm>>
        %dma_start3A_134 = arith.constant 0 : i32
        %dma_start3A_135 = tpu.memref_slice %arg3[%add3A_106, %dma_start3A_134] : memref<2560x128xi32, #tpu.memory_space<hbm>> -> memref<40x128xi32, #tpu.memory_space<hbm>>
        tpu.enqueue_dma source(%dma_start3A_135 : memref<40x128xi32, #tpu.memory_space<hbm>>) target(%arg8 : memref<40x128xi32, #tpu.memory_space<vmem>>) target_semaphore(%run_scoped3A : memref<!tpu.dma_semaphore, #tpu.memory_space<semaphore_mem>>)
        %dma_wait3A = arith.constant 0 : i32
        %dma_wait3A_136 = tpu.memref_slice %arg3[%add3A_106, %dma_wait3A] : memref<2560x128xi32, #tpu.memory_space<hbm>> -> memref<40x128xi32, #tpu.memory_space<hbm>>
        %dma_wait3A_137 = arith.constant 0 : i32
        %dma_wait3A_138 = tpu.memref_slice %arg3[%add3A_106, %dma_wait3A_137] : memref<2560x128xi32, #tpu.memory_space<hbm>> -> memref<40x128xi32, #tpu.memory_space<hbm>>
        tpu.wait_dma2 semaphore(%run_scoped3A : memref<!tpu.dma_semaphore, #tpu.memory_space<semaphore_mem>>) src(%dma_wait3A_138 : memref<40x128xi32, #tpu.memory_space<hbm>>) dst(%arg8 : memref<40x128xi32, #tpu.memory_space<vmem>>)
        tpu.yield
      }) : () -> ()
      %dma_start3A = arith.constant 0 : i32
      %dma_start3A_107 = arith.constant 0 : i32
      %dma_start3A_108 = tpu.memref_slice %arg7[%dma_start3A, %dma_start3A_107] : memref<40x128xi32, #tpu.memory_space<vmem>> -> memref<1x128xi32, #tpu.memory_space<vmem>>
      %dma_start3A_109 = tpu.memref_squeeze %dma_start3A_108 : memref<1x128xi32, #tpu.memory_space<vmem>> -> memref<128xi32, #tpu.memory_space<vmem>>
      %dma_start3A_110 = arith.constant 0 : i32
      %dma_start3A_111 = arith.constant 0 : i32
      %dma_start3A_112 = tpu.memref_slice %arg4[%dma_start3A_110, %dma_start3A_111] : memref<10000x128xf32, #tpu.memory_space<hbm>> -> memref<10000x128xf32, #tpu.memory_space<hbm>>
      tpu.enqueue_indirect_dma source(%dma_start3A_112 : memref<10000x128xf32, #tpu.memory_space<hbm>>) target(%arg9 : memref<128x128xf32, #tpu.memory_space<vmem>>) offsets(%dma_start3A_109 : memref<128xi32, #tpu.memory_space<vmem>>) semaphore(%arg11 : memref<!tpu.dma_semaphore, #tpu.memory_space<semaphore_mem>>)
      %dma_start3A_113 = arith.constant 1 : i32
      %dma_start3A_114 = arith.constant 0 : i32
      %dma_start3A_115 = tpu.memref_slice %arg7[%dma_start3A_113, %dma_start3A_114] : memref<40x128xi32, #tpu.memory_space<vmem>> -> memref<1x128xi32, #tpu.memory_space<vmem>>
      %dma_start3A_116 = tpu.memref_squeeze %dma_start3A_115 : memref<1x128xi32, #tpu.memory_space<vmem>> -> memref<128xi32, #tpu.memory_space<vmem>>
      %dma_start3A_117 = arith.constant 0 : i32
      %dma_start3A_118 = arith.constant 0 : i32
      %dma_start3A_119 = tpu.memref_slice %arg4[%dma_start3A_117, %dma_start3A_118] : memref<10000x128xf32, #tpu.memory_space<hbm>> -> memref<10000x128xf32, #tpu.memory_space<hbm>>
      tpu.enqueue_indirect_dma source(%dma_start3A_119 : memref<10000x128xf32, #tpu.memory_space<hbm>>) target(%arg10 : memref<128x128xf32, #tpu.memory_space<vmem>>) offsets(%dma_start3A_116 : memref<128xi32, #tpu.memory_space<vmem>>) semaphore(%arg12 : memref<!tpu.dma_semaphore, #tpu.memory_space<semaphore_mem>>)
      %scan3A_120 = arith.constant 0 : i32
      %scan3A_121 = arith.constant 0 : i32
      %scan3A_122 = arith.constant 20 : i32
      %scan3A_123 = arith.addi %scan3A_121, %scan3A_122 : i32
      %scan3A_124 = arith.constant 1 : i32
      scf.for %scan3A_132 = %scan3A_121 to %scan3A_123 step %scan3A_124  : i32 {
        %mul3A_133 = arith.constant 2 : i32
        %mul3A_134 = arith.muli %mul3A_133, %scan3A_132 : i32
        %dma_wait3A = arith.constant 0 : i32
        %dma_wait3A_135 = arith.constant 0 : i32
        %dma_wait3A_136 = tpu.memref_slice %arg7[%dma_wait3A, %dma_wait3A_135] : memref<40x128xi32, #tpu.memory_space<vmem>> -> memref<1x128xi32, #tpu.memory_space<vmem>>
        %dma_wait3A_137 = tpu.memref_squeeze %dma_wait3A_136 : memref<1x128xi32, #tpu.memory_space<vmem>> -> memref<128xi32, #tpu.memory_space<vmem>>
        %dma_wait3A_138 = arith.constant 0 : i32
        %dma_wait3A_139 = arith.constant 0 : i32
        %dma_wait3A_140 = tpu.memref_slice %arg4[%dma_wait3A_138, %dma_wait3A_139] : memref<10000x128xf32, #tpu.memory_space<hbm>> -> memref<10000x128xf32, #tpu.memory_space<hbm>>
        tpu.wait_indirect_dma semaphore(%arg11 : memref<!tpu.dma_semaphore, #tpu.memory_space<semaphore_mem>>) src(%dma_wait3A_140 : memref<10000x128xf32, #tpu.memory_space<hbm>>) dst(%arg9 : memref<128x128xf32, #tpu.memory_space<vmem>>)
        "tpu.region"() ({
          %run_scoped3A = tpu.sem_alloc : memref<!tpu.dma_semaphore, #tpu.memory_space<semaphore_mem>>
          %dma_start3A_171 = arith.constant 0 : i32
          %dma_start3A_172 = tpu.memref_slice %arg8[%mul3A_134, %dma_start3A_171] : memref<40x128xi32, #tpu.memory_space<vmem>> -> memref<1x128xi32, #tpu.memory_space<vmem>>
          %dma_start3A_173 = tpu.memref_squeeze %dma_start3A_172 : memref<1x128xi32, #tpu.memory_space<vmem>> -> memref<128xi32, #tpu.memory_space<vmem>>
          %dma_start3A_174 = arith.constant 0 : i32
          %dma_start3A_175 = arith.constant 0 : i32
          %dma_start3A_176 = tpu.memref_slice %arg13[%dma_start3A_174, %dma_start3A_175] : memref<10240x128xf32, #tpu.memory_space<vmem_shared>> -> memref<10240x128xf32, #tpu.memory_space<vmem_shared>>
          tpu.enqueue_indirect_dma source(%arg9 : memref<128x128xf32, #tpu.memory_space<vmem>>) target(%dma_start3A_176 : memref<10240x128xf32, #tpu.memory_space<vmem_shared>>) offsets(%dma_start3A_173 : memref<128xi32, #tpu.memory_space<vmem>>) semaphore(%run_scoped3A : memref<!tpu.dma_semaphore, #tpu.memory_space<semaphore_mem>>) {add = true}
          %dma_wait3A_177 = arith.constant 0 : i32
          %dma_wait3A_178 = tpu.memref_slice %arg8[%mul3A_134, %dma_wait3A_177] : memref<40x128xi32, #tpu.memory_space<vmem>> -> memref<1x128xi32, #tpu.memory_space<vmem>>
          %dma_wait3A_179 = tpu.memref_squeeze %dma_wait3A_178 : memref<1x128xi32, #tpu.memory_space<vmem>> -> memref<128xi32, #tpu.memory_space<vmem>>
          %dma_wait3A_180 = arith.constant 0 : i32
          %dma_wait3A_181 = arith.constant 0 : i32
          %dma_wait3A_182 = tpu.memref_slice %arg13[%dma_wait3A_180, %dma_wait3A_181] : memref<10240x128xf32, #tpu.memory_space<vmem_shared>> -> memref<10240x128xf32, #tpu.memory_space<vmem_shared>>
          tpu.wait_indirect_dma semaphore(%run_scoped3A : memref<!tpu.dma_semaphore, #tpu.memory_space<semaphore_mem>>) src(%arg9 : memref<128x128xf32, #tpu.memory_space<vmem>>) dst(%dma_wait3A_182 : memref<10240x128xf32, #tpu.memory_space<vmem_shared>>)
          tpu.yield
        }) : () -> ()
        %dma_start3A_141 = arith.constant 0 : i32
        %dma_start3A_142 = tpu.memref_slice %arg8[%mul3A_134, %dma_start3A_141] : memref<40x128xi32, #tpu.memory_space<vmem>> -> memref<1x128xi32, #tpu.memory_space<vmem>>
        %dma_start3A_143 = tpu.memref_squeeze %dma_start3A_142 : memref<1x128xi32, #tpu.memory_space<vmem>> -> memref<128xi32, #tpu.memory_space<vmem>>
        %dma_start3A_144 = arith.constant 0 : i32
        %dma_start3A_145 = tpu.memref_slice %arg17[%dma_start3A_144] : memref<10240xf32, #tpu.memory_space<vmem_shared>> -> memref<10240xf32, #tpu.memory_space<vmem_shared>>
        tpu.enqueue_indirect_dma source(%arg14 : memref<128xf32, #tpu.memory_space<vmem>>) target(%dma_start3A_145 : memref<10240xf32, #tpu.memory_space<vmem_shared>>) offsets(%dma_start3A_143 : memref<128xi32, #tpu.memory_space<vmem>>) semaphore(%arg16 : memref<!tpu.dma_semaphore, #tpu.memory_space<semaphore_mem>>) {add = true}
        %lt3A = arith.constant 19 : i32
        %lt3A_146 = arith.cmpi slt, %scan3A_132, %lt3A : i32
        %convert_element_type3A_147 = arith.extui %lt3A_146 : i1 to i32
        %cond3A_148 = arith.constant 0 : i32
        %cond3A_149 = arith.cmpi ne, %convert_element_type3A_147, %cond3A_148 : i32
        scf.if %cond3A_149 {
          %add3A_171 = arith.constant 2 : i32
          %add3A_172 = arith.addi %mul3A_134, %add3A_171 : i32
          %dma_start3A_173 = arith.constant 0 : i32
          %dma_start3A_174 = tpu.memref_slice %arg7[%add3A_172, %dma_start3A_173] : memref<40x128xi32, #tpu.memory_space<vmem>> -> memref<1x128xi32, #tpu.memory_space<vmem>>
          %dma_start3A_175 = tpu.memref_squeeze %dma_start3A_174 : memref<1x128xi32, #tpu.memory_space<vmem>> -> memref<128xi32, #tpu.memory_space<vmem>>
          %dma_start3A_176 = arith.constant 0 : i32
          %dma_start3A_177 = arith.constant 0 : i32
          %dma_start3A_178 = tpu.memref_slice %arg4[%dma_start3A_176, %dma_start3A_177] : memref<10000x128xf32, #tpu.memory_space<hbm>> -> memref<10000x128xf32, #tpu.memory_space<hbm>>
          tpu.enqueue_indirect_dma source(%dma_start3A_178 : memref<10000x128xf32, #tpu.memory_space<hbm>>) target(%arg9 : memref<128x128xf32, #tpu.memory_space<vmem>>) offsets(%dma_start3A_175 : memref<128xi32, #tpu.memory_space<vmem>>) semaphore(%arg11 : memref<!tpu.dma_semaphore, #tpu.memory_space<semaphore_mem>>)
        } else {
        }
        %mul3A_150 = arith.constant 2 : i32
        %mul3A_151 = arith.muli %mul3A_150, %scan3A_132 : i32
        %add3A_152 = arith.constant 1 : i32
        %add3A_153 = arith.addi %mul3A_151, %add3A_152 : i32
        %dma_wait3A_154 = arith.constant 0 : i32
        %dma_wait3A_155 = arith.constant 0 : i32
        %dma_wait3A_156 = tpu.memref_slice %arg7[%dma_wait3A_154, %dma_wait3A_155] : memref<40x128xi32, #tpu.memory_space<vmem>> -> memref<1x128xi32, #tpu.memory_space<vmem>>
        %dma_wait3A_157 = tpu.memref_squeeze %dma_wait3A_156 : memref<1x128xi32, #tpu.memory_space<vmem>> -> memref<128xi32, #tpu.memory_space<vmem>>
        %dma_wait3A_158 = arith.constant 0 : i32
        %dma_wait3A_159 = arith.constant 0 : i32
        %dma_wait3A_160 = tpu.memref_slice %arg4[%dma_wait3A_158, %dma_wait3A_159] : memref<10000x128xf32, #tpu.memory_space<hbm>> -> memref<10000x128xf32, #tpu.memory_space<hbm>>
        tpu.wait_indirect_dma semaphore(%arg12 : memref<!tpu.dma_semaphore, #tpu.memory_space<semaphore_mem>>) src(%dma_wait3A_160 : memref<10000x128xf32, #tpu.memory_space<hbm>>) dst(%arg10 : memref<128x128xf32, #tpu.memory_space<vmem>>)
        "tpu.region"() ({
          %run_scoped3A = tpu.sem_alloc : memref<!tpu.dma_semaphore, #tpu.memory_space<semaphore_mem>>
          %dma_start3A_171 = arith.constant 0 : i32
          %dma_start3A_172 = tpu.memref_slice %arg8[%add3A_153, %dma_start3A_171] : memref<40x128xi32, #tpu.memory_space<vmem>> -> memref<1x128xi32, #tpu.memory_space<vmem>>
          %dma_start3A_173 = tpu.memref_squeeze %dma_start3A_172 : memref<1x128xi32, #tpu.memory_space<vmem>> -> memref<128xi32, #tpu.memory_space<vmem>>
          %dma_start3A_174 = arith.constant 0 : i32
          %dma_start3A_175 = arith.constant 0 : i32
          %dma_start3A_176 = tpu.memref_slice %arg13[%dma_start3A_174, %dma_start3A_175] : memref<10240x128xf32, #tpu.memory_space<vmem_shared>> -> memref<10240x128xf32, #tpu.memory_space<vmem_shared>>
          tpu.enqueue_indirect_dma source(%arg10 : memref<128x128xf32, #tpu.memory_space<vmem>>) target(%dma_start3A_176 : memref<10240x128xf32, #tpu.memory_space<vmem_shared>>) offsets(%dma_start3A_173 : memref<128xi32, #tpu.memory_space<vmem>>) semaphore(%run_scoped3A : memref<!tpu.dma_semaphore, #tpu.memory_space<semaphore_mem>>) {add = true}
          %dma_wait3A_177 = arith.constant 0 : i32
          %dma_wait3A_178 = tpu.memref_slice %arg8[%add3A_153, %dma_wait3A_177] : memref<40x128xi32, #tpu.memory_space<vmem>> -> memref<1x128xi32, #tpu.memory_space<vmem>>
          %dma_wait3A_179 = tpu.memref_squeeze %dma_wait3A_178 : memref<1x128xi32, #tpu.memory_space<vmem>> -> memref<128xi32, #tpu.memory_space<vmem>>
          %dma_wait3A_180 = arith.constant 0 : i32
          %dma_wait3A_181 = arith.constant 0 : i32
          %dma_wait3A_182 = tpu.memref_slice %arg13[%dma_wait3A_180, %dma_wait3A_181] : memref<10240x128xf32, #tpu.memory_space<vmem_shared>> -> memref<10240x128xf32, #tpu.memory_space<vmem_shared>>
          tpu.wait_indirect_dma semaphore(%run_scoped3A : memref<!tpu.dma_semaphore, #tpu.memory_space<semaphore_mem>>) src(%arg10 : memref<128x128xf32, #tpu.memory_space<vmem>>) dst(%dma_wait3A_182 : memref<10240x128xf32, #tpu.memory_space<vmem_shared>>)
          tpu.yield
        }) : () -> ()
        %dma_start3A_161 = arith.constant 0 : i32
        %dma_start3A_162 = tpu.memref_slice %arg8[%add3A_153, %dma_start3A_161] : memref<40x128xi32, #tpu.memory_space<vmem>> -> memref<1x128xi32, #tpu.memory_space<vmem>>
        %dma_start3A_163 = tpu.memref_squeeze %dma_start3A_162 : memref<1x128xi32, #tpu.memory_space<vmem>> -> memref<128xi32, #tpu.memory_space<vmem>>
        %dma_start3A_164 = arith.constant 0 : i32
        %dma_start3A_165 = tpu.memref_slice %arg17[%dma_start3A_164] : memref<10240xf32, #tpu.memory_space<vmem_shared>> -> memref<10240xf32, #tpu.memory_space<vmem_shared>>
        tpu.enqueue_indirect_dma source(%arg14 : memref<128xf32, #tpu.memory_space<vmem>>) target(%dma_start3A_165 : memref<10240xf32, #tpu.memory_space<vmem_shared>>) offsets(%dma_start3A_163 : memref<128xi32, #tpu.memory_space<vmem>>) semaphore(%arg16 : memref<!tpu.dma_semaphore, #tpu.memory_space<semaphore_mem>>) {add = true}
        %lt3A_166 = arith.constant 19 : i32
        %lt3A_167 = arith.cmpi slt, %scan3A_132, %lt3A_166 : i32
        %convert_element_type3A_168 = arith.extui %lt3A_167 : i1 to i32
        %cond3A_169 = arith.constant 0 : i32
        %cond3A_170 = arith.cmpi ne, %convert_element_type3A_168, %cond3A_169 : i32
        scf.if %cond3A_170 {
          %add3A_171 = arith.constant 2 : i32
          %add3A_172 = arith.addi %add3A_153, %add3A_171 : i32
          %dma_start3A_173 = arith.constant 0 : i32
          %dma_start3A_174 = tpu.memref_slice %arg7[%add3A_172, %dma_start3A_173] : memref<40x128xi32, #tpu.memory_space<vmem>> -> memref<1x128xi32, #tpu.memory_space<vmem>>
          %dma_start3A_175 = tpu.memref_squeeze %dma_start3A_174 : memref<1x128xi32, #tpu.memory_space<vmem>> -> memref<128xi32, #tpu.memory_space<vmem>>
          %dma_start3A_176 = arith.constant 0 : i32
          %dma_start3A_177 = arith.constant 0 : i32
          %dma_start3A_178 = tpu.memref_slice %arg4[%dma_start3A_176, %dma_start3A_177] : memref<10000x128xf32, #tpu.memory_space<hbm>> -> memref<10000x128xf32, #tpu.memory_space<hbm>>
          tpu.enqueue_indirect_dma source(%dma_start3A_178 : memref<10000x128xf32, #tpu.memory_space<hbm>>) target(%arg10 : memref<128x128xf32, #tpu.memory_space<vmem>>) offsets(%dma_start3A_175 : memref<128xi32, #tpu.memory_space<vmem>>) semaphore(%arg12 : memref<!tpu.dma_semaphore, #tpu.memory_space<semaphore_mem>>)
        } else {
        }
      }
      %scan3A_125 = arith.constant 20 : i32
      %scan3A_126 = arith.constant 0 : i32
      %scan3A_127 = arith.constant 0 : i32
      %scan3A_128 = arith.constant 40 : i32
      %scan3A_129 = arith.addi %scan3A_127, %scan3A_128 : i32
      %scan3A_130 = arith.constant 1 : i32
      scf.for %scan3A_132 = %scan3A_127 to %scan3A_129 step %scan3A_130  : i32 {
        %dma_wait3A = arith.constant 0 : i32
        %dma_wait3A_133 = arith.constant 0 : i32
        %dma_wait3A_134 = tpu.memref_slice %arg8[%dma_wait3A, %dma_wait3A_133] : memref<40x128xi32, #tpu.memory_space<vmem>> -> memref<1x128xi32, #tpu.memory_space<vmem>>
        %dma_wait3A_135 = tpu.memref_squeeze %dma_wait3A_134 : memref<1x128xi32, #tpu.memory_space<vmem>> -> memref<128xi32, #tpu.memory_space<vmem>>
        %dma_wait3A_136 = arith.constant 0 : i32
        %dma_wait3A_137 = tpu.memref_slice %arg17[%dma_wait3A_136] : memref<10240xf32, #tpu.memory_space<vmem_shared>> -> memref<10240xf32, #tpu.memory_space<vmem_shared>>
        tpu.wait_indirect_dma semaphore(%arg16 : memref<!tpu.dma_semaphore, #tpu.memory_space<semaphore_mem>>) src(%arg14 : memref<128xf32, #tpu.memory_space<vmem>>) dst(%dma_wait3A_137 : memref<10240xf32, #tpu.memory_space<vmem_shared>>)
      }
      %scan3A_131 = arith.constant 40 : i32
    } else {
    }
    %gt3A_78 = arith.constant 1 : i32
    %gt3A_79 = arith.cmpi sgt, %select_n3A_75, %gt3A_78 : i32
    %convert_element_type3A_80 = arith.extui %gt3A_79 : i1 to i32
    %cond3A_81 = arith.constant 0 : i32
    %cond3A_82 = arith.cmpi ne, %convert_element_type3A_80, %cond3A_81 : i32
    scf.if %cond3A_82 {
      %add3A_103 = arith.constant 40 : i32
      %add3A_104 = arith.addi %select_n3A, %add3A_103 : i32
      "tpu.region"() ({
        %run_scoped3A = tpu.sem_alloc : memref<!tpu.dma_semaphore, #tpu.memory_space<semaphore_mem>>
        %dma_start3A_132 = arith.constant 0 : i32
        %dma_start3A_133 = tpu.memref_slice %arg2[%add3A_104, %dma_start3A_132] : memref<2560x128xi32, #tpu.memory_space<hbm>> -> memref<40x128xi32, #tpu.memory_space<hbm>>
        %dma_start3A_134 = arith.constant 0 : i32
        %dma_start3A_135 = tpu.memref_slice %arg2[%add3A_104, %dma_start3A_134] : memref<2560x128xi32, #tpu.memory_space<hbm>> -> memref<40x128xi32, #tpu.memory_space<hbm>>
        tpu.enqueue_dma source(%dma_start3A_135 : memref<40x128xi32, #tpu.memory_space<hbm>>) target(%arg7 : memref<40x128xi32, #tpu.memory_space<vmem>>) target_semaphore(%run_scoped3A : memref<!tpu.dma_semaphore, #tpu.memory_space<semaphore_mem>>)
        %dma_wait3A = arith.constant 0 : i32
        %dma_wait3A_136 = tpu.memref_slice %arg2[%add3A_104, %dma_wait3A] : memref<2560x128xi32, #tpu.memory_space<hbm>> -> memref<40x128xi32, #tpu.memory_space<hbm>>
        %dma_wait3A_137 = arith.constant 0 : i32
        %dma_wait3A_138 = tpu.memref_slice %arg2[%add3A_104, %dma_wait3A_137] : memref<2560x128xi32, #tpu.memory_space<hbm>> -> memref<40x128xi32, #tpu.memory_space<hbm>>
        tpu.wait_dma2 semaphore(%run_scoped3A : memref<!tpu.dma_semaphore, #tpu.memory_space<semaphore_mem>>) src(%dma_wait3A_138 : memref<40x128xi32, #tpu.memory_space<hbm>>) dst(%arg7 : memref<40x128xi32, #tpu.memory_space<vmem>>)
        tpu.yield
      }) : () -> ()
      %add3A_105 = arith.constant 40 : i32
      %add3A_106 = arith.addi %select_n3A, %add3A_105 : i32
      "tpu.region"() ({
        %run_scoped3A = tpu.sem_alloc : memref<!tpu.dma_semaphore, #tpu.memory_space<semaphore_mem>>
        %dma_start3A_132 = arith.constant 0 : i32
        %dma_start3A_133 = tpu.memref_slice %arg3[%add3A_106, %dma_start3A_132] : memref<2560x128xi32, #tpu.memory_space<hbm>> -> memref<40x128xi32, #tpu.memory_space<hbm>>
        %dma_start3A_134 = arith.constant 0 : i32
        %dma_start3A_135 = tpu.memref_slice %arg3[%add3A_106, %dma_start3A_134] : memref<2560x128xi32, #tpu.memory_space<hbm>> -> memref<40x128xi32, #tpu.memory_space<hbm>>
        tpu.enqueue_dma source(%dma_start3A_135 : memref<40x128xi32, #tpu.memory_space<hbm>>) target(%arg8 : memref<40x128xi32, #tpu.memory_space<vmem>>) target_semaphore(%run_scoped3A : memref<!tpu.dma_semaphore, #tpu.memory_space<semaphore_mem>>)
        %dma_wait3A = arith.constant 0 : i32
        %dma_wait3A_136 = tpu.memref_slice %arg3[%add3A_106, %dma_wait3A] : memref<2560x128xi32, #tpu.memory_space<hbm>> -> memref<40x128xi32, #tpu.memory_space<hbm>>
        %dma_wait3A_137 = arith.constant 0 : i32
        %dma_wait3A_138 = tpu.memref_slice %arg3[%add3A_106, %dma_wait3A_137] : memref<2560x128xi32, #tpu.memory_space<hbm>> -> memref<40x128xi32, #tpu.memory_space<hbm>>
        tpu.wait_dma2 semaphore(%run_scoped3A : memref<!tpu.dma_semaphore, #tpu.memory_space<semaphore_mem>>) src(%dma_wait3A_138 : memref<40x128xi32, #tpu.memory_space<hbm>>) dst(%arg8 : memref<40x128xi32, #tpu.memory_space<vmem>>)
        tpu.yield
      }) : () -> ()
      %dma_start3A = arith.constant 0 : i32
      %dma_start3A_107 = arith.constant 0 : i32
      %dma_start3A_108 = tpu.memref_slice %arg7[%dma_start3A, %dma_start3A_107] : memref<40x128xi32, #tpu.memory_space<vmem>> -> memref<1x128xi32, #tpu.memory_space<vmem>>
      %dma_start3A_109 = tpu.memref_squeeze %dma_start3A_108 : memref<1x128xi32, #tpu.memory_space<vmem>> -> memref<128xi32, #tpu.memory_space<vmem>>
      %dma_start3A_110 = arith.constant 0 : i32
      %dma_start3A_111 = arith.constant 0 : i32
      %dma_start3A_112 = tpu.memref_slice %arg4[%dma_start3A_110, %dma_start3A_111] : memref<10000x128xf32, #tpu.memory_space<hbm>> -> memref<10000x128xf32, #tpu.memory_space<hbm>>
      tpu.enqueue_indirect_dma source(%dma_start3A_112 : memref<10000x128xf32, #tpu.memory_space<hbm>>) target(%arg9 : memref<128x128xf32, #tpu.memory_space<vmem>>) offsets(%dma_start3A_109 : memref<128xi32, #tpu.memory_space<vmem>>) semaphore(%arg11 : memref<!tpu.dma_semaphore, #tpu.memory_space<semaphore_mem>>)
      %dma_start3A_113 = arith.constant 1 : i32
      %dma_start3A_114 = arith.constant 0 : i32
      %dma_start3A_115 = tpu.memref_slice %arg7[%dma_start3A_113, %dma_start3A_114] : memref<40x128xi32, #tpu.memory_space<vmem>> -> memref<1x128xi32, #tpu.memory_space<vmem>>
      %dma_start3A_116 = tpu.memref_squeeze %dma_start3A_115 : memref<1x128xi32, #tpu.memory_space<vmem>> -> memref<128xi32, #tpu.memory_space<vmem>>
      %dma_start3A_117 = arith.constant 0 : i32
      %dma_start3A_118 = arith.constant 0 : i32
      %dma_start3A_119 = tpu.memref_slice %arg4[%dma_start3A_117, %dma_start3A_118] : memref<10000x128xf32, #tpu.memory_space<hbm>> -> memref<10000x128xf32, #tpu.memory_space<hbm>>
      tpu.enqueue_indirect_dma source(%dma_start3A_119 : memref<10000x128xf32, #tpu.memory_space<hbm>>) target(%arg10 : memref<128x128xf32, #tpu.memory_space<vmem>>) offsets(%dma_start3A_116 : memref<128xi32, #tpu.memory_space<vmem>>) semaphore(%arg12 : memref<!tpu.dma_semaphore, #tpu.memory_space<semaphore_mem>>)
      %scan3A_120 = arith.constant 0 : i32
      %scan3A_121 = arith.constant 0 : i32
      %scan3A_122 = arith.constant 20 : i32
      %scan3A_123 = arith.addi %scan3A_121, %scan3A_122 : i32
      %scan3A_124 = arith.constant 1 : i32
      scf.for %scan3A_132 = %scan3A_121 to %scan3A_123 step %scan3A_124  : i32 {
        %mul3A_133 = arith.constant 2 : i32
        %mul3A_134 = arith.muli %mul3A_133, %scan3A_132 : i32
        %dma_wait3A = arith.constant 0 : i32
        %dma_wait3A_135 = arith.constant 0 : i32
        %dma_wait3A_136 = tpu.memref_slice %arg7[%dma_wait3A, %dma_wait3A_135] : memref<40x128xi32, #tpu.memory_space<vmem>> -> memref<1x128xi32, #tpu.memory_space<vmem>>
        %dma_wait3A_137 = tpu.memref_squeeze %dma_wait3A_136 : memref<1x128xi32, #tpu.memory_space<vmem>> -> memref<128xi32, #tpu.memory_space<vmem>>
        %dma_wait3A_138 = arith.constant 0 : i32
        %dma_wait3A_139 = arith.constant 0 : i32
        %dma_wait3A_140 = tpu.memref_slice %arg4[%dma_wait3A_138, %dma_wait3A_139] : memref<10000x128xf32, #tpu.memory_space<hbm>> -> memref<10000x128xf32, #tpu.memory_space<hbm>>
        tpu.wait_indirect_dma semaphore(%arg11 : memref<!tpu.dma_semaphore, #tpu.memory_space<semaphore_mem>>) src(%dma_wait3A_140 : memref<10000x128xf32, #tpu.memory_space<hbm>>) dst(%arg9 : memref<128x128xf32, #tpu.memory_space<vmem>>)
        "tpu.region"() ({
          %run_scoped3A = tpu.sem_alloc : memref<!tpu.dma_semaphore, #tpu.memory_space<semaphore_mem>>
          %dma_start3A_171 = arith.constant 0 : i32
          %dma_start3A_172 = tpu.memref_slice %arg8[%mul3A_134, %dma_start3A_171] : memref<40x128xi32, #tpu.memory_space<vmem>> -> memref<1x128xi32, #tpu.memory_space<vmem>>
          %dma_start3A_173 = tpu.memref_squeeze %dma_start3A_172 : memref<1x128xi32, #tpu.memory_space<vmem>> -> memref<128xi32, #tpu.memory_space<vmem>>
          %dma_start3A_174 = arith.constant 0 : i32
          %dma_start3A_175 = arith.constant 0 : i32
          %dma_start3A_176 = tpu.memref_slice %arg13[%dma_start3A_174, %dma_start3A_175] : memref<10240x128xf32, #tpu.memory_space<vmem_shared>> -> memref<10240x128xf32, #tpu.memory_space<vmem_shared>>
          tpu.enqueue_indirect_dma source(%arg9 : memref<128x128xf32, #tpu.memory_space<vmem>>) target(%dma_start3A_176 : memref<10240x128xf32, #tpu.memory_space<vmem_shared>>) offsets(%dma_start3A_173 : memref<128xi32, #tpu.memory_space<vmem>>) semaphore(%run_scoped3A : memref<!tpu.dma_semaphore, #tpu.memory_space<semaphore_mem>>) {add = true}
          %dma_wait3A_177 = arith.constant 0 : i32
          %dma_wait3A_178 = tpu.memref_slice %arg8[%mul3A_134, %dma_wait3A_177] : memref<40x128xi32, #tpu.memory_space<vmem>> -> memref<1x128xi32, #tpu.memory_space<vmem>>
          %dma_wait3A_179 = tpu.memref_squeeze %dma_wait3A_178 : memref<1x128xi32, #tpu.memory_space<vmem>> -> memref<128xi32, #tpu.memory_space<vmem>>
          %dma_wait3A_180 = arith.constant 0 : i32
          %dma_wait3A_181 = arith.constant 0 : i32
          %dma_wait3A_182 = tpu.memref_slice %arg13[%dma_wait3A_180, %dma_wait3A_181] : memref<10240x128xf32, #tpu.memory_space<vmem_shared>> -> memref<10240x128xf32, #tpu.memory_space<vmem_shared>>
          tpu.wait_indirect_dma semaphore(%run_scoped3A : memref<!tpu.dma_semaphore, #tpu.memory_space<semaphore_mem>>) src(%arg9 : memref<128x128xf32, #tpu.memory_space<vmem>>) dst(%dma_wait3A_182 : memref<10240x128xf32, #tpu.memory_space<vmem_shared>>)
          tpu.yield
        }) : () -> ()
        %dma_start3A_141 = arith.constant 0 : i32
        %dma_start3A_142 = tpu.memref_slice %arg8[%mul3A_134, %dma_start3A_141] : memref<40x128xi32, #tpu.memory_space<vmem>> -> memref<1x128xi32, #tpu.memory_space<vmem>>
        %dma_start3A_143 = tpu.memref_squeeze %dma_start3A_142 : memref<1x128xi32, #tpu.memory_space<vmem>> -> memref<128xi32, #tpu.memory_space<vmem>>
        %dma_start3A_144 = arith.constant 0 : i32
        %dma_start3A_145 = tpu.memref_slice %arg17[%dma_start3A_144] : memref<10240xf32, #tpu.memory_space<vmem_shared>> -> memref<10240xf32, #tpu.memory_space<vmem_shared>>
        tpu.enqueue_indirect_dma source(%arg14 : memref<128xf32, #tpu.memory_space<vmem>>) target(%dma_start3A_145 : memref<10240xf32, #tpu.memory_space<vmem_shared>>) offsets(%dma_start3A_143 : memref<128xi32, #tpu.memory_space<vmem>>) semaphore(%arg16 : memref<!tpu.dma_semaphore, #tpu.memory_space<semaphore_mem>>) {add = true}
        %lt3A = arith.constant 19 : i32
        %lt3A_146 = arith.cmpi slt, %scan3A_132, %lt3A : i32
        %convert_element_type3A_147 = arith.extui %lt3A_146 : i1 to i32
        %cond3A_148 = arith.constant 0 : i32
        %cond3A_149 = arith.cmpi ne, %convert_element_type3A_147, %cond3A_148 : i32
        scf.if %cond3A_149 {
          %add3A_171 = arith.constant 2 : i32
          %add3A_172 = arith.addi %mul3A_134, %add3A_171 : i32
          %dma_start3A_173 = arith.constant 0 : i32
          %dma_start3A_174 = tpu.memref_slice %arg7[%add3A_172, %dma_start3A_173] : memref<40x128xi32, #tpu.memory_space<vmem>> -> memref<1x128xi32, #tpu.memory_space<vmem>>
          %dma_start3A_175 = tpu.memref_squeeze %dma_start3A_174 : memref<1x128xi32, #tpu.memory_space<vmem>> -> memref<128xi32, #tpu.memory_space<vmem>>
          %dma_start3A_176 = arith.constant 0 : i32
          %dma_start3A_177 = arith.constant 0 : i32
          %dma_start3A_178 = tpu.memref_slice %arg4[%dma_start3A_176, %dma_start3A_177] : memref<10000x128xf32, #tpu.memory_space<hbm>> -> memref<10000x128xf32, #tpu.memory_space<hbm>>
          tpu.enqueue_indirect_dma source(%dma_start3A_178 : memref<10000x128xf32, #tpu.memory_space<hbm>>) target(%arg9 : memref<128x128xf32, #tpu.memory_space<vmem>>) offsets(%dma_start3A_175 : memref<128xi32, #tpu.memory_space<vmem>>) semaphore(%arg11 : memref<!tpu.dma_semaphore, #tpu.memory_space<semaphore_mem>>)
        } else {
        }
        %mul3A_150 = arith.constant 2 : i32
        %mul3A_151 = arith.muli %mul3A_150, %scan3A_132 : i32
        %add3A_152 = arith.constant 1 : i32
        %add3A_153 = arith.addi %mul3A_151, %add3A_152 : i32
        %dma_wait3A_154 = arith.constant 0 : i32
        %dma_wait3A_155 = arith.constant 0 : i32
        %dma_wait3A_156 = tpu.memref_slice %arg7[%dma_wait3A_154, %dma_wait3A_155] : memref<40x128xi32, #tpu.memory_space<vmem>> -> memref<1x128xi32, #tpu.memory_space<vmem>>
        %dma_wait3A_157 = tpu.memref_squeeze %dma_wait3A_156 : memref<1x128xi32, #tpu.memory_space<vmem>> -> memref<128xi32, #tpu.memory_space<vmem>>
        %dma_wait3A_158 = arith.constant 0 : i32
        %dma_wait3A_159 = arith.constant 0 : i32
        %dma_wait3A_160 = tpu.memref_slice %arg4[%dma_wait3A_158, %dma_wait3A_159] : memref<10000x128xf32, #tpu.memory_space<hbm>> -> memref<10000x128xf32, #tpu.memory_space<hbm>>
        tpu.wait_indirect_dma semaphore(%arg12 : memref<!tpu.dma_semaphore, #tpu.memory_space<semaphore_mem>>) src(%dma_wait3A_160 : memref<10000x128xf32, #tpu.memory_space<hbm>>) dst(%arg10 : memref<128x128xf32, #tpu.memory_space<vmem>>)
        "tpu.region"() ({
          %run_scoped3A = tpu.sem_alloc : memref<!tpu.dma_semaphore, #tpu.memory_space<semaphore_mem>>
          %dma_start3A_171 = arith.constant 0 : i32
          %dma_start3A_172 = tpu.memref_slice %arg8[%add3A_153, %dma_start3A_171] : memref<40x128xi32, #tpu.memory_space<vmem>> -> memref<1x128xi32, #tpu.memory_space<vmem>>
          %dma_start3A_173 = tpu.memref_squeeze %dma_start3A_172 : memref<1x128xi32, #tpu.memory_space<vmem>> -> memref<128xi32, #tpu.memory_space<vmem>>
          %dma_start3A_174 = arith.constant 0 : i32
          %dma_start3A_175 = arith.constant 0 : i32
          %dma_start3A_176 = tpu.memref_slice %arg13[%dma_start3A_174, %dma_start3A_175] : memref<10240x128xf32, #tpu.memory_space<vmem_shared>> -> memref<10240x128xf32, #tpu.memory_space<vmem_shared>>
          tpu.enqueue_indirect_dma source(%arg10 : memref<128x128xf32, #tpu.memory_space<vmem>>) target(%dma_start3A_176 : memref<10240x128xf32, #tpu.memory_space<vmem_shared>>) offsets(%dma_start3A_173 : memref<128xi32, #tpu.memory_space<vmem>>) semaphore(%run_scoped3A : memref<!tpu.dma_semaphore, #tpu.memory_space<semaphore_mem>>) {add = true}
          %dma_wait3A_177 = arith.constant 0 : i32
          %dma_wait3A_178 = tpu.memref_slice %arg8[%add3A_153, %dma_wait3A_177] : memref<40x128xi32, #tpu.memory_space<vmem>> -> memref<1x128xi32, #tpu.memory_space<vmem>>
          %dma_wait3A_179 = tpu.memref_squeeze %dma_wait3A_178 : memref<1x128xi32, #tpu.memory_space<vmem>> -> memref<128xi32, #tpu.memory_space<vmem>>
          %dma_wait3A_180 = arith.constant 0 : i32
          %dma_wait3A_181 = arith.constant 0 : i32
          %dma_wait3A_182 = tpu.memref_slice %arg13[%dma_wait3A_180, %dma_wait3A_181] : memref<10240x128xf32, #tpu.memory_space<vmem_shared>> -> memref<10240x128xf32, #tpu.memory_space<vmem_shared>>
          tpu.wait_indirect_dma semaphore(%run_scoped3A : memref<!tpu.dma_semaphore, #tpu.memory_space<semaphore_mem>>) src(%arg10 : memref<128x128xf32, #tpu.memory_space<vmem>>) dst(%dma_wait3A_182 : memref<10240x128xf32, #tpu.memory_space<vmem_shared>>)
          tpu.yield
        }) : () -> ()
        %dma_start3A_161 = arith.constant 0 : i32
        %dma_start3A_162 = tpu.memref_slice %arg8[%add3A_153, %dma_start3A_161] : memref<40x128xi32, #tpu.memory_space<vmem>> -> memref<1x128xi32, #tpu.memory_space<vmem>>
        %dma_start3A_163 = tpu.memref_squeeze %dma_start3A_162 : memref<1x128xi32, #tpu.memory_space<vmem>> -> memref<128xi32, #tpu.memory_space<vmem>>
        %dma_start3A_164 = arith.constant 0 : i32
        %dma_start3A_165 = tpu.memref_slice %arg17[%dma_start3A_164] : memref<10240xf32, #tpu.memory_space<vmem_shared>> -> memref<10240xf32, #tpu.memory_space<vmem_shared>>
        tpu.enqueue_indirect_dma source(%arg14 : memref<128xf32, #tpu.memory_space<vmem>>) target(%dma_start3A_165 : memref<10240xf32, #tpu.memory_space<vmem_shared>>) offsets(%dma_start3A_163 : memref<128xi32, #tpu.memory_space<vmem>>) semaphore(%arg16 : memref<!tpu.dma_semaphore, #tpu.memory_space<semaphore_mem>>) {add = true}
        %lt3A_166 = arith.constant 19 : i32
        %lt3A_167 = arith.cmpi slt, %scan3A_132, %lt3A_166 : i32
        %convert_element_type3A_168 = arith.extui %lt3A_167 : i1 to i32
        %cond3A_169 = arith.constant 0 : i32
        %cond3A_170 = arith.cmpi ne, %convert_element_type3A_168, %cond3A_169 : i32
        scf.if %cond3A_170 {
          %add3A_171 = arith.constant 2 : i32
          %add3A_172 = arith.addi %add3A_153, %add3A_171 : i32
          %dma_start3A_173 = arith.constant 0 : i32
          %dma_start3A_174 = tpu.memref_slice %arg7[%add3A_172, %dma_start3A_173] : memref<40x128xi32, #tpu.memory_space<vmem>> -> memref<1x128xi32, #tpu.memory_space<vmem>>
          %dma_start3A_175 = tpu.memref_squeeze %dma_start3A_174 : memref<1x128xi32, #tpu.memory_space<vmem>> -> memref<128xi32, #tpu.memory_space<vmem>>
          %dma_start3A_176 = arith.constant 0 : i32
          %dma_start3A_177 = arith.constant 0 : i32
          %dma_start3A_178 = tpu.memref_slice %arg4[%dma_start3A_176, %dma_start3A_177] : memref<10000x128xf32, #tpu.memory_space<hbm>> -> memref<10000x128xf32, #tpu.memory_space<hbm>>
          tpu.enqueue_indirect_dma source(%dma_start3A_178 : memref<10000x128xf32, #tpu.memory_space<hbm>>) target(%arg10 : memref<128x128xf32, #tpu.memory_space<vmem>>) offsets(%dma_start3A_175 : memref<128xi32, #tpu.memory_space<vmem>>) semaphore(%arg12 : memref<!tpu.dma_semaphore, #tpu.memory_space<semaphore_mem>>)
        } else {
        }
      }
      %scan3A_125 = arith.constant 20 : i32
      %scan3A_126 = arith.constant 0 : i32
      %scan3A_127 = arith.constant 0 : i32
      %scan3A_128 = arith.constant 40 : i32
      %scan3A_129 = arith.addi %scan3A_127, %scan3A_128 : i32
      %scan3A_130 = arith.constant 1 : i32
      scf.for %scan3A_132 = %scan3A_127 to %scan3A_129 step %scan3A_130  : i32 {
        %dma_wait3A = arith.constant 0 : i32
        %dma_wait3A_133 = arith.constant 0 : i32
        %dma_wait3A_134 = tpu.memref_slice %arg8[%dma_wait3A, %dma_wait3A_133] : memref<40x128xi32, #tpu.memory_space<vmem>> -> memref<1x128xi32, #tpu.memory_space<vmem>>
        %dma_wait3A_135 = tpu.memref_squeeze %dma_wait3A_134 : memref<1x128xi32, #tpu.memory_space<vmem>> -> memref<128xi32, #tpu.memory_space<vmem>>
        %dma_wait3A_136 = arith.constant 0 : i32
        %dma_wait3A_137 = tpu.memref_slice %arg17[%dma_wait3A_136] : memref<10240xf32, #tpu.memory_space<vmem_shared>> -> memref<10240xf32, #tpu.memory_space<vmem_shared>>
        tpu.wait_indirect_dma semaphore(%arg16 : memref<!tpu.dma_semaphore, #tpu.memory_space<semaphore_mem>>) src(%arg14 : memref<128xf32, #tpu.memory_space<vmem>>) dst(%dma_wait3A_137 : memref<10240xf32, #tpu.memory_space<vmem_shared>>)
      }
      %scan3A_131 = arith.constant 40 : i32
    } else {
    }
    %gt3A_83 = arith.constant 2 : i32
    %gt3A_84 = arith.cmpi sgt, %select_n3A_75, %gt3A_83 : i32
    %convert_element_type3A_85 = arith.extui %gt3A_84 : i1 to i32
    %cond3A_86 = arith.constant 0 : i32
    %cond3A_87 = arith.cmpi ne, %convert_element_type3A_85, %cond3A_86 : i32
    scf.if %cond3A_87 {
      %add3A_103 = arith.constant 80 : i32
      %add3A_104 = arith.addi %select_n3A, %add3A_103 : i32
      "tpu.region"() ({
        %run_scoped3A = tpu.sem_alloc : memref<!tpu.dma_semaphore, #tpu.memory_space<semaphore_mem>>
        %dma_start3A_132 = arith.constant 0 : i32
        %dma_start3A_133 = tpu.memref_slice %arg2[%add3A_104, %dma_start3A_132] : memref<2560x128xi32, #tpu.memory_space<hbm>> -> memref<40x128xi32, #tpu.memory_space<hbm>>
        %dma_start3A_134 = arith.constant 0 : i32
        %dma_start3A_135 = tpu.memref_slice %arg2[%add3A_104, %dma_start3A_134] : memref<2560x128xi32, #tpu.memory_space<hbm>> -> memref<40x128xi32, #tpu.memory_space<hbm>>
        tpu.enqueue_dma source(%dma_start3A_135 : memref<40x128xi32, #tpu.memory_space<hbm>>) target(%arg7 : memref<40x128xi32, #tpu.memory_space<vmem>>) target_semaphore(%run_scoped3A : memref<!tpu.dma_semaphore, #tpu.memory_space<semaphore_mem>>)
        %dma_wait3A = arith.constant 0 : i32
        %dma_wait3A_136 = tpu.memref_slice %arg2[%add3A_104, %dma_wait3A] : memref<2560x128xi32, #tpu.memory_space<hbm>> -> memref<40x128xi32, #tpu.memory_space<hbm>>
        %dma_wait3A_137 = arith.constant 0 : i32
        %dma_wait3A_138 = tpu.memref_slice %arg2[%add3A_104, %dma_wait3A_137] : memref<2560x128xi32, #tpu.memory_space<hbm>> -> memref<40x128xi32, #tpu.memory_space<hbm>>
        tpu.wait_dma2 semaphore(%run_scoped3A : memref<!tpu.dma_semaphore, #tpu.memory_space<semaphore_mem>>) src(%dma_wait3A_138 : memref<40x128xi32, #tpu.memory_space<hbm>>) dst(%arg7 : memref<40x128xi32, #tpu.memory_space<vmem>>)
        tpu.yield
      }) : () -> ()
      %add3A_105 = arith.constant 80 : i32
      %add3A_106 = arith.addi %select_n3A, %add3A_105 : i32
      "tpu.region"() ({
        %run_scoped3A = tpu.sem_alloc : memref<!tpu.dma_semaphore, #tpu.memory_space<semaphore_mem>>
        %dma_start3A_132 = arith.constant 0 : i32
        %dma_start3A_133 = tpu.memref_slice %arg3[%add3A_106, %dma_start3A_132] : memref<2560x128xi32, #tpu.memory_space<hbm>> -> memref<40x128xi32, #tpu.memory_space<hbm>>
        %dma_start3A_134 = arith.constant 0 : i32
        %dma_start3A_135 = tpu.memref_slice %arg3[%add3A_106, %dma_start3A_134] : memref<2560x128xi32, #tpu.memory_space<hbm>> -> memref<40x128xi32, #tpu.memory_space<hbm>>
        tpu.enqueue_dma source(%dma_start3A_135 : memref<40x128xi32, #tpu.memory_space<hbm>>) target(%arg8 : memref<40x128xi32, #tpu.memory_space<vmem>>) target_semaphore(%run_scoped3A : memref<!tpu.dma_semaphore, #tpu.memory_space<semaphore_mem>>)
        %dma_wait3A = arith.constant 0 : i32
        %dma_wait3A_136 = tpu.memref_slice %arg3[%add3A_106, %dma_wait3A] : memref<2560x128xi32, #tpu.memory_space<hbm>> -> memref<40x128xi32, #tpu.memory_space<hbm>>
        %dma_wait3A_137 = arith.constant 0 : i32
        %dma_wait3A_138 = tpu.memref_slice %arg3[%add3A_106, %dma_wait3A_137] : memref<2560x128xi32, #tpu.memory_space<hbm>> -> memref<40x128xi32, #tpu.memory_space<hbm>>
        tpu.wait_dma2 semaphore(%run_scoped3A : memref<!tpu.dma_semaphore, #tpu.memory_space<semaphore_mem>>) src(%dma_wait3A_138 : memref<40x128xi32, #tpu.memory_space<hbm>>) dst(%arg8 : memref<40x128xi32, #tpu.memory_space<vmem>>)
        tpu.yield
      }) : () -> ()
      %dma_start3A = arith.constant 0 : i32
      %dma_start3A_107 = arith.constant 0 : i32
      %dma_start3A_108 = tpu.memref_slice %arg7[%dma_start3A, %dma_start3A_107] : memref<40x128xi32, #tpu.memory_space<vmem>> -> memref<1x128xi32, #tpu.memory_space<vmem>>
      %dma_start3A_109 = tpu.memref_squeeze %dma_start3A_108 : memref<1x128xi32, #tpu.memory_space<vmem>> -> memref<128xi32, #tpu.memory_space<vmem>>
      %dma_start3A_110 = arith.constant 0 : i32
      %dma_start3A_111 = arith.constant 0 : i32
      %dma_start3A_112 = tpu.memref_slice %arg4[%dma_start3A_110, %dma_start3A_111] : memref<10000x128xf32, #tpu.memory_space<hbm>> -> memref<10000x128xf32, #tpu.memory_space<hbm>>
      tpu.enqueue_indirect_dma source(%dma_start3A_112 : memref<10000x128xf32, #tpu.memory_space<hbm>>) target(%arg9 : memref<128x128xf32, #tpu.memory_space<vmem>>) offsets(%dma_start3A_109 : memref<128xi32, #tpu.memory_space<vmem>>) semaphore(%arg11 : memref<!tpu.dma_semaphore, #tpu.memory_space<semaphore_mem>>)
      %dma_start3A_113 = arith.constant 1 : i32
      %dma_start3A_114 = arith.constant 0 : i32
      %dma_start3A_115 = tpu.memref_slice %arg7[%dma_start3A_113, %dma_start3A_114] : memref<40x128xi32, #tpu.memory_space<vmem>> -> memref<1x128xi32, #tpu.memory_space<vmem>>
      %dma_start3A_116 = tpu.memref_squeeze %dma_start3A_115 : memref<1x128xi32, #tpu.memory_space<vmem>> -> memref<128xi32, #tpu.memory_space<vmem>>
      %dma_start3A_117 = arith.constant 0 : i32
      %dma_start3A_118 = arith.constant 0 : i32
      %dma_start3A_119 = tpu.memref_slice %arg4[%dma_start3A_117, %dma_start3A_118] : memref<10000x128xf32, #tpu.memory_space<hbm>> -> memref<10000x128xf32, #tpu.memory_space<hbm>>
      tpu.enqueue_indirect_dma source(%dma_start3A_119 : memref<10000x128xf32, #tpu.memory_space<hbm>>) target(%arg10 : memref<128x128xf32, #tpu.memory_space<vmem>>) offsets(%dma_start3A_116 : memref<128xi32, #tpu.memory_space<vmem>>) semaphore(%arg12 : memref<!tpu.dma_semaphore, #tpu.memory_space<semaphore_mem>>)
      %scan3A_120 = arith.constant 0 : i32
      %scan3A_121 = arith.constant 0 : i32
      %scan3A_122 = arith.constant 20 : i32
      %scan3A_123 = arith.addi %scan3A_121, %scan3A_122 : i32
      %scan3A_124 = arith.constant 1 : i32
      scf.for %scan3A_132 = %scan3A_121 to %scan3A_123 step %scan3A_124  : i32 {
        %mul3A_133 = arith.constant 2 : i32
        %mul3A_134 = arith.muli %mul3A_133, %scan3A_132 : i32
        %dma_wait3A = arith.constant 0 : i32
        %dma_wait3A_135 = arith.constant 0 : i32
        %dma_wait3A_136 = tpu.memref_slice %arg7[%dma_wait3A, %dma_wait3A_135] : memref<40x128xi32, #tpu.memory_space<vmem>> -> memref<1x128xi32, #tpu.memory_space<vmem>>
        %dma_wait3A_137 = tpu.memref_squeeze %dma_wait3A_136 : memref<1x128xi32, #tpu.memory_space<vmem>> -> memref<128xi32, #tpu.memory_space<vmem>>
        %dma_wait3A_138 = arith.constant 0 : i32
        %dma_wait3A_139 = arith.constant 0 : i32
        %dma_wait3A_140 = tpu.memref_slice %arg4[%dma_wait3A_138, %dma_wait3A_139] : memref<10000x128xf32, #tpu.memory_space<hbm>> -> memref<10000x128xf32, #tpu.memory_space<hbm>>
        tpu.wait_indirect_dma semaphore(%arg11 : memref<!tpu.dma_semaphore, #tpu.memory_space<semaphore_mem>>) src(%dma_wait3A_140 : memref<10000x128xf32, #tpu.memory_space<hbm>>) dst(%arg9 : memref<128x128xf32, #tpu.memory_space<vmem>>)
        "tpu.region"() ({
          %run_scoped3A = tpu.sem_alloc : memref<!tpu.dma_semaphore, #tpu.memory_space<semaphore_mem>>
          %dma_start3A_171 = arith.constant 0 : i32
          %dma_start3A_172 = tpu.memref_slice %arg8[%mul3A_134, %dma_start3A_171] : memref<40x128xi32, #tpu.memory_space<vmem>> -> memref<1x128xi32, #tpu.memory_space<vmem>>
          %dma_start3A_173 = tpu.memref_squeeze %dma_start3A_172 : memref<1x128xi32, #tpu.memory_space<vmem>> -> memref<128xi32, #tpu.memory_space<vmem>>
          %dma_start3A_174 = arith.constant 0 : i32
          %dma_start3A_175 = arith.constant 0 : i32
          %dma_start3A_176 = tpu.memref_slice %arg13[%dma_start3A_174, %dma_start3A_175] : memref<10240x128xf32, #tpu.memory_space<vmem_shared>> -> memref<10240x128xf32, #tpu.memory_space<vmem_shared>>
          tpu.enqueue_indirect_dma source(%arg9 : memref<128x128xf32, #tpu.memory_space<vmem>>) target(%dma_start3A_176 : memref<10240x128xf32, #tpu.memory_space<vmem_shared>>) offsets(%dma_start3A_173 : memref<128xi32, #tpu.memory_space<vmem>>) semaphore(%run_scoped3A : memref<!tpu.dma_semaphore, #tpu.memory_space<semaphore_mem>>) {add = true}
          %dma_wait3A_177 = arith.constant 0 : i32
          %dma_wait3A_178 = tpu.memref_slice %arg8[%mul3A_134, %dma_wait3A_177] : memref<40x128xi32, #tpu.memory_space<vmem>> -> memref<1x128xi32, #tpu.memory_space<vmem>>
          %dma_wait3A_179 = tpu.memref_squeeze %dma_wait3A_178 : memref<1x128xi32, #tpu.memory_space<vmem>> -> memref<128xi32, #tpu.memory_space<vmem>>
          %dma_wait3A_180 = arith.constant 0 : i32
          %dma_wait3A_181 = arith.constant 0 : i32
          %dma_wait3A_182 = tpu.memref_slice %arg13[%dma_wait3A_180, %dma_wait3A_181] : memref<10240x128xf32, #tpu.memory_space<vmem_shared>> -> memref<10240x128xf32, #tpu.memory_space<vmem_shared>>
          tpu.wait_indirect_dma semaphore(%run_scoped3A : memref<!tpu.dma_semaphore, #tpu.memory_space<semaphore_mem>>) src(%arg9 : memref<128x128xf32, #tpu.memory_space<vmem>>) dst(%dma_wait3A_182 : memref<10240x128xf32, #tpu.memory_space<vmem_shared>>)
          tpu.yield
        }) : () -> ()
        %dma_start3A_141 = arith.constant 0 : i32
        %dma_start3A_142 = tpu.memref_slice %arg8[%mul3A_134, %dma_start3A_141] : memref<40x128xi32, #tpu.memory_space<vmem>> -> memref<1x128xi32, #tpu.memory_space<vmem>>
        %dma_start3A_143 = tpu.memref_squeeze %dma_start3A_142 : memref<1x128xi32, #tpu.memory_space<vmem>> -> memref<128xi32, #tpu.memory_space<vmem>>
        %dma_start3A_144 = arith.constant 0 : i32
        %dma_start3A_145 = tpu.memref_slice %arg17[%dma_start3A_144] : memref<10240xf32, #tpu.memory_space<vmem_shared>> -> memref<10240xf32, #tpu.memory_space<vmem_shared>>
        tpu.enqueue_indirect_dma source(%arg14 : memref<128xf32, #tpu.memory_space<vmem>>) target(%dma_start3A_145 : memref<10240xf32, #tpu.memory_space<vmem_shared>>) offsets(%dma_start3A_143 : memref<128xi32, #tpu.memory_space<vmem>>) semaphore(%arg16 : memref<!tpu.dma_semaphore, #tpu.memory_space<semaphore_mem>>) {add = true}
        %lt3A = arith.constant 19 : i32
        %lt3A_146 = arith.cmpi slt, %scan3A_132, %lt3A : i32
        %convert_element_type3A_147 = arith.extui %lt3A_146 : i1 to i32
        %cond3A_148 = arith.constant 0 : i32
        %cond3A_149 = arith.cmpi ne, %convert_element_type3A_147, %cond3A_148 : i32
        scf.if %cond3A_149 {
          %add3A_171 = arith.constant 2 : i32
          %add3A_172 = arith.addi %mul3A_134, %add3A_171 : i32
          %dma_start3A_173 = arith.constant 0 : i32
          %dma_start3A_174 = tpu.memref_slice %arg7[%add3A_172, %dma_start3A_173] : memref<40x128xi32, #tpu.memory_space<vmem>> -> memref<1x128xi32, #tpu.memory_space<vmem>>
          %dma_start3A_175 = tpu.memref_squeeze %dma_start3A_174 : memref<1x128xi32, #tpu.memory_space<vmem>> -> memref<128xi32, #tpu.memory_space<vmem>>
          %dma_start3A_176 = arith.constant 0 : i32
          %dma_start3A_177 = arith.constant 0 : i32
          %dma_start3A_178 = tpu.memref_slice %arg4[%dma_start3A_176, %dma_start3A_177] : memref<10000x128xf32, #tpu.memory_space<hbm>> -> memref<10000x128xf32, #tpu.memory_space<hbm>>
          tpu.enqueue_indirect_dma source(%dma_start3A_178 : memref<10000x128xf32, #tpu.memory_space<hbm>>) target(%arg9 : memref<128x128xf32, #tpu.memory_space<vmem>>) offsets(%dma_start3A_175 : memref<128xi32, #tpu.memory_space<vmem>>) semaphore(%arg11 : memref<!tpu.dma_semaphore, #tpu.memory_space<semaphore_mem>>)
        } else {
        }
        %mul3A_150 = arith.constant 2 : i32
        %mul3A_151 = arith.muli %mul3A_150, %scan3A_132 : i32
        %add3A_152 = arith.constant 1 : i32
        %add3A_153 = arith.addi %mul3A_151, %add3A_152 : i32
        %dma_wait3A_154 = arith.constant 0 : i32
        %dma_wait3A_155 = arith.constant 0 : i32
        %dma_wait3A_156 = tpu.memref_slice %arg7[%dma_wait3A_154, %dma_wait3A_155] : memref<40x128xi32, #tpu.memory_space<vmem>> -> memref<1x128xi32, #tpu.memory_space<vmem>>
        %dma_wait3A_157 = tpu.memref_squeeze %dma_wait3A_156 : memref<1x128xi32, #tpu.memory_space<vmem>> -> memref<128xi32, #tpu.memory_space<vmem>>
        %dma_wait3A_158 = arith.constant 0 : i32
        %dma_wait3A_159 = arith.constant 0 : i32
        %dma_wait3A_160 = tpu.memref_slice %arg4[%dma_wait3A_158, %dma_wait3A_159] : memref<10000x128xf32, #tpu.memory_space<hbm>> -> memref<10000x128xf32, #tpu.memory_space<hbm>>
        tpu.wait_indirect_dma semaphore(%arg12 : memref<!tpu.dma_semaphore, #tpu.memory_space<semaphore_mem>>) src(%dma_wait3A_160 : memref<10000x128xf32, #tpu.memory_space<hbm>>) dst(%arg10 : memref<128x128xf32, #tpu.memory_space<vmem>>)
        "tpu.region"() ({
          %run_scoped3A = tpu.sem_alloc : memref<!tpu.dma_semaphore, #tpu.memory_space<semaphore_mem>>
          %dma_start3A_171 = arith.constant 0 : i32
          %dma_start3A_172 = tpu.memref_slice %arg8[%add3A_153, %dma_start3A_171] : memref<40x128xi32, #tpu.memory_space<vmem>> -> memref<1x128xi32, #tpu.memory_space<vmem>>
          %dma_start3A_173 = tpu.memref_squeeze %dma_start3A_172 : memref<1x128xi32, #tpu.memory_space<vmem>> -> memref<128xi32, #tpu.memory_space<vmem>>
          %dma_start3A_174 = arith.constant 0 : i32
          %dma_start3A_175 = arith.constant 0 : i32
          %dma_start3A_176 = tpu.memref_slice %arg13[%dma_start3A_174, %dma_start3A_175] : memref<10240x128xf32, #tpu.memory_space<vmem_shared>> -> memref<10240x128xf32, #tpu.memory_space<vmem_shared>>
          tpu.enqueue_indirect_dma source(%arg10 : memref<128x128xf32, #tpu.memory_space<vmem>>) target(%dma_start3A_176 : memref<10240x128xf32, #tpu.memory_space<vmem_shared>>) offsets(%dma_start3A_173 : memref<128xi32, #tpu.memory_space<vmem>>) semaphore(%run_scoped3A : memref<!tpu.dma_semaphore, #tpu.memory_space<semaphore_mem>>) {add = true}
          %dma_wait3A_177 = arith.constant 0 : i32
          %dma_wait3A_178 = tpu.memref_slice %arg8[%add3A_153, %dma_wait3A_177] : memref<40x128xi32, #tpu.memory_space<vmem>> -> memref<1x128xi32, #tpu.memory_space<vmem>>
          %dma_wait3A_179 = tpu.memref_squeeze %dma_wait3A_178 : memref<1x128xi32, #tpu.memory_space<vmem>> -> memref<128xi32, #tpu.memory_space<vmem>>
          %dma_wait3A_180 = arith.constant 0 : i32
          %dma_wait3A_181 = arith.constant 0 : i32
          %dma_wait3A_182 = tpu.memref_slice %arg13[%dma_wait3A_180, %dma_wait3A_181] : memref<10240x128xf32, #tpu.memory_space<vmem_shared>> -> memref<10240x128xf32, #tpu.memory_space<vmem_shared>>
          tpu.wait_indirect_dma semaphore(%run_scoped3A : memref<!tpu.dma_semaphore, #tpu.memory_space<semaphore_mem>>) src(%arg10 : memref<128x128xf32, #tpu.memory_space<vmem>>) dst(%dma_wait3A_182 : memref<10240x128xf32, #tpu.memory_space<vmem_shared>>)
          tpu.yield
        }) : () -> ()
        %dma_start3A_161 = arith.constant 0 : i32
        %dma_start3A_162 = tpu.memref_slice %arg8[%add3A_153, %dma_start3A_161] : memref<40x128xi32, #tpu.memory_space<vmem>> -> memref<1x128xi32, #tpu.memory_space<vmem>>
        %dma_start3A_163 = tpu.memref_squeeze %dma_start3A_162 : memref<1x128xi32, #tpu.memory_space<vmem>> -> memref<128xi32, #tpu.memory_space<vmem>>
        %dma_start3A_164 = arith.constant 0 : i32
        %dma_start3A_165 = tpu.memref_slice %arg17[%dma_start3A_164] : memref<10240xf32, #tpu.memory_space<vmem_shared>> -> memref<10240xf32, #tpu.memory_space<vmem_shared>>
        tpu.enqueue_indirect_dma source(%arg14 : memref<128xf32, #tpu.memory_space<vmem>>) target(%dma_start3A_165 : memref<10240xf32, #tpu.memory_space<vmem_shared>>) offsets(%dma_start3A_163 : memref<128xi32, #tpu.memory_space<vmem>>) semaphore(%arg16 : memref<!tpu.dma_semaphore, #tpu.memory_space<semaphore_mem>>) {add = true}
        %lt3A_166 = arith.constant 19 : i32
        %lt3A_167 = arith.cmpi slt, %scan3A_132, %lt3A_166 : i32
        %convert_element_type3A_168 = arith.extui %lt3A_167 : i1 to i32
        %cond3A_169 = arith.constant 0 : i32
        %cond3A_170 = arith.cmpi ne, %convert_element_type3A_168, %cond3A_169 : i32
        scf.if %cond3A_170 {
          %add3A_171 = arith.constant 2 : i32
          %add3A_172 = arith.addi %add3A_153, %add3A_171 : i32
          %dma_start3A_173 = arith.constant 0 : i32
          %dma_start3A_174 = tpu.memref_slice %arg7[%add3A_172, %dma_start3A_173] : memref<40x128xi32, #tpu.memory_space<vmem>> -> memref<1x128xi32, #tpu.memory_space<vmem>>
          %dma_start3A_175 = tpu.memref_squeeze %dma_start3A_174 : memref<1x128xi32, #tpu.memory_space<vmem>> -> memref<128xi32, #tpu.memory_space<vmem>>
          %dma_start3A_176 = arith.constant 0 : i32
          %dma_start3A_177 = arith.constant 0 : i32
          %dma_start3A_178 = tpu.memref_slice %arg4[%dma_start3A_176, %dma_start3A_177] : memref<10000x128xf32, #tpu.memory_space<hbm>> -> memref<10000x128xf32, #tpu.memory_space<hbm>>
          tpu.enqueue_indirect_dma source(%dma_start3A_178 : memref<10000x128xf32, #tpu.memory_space<hbm>>) target(%arg10 : memref<128x128xf32, #tpu.memory_space<vmem>>) offsets(%dma_start3A_175 : memref<128xi32, #tpu.memory_space<vmem>>) semaphore(%arg12 : memref<!tpu.dma_semaphore, #tpu.memory_space<semaphore_mem>>)
        } else {
        }
      }
      %scan3A_125 = arith.constant 20 : i32
      %scan3A_126 = arith.constant 0 : i32
      %scan3A_127 = arith.constant 0 : i32
      %scan3A_128 = arith.constant 40 : i32
      %scan3A_129 = arith.addi %scan3A_127, %scan3A_128 : i32
      %scan3A_130 = arith.constant 1 : i32
      scf.for %scan3A_132 = %scan3A_127 to %scan3A_129 step %scan3A_130  : i32 {
        %dma_wait3A = arith.constant 0 : i32
        %dma_wait3A_133 = arith.constant 0 : i32
        %dma_wait3A_134 = tpu.memref_slice %arg8[%dma_wait3A, %dma_wait3A_133] : memref<40x128xi32, #tpu.memory_space<vmem>> -> memref<1x128xi32, #tpu.memory_space<vmem>>
        %dma_wait3A_135 = tpu.memref_squeeze %dma_wait3A_134 : memref<1x128xi32, #tpu.memory_space<vmem>> -> memref<128xi32, #tpu.memory_space<vmem>>
        %dma_wait3A_136 = arith.constant 0 : i32
        %dma_wait3A_137 = tpu.memref_slice %arg17[%dma_wait3A_136] : memref<10240xf32, #tpu.memory_space<vmem_shared>> -> memref<10240xf32, #tpu.memory_space<vmem_shared>>
        tpu.wait_indirect_dma semaphore(%arg16 : memref<!tpu.dma_semaphore, #tpu.memory_space<semaphore_mem>>) src(%arg14 : memref<128xf32, #tpu.memory_space<vmem>>) dst(%dma_wait3A_137 : memref<10240xf32, #tpu.memory_space<vmem_shared>>)
      }
      %scan3A_131 = arith.constant 40 : i32
    } else {
    }
    %barrier3A_88 = arith.constant 0 : index
    tpu.barrier barrier_id(%barrier3A_88)
    %mul3A_89 = arith.constant 640 : i32
    %mul3A_90 = arith.muli %arg1, %mul3A_89 : i32
    %mul3A_91 = arith.constant 10240 : i32
    %mul3A_92 = arith.muli %arg0, %mul3A_91 : i32
    %mul3A_93 = arith.constant 640 : i32
    %mul3A_94 = arith.muli %arg1, %mul3A_93 : i32
    %add3A_95 = arith.addi %mul3A_92, %mul3A_94 : i32
    "tpu.region"() ({
      %run_scoped3A = tpu.sem_alloc : memref<!tpu.dma_semaphore, #tpu.memory_space<semaphore_mem>>
      %dma_start3A = arith.constant 0 : i32
      %dma_start3A_103 = tpu.memref_slice %arg5[%add3A_95, %dma_start3A] : memref<20480x128xf32, #tpu.memory_space<hbm>> -> memref<640x128xf32, #tpu.memory_space<hbm>>
      %dma_start3A_104 = arith.constant 0 : i32
      %dma_start3A_105 = tpu.memref_slice %arg13[%mul3A_90, %dma_start3A_104] : memref<10240x128xf32, #tpu.memory_space<vmem_shared>> -> memref<640x128xf32, #tpu.memory_space<vmem_shared>>
      tpu.enqueue_dma source(%dma_start3A_105 : memref<640x128xf32, #tpu.memory_space<vmem_shared>>) target(%dma_start3A_103 : memref<640x128xf32, #tpu.memory_space<hbm>>) target_semaphore(%run_scoped3A : memref<!tpu.dma_semaphore, #tpu.memory_space<semaphore_mem>>)
      %dma_wait3A = arith.constant 0 : i32
      %dma_wait3A_106 = tpu.memref_slice %arg5[%add3A_95, %dma_wait3A] : memref<20480x128xf32, #tpu.memory_space<hbm>> -> memref<640x128xf32, #tpu.memory_space<hbm>>
      %dma_wait3A_107 = arith.constant 0 : i32
      %dma_wait3A_108 = tpu.memref_slice %arg13[%mul3A_90, %dma_wait3A_107] : memref<10240x128xf32, #tpu.memory_space<vmem_shared>> -> memref<640x128xf32, #tpu.memory_space<vmem_shared>>
      tpu.wait_dma2 semaphore(%run_scoped3A : memref<!tpu.dma_semaphore, #tpu.memory_space<semaphore_mem>>) src(%dma_wait3A_108 : memref<640x128xf32, #tpu.memory_space<vmem_shared>>) dst(%dma_wait3A_106 : memref<640x128xf32, #tpu.memory_space<hbm>>)
      tpu.yield
    }) : () -> ()
    %mul3A_96 = arith.constant 640 : i32
    %mul3A_97 = arith.muli %arg1, %mul3A_96 : i32
    %mul3A_98 = arith.constant 10240 : i32
    %mul3A_99 = arith.muli %arg0, %mul3A_98 : i32
    %mul3A_100 = arith.constant 640 : i32
    %mul3A_101 = arith.muli %arg1, %mul3A_100 : i32
    %add3A_102 = arith.addi %mul3A_99, %mul3A_101 : i32
    "tpu.region"() ({
      %run_scoped3A = tpu.sem_alloc : memref<!tpu.dma_semaphore, #tpu.memory_space<semaphore_mem>>
      %dma_start3A = tpu.memref_slice %arg6[%add3A_102] : memref<20480xf32, #tpu.memory_space<hbm>> -> memref<640xf32, #tpu.memory_space<hbm>>
      %dma_start3A_103 = tpu.memref_slice %arg17[%mul3A_97] : memref<10240xf32, #tpu.memory_space<vmem_shared>> -> memref<640xf32, #tpu.memory_space<vmem_shared>>
      tpu.enqueue_dma source(%dma_start3A_103 : memref<640xf32, #tpu.memory_space<vmem_shared>>) target(%dma_start3A : memref<640xf32, #tpu.memory_space<hbm>>) target_semaphore(%run_scoped3A : memref<!tpu.dma_semaphore, #tpu.memory_space<semaphore_mem>>)
      %dma_wait3A = tpu.memref_slice %arg6[%add3A_102] : memref<20480xf32, #tpu.memory_space<hbm>> -> memref<640xf32, #tpu.memory_space<hbm>>
      %dma_wait3A_104 = tpu.memref_slice %arg17[%mul3A_97] : memref<10240xf32, #tpu.memory_space<vmem_shared>> -> memref<640xf32, #tpu.memory_space<vmem_shared>>
      tpu.wait_dma2 semaphore(%run_scoped3A : memref<!tpu.dma_semaphore, #tpu.memory_space<semaphore_mem>>) src(%dma_wait3A_104 : memref<640xf32, #tpu.memory_space<vmem_shared>>) dst(%dma_wait3A : memref<640xf32, #tpu.memory_space<hbm>>)
      tpu.yield
    }) : () -> ()
    return
  }
}

#map = affine_map<(d0, d1) -> (0, 0)>
module attributes {stable_mosaic.version = 14 : i64} {
  func.func @_seg_sum_body(%arg0: i32, %arg1: i32, %arg2: memref<2560x128xi32, #tpu.memory_space<hbm>>, %arg3: memref<2560x128xi32, #tpu.memory_space<hbm>>, %arg4: memref<10000x128xf32, #tpu.memory_space<hbm>>, %arg5: memref<20480x128xf32, #tpu.memory_space<hbm>>, %arg6: memref<40x128xi32, #tpu.memory_space<vmem>>, %arg7: memref<40x128xi32, #tpu.memory_space<vmem>>, %arg8: memref<128x128xf32, #tpu.memory_space<vmem>>, %arg9: memref<128x128xf32, #tpu.memory_space<vmem>>, %arg10: memref<!tpu.dma_semaphore, #tpu.memory_space<semaphore_mem>>, %arg11: memref<!tpu.dma_semaphore, #tpu.memory_space<semaphore_mem>>, %arg12: memref<10240x128xf32, #tpu.memory_space<vmem_shared>>) attributes {dimension_semantics = [#tpu.dimension_semantics<core_parallel>, #tpu.dimension_semantics<subcore_parallel>], iteration_bounds = array<i64: 2, 16>, scalar_prefetch = 0 : i64, scratch_operands = 7 : i64, tpu.core_type = #tpu.core_type<sc_vector_subcore>, window_params = [{transform_indices = #map}, {transform_indices = #map}, {transform_indices = #map}, {transform_indices = #map}]} {
    %broadcast_in_dim3A = arith.constant 0.000000e+00 : f32
    %broadcast_in_dim3A_0 = vector.broadcast %broadcast_in_dim3A : f32 to vector<16xf32>
    %broadcast_in_dim3A_1 = arith.constant 1.000000e+00 : f32
    %broadcast_in_dim3A_2 = vector.broadcast %broadcast_in_dim3A_1 : f32 to vector<16xf32>
    %scan3A = arith.constant 0 : i32
    %scan3A_3 = arith.constant 0 : i32
    %scan3A_4 = arith.constant 128 : i32
    %scan3A_5 = arith.addi %scan3A_3, %scan3A_4 : i32
    %scan3A_6 = arith.constant 1 : i32
    scf.for %scan3A_57 = %scan3A_3 to %scan3A_5 step %scan3A_6  : i32 {
      %swap3A = arith.index_cast %scan3A_57 : i32 to index
      %swap3A_58 = arith.constant 0 : index
      %swap3A_59 = tpu.vector_load %arg8[%swap3A, %swap3A_58] {strides = array<i32>} : memref<128x128xf32, #tpu.memory_space<vmem>>, vector<1x16xf32>,
      %swap3A_60 = vector.shape_cast %swap3A_59 : vector<1x16xf32> to vector<16xf32>
      %swap3A_61 = vector.shape_cast %broadcast_in_dim3A_0 : vector<16xf32> to vector<1x16xf32>
      tpu.vector_store %arg8[%swap3A, %swap3A_58], %swap3A_61 {strides = array<i32>} : memref<128x128xf32, #tpu.memory_space<vmem>>, vector<1x16xf32>,
      %swap3A_62 = arith.index_cast %scan3A_57 : i32 to index
      %swap3A_63 = arith.constant 16 : index
      %swap3A_64 = tpu.vector_load %arg8[%swap3A_62, %swap3A_63] {strides = array<i32>} : memref<128x128xf32, #tpu.memory_space<vmem>>, vector<1x16xf32>,
      %swap3A_65 = vector.shape_cast %swap3A_64 : vector<1x16xf32> to vector<16xf32>
      %swap3A_66 = vector.shape_cast %broadcast_in_dim3A_0 : vector<16xf32> to vector<1x16xf32>
      tpu.vector_store %arg8[%swap3A_62, %swap3A_63], %swap3A_66 {strides = array<i32>} : memref<128x128xf32, #tpu.memory_space<vmem>>, vector<1x16xf32>,
      %swap3A_67 = arith.index_cast %scan3A_57 : i32 to index
      %swap3A_68 = arith.constant 32 : index
      %swap3A_69 = tpu.vector_load %arg8[%swap3A_67, %swap3A_68] {strides = array<i32>} : memref<128x128xf32, #tpu.memory_space<vmem>>, vector<1x16xf32>,
      %swap3A_70 = vector.shape_cast %swap3A_69 : vector<1x16xf32> to vector<16xf32>
      %swap3A_71 = vector.shape_cast %broadcast_in_dim3A_0 : vector<16xf32> to vector<1x16xf32>
      tpu.vector_store %arg8[%swap3A_67, %swap3A_68], %swap3A_71 {strides = array<i32>} : memref<128x128xf32, #tpu.memory_space<vmem>>, vector<1x16xf32>,
      %swap3A_72 = arith.index_cast %scan3A_57 : i32 to index
      %swap3A_73 = arith.constant 48 : index
      %swap3A_74 = tpu.vector_load %arg8[%swap3A_72, %swap3A_73] {strides = array<i32>} : memref<128x128xf32, #tpu.memory_space<vmem>>, vector<1x16xf32>,
      %swap3A_75 = vector.shape_cast %swap3A_74 : vector<1x16xf32> to vector<16xf32>
      %swap3A_76 = vector.shape_cast %broadcast_in_dim3A_0 : vector<16xf32> to vector<1x16xf32>
      tpu.vector_store %arg8[%swap3A_72, %swap3A_73], %swap3A_76 {strides = array<i32>} : memref<128x128xf32, #tpu.memory_space<vmem>>, vector<1x16xf32>,
      %swap3A_77 = arith.index_cast %scan3A_57 : i32 to index
      %swap3A_78 = arith.constant 64 : index
      %swap3A_79 = tpu.vector_load %arg8[%swap3A_77, %swap3A_78] {strides = array<i32>} : memref<128x128xf32, #tpu.memory_space<vmem>>, vector<1x16xf32>,
      %swap3A_80 = vector.shape_cast %swap3A_79 : vector<1x16xf32> to vector<16xf32>
      %swap3A_81 = vector.shape_cast %broadcast_in_dim3A_0 : vector<16xf32> to vector<1x16xf32>
      tpu.vector_store %arg8[%swap3A_77, %swap3A_78], %swap3A_81 {strides = array<i32>} : memref<128x128xf32, #tpu.memory_space<vmem>>, vector<1x16xf32>,
      %swap3A_82 = arith.index_cast %scan3A_57 : i32 to index
      %swap3A_83 = arith.constant 80 : index
      %swap3A_84 = tpu.vector_load %arg8[%swap3A_82, %swap3A_83] {strides = array<i32>} : memref<128x128xf32, #tpu.memory_space<vmem>>, vector<1x16xf32>,
      %swap3A_85 = vector.shape_cast %swap3A_84 : vector<1x16xf32> to vector<16xf32>
      %swap3A_86 = vector.shape_cast %broadcast_in_dim3A_0 : vector<16xf32> to vector<1x16xf32>
      tpu.vector_store %arg8[%swap3A_82, %swap3A_83], %swap3A_86 {strides = array<i32>} : memref<128x128xf32, #tpu.memory_space<vmem>>, vector<1x16xf32>,
      %swap3A_87 = arith.index_cast %scan3A_57 : i32 to index
      %swap3A_88 = arith.constant 96 : index
      %swap3A_89 = tpu.vector_load %arg8[%swap3A_87, %swap3A_88] {strides = array<i32>} : memref<128x128xf32, #tpu.memory_space<vmem>>, vector<1x16xf32>,
      %swap3A_90 = vector.shape_cast %swap3A_89 : vector<1x16xf32> to vector<16xf32>
      %swap3A_91 = vector.shape_cast %broadcast_in_dim3A_0 : vector<16xf32> to vector<1x16xf32>
      tpu.vector_store %arg8[%swap3A_87, %swap3A_88], %swap3A_91 {strides = array<i32>} : memref<128x128xf32, #tpu.memory_space<vmem>>, vector<1x16xf32>,
      %swap3A_92 = arith.index_cast %scan3A_57 : i32 to index
      %swap3A_93 = arith.constant 112 : index
      %swap3A_94 = tpu.vector_load %arg8[%swap3A_92, %swap3A_93] {strides = array<i32>} : memref<128x128xf32, #tpu.memory_space<vmem>>, vector<1x16xf32>,
      %swap3A_95 = vector.shape_cast %swap3A_94 : vector<1x16xf32> to vector<16xf32>
      %swap3A_96 = vector.shape_cast %broadcast_in_dim3A_0 : vector<16xf32> to vector<1x16xf32>
      tpu.vector_store %arg8[%swap3A_92, %swap3A_93], %swap3A_96 {strides = array<i32>} : memref<128x128xf32, #tpu.memory_space<vmem>>, vector<1x16xf32>,
    }
    %scan3A_7 = arith.constant 128 : i32
    %mul3A = arith.constant 640 : i32
    %mul3A_8 = arith.muli %arg1, %mul3A : i32
    %add3A = arith.constant 0 : i32
    %add3A_9 = arith.addi %mul3A_8, %add3A : i32
    "tpu.region"() ({
      %run_scoped3A = tpu.sem_alloc : memref<!tpu.dma_semaphore, #tpu.memory_space<semaphore_mem>>
      %dma_start3A = arith.constant 0 : i32
      %dma_start3A_57 = tpu.memref_slice %arg12[%add3A_9, %dma_start3A] : memref<10240x128xf32, #tpu.memory_space<vmem_shared>> -> memref<128x128xf32, #tpu.memory_space<vmem_shared>>
      %dma_start3A_58 = arith.constant 0 : i32
      %dma_start3A_59 = tpu.memref_slice %arg12[%add3A_9, %dma_start3A_58] : memref<10240x128xf32, #tpu.memory_space<vmem_shared>> -> memref<128x128xf32, #tpu.memory_space<vmem_shared>>
      tpu.enqueue_dma source(%arg8 : memref<128x128xf32, #tpu.memory_space<vmem>>) target(%dma_start3A_59 : memref<128x128xf32, #tpu.memory_space<vmem_shared>>) target_semaphore(%run_scoped3A : memref<!tpu.dma_semaphore, #tpu.memory_space<semaphore_mem>>)
      %dma_wait3A = arith.constant 0 : i32
      %dma_wait3A_60 = tpu.memref_slice %arg12[%add3A_9, %dma_wait3A] : memref<10240x128xf32, #tpu.memory_space<vmem_shared>> -> memref<128x128xf32, #tpu.memory_space<vmem_shared>>
      %dma_wait3A_61 = arith.constant 0 : i32
      %dma_wait3A_62 = tpu.memref_slice %arg12[%add3A_9, %dma_wait3A_61] : memref<10240x128xf32, #tpu.memory_space<vmem_shared>> -> memref<128x128xf32, #tpu.memory_space<vmem_shared>>
      tpu.wait_dma2 semaphore(%run_scoped3A : memref<!tpu.dma_semaphore, #tpu.memory_space<semaphore_mem>>) src(%arg8 : memref<128x128xf32, #tpu.memory_space<vmem>>) dst(%dma_wait3A_62 : memref<128x128xf32, #tpu.memory_space<vmem_shared>>)
      tpu.yield
    }) : () -> ()
    %mul3A_10 = arith.constant 640 : i32
    %mul3A_11 = arith.muli %arg1, %mul3A_10 : i32
    %add3A_12 = arith.constant 128 : i32
    %add3A_13 = arith.addi %mul3A_11, %add3A_12 : i32
    "tpu.region"() ({
      %run_scoped3A = tpu.sem_alloc : memref<!tpu.dma_semaphore, #tpu.memory_space<semaphore_mem>>
      %dma_start3A = arith.constant 0 : i32
      %dma_start3A_57 = tpu.memref_slice %arg12[%add3A_13, %dma_start3A] : memref<10240x128xf32, #tpu.memory_space<vmem_shared>> -> memref<128x128xf32, #tpu.memory_space<vmem_shared>>
      %dma_start3A_58 = arith.constant 0 : i32
      %dma_start3A_59 = tpu.memref_slice %arg12[%add3A_13, %dma_start3A_58] : memref<10240x128xf32, #tpu.memory_space<vmem_shared>> -> memref<128x128xf32, #tpu.memory_space<vmem_shared>>
      tpu.enqueue_dma source(%arg8 : memref<128x128xf32, #tpu.memory_space<vmem>>) target(%dma_start3A_59 : memref<128x128xf32, #tpu.memory_space<vmem_shared>>) target_semaphore(%run_scoped3A : memref<!tpu.dma_semaphore, #tpu.memory_space<semaphore_mem>>)
      %dma_wait3A = arith.constant 0 : i32
      %dma_wait3A_60 = tpu.memref_slice %arg12[%add3A_13, %dma_wait3A] : memref<10240x128xf32, #tpu.memory_space<vmem_shared>> -> memref<128x128xf32, #tpu.memory_space<vmem_shared>>
      %dma_wait3A_61 = arith.constant 0 : i32
      %dma_wait3A_62 = tpu.memref_slice %arg12[%add3A_13, %dma_wait3A_61] : memref<10240x128xf32, #tpu.memory_space<vmem_shared>> -> memref<128x128xf32, #tpu.memory_space<vmem_shared>>
      tpu.wait_dma2 semaphore(%run_scoped3A : memref<!tpu.dma_semaphore, #tpu.memory_space<semaphore_mem>>) src(%arg8 : memref<128x128xf32, #tpu.memory_space<vmem>>) dst(%dma_wait3A_62 : memref<128x128xf32, #tpu.memory_space<vmem_shared>>)
      tpu.yield
    }) : () -> ()
    %mul3A_14 = arith.constant 640 : i32
    %mul3A_15 = arith.muli %arg1, %mul3A_14 : i32
    %add3A_16 = arith.constant 256 : i32
    %add3A_17 = arith.addi %mul3A_15, %add3A_16 : i32
    "tpu.region"() ({
      %run_scoped3A = tpu.sem_alloc : memref<!tpu.dma_semaphore, #tpu.memory_space<semaphore_mem>>
      %dma_start3A = arith.constant 0 : i32
      %dma_start3A_57 = tpu.memref_slice %arg12[%add3A_17, %dma_start3A] : memref<10240x128xf32, #tpu.memory_space<vmem_shared>> -> memref<128x128xf32, #tpu.memory_space<vmem_shared>>
      %dma_start3A_58 = arith.constant 0 : i32
      %dma_start3A_59 = tpu.memref_slice %arg12[%add3A_17, %dma_start3A_58] : memref<10240x128xf32, #tpu.memory_space<vmem_shared>> -> memref<128x128xf32, #tpu.memory_space<vmem_shared>>
      tpu.enqueue_dma source(%arg8 : memref<128x128xf32, #tpu.memory_space<vmem>>) target(%dma_start3A_59 : memref<128x128xf32, #tpu.memory_space<vmem_shared>>) target_semaphore(%run_scoped3A : memref<!tpu.dma_semaphore, #tpu.memory_space<semaphore_mem>>)
      %dma_wait3A = arith.constant 0 : i32
      %dma_wait3A_60 = tpu.memref_slice %arg12[%add3A_17, %dma_wait3A] : memref<10240x128xf32, #tpu.memory_space<vmem_shared>> -> memref<128x128xf32, #tpu.memory_space<vmem_shared>>
      %dma_wait3A_61 = arith.constant 0 : i32
      %dma_wait3A_62 = tpu.memref_slice %arg12[%add3A_17, %dma_wait3A_61] : memref<10240x128xf32, #tpu.memory_space<vmem_shared>> -> memref<128x128xf32, #tpu.memory_space<vmem_shared>>
      tpu.wait_dma2 semaphore(%run_scoped3A : memref<!tpu.dma_semaphore, #tpu.memory_space<semaphore_mem>>) src(%arg8 : memref<128x128xf32, #tpu.memory_space<vmem>>) dst(%dma_wait3A_62 : memref<128x128xf32, #tpu.memory_space<vmem_shared>>)
      tpu.yield
    }) : () -> ()
    %mul3A_18 = arith.constant 640 : i32
    %mul3A_19 = arith.muli %arg1, %mul3A_18 : i32
    %add3A_20 = arith.constant 384 : i32
    %add3A_21 = arith.addi %mul3A_19, %add3A_20 : i32
    "tpu.region"() ({
      %run_scoped3A = tpu.sem_alloc : memref<!tpu.dma_semaphore, #tpu.memory_space<semaphore_mem>>
      %dma_start3A = arith.constant 0 : i32
      %dma_start3A_57 = tpu.memref_slice %arg12[%add3A_21, %dma_start3A] : memref<10240x128xf32, #tpu.memory_space<vmem_shared>> -> memref<128x128xf32, #tpu.memory_space<vmem_shared>>
      %dma_start3A_58 = arith.constant 0 : i32
      %dma_start3A_59 = tpu.memref_slice %arg12[%add3A_21, %dma_start3A_58] : memref<10240x128xf32, #tpu.memory_space<vmem_shared>> -> memref<128x128xf32, #tpu.memory_space<vmem_shared>>
      tpu.enqueue_dma source(%arg8 : memref<128x128xf32, #tpu.memory_space<vmem>>) target(%dma_start3A_59 : memref<128x128xf32, #tpu.memory_space<vmem_shared>>) target_semaphore(%run_scoped3A : memref<!tpu.dma_semaphore, #tpu.memory_space<semaphore_mem>>)
      %dma_wait3A = arith.constant 0 : i32
      %dma_wait3A_60 = tpu.memref_slice %arg12[%add3A_21, %dma_wait3A] : memref<10240x128xf32, #tpu.memory_space<vmem_shared>> -> memref<128x128xf32, #tpu.memory_space<vmem_shared>>
      %dma_wait3A_61 = arith.constant 0 : i32
      %dma_wait3A_62 = tpu.memref_slice %arg12[%add3A_21, %dma_wait3A_61] : memref<10240x128xf32, #tpu.memory_space<vmem_shared>> -> memref<128x128xf32, #tpu.memory_space<vmem_shared>>
      tpu.wait_dma2 semaphore(%run_scoped3A : memref<!tpu.dma_semaphore, #tpu.memory_space<semaphore_mem>>) src(%arg8 : memref<128x128xf32, #tpu.memory_space<vmem>>) dst(%dma_wait3A_62 : memref<128x128xf32, #tpu.memory_space<vmem_shared>>)
      tpu.yield
    }) : () -> ()
    %mul3A_22 = arith.constant 640 : i32
    %mul3A_23 = arith.muli %arg1, %mul3A_22 : i32
    %add3A_24 = arith.constant 512 : i32
    %add3A_25 = arith.addi %mul3A_23, %add3A_24 : i32
    "tpu.region"() ({
      %run_scoped3A = tpu.sem_alloc : memref<!tpu.dma_semaphore, #tpu.memory_space<semaphore_mem>>
      %dma_start3A = arith.constant 0 : i32
      %dma_start3A_57 = tpu.memref_slice %arg12[%add3A_25, %dma_start3A] : memref<10240x128xf32, #tpu.memory_space<vmem_shared>> -> memref<128x128xf32, #tpu.memory_space<vmem_shared>>
      %dma_start3A_58 = arith.constant 0 : i32
      %dma_start3A_59 = tpu.memref_slice %arg12[%add3A_25, %dma_start3A_58] : memref<10240x128xf32, #tpu.memory_space<vmem_shared>> -> memref<128x128xf32, #tpu.memory_space<vmem_shared>>
      tpu.enqueue_dma source(%arg8 : memref<128x128xf32, #tpu.memory_space<vmem>>) target(%dma_start3A_59 : memref<128x128xf32, #tpu.memory_space<vmem_shared>>) target_semaphore(%run_scoped3A : memref<!tpu.dma_semaphore, #tpu.memory_space<semaphore_mem>>)
      %dma_wait3A = arith.constant 0 : i32
      %dma_wait3A_60 = tpu.memref_slice %arg12[%add3A_25, %dma_wait3A] : memref<10240x128xf32, #tpu.memory_space<vmem_shared>> -> memref<128x128xf32, #tpu.memory_space<vmem_shared>>
      %dma_wait3A_61 = arith.constant 0 : i32
      %dma_wait3A_62 = tpu.memref_slice %arg12[%add3A_25, %dma_wait3A_61] : memref<10240x128xf32, #tpu.memory_space<vmem_shared>> -> memref<128x128xf32, #tpu.memory_space<vmem_shared>>
      tpu.wait_dma2 semaphore(%run_scoped3A : memref<!tpu.dma_semaphore, #tpu.memory_space<semaphore_mem>>) src(%arg8 : memref<128x128xf32, #tpu.memory_space<vmem>>) dst(%dma_wait3A_62 : memref<128x128xf32, #tpu.memory_space<vmem_shared>>)
      tpu.yield
    }) : () -> ()
    %barrier3A = arith.constant 0 : index
    tpu.barrier barrier_id(%barrier3A)
    %eq3A = arith.constant 0 : i32
    %eq3A_26 = arith.cmpi eq, %arg0, %eq3A : i32
    %mul3A_27 = arith.constant 120 : i32
    %mul3A_28 = arith.muli %arg1, %mul3A_27 : i32
    %mul3A_29 = arith.constant 40 : i32
    %mul3A_30 = arith.muli %arg1, %mul3A_29 : i32
    %add3A_31 = arith.constant 1920 : i32
    %add3A_32 = arith.addi %add3A_31, %mul3A_30 : i32
    %select_n3A = arith.select %eq3A_26, %mul3A_28, %add3A_32 : i32
    %eq3A_33 = arith.constant 0 : i32
    %eq3A_34 = arith.cmpi eq, %arg0, %eq3A_33 : i32
    %jit3A = arith.constant 3 : i32
    %jit3A_35 = arith.constant 1 : i32
    %select_n3A_36 = arith.select %eq3A_34, %jit3A, %jit3A_35 : i32
    %gt3A = arith.constant 0 : i32
    %gt3A_37 = arith.cmpi sgt, %select_n3A_36, %gt3A : i32
    %convert_element_type3A = arith.extui %gt3A_37 : i1 to i32
    %cond3A = arith.constant 0 : i32
    %cond3A_38 = arith.cmpi ne, %convert_element_type3A, %cond3A : i32
    scf.if %cond3A_38 {
      %add3A_57 = arith.constant 0 : i32
      %add3A_58 = arith.addi %select_n3A, %add3A_57 : i32
      "tpu.region"() ({
        %run_scoped3A = tpu.sem_alloc : memref<!tpu.dma_semaphore, #tpu.memory_space<semaphore_mem>>
        %dma_start3A_80 = arith.constant 0 : i32
        %dma_start3A_81 = tpu.memref_slice %arg2[%add3A_58, %dma_start3A_80] : memref<2560x128xi32, #tpu.memory_space<hbm>> -> memref<40x128xi32, #tpu.memory_space<hbm>>
        %dma_start3A_82 = arith.constant 0 : i32
        %dma_start3A_83 = tpu.memref_slice %arg2[%add3A_58, %dma_start3A_82] : memref<2560x128xi32, #tpu.memory_space<hbm>> -> memref<40x128xi32, #tpu.memory_space<hbm>>
        tpu.enqueue_dma source(%dma_start3A_83 : memref<40x128xi32, #tpu.memory_space<hbm>>) target(%arg6 : memref<40x128xi32, #tpu.memory_space<vmem>>) target_semaphore(%run_scoped3A : memref<!tpu.dma_semaphore, #tpu.memory_space<semaphore_mem>>)
        %dma_wait3A = arith.constant 0 : i32
        %dma_wait3A_84 = tpu.memref_slice %arg2[%add3A_58, %dma_wait3A] : memref<2560x128xi32, #tpu.memory_space<hbm>> -> memref<40x128xi32, #tpu.memory_space<hbm>>
        %dma_wait3A_85 = arith.constant 0 : i32
        %dma_wait3A_86 = tpu.memref_slice %arg2[%add3A_58, %dma_wait3A_85] : memref<2560x128xi32, #tpu.memory_space<hbm>> -> memref<40x128xi32, #tpu.memory_space<hbm>>
        tpu.wait_dma2 semaphore(%run_scoped3A : memref<!tpu.dma_semaphore, #tpu.memory_space<semaphore_mem>>) src(%dma_wait3A_86 : memref<40x128xi32, #tpu.memory_space<hbm>>) dst(%arg6 : memref<40x128xi32, #tpu.memory_space<vmem>>)
        tpu.yield
      }) : () -> ()
      %add3A_59 = arith.constant 0 : i32
      %add3A_60 = arith.addi %select_n3A, %add3A_59 : i32
      "tpu.region"() ({
        %run_scoped3A = tpu.sem_alloc : memref<!tpu.dma_semaphore, #tpu.memory_space<semaphore_mem>>
        %dma_start3A_80 = arith.constant 0 : i32
        %dma_start3A_81 = tpu.memref_slice %arg3[%add3A_60, %dma_start3A_80] : memref<2560x128xi32, #tpu.memory_space<hbm>> -> memref<40x128xi32, #tpu.memory_space<hbm>>
        %dma_start3A_82 = arith.constant 0 : i32
        %dma_start3A_83 = tpu.memref_slice %arg3[%add3A_60, %dma_start3A_82] : memref<2560x128xi32, #tpu.memory_space<hbm>> -> memref<40x128xi32, #tpu.memory_space<hbm>>
        tpu.enqueue_dma source(%dma_start3A_83 : memref<40x128xi32, #tpu.memory_space<hbm>>) target(%arg7 : memref<40x128xi32, #tpu.memory_space<vmem>>) target_semaphore(%run_scoped3A : memref<!tpu.dma_semaphore, #tpu.memory_space<semaphore_mem>>)
        %dma_wait3A = arith.constant 0 : i32
        %dma_wait3A_84 = tpu.memref_slice %arg3[%add3A_60, %dma_wait3A] : memref<2560x128xi32, #tpu.memory_space<hbm>> -> memref<40x128xi32, #tpu.memory_space<hbm>>
        %dma_wait3A_85 = arith.constant 0 : i32
        %dma_wait3A_86 = tpu.memref_slice %arg3[%add3A_60, %dma_wait3A_85] : memref<2560x128xi32, #tpu.memory_space<hbm>> -> memref<40x128xi32, #tpu.memory_space<hbm>>
        tpu.wait_dma2 semaphore(%run_scoped3A : memref<!tpu.dma_semaphore, #tpu.memory_space<semaphore_mem>>) src(%dma_wait3A_86 : memref<40x128xi32, #tpu.memory_space<hbm>>) dst(%arg7 : memref<40x128xi32, #tpu.memory_space<vmem>>)
        tpu.yield
      }) : () -> ()
      %dma_start3A = arith.constant 0 : i32
      %dma_start3A_61 = arith.constant 0 : i32
      %dma_start3A_62 = tpu.memref_slice %arg6[%dma_start3A, %dma_start3A_61] : memref<40x128xi32, #tpu.memory_space<vmem>> -> memref<1x128xi32, #tpu.memory_space<vmem>>
      %dma_start3A_63 = tpu.memref_squeeze %dma_start3A_62 : memref<1x128xi32, #tpu.memory_space<vmem>> -> memref<128xi32, #tpu.memory_space<vmem>>
      %dma_start3A_64 = arith.constant 0 : i32
      %dma_start3A_65 = arith.constant 0 : i32
      %dma_start3A_66 = tpu.memref_slice %arg4[%dma_start3A_64, %dma_start3A_65] : memref<10000x128xf32, #tpu.memory_space<hbm>> -> memref<10000x128xf32, #tpu.memory_space<hbm>>
      tpu.enqueue_indirect_dma source(%dma_start3A_66 : memref<10000x128xf32, #tpu.memory_space<hbm>>) target(%arg8 : memref<128x128xf32, #tpu.memory_space<vmem>>) offsets(%dma_start3A_63 : memref<128xi32, #tpu.memory_space<vmem>>) semaphore(%arg10 : memref<!tpu.dma_semaphore, #tpu.memory_space<semaphore_mem>>)
      %dma_start3A_67 = arith.constant 1 : i32
      %dma_start3A_68 = arith.constant 0 : i32
      %dma_start3A_69 = tpu.memref_slice %arg6[%dma_start3A_67, %dma_start3A_68] : memref<40x128xi32, #tpu.memory_space<vmem>> -> memref<1x128xi32, #tpu.memory_space<vmem>>
      %dma_start3A_70 = tpu.memref_squeeze %dma_start3A_69 : memref<1x128xi32, #tpu.memory_space<vmem>> -> memref<128xi32, #tpu.memory_space<vmem>>
      %dma_start3A_71 = arith.constant 0 : i32
      %dma_start3A_72 = arith.constant 0 : i32
      %dma_start3A_73 = tpu.memref_slice %arg4[%dma_start3A_71, %dma_start3A_72] : memref<10000x128xf32, #tpu.memory_space<hbm>> -> memref<10000x128xf32, #tpu.memory_space<hbm>>
      tpu.enqueue_indirect_dma source(%dma_start3A_73 : memref<10000x128xf32, #tpu.memory_space<hbm>>) target(%arg9 : memref<128x128xf32, #tpu.memory_space<vmem>>) offsets(%dma_start3A_70 : memref<128xi32, #tpu.memory_space<vmem>>) semaphore(%arg11 : memref<!tpu.dma_semaphore, #tpu.memory_space<semaphore_mem>>)
      %scan3A_74 = arith.constant 0 : i32
      %scan3A_75 = arith.constant 0 : i32
      %scan3A_76 = arith.constant 20 : i32
      %scan3A_77 = arith.addi %scan3A_75, %scan3A_76 : i32
      %scan3A_78 = arith.constant 1 : i32
      scf.for %scan3A_80 = %scan3A_75 to %scan3A_77 step %scan3A_78  : i32 {
        %mul3A_81 = arith.constant 2 : i32
        %mul3A_82 = arith.muli %mul3A_81, %scan3A_80 : i32
        %dma_wait3A = arith.constant 0 : i32
        %dma_wait3A_83 = arith.constant 0 : i32
        %dma_wait3A_84 = tpu.memref_slice %arg6[%dma_wait3A, %dma_wait3A_83] : memref<40x128xi32, #tpu.memory_space<vmem>> -> memref<1x128xi32, #tpu.memory_space<vmem>>
        %dma_wait3A_85 = tpu.memref_squeeze %dma_wait3A_84 : memref<1x128xi32, #tpu.memory_space<vmem>> -> memref<128xi32, #tpu.memory_space<vmem>>
        %dma_wait3A_86 = arith.constant 0 : i32
        %dma_wait3A_87 = arith.constant 0 : i32
        %dma_wait3A_88 = tpu.memref_slice %arg4[%dma_wait3A_86, %dma_wait3A_87] : memref<10000x128xf32, #tpu.memory_space<hbm>> -> memref<10000x128xf32, #tpu.memory_space<hbm>>
        tpu.wait_indirect_dma semaphore(%arg10 : memref<!tpu.dma_semaphore, #tpu.memory_space<semaphore_mem>>) src(%dma_wait3A_88 : memref<10000x128xf32, #tpu.memory_space<hbm>>) dst(%arg8 : memref<128x128xf32, #tpu.memory_space<vmem>>)
        "tpu.region"() ({
          %run_scoped3A = tpu.sem_alloc : memref<!tpu.dma_semaphore, #tpu.memory_space<semaphore_mem>>
          %dma_start3A_109 = arith.constant 0 : i32
          %dma_start3A_110 = tpu.memref_slice %arg7[%mul3A_82, %dma_start3A_109] : memref<40x128xi32, #tpu.memory_space<vmem>> -> memref<1x128xi32, #tpu.memory_space<vmem>>
          %dma_start3A_111 = tpu.memref_squeeze %dma_start3A_110 : memref<1x128xi32, #tpu.memory_space<vmem>> -> memref<128xi32, #tpu.memory_space<vmem>>
          %dma_start3A_112 = arith.constant 0 : i32
          %dma_start3A_113 = arith.constant 0 : i32
          %dma_start3A_114 = tpu.memref_slice %arg12[%dma_start3A_112, %dma_start3A_113] : memref<10240x128xf32, #tpu.memory_space<vmem_shared>> -> memref<10240x128xf32, #tpu.memory_space<vmem_shared>>
          tpu.enqueue_indirect_dma source(%arg8 : memref<128x128xf32, #tpu.memory_space<vmem>>) target(%dma_start3A_114 : memref<10240x128xf32, #tpu.memory_space<vmem_shared>>) offsets(%dma_start3A_111 : memref<128xi32, #tpu.memory_space<vmem>>) semaphore(%run_scoped3A : memref<!tpu.dma_semaphore, #tpu.memory_space<semaphore_mem>>) {add = true}
          %dma_wait3A_115 = arith.constant 0 : i32
          %dma_wait3A_116 = tpu.memref_slice %arg7[%mul3A_82, %dma_wait3A_115] : memref<40x128xi32, #tpu.memory_space<vmem>> -> memref<1x128xi32, #tpu.memory_space<vmem>>
          %dma_wait3A_117 = tpu.memref_squeeze %dma_wait3A_116 : memref<1x128xi32, #tpu.memory_space<vmem>> -> memref<128xi32, #tpu.memory_space<vmem>>
          %dma_wait3A_118 = arith.constant 0 : i32
          %dma_wait3A_119 = arith.constant 0 : i32
          %dma_wait3A_120 = tpu.memref_slice %arg12[%dma_wait3A_118, %dma_wait3A_119] : memref<10240x128xf32, #tpu.memory_space<vmem_shared>> -> memref<10240x128xf32, #tpu.memory_space<vmem_shared>>
          tpu.wait_indirect_dma semaphore(%run_scoped3A : memref<!tpu.dma_semaphore, #tpu.memory_space<semaphore_mem>>) src(%arg8 : memref<128x128xf32, #tpu.memory_space<vmem>>) dst(%dma_wait3A_120 : memref<10240x128xf32, #tpu.memory_space<vmem_shared>>)
          tpu.yield
        }) : () -> ()
        %lt3A = arith.constant 19 : i32
        %lt3A_89 = arith.cmpi slt, %scan3A_80, %lt3A : i32
        %convert_element_type3A_90 = arith.extui %lt3A_89 : i1 to i32
        %cond3A_91 = arith.constant 0 : i32
        %cond3A_92 = arith.cmpi ne, %convert_element_type3A_90, %cond3A_91 : i32
        scf.if %cond3A_92 {
          %add3A_109 = arith.constant 2 : i32
          %add3A_110 = arith.addi %mul3A_82, %add3A_109 : i32
          %dma_start3A_111 = arith.constant 0 : i32
          %dma_start3A_112 = tpu.memref_slice %arg6[%add3A_110, %dma_start3A_111] : memref<40x128xi32, #tpu.memory_space<vmem>> -> memref<1x128xi32, #tpu.memory_space<vmem>>
          %dma_start3A_113 = tpu.memref_squeeze %dma_start3A_112 : memref<1x128xi32, #tpu.memory_space<vmem>> -> memref<128xi32, #tpu.memory_space<vmem>>
          %dma_start3A_114 = arith.constant 0 : i32
          %dma_start3A_115 = arith.constant 0 : i32
          %dma_start3A_116 = tpu.memref_slice %arg4[%dma_start3A_114, %dma_start3A_115] : memref<10000x128xf32, #tpu.memory_space<hbm>> -> memref<10000x128xf32, #tpu.memory_space<hbm>>
          tpu.enqueue_indirect_dma source(%dma_start3A_116 : memref<10000x128xf32, #tpu.memory_space<hbm>>) target(%arg8 : memref<128x128xf32, #tpu.memory_space<vmem>>) offsets(%dma_start3A_113 : memref<128xi32, #tpu.memory_space<vmem>>) semaphore(%arg10 : memref<!tpu.dma_semaphore, #tpu.memory_space<semaphore_mem>>)
        } else {
        }
        %mul3A_93 = arith.constant 2 : i32
        %mul3A_94 = arith.muli %mul3A_93, %scan3A_80 : i32
        %add3A_95 = arith.constant 1 : i32
        %add3A_96 = arith.addi %mul3A_94, %add3A_95 : i32
        %dma_wait3A_97 = arith.constant 0 : i32
        %dma_wait3A_98 = arith.constant 0 : i32
        %dma_wait3A_99 = tpu.memref_slice %arg6[%dma_wait3A_97, %dma_wait3A_98] : memref<40x128xi32, #tpu.memory_space<vmem>> -> memref<1x128xi32, #tpu.memory_space<vmem>>
        %dma_wait3A_100 = tpu.memref_squeeze %dma_wait3A_99 : memref<1x128xi32, #tpu.memory_space<vmem>> -> memref<128xi32, #tpu.memory_space<vmem>>
        %dma_wait3A_101 = arith.constant 0 : i32
        %dma_wait3A_102 = arith.constant 0 : i32
        %dma_wait3A_103 = tpu.memref_slice %arg4[%dma_wait3A_101, %dma_wait3A_102] : memref<10000x128xf32, #tpu.memory_space<hbm>> -> memref<10000x128xf32, #tpu.memory_space<hbm>>
        tpu.wait_indirect_dma semaphore(%arg11 : memref<!tpu.dma_semaphore, #tpu.memory_space<semaphore_mem>>) src(%dma_wait3A_103 : memref<10000x128xf32, #tpu.memory_space<hbm>>) dst(%arg9 : memref<128x128xf32, #tpu.memory_space<vmem>>)
        "tpu.region"() ({
          %run_scoped3A = tpu.sem_alloc : memref<!tpu.dma_semaphore, #tpu.memory_space<semaphore_mem>>
          %dma_start3A_109 = arith.constant 0 : i32
          %dma_start3A_110 = tpu.memref_slice %arg7[%add3A_96, %dma_start3A_109] : memref<40x128xi32, #tpu.memory_space<vmem>> -> memref<1x128xi32, #tpu.memory_space<vmem>>
          %dma_start3A_111 = tpu.memref_squeeze %dma_start3A_110 : memref<1x128xi32, #tpu.memory_space<vmem>> -> memref<128xi32, #tpu.memory_space<vmem>>
          %dma_start3A_112 = arith.constant 0 : i32
          %dma_start3A_113 = arith.constant 0 : i32
          %dma_start3A_114 = tpu.memref_slice %arg12[%dma_start3A_112, %dma_start3A_113] : memref<10240x128xf32, #tpu.memory_space<vmem_shared>> -> memref<10240x128xf32, #tpu.memory_space<vmem_shared>>
          tpu.enqueue_indirect_dma source(%arg9 : memref<128x128xf32, #tpu.memory_space<vmem>>) target(%dma_start3A_114 : memref<10240x128xf32, #tpu.memory_space<vmem_shared>>) offsets(%dma_start3A_111 : memref<128xi32, #tpu.memory_space<vmem>>) semaphore(%run_scoped3A : memref<!tpu.dma_semaphore, #tpu.memory_space<semaphore_mem>>) {add = true}
          %dma_wait3A_115 = arith.constant 0 : i32
          %dma_wait3A_116 = tpu.memref_slice %arg7[%add3A_96, %dma_wait3A_115] : memref<40x128xi32, #tpu.memory_space<vmem>> -> memref<1x128xi32, #tpu.memory_space<vmem>>
          %dma_wait3A_117 = tpu.memref_squeeze %dma_wait3A_116 : memref<1x128xi32, #tpu.memory_space<vmem>> -> memref<128xi32, #tpu.memory_space<vmem>>
          %dma_wait3A_118 = arith.constant 0 : i32
          %dma_wait3A_119 = arith.constant 0 : i32
          %dma_wait3A_120 = tpu.memref_slice %arg12[%dma_wait3A_118, %dma_wait3A_119] : memref<10240x128xf32, #tpu.memory_space<vmem_shared>> -> memref<10240x128xf32, #tpu.memory_space<vmem_shared>>
          tpu.wait_indirect_dma semaphore(%run_scoped3A : memref<!tpu.dma_semaphore, #tpu.memory_space<semaphore_mem>>) src(%arg9 : memref<128x128xf32, #tpu.memory_space<vmem>>) dst(%dma_wait3A_120 : memref<10240x128xf32, #tpu.memory_space<vmem_shared>>)
          tpu.yield
        }) : () -> ()
        %lt3A_104 = arith.constant 19 : i32
        %lt3A_105 = arith.cmpi slt, %scan3A_80, %lt3A_104 : i32
        %convert_element_type3A_106 = arith.extui %lt3A_105 : i1 to i32
        %cond3A_107 = arith.constant 0 : i32
        %cond3A_108 = arith.cmpi ne, %convert_element_type3A_106, %cond3A_107 : i32
        scf.if %cond3A_108 {
          %add3A_109 = arith.constant 2 : i32
          %add3A_110 = arith.addi %add3A_96, %add3A_109 : i32
          %dma_start3A_111 = arith.constant 0 : i32
          %dma_start3A_112 = tpu.memref_slice %arg6[%add3A_110, %dma_start3A_111] : memref<40x128xi32, #tpu.memory_space<vmem>> -> memref<1x128xi32, #tpu.memory_space<vmem>>
          %dma_start3A_113 = tpu.memref_squeeze %dma_start3A_112 : memref<1x128xi32, #tpu.memory_space<vmem>> -> memref<128xi32, #tpu.memory_space<vmem>>
          %dma_start3A_114 = arith.constant 0 : i32
          %dma_start3A_115 = arith.constant 0 : i32
          %dma_start3A_116 = tpu.memref_slice %arg4[%dma_start3A_114, %dma_start3A_115] : memref<10000x128xf32, #tpu.memory_space<hbm>> -> memref<10000x128xf32, #tpu.memory_space<hbm>>
          tpu.enqueue_indirect_dma source(%dma_start3A_116 : memref<10000x128xf32, #tpu.memory_space<hbm>>) target(%arg9 : memref<128x128xf32, #tpu.memory_space<vmem>>) offsets(%dma_start3A_113 : memref<128xi32, #tpu.memory_space<vmem>>) semaphore(%arg11 : memref<!tpu.dma_semaphore, #tpu.memory_space<semaphore_mem>>)
        } else {
        }
      }
      %scan3A_79 = arith.constant 20 : i32
    } else {
    }
    %gt3A_39 = arith.constant 1 : i32
    %gt3A_40 = arith.cmpi sgt, %select_n3A_36, %gt3A_39 : i32
    %convert_element_type3A_41 = arith.extui %gt3A_40 : i1 to i32
    %cond3A_42 = arith.constant 0 : i32
    %cond3A_43 = arith.cmpi ne, %convert_element_type3A_41, %cond3A_42 : i32
    scf.if %cond3A_43 {
      %add3A_57 = arith.constant 40 : i32
      %add3A_58 = arith.addi %select_n3A, %add3A_57 : i32
      "tpu.region"() ({
        %run_scoped3A = tpu.sem_alloc : memref<!tpu.dma_semaphore, #tpu.memory_space<semaphore_mem>>
        %dma_start3A_80 = arith.constant 0 : i32
        %dma_start3A_81 = tpu.memref_slice %arg2[%add3A_58, %dma_start3A_80] : memref<2560x128xi32, #tpu.memory_space<hbm>> -> memref<40x128xi32, #tpu.memory_space<hbm>>
        %dma_start3A_82 = arith.constant 0 : i32
        %dma_start3A_83 = tpu.memref_slice %arg2[%add3A_58, %dma_start3A_82] : memref<2560x128xi32, #tpu.memory_space<hbm>> -> memref<40x128xi32, #tpu.memory_space<hbm>>
        tpu.enqueue_dma source(%dma_start3A_83 : memref<40x128xi32, #tpu.memory_space<hbm>>) target(%arg6 : memref<40x128xi32, #tpu.memory_space<vmem>>) target_semaphore(%run_scoped3A : memref<!tpu.dma_semaphore, #tpu.memory_space<semaphore_mem>>)
        %dma_wait3A = arith.constant 0 : i32
        %dma_wait3A_84 = tpu.memref_slice %arg2[%add3A_58, %dma_wait3A] : memref<2560x128xi32, #tpu.memory_space<hbm>> -> memref<40x128xi32, #tpu.memory_space<hbm>>
        %dma_wait3A_85 = arith.constant 0 : i32
        %dma_wait3A_86 = tpu.memref_slice %arg2[%add3A_58, %dma_wait3A_85] : memref<2560x128xi32, #tpu.memory_space<hbm>> -> memref<40x128xi32, #tpu.memory_space<hbm>>
        tpu.wait_dma2 semaphore(%run_scoped3A : memref<!tpu.dma_semaphore, #tpu.memory_space<semaphore_mem>>) src(%dma_wait3A_86 : memref<40x128xi32, #tpu.memory_space<hbm>>) dst(%arg6 : memref<40x128xi32, #tpu.memory_space<vmem>>)
        tpu.yield
      }) : () -> ()
      %add3A_59 = arith.constant 40 : i32
      %add3A_60 = arith.addi %select_n3A, %add3A_59 : i32
      "tpu.region"() ({
        %run_scoped3A = tpu.sem_alloc : memref<!tpu.dma_semaphore, #tpu.memory_space<semaphore_mem>>
        %dma_start3A_80 = arith.constant 0 : i32
        %dma_start3A_81 = tpu.memref_slice %arg3[%add3A_60, %dma_start3A_80] : memref<2560x128xi32, #tpu.memory_space<hbm>> -> memref<40x128xi32, #tpu.memory_space<hbm>>
        %dma_start3A_82 = arith.constant 0 : i32
        %dma_start3A_83 = tpu.memref_slice %arg3[%add3A_60, %dma_start3A_82] : memref<2560x128xi32, #tpu.memory_space<hbm>> -> memref<40x128xi32, #tpu.memory_space<hbm>>
        tpu.enqueue_dma source(%dma_start3A_83 : memref<40x128xi32, #tpu.memory_space<hbm>>) target(%arg7 : memref<40x128xi32, #tpu.memory_space<vmem>>) target_semaphore(%run_scoped3A : memref<!tpu.dma_semaphore, #tpu.memory_space<semaphore_mem>>)
        %dma_wait3A = arith.constant 0 : i32
        %dma_wait3A_84 = tpu.memref_slice %arg3[%add3A_60, %dma_wait3A] : memref<2560x128xi32, #tpu.memory_space<hbm>> -> memref<40x128xi32, #tpu.memory_space<hbm>>
        %dma_wait3A_85 = arith.constant 0 : i32
        %dma_wait3A_86 = tpu.memref_slice %arg3[%add3A_60, %dma_wait3A_85] : memref<2560x128xi32, #tpu.memory_space<hbm>> -> memref<40x128xi32, #tpu.memory_space<hbm>>
        tpu.wait_dma2 semaphore(%run_scoped3A : memref<!tpu.dma_semaphore, #tpu.memory_space<semaphore_mem>>) src(%dma_wait3A_86 : memref<40x128xi32, #tpu.memory_space<hbm>>) dst(%arg7 : memref<40x128xi32, #tpu.memory_space<vmem>>)
        tpu.yield
      }) : () -> ()
      %dma_start3A = arith.constant 0 : i32
      %dma_start3A_61 = arith.constant 0 : i32
      %dma_start3A_62 = tpu.memref_slice %arg6[%dma_start3A, %dma_start3A_61] : memref<40x128xi32, #tpu.memory_space<vmem>> -> memref<1x128xi32, #tpu.memory_space<vmem>>
      %dma_start3A_63 = tpu.memref_squeeze %dma_start3A_62 : memref<1x128xi32, #tpu.memory_space<vmem>> -> memref<128xi32, #tpu.memory_space<vmem>>
      %dma_start3A_64 = arith.constant 0 : i32
      %dma_start3A_65 = arith.constant 0 : i32
      %dma_start3A_66 = tpu.memref_slice %arg4[%dma_start3A_64, %dma_start3A_65] : memref<10000x128xf32, #tpu.memory_space<hbm>> -> memref<10000x128xf32, #tpu.memory_space<hbm>>
      tpu.enqueue_indirect_dma source(%dma_start3A_66 : memref<10000x128xf32, #tpu.memory_space<hbm>>) target(%arg8 : memref<128x128xf32, #tpu.memory_space<vmem>>) offsets(%dma_start3A_63 : memref<128xi32, #tpu.memory_space<vmem>>) semaphore(%arg10 : memref<!tpu.dma_semaphore, #tpu.memory_space<semaphore_mem>>)
      %dma_start3A_67 = arith.constant 1 : i32
      %dma_start3A_68 = arith.constant 0 : i32
      %dma_start3A_69 = tpu.memref_slice %arg6[%dma_start3A_67, %dma_start3A_68] : memref<40x128xi32, #tpu.memory_space<vmem>> -> memref<1x128xi32, #tpu.memory_space<vmem>>
      %dma_start3A_70 = tpu.memref_squeeze %dma_start3A_69 : memref<1x128xi32, #tpu.memory_space<vmem>> -> memref<128xi32, #tpu.memory_space<vmem>>
      %dma_start3A_71 = arith.constant 0 : i32
      %dma_start3A_72 = arith.constant 0 : i32
      %dma_start3A_73 = tpu.memref_slice %arg4[%dma_start3A_71, %dma_start3A_72] : memref<10000x128xf32, #tpu.memory_space<hbm>> -> memref<10000x128xf32, #tpu.memory_space<hbm>>
      tpu.enqueue_indirect_dma source(%dma_start3A_73 : memref<10000x128xf32, #tpu.memory_space<hbm>>) target(%arg9 : memref<128x128xf32, #tpu.memory_space<vmem>>) offsets(%dma_start3A_70 : memref<128xi32, #tpu.memory_space<vmem>>) semaphore(%arg11 : memref<!tpu.dma_semaphore, #tpu.memory_space<semaphore_mem>>)
      %scan3A_74 = arith.constant 0 : i32
      %scan3A_75 = arith.constant 0 : i32
      %scan3A_76 = arith.constant 20 : i32
      %scan3A_77 = arith.addi %scan3A_75, %scan3A_76 : i32
      %scan3A_78 = arith.constant 1 : i32
      scf.for %scan3A_80 = %scan3A_75 to %scan3A_77 step %scan3A_78  : i32 {
        %mul3A_81 = arith.constant 2 : i32
        %mul3A_82 = arith.muli %mul3A_81, %scan3A_80 : i32
        %dma_wait3A = arith.constant 0 : i32
        %dma_wait3A_83 = arith.constant 0 : i32
        %dma_wait3A_84 = tpu.memref_slice %arg6[%dma_wait3A, %dma_wait3A_83] : memref<40x128xi32, #tpu.memory_space<vmem>> -> memref<1x128xi32, #tpu.memory_space<vmem>>
        %dma_wait3A_85 = tpu.memref_squeeze %dma_wait3A_84 : memref<1x128xi32, #tpu.memory_space<vmem>> -> memref<128xi32, #tpu.memory_space<vmem>>
        %dma_wait3A_86 = arith.constant 0 : i32
        %dma_wait3A_87 = arith.constant 0 : i32
        %dma_wait3A_88 = tpu.memref_slice %arg4[%dma_wait3A_86, %dma_wait3A_87] : memref<10000x128xf32, #tpu.memory_space<hbm>> -> memref<10000x128xf32, #tpu.memory_space<hbm>>
        tpu.wait_indirect_dma semaphore(%arg10 : memref<!tpu.dma_semaphore, #tpu.memory_space<semaphore_mem>>) src(%dma_wait3A_88 : memref<10000x128xf32, #tpu.memory_space<hbm>>) dst(%arg8 : memref<128x128xf32, #tpu.memory_space<vmem>>)
        "tpu.region"() ({
          %run_scoped3A = tpu.sem_alloc : memref<!tpu.dma_semaphore, #tpu.memory_space<semaphore_mem>>
          %dma_start3A_109 = arith.constant 0 : i32
          %dma_start3A_110 = tpu.memref_slice %arg7[%mul3A_82, %dma_start3A_109] : memref<40x128xi32, #tpu.memory_space<vmem>> -> memref<1x128xi32, #tpu.memory_space<vmem>>
          %dma_start3A_111 = tpu.memref_squeeze %dma_start3A_110 : memref<1x128xi32, #tpu.memory_space<vmem>> -> memref<128xi32, #tpu.memory_space<vmem>>
          %dma_start3A_112 = arith.constant 0 : i32
          %dma_start3A_113 = arith.constant 0 : i32
          %dma_start3A_114 = tpu.memref_slice %arg12[%dma_start3A_112, %dma_start3A_113] : memref<10240x128xf32, #tpu.memory_space<vmem_shared>> -> memref<10240x128xf32, #tpu.memory_space<vmem_shared>>
          tpu.enqueue_indirect_dma source(%arg8 : memref<128x128xf32, #tpu.memory_space<vmem>>) target(%dma_start3A_114 : memref<10240x128xf32, #tpu.memory_space<vmem_shared>>) offsets(%dma_start3A_111 : memref<128xi32, #tpu.memory_space<vmem>>) semaphore(%run_scoped3A : memref<!tpu.dma_semaphore, #tpu.memory_space<semaphore_mem>>) {add = true}
          %dma_wait3A_115 = arith.constant 0 : i32
          %dma_wait3A_116 = tpu.memref_slice %arg7[%mul3A_82, %dma_wait3A_115] : memref<40x128xi32, #tpu.memory_space<vmem>> -> memref<1x128xi32, #tpu.memory_space<vmem>>
          %dma_wait3A_117 = tpu.memref_squeeze %dma_wait3A_116 : memref<1x128xi32, #tpu.memory_space<vmem>> -> memref<128xi32, #tpu.memory_space<vmem>>
          %dma_wait3A_118 = arith.constant 0 : i32
          %dma_wait3A_119 = arith.constant 0 : i32
          %dma_wait3A_120 = tpu.memref_slice %arg12[%dma_wait3A_118, %dma_wait3A_119] : memref<10240x128xf32, #tpu.memory_space<vmem_shared>> -> memref<10240x128xf32, #tpu.memory_space<vmem_shared>>
          tpu.wait_indirect_dma semaphore(%run_scoped3A : memref<!tpu.dma_semaphore, #tpu.memory_space<semaphore_mem>>) src(%arg8 : memref<128x128xf32, #tpu.memory_space<vmem>>) dst(%dma_wait3A_120 : memref<10240x128xf32, #tpu.memory_space<vmem_shared>>)
          tpu.yield
        }) : () -> ()
        %lt3A = arith.constant 19 : i32
        %lt3A_89 = arith.cmpi slt, %scan3A_80, %lt3A : i32
        %convert_element_type3A_90 = arith.extui %lt3A_89 : i1 to i32
        %cond3A_91 = arith.constant 0 : i32
        %cond3A_92 = arith.cmpi ne, %convert_element_type3A_90, %cond3A_91 : i32
        scf.if %cond3A_92 {
          %add3A_109 = arith.constant 2 : i32
          %add3A_110 = arith.addi %mul3A_82, %add3A_109 : i32
          %dma_start3A_111 = arith.constant 0 : i32
          %dma_start3A_112 = tpu.memref_slice %arg6[%add3A_110, %dma_start3A_111] : memref<40x128xi32, #tpu.memory_space<vmem>> -> memref<1x128xi32, #tpu.memory_space<vmem>>
          %dma_start3A_113 = tpu.memref_squeeze %dma_start3A_112 : memref<1x128xi32, #tpu.memory_space<vmem>> -> memref<128xi32, #tpu.memory_space<vmem>>
          %dma_start3A_114 = arith.constant 0 : i32
          %dma_start3A_115 = arith.constant 0 : i32
          %dma_start3A_116 = tpu.memref_slice %arg4[%dma_start3A_114, %dma_start3A_115] : memref<10000x128xf32, #tpu.memory_space<hbm>> -> memref<10000x128xf32, #tpu.memory_space<hbm>>
          tpu.enqueue_indirect_dma source(%dma_start3A_116 : memref<10000x128xf32, #tpu.memory_space<hbm>>) target(%arg8 : memref<128x128xf32, #tpu.memory_space<vmem>>) offsets(%dma_start3A_113 : memref<128xi32, #tpu.memory_space<vmem>>) semaphore(%arg10 : memref<!tpu.dma_semaphore, #tpu.memory_space<semaphore_mem>>)
        } else {
        }
        %mul3A_93 = arith.constant 2 : i32
        %mul3A_94 = arith.muli %mul3A_93, %scan3A_80 : i32
        %add3A_95 = arith.constant 1 : i32
        %add3A_96 = arith.addi %mul3A_94, %add3A_95 : i32
        %dma_wait3A_97 = arith.constant 0 : i32
        %dma_wait3A_98 = arith.constant 0 : i32
        %dma_wait3A_99 = tpu.memref_slice %arg6[%dma_wait3A_97, %dma_wait3A_98] : memref<40x128xi32, #tpu.memory_space<vmem>> -> memref<1x128xi32, #tpu.memory_space<vmem>>
        %dma_wait3A_100 = tpu.memref_squeeze %dma_wait3A_99 : memref<1x128xi32, #tpu.memory_space<vmem>> -> memref<128xi32, #tpu.memory_space<vmem>>
        %dma_wait3A_101 = arith.constant 0 : i32
        %dma_wait3A_102 = arith.constant 0 : i32
        %dma_wait3A_103 = tpu.memref_slice %arg4[%dma_wait3A_101, %dma_wait3A_102] : memref<10000x128xf32, #tpu.memory_space<hbm>> -> memref<10000x128xf32, #tpu.memory_space<hbm>>
        tpu.wait_indirect_dma semaphore(%arg11 : memref<!tpu.dma_semaphore, #tpu.memory_space<semaphore_mem>>) src(%dma_wait3A_103 : memref<10000x128xf32, #tpu.memory_space<hbm>>) dst(%arg9 : memref<128x128xf32, #tpu.memory_space<vmem>>)
        "tpu.region"() ({
          %run_scoped3A = tpu.sem_alloc : memref<!tpu.dma_semaphore, #tpu.memory_space<semaphore_mem>>
          %dma_start3A_109 = arith.constant 0 : i32
          %dma_start3A_110 = tpu.memref_slice %arg7[%add3A_96, %dma_start3A_109] : memref<40x128xi32, #tpu.memory_space<vmem>> -> memref<1x128xi32, #tpu.memory_space<vmem>>
          %dma_start3A_111 = tpu.memref_squeeze %dma_start3A_110 : memref<1x128xi32, #tpu.memory_space<vmem>> -> memref<128xi32, #tpu.memory_space<vmem>>
          %dma_start3A_112 = arith.constant 0 : i32
          %dma_start3A_113 = arith.constant 0 : i32
          %dma_start3A_114 = tpu.memref_slice %arg12[%dma_start3A_112, %dma_start3A_113] : memref<10240x128xf32, #tpu.memory_space<vmem_shared>> -> memref<10240x128xf32, #tpu.memory_space<vmem_shared>>
          tpu.enqueue_indirect_dma source(%arg9 : memref<128x128xf32, #tpu.memory_space<vmem>>) target(%dma_start3A_114 : memref<10240x128xf32, #tpu.memory_space<vmem_shared>>) offsets(%dma_start3A_111 : memref<128xi32, #tpu.memory_space<vmem>>) semaphore(%run_scoped3A : memref<!tpu.dma_semaphore, #tpu.memory_space<semaphore_mem>>) {add = true}
          %dma_wait3A_115 = arith.constant 0 : i32
          %dma_wait3A_116 = tpu.memref_slice %arg7[%add3A_96, %dma_wait3A_115] : memref<40x128xi32, #tpu.memory_space<vmem>> -> memref<1x128xi32, #tpu.memory_space<vmem>>
          %dma_wait3A_117 = tpu.memref_squeeze %dma_wait3A_116 : memref<1x128xi32, #tpu.memory_space<vmem>> -> memref<128xi32, #tpu.memory_space<vmem>>
          %dma_wait3A_118 = arith.constant 0 : i32
          %dma_wait3A_119 = arith.constant 0 : i32
          %dma_wait3A_120 = tpu.memref_slice %arg12[%dma_wait3A_118, %dma_wait3A_119] : memref<10240x128xf32, #tpu.memory_space<vmem_shared>> -> memref<10240x128xf32, #tpu.memory_space<vmem_shared>>
          tpu.wait_indirect_dma semaphore(%run_scoped3A : memref<!tpu.dma_semaphore, #tpu.memory_space<semaphore_mem>>) src(%arg9 : memref<128x128xf32, #tpu.memory_space<vmem>>) dst(%dma_wait3A_120 : memref<10240x128xf32, #tpu.memory_space<vmem_shared>>)
          tpu.yield
        }) : () -> ()
        %lt3A_104 = arith.constant 19 : i32
        %lt3A_105 = arith.cmpi slt, %scan3A_80, %lt3A_104 : i32
        %convert_element_type3A_106 = arith.extui %lt3A_105 : i1 to i32
        %cond3A_107 = arith.constant 0 : i32
        %cond3A_108 = arith.cmpi ne, %convert_element_type3A_106, %cond3A_107 : i32
        scf.if %cond3A_108 {
          %add3A_109 = arith.constant 2 : i32
          %add3A_110 = arith.addi %add3A_96, %add3A_109 : i32
          %dma_start3A_111 = arith.constant 0 : i32
          %dma_start3A_112 = tpu.memref_slice %arg6[%add3A_110, %dma_start3A_111] : memref<40x128xi32, #tpu.memory_space<vmem>> -> memref<1x128xi32, #tpu.memory_space<vmem>>
          %dma_start3A_113 = tpu.memref_squeeze %dma_start3A_112 : memref<1x128xi32, #tpu.memory_space<vmem>> -> memref<128xi32, #tpu.memory_space<vmem>>
          %dma_start3A_114 = arith.constant 0 : i32
          %dma_start3A_115 = arith.constant 0 : i32
          %dma_start3A_116 = tpu.memref_slice %arg4[%dma_start3A_114, %dma_start3A_115] : memref<10000x128xf32, #tpu.memory_space<hbm>> -> memref<10000x128xf32, #tpu.memory_space<hbm>>
          tpu.enqueue_indirect_dma source(%dma_start3A_116 : memref<10000x128xf32, #tpu.memory_space<hbm>>) target(%arg9 : memref<128x128xf32, #tpu.memory_space<vmem>>) offsets(%dma_start3A_113 : memref<128xi32, #tpu.memory_space<vmem>>) semaphore(%arg11 : memref<!tpu.dma_semaphore, #tpu.memory_space<semaphore_mem>>)
        } else {
        }
      }
      %scan3A_79 = arith.constant 20 : i32
    } else {
    }
    %gt3A_44 = arith.constant 2 : i32
    %gt3A_45 = arith.cmpi sgt, %select_n3A_36, %gt3A_44 : i32
    %convert_element_type3A_46 = arith.extui %gt3A_45 : i1 to i32
    %cond3A_47 = arith.constant 0 : i32
    %cond3A_48 = arith.cmpi ne, %convert_element_type3A_46, %cond3A_47 : i32
    scf.if %cond3A_48 {
      %add3A_57 = arith.constant 80 : i32
      %add3A_58 = arith.addi %select_n3A, %add3A_57 : i32
      "tpu.region"() ({
        %run_scoped3A = tpu.sem_alloc : memref<!tpu.dma_semaphore, #tpu.memory_space<semaphore_mem>>
        %dma_start3A_80 = arith.constant 0 : i32
        %dma_start3A_81 = tpu.memref_slice %arg2[%add3A_58, %dma_start3A_80] : memref<2560x128xi32, #tpu.memory_space<hbm>> -> memref<40x128xi32, #tpu.memory_space<hbm>>
        %dma_start3A_82 = arith.constant 0 : i32
        %dma_start3A_83 = tpu.memref_slice %arg2[%add3A_58, %dma_start3A_82] : memref<2560x128xi32, #tpu.memory_space<hbm>> -> memref<40x128xi32, #tpu.memory_space<hbm>>
        tpu.enqueue_dma source(%dma_start3A_83 : memref<40x128xi32, #tpu.memory_space<hbm>>) target(%arg6 : memref<40x128xi32, #tpu.memory_space<vmem>>) target_semaphore(%run_scoped3A : memref<!tpu.dma_semaphore, #tpu.memory_space<semaphore_mem>>)
        %dma_wait3A = arith.constant 0 : i32
        %dma_wait3A_84 = tpu.memref_slice %arg2[%add3A_58, %dma_wait3A] : memref<2560x128xi32, #tpu.memory_space<hbm>> -> memref<40x128xi32, #tpu.memory_space<hbm>>
        %dma_wait3A_85 = arith.constant 0 : i32
        %dma_wait3A_86 = tpu.memref_slice %arg2[%add3A_58, %dma_wait3A_85] : memref<2560x128xi32, #tpu.memory_space<hbm>> -> memref<40x128xi32, #tpu.memory_space<hbm>>
        tpu.wait_dma2 semaphore(%run_scoped3A : memref<!tpu.dma_semaphore, #tpu.memory_space<semaphore_mem>>) src(%dma_wait3A_86 : memref<40x128xi32, #tpu.memory_space<hbm>>) dst(%arg6 : memref<40x128xi32, #tpu.memory_space<vmem>>)
        tpu.yield
      }) : () -> ()
      %add3A_59 = arith.constant 80 : i32
      %add3A_60 = arith.addi %select_n3A, %add3A_59 : i32
      "tpu.region"() ({
        %run_scoped3A = tpu.sem_alloc : memref<!tpu.dma_semaphore, #tpu.memory_space<semaphore_mem>>
        %dma_start3A_80 = arith.constant 0 : i32
        %dma_start3A_81 = tpu.memref_slice %arg3[%add3A_60, %dma_start3A_80] : memref<2560x128xi32, #tpu.memory_space<hbm>> -> memref<40x128xi32, #tpu.memory_space<hbm>>
        %dma_start3A_82 = arith.constant 0 : i32
        %dma_start3A_83 = tpu.memref_slice %arg3[%add3A_60, %dma_start3A_82] : memref<2560x128xi32, #tpu.memory_space<hbm>> -> memref<40x128xi32, #tpu.memory_space<hbm>>
        tpu.enqueue_dma source(%dma_start3A_83 : memref<40x128xi32, #tpu.memory_space<hbm>>) target(%arg7 : memref<40x128xi32, #tpu.memory_space<vmem>>) target_semaphore(%run_scoped3A : memref<!tpu.dma_semaphore, #tpu.memory_space<semaphore_mem>>)
        %dma_wait3A = arith.constant 0 : i32
        %dma_wait3A_84 = tpu.memref_slice %arg3[%add3A_60, %dma_wait3A] : memref<2560x128xi32, #tpu.memory_space<hbm>> -> memref<40x128xi32, #tpu.memory_space<hbm>>
        %dma_wait3A_85 = arith.constant 0 : i32
        %dma_wait3A_86 = tpu.memref_slice %arg3[%add3A_60, %dma_wait3A_85] : memref<2560x128xi32, #tpu.memory_space<hbm>> -> memref<40x128xi32, #tpu.memory_space<hbm>>
        tpu.wait_dma2 semaphore(%run_scoped3A : memref<!tpu.dma_semaphore, #tpu.memory_space<semaphore_mem>>) src(%dma_wait3A_86 : memref<40x128xi32, #tpu.memory_space<hbm>>) dst(%arg7 : memref<40x128xi32, #tpu.memory_space<vmem>>)
        tpu.yield
      }) : () -> ()
      %dma_start3A = arith.constant 0 : i32
      %dma_start3A_61 = arith.constant 0 : i32
      %dma_start3A_62 = tpu.memref_slice %arg6[%dma_start3A, %dma_start3A_61] : memref<40x128xi32, #tpu.memory_space<vmem>> -> memref<1x128xi32, #tpu.memory_space<vmem>>
      %dma_start3A_63 = tpu.memref_squeeze %dma_start3A_62 : memref<1x128xi32, #tpu.memory_space<vmem>> -> memref<128xi32, #tpu.memory_space<vmem>>
      %dma_start3A_64 = arith.constant 0 : i32
      %dma_start3A_65 = arith.constant 0 : i32
      %dma_start3A_66 = tpu.memref_slice %arg4[%dma_start3A_64, %dma_start3A_65] : memref<10000x128xf32, #tpu.memory_space<hbm>> -> memref<10000x128xf32, #tpu.memory_space<hbm>>
      tpu.enqueue_indirect_dma source(%dma_start3A_66 : memref<10000x128xf32, #tpu.memory_space<hbm>>) target(%arg8 : memref<128x128xf32, #tpu.memory_space<vmem>>) offsets(%dma_start3A_63 : memref<128xi32, #tpu.memory_space<vmem>>) semaphore(%arg10 : memref<!tpu.dma_semaphore, #tpu.memory_space<semaphore_mem>>)
      %dma_start3A_67 = arith.constant 1 : i32
      %dma_start3A_68 = arith.constant 0 : i32
      %dma_start3A_69 = tpu.memref_slice %arg6[%dma_start3A_67, %dma_start3A_68] : memref<40x128xi32, #tpu.memory_space<vmem>> -> memref<1x128xi32, #tpu.memory_space<vmem>>
      %dma_start3A_70 = tpu.memref_squeeze %dma_start3A_69 : memref<1x128xi32, #tpu.memory_space<vmem>> -> memref<128xi32, #tpu.memory_space<vmem>>
      %dma_start3A_71 = arith.constant 0 : i32
      %dma_start3A_72 = arith.constant 0 : i32
      %dma_start3A_73 = tpu.memref_slice %arg4[%dma_start3A_71, %dma_start3A_72] : memref<10000x128xf32, #tpu.memory_space<hbm>> -> memref<10000x128xf32, #tpu.memory_space<hbm>>
      tpu.enqueue_indirect_dma source(%dma_start3A_73 : memref<10000x128xf32, #tpu.memory_space<hbm>>) target(%arg9 : memref<128x128xf32, #tpu.memory_space<vmem>>) offsets(%dma_start3A_70 : memref<128xi32, #tpu.memory_space<vmem>>) semaphore(%arg11 : memref<!tpu.dma_semaphore, #tpu.memory_space<semaphore_mem>>)
      %scan3A_74 = arith.constant 0 : i32
      %scan3A_75 = arith.constant 0 : i32
      %scan3A_76 = arith.constant 20 : i32
      %scan3A_77 = arith.addi %scan3A_75, %scan3A_76 : i32
      %scan3A_78 = arith.constant 1 : i32
      scf.for %scan3A_80 = %scan3A_75 to %scan3A_77 step %scan3A_78  : i32 {
        %mul3A_81 = arith.constant 2 : i32
        %mul3A_82 = arith.muli %mul3A_81, %scan3A_80 : i32
        %dma_wait3A = arith.constant 0 : i32
        %dma_wait3A_83 = arith.constant 0 : i32
        %dma_wait3A_84 = tpu.memref_slice %arg6[%dma_wait3A, %dma_wait3A_83] : memref<40x128xi32, #tpu.memory_space<vmem>> -> memref<1x128xi32, #tpu.memory_space<vmem>>
        %dma_wait3A_85 = tpu.memref_squeeze %dma_wait3A_84 : memref<1x128xi32, #tpu.memory_space<vmem>> -> memref<128xi32, #tpu.memory_space<vmem>>
        %dma_wait3A_86 = arith.constant 0 : i32
        %dma_wait3A_87 = arith.constant 0 : i32
        %dma_wait3A_88 = tpu.memref_slice %arg4[%dma_wait3A_86, %dma_wait3A_87] : memref<10000x128xf32, #tpu.memory_space<hbm>> -> memref<10000x128xf32, #tpu.memory_space<hbm>>
        tpu.wait_indirect_dma semaphore(%arg10 : memref<!tpu.dma_semaphore, #tpu.memory_space<semaphore_mem>>) src(%dma_wait3A_88 : memref<10000x128xf32, #tpu.memory_space<hbm>>) dst(%arg8 : memref<128x128xf32, #tpu.memory_space<vmem>>)
        "tpu.region"() ({
          %run_scoped3A = tpu.sem_alloc : memref<!tpu.dma_semaphore, #tpu.memory_space<semaphore_mem>>
          %dma_start3A_109 = arith.constant 0 : i32
          %dma_start3A_110 = tpu.memref_slice %arg7[%mul3A_82, %dma_start3A_109] : memref<40x128xi32, #tpu.memory_space<vmem>> -> memref<1x128xi32, #tpu.memory_space<vmem>>
          %dma_start3A_111 = tpu.memref_squeeze %dma_start3A_110 : memref<1x128xi32, #tpu.memory_space<vmem>> -> memref<128xi32, #tpu.memory_space<vmem>>
          %dma_start3A_112 = arith.constant 0 : i32
          %dma_start3A_113 = arith.constant 0 : i32
          %dma_start3A_114 = tpu.memref_slice %arg12[%dma_start3A_112, %dma_start3A_113] : memref<10240x128xf32, #tpu.memory_space<vmem_shared>> -> memref<10240x128xf32, #tpu.memory_space<vmem_shared>>
          tpu.enqueue_indirect_dma source(%arg8 : memref<128x128xf32, #tpu.memory_space<vmem>>) target(%dma_start3A_114 : memref<10240x128xf32, #tpu.memory_space<vmem_shared>>) offsets(%dma_start3A_111 : memref<128xi32, #tpu.memory_space<vmem>>) semaphore(%run_scoped3A : memref<!tpu.dma_semaphore, #tpu.memory_space<semaphore_mem>>) {add = true}
          %dma_wait3A_115 = arith.constant 0 : i32
          %dma_wait3A_116 = tpu.memref_slice %arg7[%mul3A_82, %dma_wait3A_115] : memref<40x128xi32, #tpu.memory_space<vmem>> -> memref<1x128xi32, #tpu.memory_space<vmem>>
          %dma_wait3A_117 = tpu.memref_squeeze %dma_wait3A_116 : memref<1x128xi32, #tpu.memory_space<vmem>> -> memref<128xi32, #tpu.memory_space<vmem>>
          %dma_wait3A_118 = arith.constant 0 : i32
          %dma_wait3A_119 = arith.constant 0 : i32
          %dma_wait3A_120 = tpu.memref_slice %arg12[%dma_wait3A_118, %dma_wait3A_119] : memref<10240x128xf32, #tpu.memory_space<vmem_shared>> -> memref<10240x128xf32, #tpu.memory_space<vmem_shared>>
          tpu.wait_indirect_dma semaphore(%run_scoped3A : memref<!tpu.dma_semaphore, #tpu.memory_space<semaphore_mem>>) src(%arg8 : memref<128x128xf32, #tpu.memory_space<vmem>>) dst(%dma_wait3A_120 : memref<10240x128xf32, #tpu.memory_space<vmem_shared>>)
          tpu.yield
        }) : () -> ()
        %lt3A = arith.constant 19 : i32
        %lt3A_89 = arith.cmpi slt, %scan3A_80, %lt3A : i32
        %convert_element_type3A_90 = arith.extui %lt3A_89 : i1 to i32
        %cond3A_91 = arith.constant 0 : i32
        %cond3A_92 = arith.cmpi ne, %convert_element_type3A_90, %cond3A_91 : i32
        scf.if %cond3A_92 {
          %add3A_109 = arith.constant 2 : i32
          %add3A_110 = arith.addi %mul3A_82, %add3A_109 : i32
          %dma_start3A_111 = arith.constant 0 : i32
          %dma_start3A_112 = tpu.memref_slice %arg6[%add3A_110, %dma_start3A_111] : memref<40x128xi32, #tpu.memory_space<vmem>> -> memref<1x128xi32, #tpu.memory_space<vmem>>
          %dma_start3A_113 = tpu.memref_squeeze %dma_start3A_112 : memref<1x128xi32, #tpu.memory_space<vmem>> -> memref<128xi32, #tpu.memory_space<vmem>>
          %dma_start3A_114 = arith.constant 0 : i32
          %dma_start3A_115 = arith.constant 0 : i32
          %dma_start3A_116 = tpu.memref_slice %arg4[%dma_start3A_114, %dma_start3A_115] : memref<10000x128xf32, #tpu.memory_space<hbm>> -> memref<10000x128xf32, #tpu.memory_space<hbm>>
          tpu.enqueue_indirect_dma source(%dma_start3A_116 : memref<10000x128xf32, #tpu.memory_space<hbm>>) target(%arg8 : memref<128x128xf32, #tpu.memory_space<vmem>>) offsets(%dma_start3A_113 : memref<128xi32, #tpu.memory_space<vmem>>) semaphore(%arg10 : memref<!tpu.dma_semaphore, #tpu.memory_space<semaphore_mem>>)
        } else {
        }
        %mul3A_93 = arith.constant 2 : i32
        %mul3A_94 = arith.muli %mul3A_93, %scan3A_80 : i32
        %add3A_95 = arith.constant 1 : i32
        %add3A_96 = arith.addi %mul3A_94, %add3A_95 : i32
        %dma_wait3A_97 = arith.constant 0 : i32
        %dma_wait3A_98 = arith.constant 0 : i32
        %dma_wait3A_99 = tpu.memref_slice %arg6[%dma_wait3A_97, %dma_wait3A_98] : memref<40x128xi32, #tpu.memory_space<vmem>> -> memref<1x128xi32, #tpu.memory_space<vmem>>
        %dma_wait3A_100 = tpu.memref_squeeze %dma_wait3A_99 : memref<1x128xi32, #tpu.memory_space<vmem>> -> memref<128xi32, #tpu.memory_space<vmem>>
        %dma_wait3A_101 = arith.constant 0 : i32
        %dma_wait3A_102 = arith.constant 0 : i32
        %dma_wait3A_103 = tpu.memref_slice %arg4[%dma_wait3A_101, %dma_wait3A_102] : memref<10000x128xf32, #tpu.memory_space<hbm>> -> memref<10000x128xf32, #tpu.memory_space<hbm>>
        tpu.wait_indirect_dma semaphore(%arg11 : memref<!tpu.dma_semaphore, #tpu.memory_space<semaphore_mem>>) src(%dma_wait3A_103 : memref<10000x128xf32, #tpu.memory_space<hbm>>) dst(%arg9 : memref<128x128xf32, #tpu.memory_space<vmem>>)
        "tpu.region"() ({
          %run_scoped3A = tpu.sem_alloc : memref<!tpu.dma_semaphore, #tpu.memory_space<semaphore_mem>>
          %dma_start3A_109 = arith.constant 0 : i32
          %dma_start3A_110 = tpu.memref_slice %arg7[%add3A_96, %dma_start3A_109] : memref<40x128xi32, #tpu.memory_space<vmem>> -> memref<1x128xi32, #tpu.memory_space<vmem>>
          %dma_start3A_111 = tpu.memref_squeeze %dma_start3A_110 : memref<1x128xi32, #tpu.memory_space<vmem>> -> memref<128xi32, #tpu.memory_space<vmem>>
          %dma_start3A_112 = arith.constant 0 : i32
          %dma_start3A_113 = arith.constant 0 : i32
          %dma_start3A_114 = tpu.memref_slice %arg12[%dma_start3A_112, %dma_start3A_113] : memref<10240x128xf32, #tpu.memory_space<vmem_shared>> -> memref<10240x128xf32, #tpu.memory_space<vmem_shared>>
          tpu.enqueue_indirect_dma source(%arg9 : memref<128x128xf32, #tpu.memory_space<vmem>>) target(%dma_start3A_114 : memref<10240x128xf32, #tpu.memory_space<vmem_shared>>) offsets(%dma_start3A_111 : memref<128xi32, #tpu.memory_space<vmem>>) semaphore(%run_scoped3A : memref<!tpu.dma_semaphore, #tpu.memory_space<semaphore_mem>>) {add = true}
          %dma_wait3A_115 = arith.constant 0 : i32
          %dma_wait3A_116 = tpu.memref_slice %arg7[%add3A_96, %dma_wait3A_115] : memref<40x128xi32, #tpu.memory_space<vmem>> -> memref<1x128xi32, #tpu.memory_space<vmem>>
          %dma_wait3A_117 = tpu.memref_squeeze %dma_wait3A_116 : memref<1x128xi32, #tpu.memory_space<vmem>> -> memref<128xi32, #tpu.memory_space<vmem>>
          %dma_wait3A_118 = arith.constant 0 : i32
          %dma_wait3A_119 = arith.constant 0 : i32
          %dma_wait3A_120 = tpu.memref_slice %arg12[%dma_wait3A_118, %dma_wait3A_119] : memref<10240x128xf32, #tpu.memory_space<vmem_shared>> -> memref<10240x128xf32, #tpu.memory_space<vmem_shared>>
          tpu.wait_indirect_dma semaphore(%run_scoped3A : memref<!tpu.dma_semaphore, #tpu.memory_space<semaphore_mem>>) src(%arg9 : memref<128x128xf32, #tpu.memory_space<vmem>>) dst(%dma_wait3A_120 : memref<10240x128xf32, #tpu.memory_space<vmem_shared>>)
          tpu.yield
        }) : () -> ()
        %lt3A_104 = arith.constant 19 : i32
        %lt3A_105 = arith.cmpi slt, %scan3A_80, %lt3A_104 : i32
        %convert_element_type3A_106 = arith.extui %lt3A_105 : i1 to i32
        %cond3A_107 = arith.constant 0 : i32
        %cond3A_108 = arith.cmpi ne, %convert_element_type3A_106, %cond3A_107 : i32
        scf.if %cond3A_108 {
          %add3A_109 = arith.constant 2 : i32
          %add3A_110 = arith.addi %add3A_96, %add3A_109 : i32
          %dma_start3A_111 = arith.constant 0 : i32
          %dma_start3A_112 = tpu.memref_slice %arg6[%add3A_110, %dma_start3A_111] : memref<40x128xi32, #tpu.memory_space<vmem>> -> memref<1x128xi32, #tpu.memory_space<vmem>>
          %dma_start3A_113 = tpu.memref_squeeze %dma_start3A_112 : memref<1x128xi32, #tpu.memory_space<vmem>> -> memref<128xi32, #tpu.memory_space<vmem>>
          %dma_start3A_114 = arith.constant 0 : i32
          %dma_start3A_115 = arith.constant 0 : i32
          %dma_start3A_116 = tpu.memref_slice %arg4[%dma_start3A_114, %dma_start3A_115] : memref<10000x128xf32, #tpu.memory_space<hbm>> -> memref<10000x128xf32, #tpu.memory_space<hbm>>
          tpu.enqueue_indirect_dma source(%dma_start3A_116 : memref<10000x128xf32, #tpu.memory_space<hbm>>) target(%arg9 : memref<128x128xf32, #tpu.memory_space<vmem>>) offsets(%dma_start3A_113 : memref<128xi32, #tpu.memory_space<vmem>>) semaphore(%arg11 : memref<!tpu.dma_semaphore, #tpu.memory_space<semaphore_mem>>)
        } else {
        }
      }
      %scan3A_79 = arith.constant 20 : i32
    } else {
    }
    %barrier3A_49 = arith.constant 0 : index
    tpu.barrier barrier_id(%barrier3A_49)
    %mul3A_50 = arith.constant 640 : i32
    %mul3A_51 = arith.muli %arg1, %mul3A_50 : i32
    %mul3A_52 = arith.constant 10240 : i32
    %mul3A_53 = arith.muli %arg0, %mul3A_52 : i32
    %mul3A_54 = arith.constant 640 : i32
    %mul3A_55 = arith.muli %arg1, %mul3A_54 : i32
    %add3A_56 = arith.addi %mul3A_53, %mul3A_55 : i32
    "tpu.region"() ({
      %run_scoped3A = tpu.sem_alloc : memref<!tpu.dma_semaphore, #tpu.memory_space<semaphore_mem>>
      %dma_start3A = arith.constant 0 : i32
      %dma_start3A_57 = tpu.memref_slice %arg5[%add3A_56, %dma_start3A] : memref<20480x128xf32, #tpu.memory_space<hbm>> -> memref<640x128xf32, #tpu.memory_space<hbm>>
      %dma_start3A_58 = arith.constant 0 : i32
      %dma_start3A_59 = tpu.memref_slice %arg12[%mul3A_51, %dma_start3A_58] : memref<10240x128xf32, #tpu.memory_space<vmem_shared>> -> memref<640x128xf32, #tpu.memory_space<vmem_shared>>
      tpu.enqueue_dma source(%dma_start3A_59 : memref<640x128xf32, #tpu.memory_space<vmem_shared>>) target(%dma_start3A_57 : memref<640x128xf32, #tpu.memory_space<hbm>>) target_semaphore(%run_scoped3A : memref<!tpu.dma_semaphore, #tpu.memory_space<semaphore_mem>>)
      %dma_wait3A = arith.constant 0 : i32
      %dma_wait3A_60 = tpu.memref_slice %arg5[%add3A_56, %dma_wait3A] : memref<20480x128xf32, #tpu.memory_space<hbm>> -> memref<640x128xf32, #tpu.memory_space<hbm>>
      %dma_wait3A_61 = arith.constant 0 : i32
      %dma_wait3A_62 = tpu.memref_slice %arg12[%mul3A_51, %dma_wait3A_61] : memref<10240x128xf32, #tpu.memory_space<vmem_shared>> -> memref<640x128xf32, #tpu.memory_space<vmem_shared>>
      tpu.wait_dma2 semaphore(%run_scoped3A : memref<!tpu.dma_semaphore, #tpu.memory_space<semaphore_mem>>) src(%dma_wait3A_62 : memref<640x128xf32, #tpu.memory_space<vmem_shared>>) dst(%dma_wait3A_60 : memref<640x128xf32, #tpu.memory_space<hbm>>)
      tpu.yield
    }) : () -> ()
    return
  }
}

#map = affine_map<(d0, d1) -> (0, 0)>
module attributes {stable_mosaic.version = 14 : i64} {
  func.func @_seg_sum_body(%arg0: i32, %arg1: i32, %arg2: memref<2560x128xi32, #tpu.memory_space<hbm>>, %arg3: memref<2560x128xi32, #tpu.memory_space<hbm>>, %arg4: memref<10000x128xf32, #tpu.memory_space<hbm>>, %arg5: memref<20480x128xf32, #tpu.memory_space<hbm>>, %arg6: memref<40x128xi32, #tpu.memory_space<vmem>>, %arg7: memref<40x128xi32, #tpu.memory_space<vmem>>, %arg8: memref<128x128xf32, #tpu.memory_space<vmem>>, %arg9: memref<128x128xf32, #tpu.memory_space<vmem>>, %arg10: memref<!tpu.dma_semaphore, #tpu.memory_space<semaphore_mem>>, %arg11: memref<!tpu.dma_semaphore, #tpu.memory_space<semaphore_mem>>, %arg12: memref<10240x128xf32, #tpu.memory_space<vmem_shared>>) attributes {dimension_semantics = [#tpu.dimension_semantics<core_parallel>, #tpu.dimension_semantics<subcore_parallel>], iteration_bounds = array<i64: 2, 16>, scalar_prefetch = 0 : i64, scratch_operands = 7 : i64, tpu.core_type = #tpu.core_type<sc_vector_subcore>, window_params = [{transform_indices = #map}, {transform_indices = #map}, {transform_indices = #map}, {transform_indices = #map}]} {
    %broadcast_in_dim3A = arith.constant 0.000000e+00 : f32
    %broadcast_in_dim3A_0 = vector.broadcast %broadcast_in_dim3A : f32 to vector<16xf32>
    %broadcast_in_dim3A_1 = arith.constant 1.000000e+00 : f32
    %broadcast_in_dim3A_2 = vector.broadcast %broadcast_in_dim3A_1 : f32 to vector<16xf32>
    %scan3A = arith.constant 0 : i32
    %scan3A_3 = arith.constant 0 : i32
    %scan3A_4 = arith.constant 128 : i32
    %scan3A_5 = arith.addi %scan3A_3, %scan3A_4 : i32
    %scan3A_6 = arith.constant 1 : i32
    scf.for %scan3A_57 = %scan3A_3 to %scan3A_5 step %scan3A_6  : i32 {
      %swap3A = arith.index_cast %scan3A_57 : i32 to index
      %swap3A_58 = arith.constant 0 : index
      %swap3A_59 = tpu.vector_load %arg8[%swap3A, %swap3A_58] {strides = array<i32>} : memref<128x128xf32, #tpu.memory_space<vmem>>, vector<1x16xf32>,
      %swap3A_60 = vector.shape_cast %swap3A_59 : vector<1x16xf32> to vector<16xf32>
      %swap3A_61 = vector.shape_cast %broadcast_in_dim3A_0 : vector<16xf32> to vector<1x16xf32>
      tpu.vector_store %arg8[%swap3A, %swap3A_58], %swap3A_61 {strides = array<i32>} : memref<128x128xf32, #tpu.memory_space<vmem>>, vector<1x16xf32>,
      %swap3A_62 = arith.index_cast %scan3A_57 : i32 to index
      %swap3A_63 = arith.constant 16 : index
      %swap3A_64 = tpu.vector_load %arg8[%swap3A_62, %swap3A_63] {strides = array<i32>} : memref<128x128xf32, #tpu.memory_space<vmem>>, vector<1x16xf32>,
      %swap3A_65 = vector.shape_cast %swap3A_64 : vector<1x16xf32> to vector<16xf32>
      %swap3A_66 = vector.shape_cast %broadcast_in_dim3A_0 : vector<16xf32> to vector<1x16xf32>
      tpu.vector_store %arg8[%swap3A_62, %swap3A_63], %swap3A_66 {strides = array<i32>} : memref<128x128xf32, #tpu.memory_space<vmem>>, vector<1x16xf32>,
      %swap3A_67 = arith.index_cast %scan3A_57 : i32 to index
      %swap3A_68 = arith.constant 32 : index
      %swap3A_69 = tpu.vector_load %arg8[%swap3A_67, %swap3A_68] {strides = array<i32>} : memref<128x128xf32, #tpu.memory_space<vmem>>, vector<1x16xf32>,
      %swap3A_70 = vector.shape_cast %swap3A_69 : vector<1x16xf32> to vector<16xf32>
      %swap3A_71 = vector.shape_cast %broadcast_in_dim3A_0 : vector<16xf32> to vector<1x16xf32>
      tpu.vector_store %arg8[%swap3A_67, %swap3A_68], %swap3A_71 {strides = array<i32>} : memref<128x128xf32, #tpu.memory_space<vmem>>, vector<1x16xf32>,
      %swap3A_72 = arith.index_cast %scan3A_57 : i32 to index
      %swap3A_73 = arith.constant 48 : index
      %swap3A_74 = tpu.vector_load %arg8[%swap3A_72, %swap3A_73] {strides = array<i32>} : memref<128x128xf32, #tpu.memory_space<vmem>>, vector<1x16xf32>,
      %swap3A_75 = vector.shape_cast %swap3A_74 : vector<1x16xf32> to vector<16xf32>
      %swap3A_76 = vector.shape_cast %broadcast_in_dim3A_0 : vector<16xf32> to vector<1x16xf32>
      tpu.vector_store %arg8[%swap3A_72, %swap3A_73], %swap3A_76 {strides = array<i32>} : memref<128x128xf32, #tpu.memory_space<vmem>>, vector<1x16xf32>,
      %swap3A_77 = arith.index_cast %scan3A_57 : i32 to index
      %swap3A_78 = arith.constant 64 : index
      %swap3A_79 = tpu.vector_load %arg8[%swap3A_77, %swap3A_78] {strides = array<i32>} : memref<128x128xf32, #tpu.memory_space<vmem>>, vector<1x16xf32>,
      %swap3A_80 = vector.shape_cast %swap3A_79 : vector<1x16xf32> to vector<16xf32>
      %swap3A_81 = vector.shape_cast %broadcast_in_dim3A_0 : vector<16xf32> to vector<1x16xf32>
      tpu.vector_store %arg8[%swap3A_77, %swap3A_78], %swap3A_81 {strides = array<i32>} : memref<128x128xf32, #tpu.memory_space<vmem>>, vector<1x16xf32>,
      %swap3A_82 = arith.index_cast %scan3A_57 : i32 to index
      %swap3A_83 = arith.constant 80 : index
      %swap3A_84 = tpu.vector_load %arg8[%swap3A_82, %swap3A_83] {strides = array<i32>} : memref<128x128xf32, #tpu.memory_space<vmem>>, vector<1x16xf32>,
      %swap3A_85 = vector.shape_cast %swap3A_84 : vector<1x16xf32> to vector<16xf32>
      %swap3A_86 = vector.shape_cast %broadcast_in_dim3A_0 : vector<16xf32> to vector<1x16xf32>
      tpu.vector_store %arg8[%swap3A_82, %swap3A_83], %swap3A_86 {strides = array<i32>} : memref<128x128xf32, #tpu.memory_space<vmem>>, vector<1x16xf32>,
      %swap3A_87 = arith.index_cast %scan3A_57 : i32 to index
      %swap3A_88 = arith.constant 96 : index
      %swap3A_89 = tpu.vector_load %arg8[%swap3A_87, %swap3A_88] {strides = array<i32>} : memref<128x128xf32, #tpu.memory_space<vmem>>, vector<1x16xf32>,
      %swap3A_90 = vector.shape_cast %swap3A_89 : vector<1x16xf32> to vector<16xf32>
      %swap3A_91 = vector.shape_cast %broadcast_in_dim3A_0 : vector<16xf32> to vector<1x16xf32>
      tpu.vector_store %arg8[%swap3A_87, %swap3A_88], %swap3A_91 {strides = array<i32>} : memref<128x128xf32, #tpu.memory_space<vmem>>, vector<1x16xf32>,
      %swap3A_92 = arith.index_cast %scan3A_57 : i32 to index
      %swap3A_93 = arith.constant 112 : index
      %swap3A_94 = tpu.vector_load %arg8[%swap3A_92, %swap3A_93] {strides = array<i32>} : memref<128x128xf32, #tpu.memory_space<vmem>>, vector<1x16xf32>,
      %swap3A_95 = vector.shape_cast %swap3A_94 : vector<1x16xf32> to vector<16xf32>
      %swap3A_96 = vector.shape_cast %broadcast_in_dim3A_0 : vector<16xf32> to vector<1x16xf32>
      tpu.vector_store %arg8[%swap3A_92, %swap3A_93], %swap3A_96 {strides = array<i32>} : memref<128x128xf32, #tpu.memory_space<vmem>>, vector<1x16xf32>,
    }
    %scan3A_7 = arith.constant 128 : i32
    %mul3A = arith.constant 640 : i32
    %mul3A_8 = arith.muli %arg1, %mul3A : i32
    %add3A = arith.constant 0 : i32
    %add3A_9 = arith.addi %mul3A_8, %add3A : i32
    "tpu.region"() ({
      %run_scoped3A = tpu.sem_alloc : memref<!tpu.dma_semaphore, #tpu.memory_space<semaphore_mem>>
      %dma_start3A = arith.constant 0 : i32
      %dma_start3A_57 = tpu.memref_slice %arg12[%add3A_9, %dma_start3A] : memref<10240x128xf32, #tpu.memory_space<vmem_shared>> -> memref<128x128xf32, #tpu.memory_space<vmem_shared>>
      %dma_start3A_58 = arith.constant 0 : i32
      %dma_start3A_59 = tpu.memref_slice %arg12[%add3A_9, %dma_start3A_58] : memref<10240x128xf32, #tpu.memory_space<vmem_shared>> -> memref<128x128xf32, #tpu.memory_space<vmem_shared>>
      tpu.enqueue_dma source(%arg8 : memref<128x128xf32, #tpu.memory_space<vmem>>) target(%dma_start3A_59 : memref<128x128xf32, #tpu.memory_space<vmem_shared>>) target_semaphore(%run_scoped3A : memref<!tpu.dma_semaphore, #tpu.memory_space<semaphore_mem>>)
      %dma_wait3A = arith.constant 0 : i32
      %dma_wait3A_60 = tpu.memref_slice %arg12[%add3A_9, %dma_wait3A] : memref<10240x128xf32, #tpu.memory_space<vmem_shared>> -> memref<128x128xf32, #tpu.memory_space<vmem_shared>>
      %dma_wait3A_61 = arith.constant 0 : i32
      %dma_wait3A_62 = tpu.memref_slice %arg12[%add3A_9, %dma_wait3A_61] : memref<10240x128xf32, #tpu.memory_space<vmem_shared>> -> memref<128x128xf32, #tpu.memory_space<vmem_shared>>
      tpu.wait_dma2 semaphore(%run_scoped3A : memref<!tpu.dma_semaphore, #tpu.memory_space<semaphore_mem>>) src(%arg8 : memref<128x128xf32, #tpu.memory_space<vmem>>) dst(%dma_wait3A_62 : memref<128x128xf32, #tpu.memory_space<vmem_shared>>)
      tpu.yield
    }) : () -> ()
    %mul3A_10 = arith.constant 640 : i32
    %mul3A_11 = arith.muli %arg1, %mul3A_10 : i32
    %add3A_12 = arith.constant 128 : i32
    %add3A_13 = arith.addi %mul3A_11, %add3A_12 : i32
    "tpu.region"() ({
      %run_scoped3A = tpu.sem_alloc : memref<!tpu.dma_semaphore, #tpu.memory_space<semaphore_mem>>
      %dma_start3A = arith.constant 0 : i32
      %dma_start3A_57 = tpu.memref_slice %arg12[%add3A_13, %dma_start3A] : memref<10240x128xf32, #tpu.memory_space<vmem_shared>> -> memref<128x128xf32, #tpu.memory_space<vmem_shared>>
      %dma_start3A_58 = arith.constant 0 : i32
      %dma_start3A_59 = tpu.memref_slice %arg12[%add3A_13, %dma_start3A_58] : memref<10240x128xf32, #tpu.memory_space<vmem_shared>> -> memref<128x128xf32, #tpu.memory_space<vmem_shared>>
      tpu.enqueue_dma source(%arg8 : memref<128x128xf32, #tpu.memory_space<vmem>>) target(%dma_start3A_59 : memref<128x128xf32, #tpu.memory_space<vmem_shared>>) target_semaphore(%run_scoped3A : memref<!tpu.dma_semaphore, #tpu.memory_space<semaphore_mem>>)
      %dma_wait3A = arith.constant 0 : i32
      %dma_wait3A_60 = tpu.memref_slice %arg12[%add3A_13, %dma_wait3A] : memref<10240x128xf32, #tpu.memory_space<vmem_shared>> -> memref<128x128xf32, #tpu.memory_space<vmem_shared>>
      %dma_wait3A_61 = arith.constant 0 : i32
      %dma_wait3A_62 = tpu.memref_slice %arg12[%add3A_13, %dma_wait3A_61] : memref<10240x128xf32, #tpu.memory_space<vmem_shared>> -> memref<128x128xf32, #tpu.memory_space<vmem_shared>>
      tpu.wait_dma2 semaphore(%run_scoped3A : memref<!tpu.dma_semaphore, #tpu.memory_space<semaphore_mem>>) src(%arg8 : memref<128x128xf32, #tpu.memory_space<vmem>>) dst(%dma_wait3A_62 : memref<128x128xf32, #tpu.memory_space<vmem_shared>>)
      tpu.yield
    }) : () -> ()
    %mul3A_14 = arith.constant 640 : i32
    %mul3A_15 = arith.muli %arg1, %mul3A_14 : i32
    %add3A_16 = arith.constant 256 : i32
    %add3A_17 = arith.addi %mul3A_15, %add3A_16 : i32
    "tpu.region"() ({
      %run_scoped3A = tpu.sem_alloc : memref<!tpu.dma_semaphore, #tpu.memory_space<semaphore_mem>>
      %dma_start3A = arith.constant 0 : i32
      %dma_start3A_57 = tpu.memref_slice %arg12[%add3A_17, %dma_start3A] : memref<10240x128xf32, #tpu.memory_space<vmem_shared>> -> memref<128x128xf32, #tpu.memory_space<vmem_shared>>
      %dma_start3A_58 = arith.constant 0 : i32
      %dma_start3A_59 = tpu.memref_slice %arg12[%add3A_17, %dma_start3A_58] : memref<10240x128xf32, #tpu.memory_space<vmem_shared>> -> memref<128x128xf32, #tpu.memory_space<vmem_shared>>
      tpu.enqueue_dma source(%arg8 : memref<128x128xf32, #tpu.memory_space<vmem>>) target(%dma_start3A_59 : memref<128x128xf32, #tpu.memory_space<vmem_shared>>) target_semaphore(%run_scoped3A : memref<!tpu.dma_semaphore, #tpu.memory_space<semaphore_mem>>)
      %dma_wait3A = arith.constant 0 : i32
      %dma_wait3A_60 = tpu.memref_slice %arg12[%add3A_17, %dma_wait3A] : memref<10240x128xf32, #tpu.memory_space<vmem_shared>> -> memref<128x128xf32, #tpu.memory_space<vmem_shared>>
      %dma_wait3A_61 = arith.constant 0 : i32
      %dma_wait3A_62 = tpu.memref_slice %arg12[%add3A_17, %dma_wait3A_61] : memref<10240x128xf32, #tpu.memory_space<vmem_shared>> -> memref<128x128xf32, #tpu.memory_space<vmem_shared>>
      tpu.wait_dma2 semaphore(%run_scoped3A : memref<!tpu.dma_semaphore, #tpu.memory_space<semaphore_mem>>) src(%arg8 : memref<128x128xf32, #tpu.memory_space<vmem>>) dst(%dma_wait3A_62 : memref<128x128xf32, #tpu.memory_space<vmem_shared>>)
      tpu.yield
    }) : () -> ()
    %mul3A_18 = arith.constant 640 : i32
    %mul3A_19 = arith.muli %arg1, %mul3A_18 : i32
    %add3A_20 = arith.constant 384 : i32
    %add3A_21 = arith.addi %mul3A_19, %add3A_20 : i32
    "tpu.region"() ({
      %run_scoped3A = tpu.sem_alloc : memref<!tpu.dma_semaphore, #tpu.memory_space<semaphore_mem>>
      %dma_start3A = arith.constant 0 : i32
      %dma_start3A_57 = tpu.memref_slice %arg12[%add3A_21, %dma_start3A] : memref<10240x128xf32, #tpu.memory_space<vmem_shared>> -> memref<128x128xf32, #tpu.memory_space<vmem_shared>>
      %dma_start3A_58 = arith.constant 0 : i32
      %dma_start3A_59 = tpu.memref_slice %arg12[%add3A_21, %dma_start3A_58] : memref<10240x128xf32, #tpu.memory_space<vmem_shared>> -> memref<128x128xf32, #tpu.memory_space<vmem_shared>>
      tpu.enqueue_dma source(%arg8 : memref<128x128xf32, #tpu.memory_space<vmem>>) target(%dma_start3A_59 : memref<128x128xf32, #tpu.memory_space<vmem_shared>>) target_semaphore(%run_scoped3A : memref<!tpu.dma_semaphore, #tpu.memory_space<semaphore_mem>>)
      %dma_wait3A = arith.constant 0 : i32
      %dma_wait3A_60 = tpu.memref_slice %arg12[%add3A_21, %dma_wait3A] : memref<10240x128xf32, #tpu.memory_space<vmem_shared>> -> memref<128x128xf32, #tpu.memory_space<vmem_shared>>
      %dma_wait3A_61 = arith.constant 0 : i32
      %dma_wait3A_62 = tpu.memref_slice %arg12[%add3A_21, %dma_wait3A_61] : memref<10240x128xf32, #tpu.memory_space<vmem_shared>> -> memref<128x128xf32, #tpu.memory_space<vmem_shared>>
      tpu.wait_dma2 semaphore(%run_scoped3A : memref<!tpu.dma_semaphore, #tpu.memory_space<semaphore_mem>>) src(%arg8 : memref<128x128xf32, #tpu.memory_space<vmem>>) dst(%dma_wait3A_62 : memref<128x128xf32, #tpu.memory_space<vmem_shared>>)
      tpu.yield
    }) : () -> ()
    %mul3A_22 = arith.constant 640 : i32
    %mul3A_23 = arith.muli %arg1, %mul3A_22 : i32
    %add3A_24 = arith.constant 512 : i32
    %add3A_25 = arith.addi %mul3A_23, %add3A_24 : i32
    "tpu.region"() ({
      %run_scoped3A = tpu.sem_alloc : memref<!tpu.dma_semaphore, #tpu.memory_space<semaphore_mem>>
      %dma_start3A = arith.constant 0 : i32
      %dma_start3A_57 = tpu.memref_slice %arg12[%add3A_25, %dma_start3A] : memref<10240x128xf32, #tpu.memory_space<vmem_shared>> -> memref<128x128xf32, #tpu.memory_space<vmem_shared>>
      %dma_start3A_58 = arith.constant 0 : i32
      %dma_start3A_59 = tpu.memref_slice %arg12[%add3A_25, %dma_start3A_58] : memref<10240x128xf32, #tpu.memory_space<vmem_shared>> -> memref<128x128xf32, #tpu.memory_space<vmem_shared>>
      tpu.enqueue_dma source(%arg8 : memref<128x128xf32, #tpu.memory_space<vmem>>) target(%dma_start3A_59 : memref<128x128xf32, #tpu.memory_space<vmem_shared>>) target_semaphore(%run_scoped3A : memref<!tpu.dma_semaphore, #tpu.memory_space<semaphore_mem>>)
      %dma_wait3A = arith.constant 0 : i32
      %dma_wait3A_60 = tpu.memref_slice %arg12[%add3A_25, %dma_wait3A] : memref<10240x128xf32, #tpu.memory_space<vmem_shared>> -> memref<128x128xf32, #tpu.memory_space<vmem_shared>>
      %dma_wait3A_61 = arith.constant 0 : i32
      %dma_wait3A_62 = tpu.memref_slice %arg12[%add3A_25, %dma_wait3A_61] : memref<10240x128xf32, #tpu.memory_space<vmem_shared>> -> memref<128x128xf32, #tpu.memory_space<vmem_shared>>
      tpu.wait_dma2 semaphore(%run_scoped3A : memref<!tpu.dma_semaphore, #tpu.memory_space<semaphore_mem>>) src(%arg8 : memref<128x128xf32, #tpu.memory_space<vmem>>) dst(%dma_wait3A_62 : memref<128x128xf32, #tpu.memory_space<vmem_shared>>)
      tpu.yield
    }) : () -> ()
    %barrier3A = arith.constant 0 : index
    tpu.barrier barrier_id(%barrier3A)
    %eq3A = arith.constant 0 : i32
    %eq3A_26 = arith.cmpi eq, %arg0, %eq3A : i32
    %mul3A_27 = arith.constant 120 : i32
    %mul3A_28 = arith.muli %arg1, %mul3A_27 : i32
    %mul3A_29 = arith.constant 40 : i32
    %mul3A_30 = arith.muli %arg1, %mul3A_29 : i32
    %add3A_31 = arith.constant 1920 : i32
    %add3A_32 = arith.addi %add3A_31, %mul3A_30 : i32
    %select_n3A = arith.select %eq3A_26, %mul3A_28, %add3A_32 : i32
    %eq3A_33 = arith.constant 0 : i32
    %eq3A_34 = arith.cmpi eq, %arg0, %eq3A_33 : i32
    %jit3A = arith.constant 3 : i32
    %jit3A_35 = arith.constant 1 : i32
    %select_n3A_36 = arith.select %eq3A_34, %jit3A, %jit3A_35 : i32
    %gt3A = arith.constant 0 : i32
    %gt3A_37 = arith.cmpi sgt, %select_n3A_36, %gt3A : i32
    %convert_element_type3A = arith.extui %gt3A_37 : i1 to i32
    %cond3A = arith.constant 0 : i32
    %cond3A_38 = arith.cmpi ne, %convert_element_type3A, %cond3A : i32
    scf.if %cond3A_38 {
      %add3A_57 = arith.constant 0 : i32
      %add3A_58 = arith.addi %select_n3A, %add3A_57 : i32
      "tpu.region"() ({
        %run_scoped3A = tpu.sem_alloc : memref<!tpu.dma_semaphore, #tpu.memory_space<semaphore_mem>>
        %dma_start3A_80 = arith.constant 0 : i32
        %dma_start3A_81 = tpu.memref_slice %arg2[%add3A_58, %dma_start3A_80] : memref<2560x128xi32, #tpu.memory_space<hbm>> -> memref<40x128xi32, #tpu.memory_space<hbm>>
        %dma_start3A_82 = arith.constant 0 : i32
        %dma_start3A_83 = tpu.memref_slice %arg2[%add3A_58, %dma_start3A_82] : memref<2560x128xi32, #tpu.memory_space<hbm>> -> memref<40x128xi32, #tpu.memory_space<hbm>>
        tpu.enqueue_dma source(%dma_start3A_83 : memref<40x128xi32, #tpu.memory_space<hbm>>) target(%arg6 : memref<40x128xi32, #tpu.memory_space<vmem>>) target_semaphore(%run_scoped3A : memref<!tpu.dma_semaphore, #tpu.memory_space<semaphore_mem>>)
        %dma_wait3A = arith.constant 0 : i32
        %dma_wait3A_84 = tpu.memref_slice %arg2[%add3A_58, %dma_wait3A] : memref<2560x128xi32, #tpu.memory_space<hbm>> -> memref<40x128xi32, #tpu.memory_space<hbm>>
        %dma_wait3A_85 = arith.constant 0 : i32
        %dma_wait3A_86 = tpu.memref_slice %arg2[%add3A_58, %dma_wait3A_85] : memref<2560x128xi32, #tpu.memory_space<hbm>> -> memref<40x128xi32, #tpu.memory_space<hbm>>
        tpu.wait_dma2 semaphore(%run_scoped3A : memref<!tpu.dma_semaphore, #tpu.memory_space<semaphore_mem>>) src(%dma_wait3A_86 : memref<40x128xi32, #tpu.memory_space<hbm>>) dst(%arg6 : memref<40x128xi32, #tpu.memory_space<vmem>>)
        tpu.yield
      }) : () -> ()
      %add3A_59 = arith.constant 0 : i32
      %add3A_60 = arith.addi %select_n3A, %add3A_59 : i32
      "tpu.region"() ({
        %run_scoped3A = tpu.sem_alloc : memref<!tpu.dma_semaphore, #tpu.memory_space<semaphore_mem>>
        %dma_start3A_80 = arith.constant 0 : i32
        %dma_start3A_81 = tpu.memref_slice %arg3[%add3A_60, %dma_start3A_80] : memref<2560x128xi32, #tpu.memory_space<hbm>> -> memref<40x128xi32, #tpu.memory_space<hbm>>
        %dma_start3A_82 = arith.constant 0 : i32
        %dma_start3A_83 = tpu.memref_slice %arg3[%add3A_60, %dma_start3A_82] : memref<2560x128xi32, #tpu.memory_space<hbm>> -> memref<40x128xi32, #tpu.memory_space<hbm>>
        tpu.enqueue_dma source(%dma_start3A_83 : memref<40x128xi32, #tpu.memory_space<hbm>>) target(%arg7 : memref<40x128xi32, #tpu.memory_space<vmem>>) target_semaphore(%run_scoped3A : memref<!tpu.dma_semaphore, #tpu.memory_space<semaphore_mem>>)
        %dma_wait3A = arith.constant 0 : i32
        %dma_wait3A_84 = tpu.memref_slice %arg3[%add3A_60, %dma_wait3A] : memref<2560x128xi32, #tpu.memory_space<hbm>> -> memref<40x128xi32, #tpu.memory_space<hbm>>
        %dma_wait3A_85 = arith.constant 0 : i32
        %dma_wait3A_86 = tpu.memref_slice %arg3[%add3A_60, %dma_wait3A_85] : memref<2560x128xi32, #tpu.memory_space<hbm>> -> memref<40x128xi32, #tpu.memory_space<hbm>>
        tpu.wait_dma2 semaphore(%run_scoped3A : memref<!tpu.dma_semaphore, #tpu.memory_space<semaphore_mem>>) src(%dma_wait3A_86 : memref<40x128xi32, #tpu.memory_space<hbm>>) dst(%arg7 : memref<40x128xi32, #tpu.memory_space<vmem>>)
        tpu.yield
      }) : () -> ()
      %dma_start3A = arith.constant 0 : i32
      %dma_start3A_61 = arith.constant 0 : i32
      %dma_start3A_62 = tpu.memref_slice %arg6[%dma_start3A, %dma_start3A_61] : memref<40x128xi32, #tpu.memory_space<vmem>> -> memref<1x128xi32, #tpu.memory_space<vmem>>
      %dma_start3A_63 = tpu.memref_squeeze %dma_start3A_62 : memref<1x128xi32, #tpu.memory_space<vmem>> -> memref<128xi32, #tpu.memory_space<vmem>>
      %dma_start3A_64 = arith.constant 0 : i32
      %dma_start3A_65 = arith.constant 0 : i32
      %dma_start3A_66 = tpu.memref_slice %arg4[%dma_start3A_64, %dma_start3A_65] : memref<10000x128xf32, #tpu.memory_space<hbm>> -> memref<10000x128xf32, #tpu.memory_space<hbm>>
      tpu.enqueue_indirect_dma source(%dma_start3A_66 : memref<10000x128xf32, #tpu.memory_space<hbm>>) target(%arg8 : memref<128x128xf32, #tpu.memory_space<vmem>>) offsets(%dma_start3A_63 : memref<128xi32, #tpu.memory_space<vmem>>) semaphore(%arg10 : memref<!tpu.dma_semaphore, #tpu.memory_space<semaphore_mem>>)
      %dma_start3A_67 = arith.constant 1 : i32
      %dma_start3A_68 = arith.constant 0 : i32
      %dma_start3A_69 = tpu.memref_slice %arg6[%dma_start3A_67, %dma_start3A_68] : memref<40x128xi32, #tpu.memory_space<vmem>> -> memref<1x128xi32, #tpu.memory_space<vmem>>
      %dma_start3A_70 = tpu.memref_squeeze %dma_start3A_69 : memref<1x128xi32, #tpu.memory_space<vmem>> -> memref<128xi32, #tpu.memory_space<vmem>>
      %dma_start3A_71 = arith.constant 0 : i32
      %dma_start3A_72 = arith.constant 0 : i32
      %dma_start3A_73 = tpu.memref_slice %arg4[%dma_start3A_71, %dma_start3A_72] : memref<10000x128xf32, #tpu.memory_space<hbm>> -> memref<10000x128xf32, #tpu.memory_space<hbm>>
      tpu.enqueue_indirect_dma source(%dma_start3A_73 : memref<10000x128xf32, #tpu.memory_space<hbm>>) target(%arg9 : memref<128x128xf32, #tpu.memory_space<vmem>>) offsets(%dma_start3A_70 : memref<128xi32, #tpu.memory_space<vmem>>) semaphore(%arg11 : memref<!tpu.dma_semaphore, #tpu.memory_space<semaphore_mem>>)
      %scan3A_74 = arith.constant 0 : i32
      %scan3A_75 = arith.constant 0 : i32
      %scan3A_76 = arith.constant 20 : i32
      %scan3A_77 = arith.addi %scan3A_75, %scan3A_76 : i32
      %scan3A_78 = arith.constant 1 : i32
      scf.for %scan3A_80 = %scan3A_75 to %scan3A_77 step %scan3A_78  : i32 {
        %mul3A_81 = arith.constant 2 : i32
        %mul3A_82 = arith.muli %mul3A_81, %scan3A_80 : i32
        %dma_wait3A = arith.constant 0 : i32
        %dma_wait3A_83 = arith.constant 0 : i32
        %dma_wait3A_84 = tpu.memref_slice %arg6[%dma_wait3A, %dma_wait3A_83] : memref<40x128xi32, #tpu.memory_space<vmem>> -> memref<1x128xi32, #tpu.memory_space<vmem>>
        %dma_wait3A_85 = tpu.memref_squeeze %dma_wait3A_84 : memref<1x128xi32, #tpu.memory_space<vmem>> -> memref<128xi32, #tpu.memory_space<vmem>>
        %dma_wait3A_86 = arith.constant 0 : i32
        %dma_wait3A_87 = arith.constant 0 : i32
        %dma_wait3A_88 = tpu.memref_slice %arg4[%dma_wait3A_86, %dma_wait3A_87] : memref<10000x128xf32, #tpu.memory_space<hbm>> -> memref<10000x128xf32, #tpu.memory_space<hbm>>
        tpu.wait_indirect_dma semaphore(%arg10 : memref<!tpu.dma_semaphore, #tpu.memory_space<semaphore_mem>>) src(%dma_wait3A_88 : memref<10000x128xf32, #tpu.memory_space<hbm>>) dst(%arg8 : memref<128x128xf32, #tpu.memory_space<vmem>>)
        "tpu.region"() ({
          %run_scoped3A = tpu.sem_alloc : memref<!tpu.dma_semaphore, #tpu.memory_space<semaphore_mem>>
          %dma_start3A_109 = arith.constant 0 : i32
          %dma_start3A_110 = tpu.memref_slice %arg7[%mul3A_82, %dma_start3A_109] : memref<40x128xi32, #tpu.memory_space<vmem>> -> memref<1x128xi32, #tpu.memory_space<vmem>>
          %dma_start3A_111 = tpu.memref_squeeze %dma_start3A_110 : memref<1x128xi32, #tpu.memory_space<vmem>> -> memref<128xi32, #tpu.memory_space<vmem>>
          %dma_start3A_112 = arith.constant 0 : i32
          %dma_start3A_113 = arith.constant 0 : i32
          %dma_start3A_114 = tpu.memref_slice %arg12[%dma_start3A_112, %dma_start3A_113] : memref<10240x128xf32, #tpu.memory_space<vmem_shared>> -> memref<10240x128xf32, #tpu.memory_space<vmem_shared>>
          tpu.enqueue_indirect_dma source(%arg8 : memref<128x128xf32, #tpu.memory_space<vmem>>) target(%dma_start3A_114 : memref<10240x128xf32, #tpu.memory_space<vmem_shared>>) offsets(%dma_start3A_111 : memref<128xi32, #tpu.memory_space<vmem>>) semaphore(%run_scoped3A : memref<!tpu.dma_semaphore, #tpu.memory_space<semaphore_mem>>) {add = true}
          %dma_wait3A_115 = arith.constant 0 : i32
          %dma_wait3A_116 = tpu.memref_slice %arg7[%mul3A_82, %dma_wait3A_115] : memref<40x128xi32, #tpu.memory_space<vmem>> -> memref<1x128xi32, #tpu.memory_space<vmem>>
          %dma_wait3A_117 = tpu.memref_squeeze %dma_wait3A_116 : memref<1x128xi32, #tpu.memory_space<vmem>> -> memref<128xi32, #tpu.memory_space<vmem>>
          %dma_wait3A_118 = arith.constant 0 : i32
          %dma_wait3A_119 = arith.constant 0 : i32
          %dma_wait3A_120 = tpu.memref_slice %arg12[%dma_wait3A_118, %dma_wait3A_119] : memref<10240x128xf32, #tpu.memory_space<vmem_shared>> -> memref<10240x128xf32, #tpu.memory_space<vmem_shared>>
          tpu.wait_indirect_dma semaphore(%run_scoped3A : memref<!tpu.dma_semaphore, #tpu.memory_space<semaphore_mem>>) src(%arg8 : memref<128x128xf32, #tpu.memory_space<vmem>>) dst(%dma_wait3A_120 : memref<10240x128xf32, #tpu.memory_space<vmem_shared>>)
          tpu.yield
        }) : () -> ()
        %lt3A = arith.constant 19 : i32
        %lt3A_89 = arith.cmpi slt, %scan3A_80, %lt3A : i32
        %convert_element_type3A_90 = arith.extui %lt3A_89 : i1 to i32
        %cond3A_91 = arith.constant 0 : i32
        %cond3A_92 = arith.cmpi ne, %convert_element_type3A_90, %cond3A_91 : i32
        scf.if %cond3A_92 {
          %add3A_109 = arith.constant 2 : i32
          %add3A_110 = arith.addi %mul3A_82, %add3A_109 : i32
          %dma_start3A_111 = arith.constant 0 : i32
          %dma_start3A_112 = tpu.memref_slice %arg6[%add3A_110, %dma_start3A_111] : memref<40x128xi32, #tpu.memory_space<vmem>> -> memref<1x128xi32, #tpu.memory_space<vmem>>
          %dma_start3A_113 = tpu.memref_squeeze %dma_start3A_112 : memref<1x128xi32, #tpu.memory_space<vmem>> -> memref<128xi32, #tpu.memory_space<vmem>>
          %dma_start3A_114 = arith.constant 0 : i32
          %dma_start3A_115 = arith.constant 0 : i32
          %dma_start3A_116 = tpu.memref_slice %arg4[%dma_start3A_114, %dma_start3A_115] : memref<10000x128xf32, #tpu.memory_space<hbm>> -> memref<10000x128xf32, #tpu.memory_space<hbm>>
          tpu.enqueue_indirect_dma source(%dma_start3A_116 : memref<10000x128xf32, #tpu.memory_space<hbm>>) target(%arg8 : memref<128x128xf32, #tpu.memory_space<vmem>>) offsets(%dma_start3A_113 : memref<128xi32, #tpu.memory_space<vmem>>) semaphore(%arg10 : memref<!tpu.dma_semaphore, #tpu.memory_space<semaphore_mem>>)
        } else {
        }
        %mul3A_93 = arith.constant 2 : i32
        %mul3A_94 = arith.muli %mul3A_93, %scan3A_80 : i32
        %add3A_95 = arith.constant 1 : i32
        %add3A_96 = arith.addi %mul3A_94, %add3A_95 : i32
        %dma_wait3A_97 = arith.constant 0 : i32
        %dma_wait3A_98 = arith.constant 0 : i32
        %dma_wait3A_99 = tpu.memref_slice %arg6[%dma_wait3A_97, %dma_wait3A_98] : memref<40x128xi32, #tpu.memory_space<vmem>> -> memref<1x128xi32, #tpu.memory_space<vmem>>
        %dma_wait3A_100 = tpu.memref_squeeze %dma_wait3A_99 : memref<1x128xi32, #tpu.memory_space<vmem>> -> memref<128xi32, #tpu.memory_space<vmem>>
        %dma_wait3A_101 = arith.constant 0 : i32
        %dma_wait3A_102 = arith.constant 0 : i32
        %dma_wait3A_103 = tpu.memref_slice %arg4[%dma_wait3A_101, %dma_wait3A_102] : memref<10000x128xf32, #tpu.memory_space<hbm>> -> memref<10000x128xf32, #tpu.memory_space<hbm>>
        tpu.wait_indirect_dma semaphore(%arg11 : memref<!tpu.dma_semaphore, #tpu.memory_space<semaphore_mem>>) src(%dma_wait3A_103 : memref<10000x128xf32, #tpu.memory_space<hbm>>) dst(%arg9 : memref<128x128xf32, #tpu.memory_space<vmem>>)
        "tpu.region"() ({
          %run_scoped3A = tpu.sem_alloc : memref<!tpu.dma_semaphore, #tpu.memory_space<semaphore_mem>>
          %dma_start3A_109 = arith.constant 0 : i32
          %dma_start3A_110 = tpu.memref_slice %arg7[%add3A_96, %dma_start3A_109] : memref<40x128xi32, #tpu.memory_space<vmem>> -> memref<1x128xi32, #tpu.memory_space<vmem>>
          %dma_start3A_111 = tpu.memref_squeeze %dma_start3A_110 : memref<1x128xi32, #tpu.memory_space<vmem>> -> memref<128xi32, #tpu.memory_space<vmem>>
          %dma_start3A_112 = arith.constant 0 : i32
          %dma_start3A_113 = arith.constant 0 : i32
          %dma_start3A_114 = tpu.memref_slice %arg12[%dma_start3A_112, %dma_start3A_113] : memref<10240x128xf32, #tpu.memory_space<vmem_shared>> -> memref<10240x128xf32, #tpu.memory_space<vmem_shared>>
          tpu.enqueue_indirect_dma source(%arg9 : memref<128x128xf32, #tpu.memory_space<vmem>>) target(%dma_start3A_114 : memref<10240x128xf32, #tpu.memory_space<vmem_shared>>) offsets(%dma_start3A_111 : memref<128xi32, #tpu.memory_space<vmem>>) semaphore(%run_scoped3A : memref<!tpu.dma_semaphore, #tpu.memory_space<semaphore_mem>>) {add = true}
          %dma_wait3A_115 = arith.constant 0 : i32
          %dma_wait3A_116 = tpu.memref_slice %arg7[%add3A_96, %dma_wait3A_115] : memref<40x128xi32, #tpu.memory_space<vmem>> -> memref<1x128xi32, #tpu.memory_space<vmem>>
          %dma_wait3A_117 = tpu.memref_squeeze %dma_wait3A_116 : memref<1x128xi32, #tpu.memory_space<vmem>> -> memref<128xi32, #tpu.memory_space<vmem>>
          %dma_wait3A_118 = arith.constant 0 : i32
          %dma_wait3A_119 = arith.constant 0 : i32
          %dma_wait3A_120 = tpu.memref_slice %arg12[%dma_wait3A_118, %dma_wait3A_119] : memref<10240x128xf32, #tpu.memory_space<vmem_shared>> -> memref<10240x128xf32, #tpu.memory_space<vmem_shared>>
          tpu.wait_indirect_dma semaphore(%run_scoped3A : memref<!tpu.dma_semaphore, #tpu.memory_space<semaphore_mem>>) src(%arg9 : memref<128x128xf32, #tpu.memory_space<vmem>>) dst(%dma_wait3A_120 : memref<10240x128xf32, #tpu.memory_space<vmem_shared>>)
          tpu.yield
        }) : () -> ()
        %lt3A_104 = arith.constant 19 : i32
        %lt3A_105 = arith.cmpi slt, %scan3A_80, %lt3A_104 : i32
        %convert_element_type3A_106 = arith.extui %lt3A_105 : i1 to i32
        %cond3A_107 = arith.constant 0 : i32
        %cond3A_108 = arith.cmpi ne, %convert_element_type3A_106, %cond3A_107 : i32
        scf.if %cond3A_108 {
          %add3A_109 = arith.constant 2 : i32
          %add3A_110 = arith.addi %add3A_96, %add3A_109 : i32
          %dma_start3A_111 = arith.constant 0 : i32
          %dma_start3A_112 = tpu.memref_slice %arg6[%add3A_110, %dma_start3A_111] : memref<40x128xi32, #tpu.memory_space<vmem>> -> memref<1x128xi32, #tpu.memory_space<vmem>>
          %dma_start3A_113 = tpu.memref_squeeze %dma_start3A_112 : memref<1x128xi32, #tpu.memory_space<vmem>> -> memref<128xi32, #tpu.memory_space<vmem>>
          %dma_start3A_114 = arith.constant 0 : i32
          %dma_start3A_115 = arith.constant 0 : i32
          %dma_start3A_116 = tpu.memref_slice %arg4[%dma_start3A_114, %dma_start3A_115] : memref<10000x128xf32, #tpu.memory_space<hbm>> -> memref<10000x128xf32, #tpu.memory_space<hbm>>
          tpu.enqueue_indirect_dma source(%dma_start3A_116 : memref<10000x128xf32, #tpu.memory_space<hbm>>) target(%arg9 : memref<128x128xf32, #tpu.memory_space<vmem>>) offsets(%dma_start3A_113 : memref<128xi32, #tpu.memory_space<vmem>>) semaphore(%arg11 : memref<!tpu.dma_semaphore, #tpu.memory_space<semaphore_mem>>)
        } else {
        }
      }
      %scan3A_79 = arith.constant 20 : i32
    } else {
    }
    %gt3A_39 = arith.constant 1 : i32
    %gt3A_40 = arith.cmpi sgt, %select_n3A_36, %gt3A_39 : i32
    %convert_element_type3A_41 = arith.extui %gt3A_40 : i1 to i32
    %cond3A_42 = arith.constant 0 : i32
    %cond3A_43 = arith.cmpi ne, %convert_element_type3A_41, %cond3A_42 : i32
    scf.if %cond3A_43 {
      %add3A_57 = arith.constant 40 : i32
      %add3A_58 = arith.addi %select_n3A, %add3A_57 : i32
      "tpu.region"() ({
        %run_scoped3A = tpu.sem_alloc : memref<!tpu.dma_semaphore, #tpu.memory_space<semaphore_mem>>
        %dma_start3A_80 = arith.constant 0 : i32
        %dma_start3A_81 = tpu.memref_slice %arg2[%add3A_58, %dma_start3A_80] : memref<2560x128xi32, #tpu.memory_space<hbm>> -> memref<40x128xi32, #tpu.memory_space<hbm>>
        %dma_start3A_82 = arith.constant 0 : i32
        %dma_start3A_83 = tpu.memref_slice %arg2[%add3A_58, %dma_start3A_82] : memref<2560x128xi32, #tpu.memory_space<hbm>> -> memref<40x128xi32, #tpu.memory_space<hbm>>
        tpu.enqueue_dma source(%dma_start3A_83 : memref<40x128xi32, #tpu.memory_space<hbm>>) target(%arg6 : memref<40x128xi32, #tpu.memory_space<vmem>>) target_semaphore(%run_scoped3A : memref<!tpu.dma_semaphore, #tpu.memory_space<semaphore_mem>>)
        %dma_wait3A = arith.constant 0 : i32
        %dma_wait3A_84 = tpu.memref_slice %arg2[%add3A_58, %dma_wait3A] : memref<2560x128xi32, #tpu.memory_space<hbm>> -> memref<40x128xi32, #tpu.memory_space<hbm>>
        %dma_wait3A_85 = arith.constant 0 : i32
        %dma_wait3A_86 = tpu.memref_slice %arg2[%add3A_58, %dma_wait3A_85] : memref<2560x128xi32, #tpu.memory_space<hbm>> -> memref<40x128xi32, #tpu.memory_space<hbm>>
        tpu.wait_dma2 semaphore(%run_scoped3A : memref<!tpu.dma_semaphore, #tpu.memory_space<semaphore_mem>>) src(%dma_wait3A_86 : memref<40x128xi32, #tpu.memory_space<hbm>>) dst(%arg6 : memref<40x128xi32, #tpu.memory_space<vmem>>)
        tpu.yield
      }) : () -> ()
      %add3A_59 = arith.constant 40 : i32
      %add3A_60 = arith.addi %select_n3A, %add3A_59 : i32
      "tpu.region"() ({
        %run_scoped3A = tpu.sem_alloc : memref<!tpu.dma_semaphore, #tpu.memory_space<semaphore_mem>>
        %dma_start3A_80 = arith.constant 0 : i32
        %dma_start3A_81 = tpu.memref_slice %arg3[%add3A_60, %dma_start3A_80] : memref<2560x128xi32, #tpu.memory_space<hbm>> -> memref<40x128xi32, #tpu.memory_space<hbm>>
        %dma_start3A_82 = arith.constant 0 : i32
        %dma_start3A_83 = tpu.memref_slice %arg3[%add3A_60, %dma_start3A_82] : memref<2560x128xi32, #tpu.memory_space<hbm>> -> memref<40x128xi32, #tpu.memory_space<hbm>>
        tpu.enqueue_dma source(%dma_start3A_83 : memref<40x128xi32, #tpu.memory_space<hbm>>) target(%arg7 : memref<40x128xi32, #tpu.memory_space<vmem>>) target_semaphore(%run_scoped3A : memref<!tpu.dma_semaphore, #tpu.memory_space<semaphore_mem>>)
        %dma_wait3A = arith.constant 0 : i32
        %dma_wait3A_84 = tpu.memref_slice %arg3[%add3A_60, %dma_wait3A] : memref<2560x128xi32, #tpu.memory_space<hbm>> -> memref<40x128xi32, #tpu.memory_space<hbm>>
        %dma_wait3A_85 = arith.constant 0 : i32
        %dma_wait3A_86 = tpu.memref_slice %arg3[%add3A_60, %dma_wait3A_85] : memref<2560x128xi32, #tpu.memory_space<hbm>> -> memref<40x128xi32, #tpu.memory_space<hbm>>
        tpu.wait_dma2 semaphore(%run_scoped3A : memref<!tpu.dma_semaphore, #tpu.memory_space<semaphore_mem>>) src(%dma_wait3A_86 : memref<40x128xi32, #tpu.memory_space<hbm>>) dst(%arg7 : memref<40x128xi32, #tpu.memory_space<vmem>>)
        tpu.yield
      }) : () -> ()
      %dma_start3A = arith.constant 0 : i32
      %dma_start3A_61 = arith.constant 0 : i32
      %dma_start3A_62 = tpu.memref_slice %arg6[%dma_start3A, %dma_start3A_61] : memref<40x128xi32, #tpu.memory_space<vmem>> -> memref<1x128xi32, #tpu.memory_space<vmem>>
      %dma_start3A_63 = tpu.memref_squeeze %dma_start3A_62 : memref<1x128xi32, #tpu.memory_space<vmem>> -> memref<128xi32, #tpu.memory_space<vmem>>
      %dma_start3A_64 = arith.constant 0 : i32
      %dma_start3A_65 = arith.constant 0 : i32
      %dma_start3A_66 = tpu.memref_slice %arg4[%dma_start3A_64, %dma_start3A_65] : memref<10000x128xf32, #tpu.memory_space<hbm>> -> memref<10000x128xf32, #tpu.memory_space<hbm>>
      tpu.enqueue_indirect_dma source(%dma_start3A_66 : memref<10000x128xf32, #tpu.memory_space<hbm>>) target(%arg8 : memref<128x128xf32, #tpu.memory_space<vmem>>) offsets(%dma_start3A_63 : memref<128xi32, #tpu.memory_space<vmem>>) semaphore(%arg10 : memref<!tpu.dma_semaphore, #tpu.memory_space<semaphore_mem>>)
      %dma_start3A_67 = arith.constant 1 : i32
      %dma_start3A_68 = arith.constant 0 : i32
      %dma_start3A_69 = tpu.memref_slice %arg6[%dma_start3A_67, %dma_start3A_68] : memref<40x128xi32, #tpu.memory_space<vmem>> -> memref<1x128xi32, #tpu.memory_space<vmem>>
      %dma_start3A_70 = tpu.memref_squeeze %dma_start3A_69 : memref<1x128xi32, #tpu.memory_space<vmem>> -> memref<128xi32, #tpu.memory_space<vmem>>
      %dma_start3A_71 = arith.constant 0 : i32
      %dma_start3A_72 = arith.constant 0 : i32
      %dma_start3A_73 = tpu.memref_slice %arg4[%dma_start3A_71, %dma_start3A_72] : memref<10000x128xf32, #tpu.memory_space<hbm>> -> memref<10000x128xf32, #tpu.memory_space<hbm>>
      tpu.enqueue_indirect_dma source(%dma_start3A_73 : memref<10000x128xf32, #tpu.memory_space<hbm>>) target(%arg9 : memref<128x128xf32, #tpu.memory_space<vmem>>) offsets(%dma_start3A_70 : memref<128xi32, #tpu.memory_space<vmem>>) semaphore(%arg11 : memref<!tpu.dma_semaphore, #tpu.memory_space<semaphore_mem>>)
      %scan3A_74 = arith.constant 0 : i32
      %scan3A_75 = arith.constant 0 : i32
      %scan3A_76 = arith.constant 20 : i32
      %scan3A_77 = arith.addi %scan3A_75, %scan3A_76 : i32
      %scan3A_78 = arith.constant 1 : i32
      scf.for %scan3A_80 = %scan3A_75 to %scan3A_77 step %scan3A_78  : i32 {
        %mul3A_81 = arith.constant 2 : i32
        %mul3A_82 = arith.muli %mul3A_81, %scan3A_80 : i32
        %dma_wait3A = arith.constant 0 : i32
        %dma_wait3A_83 = arith.constant 0 : i32
        %dma_wait3A_84 = tpu.memref_slice %arg6[%dma_wait3A, %dma_wait3A_83] : memref<40x128xi32, #tpu.memory_space<vmem>> -> memref<1x128xi32, #tpu.memory_space<vmem>>
        %dma_wait3A_85 = tpu.memref_squeeze %dma_wait3A_84 : memref<1x128xi32, #tpu.memory_space<vmem>> -> memref<128xi32, #tpu.memory_space<vmem>>
        %dma_wait3A_86 = arith.constant 0 : i32
        %dma_wait3A_87 = arith.constant 0 : i32
        %dma_wait3A_88 = tpu.memref_slice %arg4[%dma_wait3A_86, %dma_wait3A_87] : memref<10000x128xf32, #tpu.memory_space<hbm>> -> memref<10000x128xf32, #tpu.memory_space<hbm>>
        tpu.wait_indirect_dma semaphore(%arg10 : memref<!tpu.dma_semaphore, #tpu.memory_space<semaphore_mem>>) src(%dma_wait3A_88 : memref<10000x128xf32, #tpu.memory_space<hbm>>) dst(%arg8 : memref<128x128xf32, #tpu.memory_space<vmem>>)
        "tpu.region"() ({
          %run_scoped3A = tpu.sem_alloc : memref<!tpu.dma_semaphore, #tpu.memory_space<semaphore_mem>>
          %dma_start3A_109 = arith.constant 0 : i32
          %dma_start3A_110 = tpu.memref_slice %arg7[%mul3A_82, %dma_start3A_109] : memref<40x128xi32, #tpu.memory_space<vmem>> -> memref<1x128xi32, #tpu.memory_space<vmem>>
          %dma_start3A_111 = tpu.memref_squeeze %dma_start3A_110 : memref<1x128xi32, #tpu.memory_space<vmem>> -> memref<128xi32, #tpu.memory_space<vmem>>
          %dma_start3A_112 = arith.constant 0 : i32
          %dma_start3A_113 = arith.constant 0 : i32
          %dma_start3A_114 = tpu.memref_slice %arg12[%dma_start3A_112, %dma_start3A_113] : memref<10240x128xf32, #tpu.memory_space<vmem_shared>> -> memref<10240x128xf32, #tpu.memory_space<vmem_shared>>
          tpu.enqueue_indirect_dma source(%arg8 : memref<128x128xf32, #tpu.memory_space<vmem>>) target(%dma_start3A_114 : memref<10240x128xf32, #tpu.memory_space<vmem_shared>>) offsets(%dma_start3A_111 : memref<128xi32, #tpu.memory_space<vmem>>) semaphore(%run_scoped3A : memref<!tpu.dma_semaphore, #tpu.memory_space<semaphore_mem>>) {add = true}
          %dma_wait3A_115 = arith.constant 0 : i32
          %dma_wait3A_116 = tpu.memref_slice %arg7[%mul3A_82, %dma_wait3A_115] : memref<40x128xi32, #tpu.memory_space<vmem>> -> memref<1x128xi32, #tpu.memory_space<vmem>>
          %dma_wait3A_117 = tpu.memref_squeeze %dma_wait3A_116 : memref<1x128xi32, #tpu.memory_space<vmem>> -> memref<128xi32, #tpu.memory_space<vmem>>
          %dma_wait3A_118 = arith.constant 0 : i32
          %dma_wait3A_119 = arith.constant 0 : i32
          %dma_wait3A_120 = tpu.memref_slice %arg12[%dma_wait3A_118, %dma_wait3A_119] : memref<10240x128xf32, #tpu.memory_space<vmem_shared>> -> memref<10240x128xf32, #tpu.memory_space<vmem_shared>>
          tpu.wait_indirect_dma semaphore(%run_scoped3A : memref<!tpu.dma_semaphore, #tpu.memory_space<semaphore_mem>>) src(%arg8 : memref<128x128xf32, #tpu.memory_space<vmem>>) dst(%dma_wait3A_120 : memref<10240x128xf32, #tpu.memory_space<vmem_shared>>)
          tpu.yield
        }) : () -> ()
        %lt3A = arith.constant 19 : i32
        %lt3A_89 = arith.cmpi slt, %scan3A_80, %lt3A : i32
        %convert_element_type3A_90 = arith.extui %lt3A_89 : i1 to i32
        %cond3A_91 = arith.constant 0 : i32
        %cond3A_92 = arith.cmpi ne, %convert_element_type3A_90, %cond3A_91 : i32
        scf.if %cond3A_92 {
          %add3A_109 = arith.constant 2 : i32
          %add3A_110 = arith.addi %mul3A_82, %add3A_109 : i32
          %dma_start3A_111 = arith.constant 0 : i32
          %dma_start3A_112 = tpu.memref_slice %arg6[%add3A_110, %dma_start3A_111] : memref<40x128xi32, #tpu.memory_space<vmem>> -> memref<1x128xi32, #tpu.memory_space<vmem>>
          %dma_start3A_113 = tpu.memref_squeeze %dma_start3A_112 : memref<1x128xi32, #tpu.memory_space<vmem>> -> memref<128xi32, #tpu.memory_space<vmem>>
          %dma_start3A_114 = arith.constant 0 : i32
          %dma_start3A_115 = arith.constant 0 : i32
          %dma_start3A_116 = tpu.memref_slice %arg4[%dma_start3A_114, %dma_start3A_115] : memref<10000x128xf32, #tpu.memory_space<hbm>> -> memref<10000x128xf32, #tpu.memory_space<hbm>>
          tpu.enqueue_indirect_dma source(%dma_start3A_116 : memref<10000x128xf32, #tpu.memory_space<hbm>>) target(%arg8 : memref<128x128xf32, #tpu.memory_space<vmem>>) offsets(%dma_start3A_113 : memref<128xi32, #tpu.memory_space<vmem>>) semaphore(%arg10 : memref<!tpu.dma_semaphore, #tpu.memory_space<semaphore_mem>>)
        } else {
        }
        %mul3A_93 = arith.constant 2 : i32
        %mul3A_94 = arith.muli %mul3A_93, %scan3A_80 : i32
        %add3A_95 = arith.constant 1 : i32
        %add3A_96 = arith.addi %mul3A_94, %add3A_95 : i32
        %dma_wait3A_97 = arith.constant 0 : i32
        %dma_wait3A_98 = arith.constant 0 : i32
        %dma_wait3A_99 = tpu.memref_slice %arg6[%dma_wait3A_97, %dma_wait3A_98] : memref<40x128xi32, #tpu.memory_space<vmem>> -> memref<1x128xi32, #tpu.memory_space<vmem>>
        %dma_wait3A_100 = tpu.memref_squeeze %dma_wait3A_99 : memref<1x128xi32, #tpu.memory_space<vmem>> -> memref<128xi32, #tpu.memory_space<vmem>>
        %dma_wait3A_101 = arith.constant 0 : i32
        %dma_wait3A_102 = arith.constant 0 : i32
        %dma_wait3A_103 = tpu.memref_slice %arg4[%dma_wait3A_101, %dma_wait3A_102] : memref<10000x128xf32, #tpu.memory_space<hbm>> -> memref<10000x128xf32, #tpu.memory_space<hbm>>
        tpu.wait_indirect_dma semaphore(%arg11 : memref<!tpu.dma_semaphore, #tpu.memory_space<semaphore_mem>>) src(%dma_wait3A_103 : memref<10000x128xf32, #tpu.memory_space<hbm>>) dst(%arg9 : memref<128x128xf32, #tpu.memory_space<vmem>>)
        "tpu.region"() ({
          %run_scoped3A = tpu.sem_alloc : memref<!tpu.dma_semaphore, #tpu.memory_space<semaphore_mem>>
          %dma_start3A_109 = arith.constant 0 : i32
          %dma_start3A_110 = tpu.memref_slice %arg7[%add3A_96, %dma_start3A_109] : memref<40x128xi32, #tpu.memory_space<vmem>> -> memref<1x128xi32, #tpu.memory_space<vmem>>
          %dma_start3A_111 = tpu.memref_squeeze %dma_start3A_110 : memref<1x128xi32, #tpu.memory_space<vmem>> -> memref<128xi32, #tpu.memory_space<vmem>>
          %dma_start3A_112 = arith.constant 0 : i32
          %dma_start3A_113 = arith.constant 0 : i32
          %dma_start3A_114 = tpu.memref_slice %arg12[%dma_start3A_112, %dma_start3A_113] : memref<10240x128xf32, #tpu.memory_space<vmem_shared>> -> memref<10240x128xf32, #tpu.memory_space<vmem_shared>>
          tpu.enqueue_indirect_dma source(%arg9 : memref<128x128xf32, #tpu.memory_space<vmem>>) target(%dma_start3A_114 : memref<10240x128xf32, #tpu.memory_space<vmem_shared>>) offsets(%dma_start3A_111 : memref<128xi32, #tpu.memory_space<vmem>>) semaphore(%run_scoped3A : memref<!tpu.dma_semaphore, #tpu.memory_space<semaphore_mem>>) {add = true}
          %dma_wait3A_115 = arith.constant 0 : i32
          %dma_wait3A_116 = tpu.memref_slice %arg7[%add3A_96, %dma_wait3A_115] : memref<40x128xi32, #tpu.memory_space<vmem>> -> memref<1x128xi32, #tpu.memory_space<vmem>>
          %dma_wait3A_117 = tpu.memref_squeeze %dma_wait3A_116 : memref<1x128xi32, #tpu.memory_space<vmem>> -> memref<128xi32, #tpu.memory_space<vmem>>
          %dma_wait3A_118 = arith.constant 0 : i32
          %dma_wait3A_119 = arith.constant 0 : i32
          %dma_wait3A_120 = tpu.memref_slice %arg12[%dma_wait3A_118, %dma_wait3A_119] : memref<10240x128xf32, #tpu.memory_space<vmem_shared>> -> memref<10240x128xf32, #tpu.memory_space<vmem_shared>>
          tpu.wait_indirect_dma semaphore(%run_scoped3A : memref<!tpu.dma_semaphore, #tpu.memory_space<semaphore_mem>>) src(%arg9 : memref<128x128xf32, #tpu.memory_space<vmem>>) dst(%dma_wait3A_120 : memref<10240x128xf32, #tpu.memory_space<vmem_shared>>)
          tpu.yield
        }) : () -> ()
        %lt3A_104 = arith.constant 19 : i32
        %lt3A_105 = arith.cmpi slt, %scan3A_80, %lt3A_104 : i32
        %convert_element_type3A_106 = arith.extui %lt3A_105 : i1 to i32
        %cond3A_107 = arith.constant 0 : i32
        %cond3A_108 = arith.cmpi ne, %convert_element_type3A_106, %cond3A_107 : i32
        scf.if %cond3A_108 {
          %add3A_109 = arith.constant 2 : i32
          %add3A_110 = arith.addi %add3A_96, %add3A_109 : i32
          %dma_start3A_111 = arith.constant 0 : i32
          %dma_start3A_112 = tpu.memref_slice %arg6[%add3A_110, %dma_start3A_111] : memref<40x128xi32, #tpu.memory_space<vmem>> -> memref<1x128xi32, #tpu.memory_space<vmem>>
          %dma_start3A_113 = tpu.memref_squeeze %dma_start3A_112 : memref<1x128xi32, #tpu.memory_space<vmem>> -> memref<128xi32, #tpu.memory_space<vmem>>
          %dma_start3A_114 = arith.constant 0 : i32
          %dma_start3A_115 = arith.constant 0 : i32
          %dma_start3A_116 = tpu.memref_slice %arg4[%dma_start3A_114, %dma_start3A_115] : memref<10000x128xf32, #tpu.memory_space<hbm>> -> memref<10000x128xf32, #tpu.memory_space<hbm>>
          tpu.enqueue_indirect_dma source(%dma_start3A_116 : memref<10000x128xf32, #tpu.memory_space<hbm>>) target(%arg9 : memref<128x128xf32, #tpu.memory_space<vmem>>) offsets(%dma_start3A_113 : memref<128xi32, #tpu.memory_space<vmem>>) semaphore(%arg11 : memref<!tpu.dma_semaphore, #tpu.memory_space<semaphore_mem>>)
        } else {
        }
      }
      %scan3A_79 = arith.constant 20 : i32
    } else {
    }
    %gt3A_44 = arith.constant 2 : i32
    %gt3A_45 = arith.cmpi sgt, %select_n3A_36, %gt3A_44 : i32
    %convert_element_type3A_46 = arith.extui %gt3A_45 : i1 to i32
    %cond3A_47 = arith.constant 0 : i32
    %cond3A_48 = arith.cmpi ne, %convert_element_type3A_46, %cond3A_47 : i32
    scf.if %cond3A_48 {
      %add3A_57 = arith.constant 80 : i32
      %add3A_58 = arith.addi %select_n3A, %add3A_57 : i32
      "tpu.region"() ({
        %run_scoped3A = tpu.sem_alloc : memref<!tpu.dma_semaphore, #tpu.memory_space<semaphore_mem>>
        %dma_start3A_80 = arith.constant 0 : i32
        %dma_start3A_81 = tpu.memref_slice %arg2[%add3A_58, %dma_start3A_80] : memref<2560x128xi32, #tpu.memory_space<hbm>> -> memref<40x128xi32, #tpu.memory_space<hbm>>
        %dma_start3A_82 = arith.constant 0 : i32
        %dma_start3A_83 = tpu.memref_slice %arg2[%add3A_58, %dma_start3A_82] : memref<2560x128xi32, #tpu.memory_space<hbm>> -> memref<40x128xi32, #tpu.memory_space<hbm>>
        tpu.enqueue_dma source(%dma_start3A_83 : memref<40x128xi32, #tpu.memory_space<hbm>>) target(%arg6 : memref<40x128xi32, #tpu.memory_space<vmem>>) target_semaphore(%run_scoped3A : memref<!tpu.dma_semaphore, #tpu.memory_space<semaphore_mem>>)
        %dma_wait3A = arith.constant 0 : i32
        %dma_wait3A_84 = tpu.memref_slice %arg2[%add3A_58, %dma_wait3A] : memref<2560x128xi32, #tpu.memory_space<hbm>> -> memref<40x128xi32, #tpu.memory_space<hbm>>
        %dma_wait3A_85 = arith.constant 0 : i32
        %dma_wait3A_86 = tpu.memref_slice %arg2[%add3A_58, %dma_wait3A_85] : memref<2560x128xi32, #tpu.memory_space<hbm>> -> memref<40x128xi32, #tpu.memory_space<hbm>>
        tpu.wait_dma2 semaphore(%run_scoped3A : memref<!tpu.dma_semaphore, #tpu.memory_space<semaphore_mem>>) src(%dma_wait3A_86 : memref<40x128xi32, #tpu.memory_space<hbm>>) dst(%arg6 : memref<40x128xi32, #tpu.memory_space<vmem>>)
        tpu.yield
      }) : () -> ()
      %add3A_59 = arith.constant 80 : i32
      %add3A_60 = arith.addi %select_n3A, %add3A_59 : i32
      "tpu.region"() ({
        %run_scoped3A = tpu.sem_alloc : memref<!tpu.dma_semaphore, #tpu.memory_space<semaphore_mem>>
        %dma_start3A_80 = arith.constant 0 : i32
        %dma_start3A_81 = tpu.memref_slice %arg3[%add3A_60, %dma_start3A_80] : memref<2560x128xi32, #tpu.memory_space<hbm>> -> memref<40x128xi32, #tpu.memory_space<hbm>>
        %dma_start3A_82 = arith.constant 0 : i32
        %dma_start3A_83 = tpu.memref_slice %arg3[%add3A_60, %dma_start3A_82] : memref<2560x128xi32, #tpu.memory_space<hbm>> -> memref<40x128xi32, #tpu.memory_space<hbm>>
        tpu.enqueue_dma source(%dma_start3A_83 : memref<40x128xi32, #tpu.memory_space<hbm>>) target(%arg7 : memref<40x128xi32, #tpu.memory_space<vmem>>) target_semaphore(%run_scoped3A : memref<!tpu.dma_semaphore, #tpu.memory_space<semaphore_mem>>)
        %dma_wait3A = arith.constant 0 : i32
        %dma_wait3A_84 = tpu.memref_slice %arg3[%add3A_60, %dma_wait3A] : memref<2560x128xi32, #tpu.memory_space<hbm>> -> memref<40x128xi32, #tpu.memory_space<hbm>>
        %dma_wait3A_85 = arith.constant 0 : i32
        %dma_wait3A_86 = tpu.memref_slice %arg3[%add3A_60, %dma_wait3A_85] : memref<2560x128xi32, #tpu.memory_space<hbm>> -> memref<40x128xi32, #tpu.memory_space<hbm>>
        tpu.wait_dma2 semaphore(%run_scoped3A : memref<!tpu.dma_semaphore, #tpu.memory_space<semaphore_mem>>) src(%dma_wait3A_86 : memref<40x128xi32, #tpu.memory_space<hbm>>) dst(%arg7 : memref<40x128xi32, #tpu.memory_space<vmem>>)
        tpu.yield
      }) : () -> ()
      %dma_start3A = arith.constant 0 : i32
      %dma_start3A_61 = arith.constant 0 : i32
      %dma_start3A_62 = tpu.memref_slice %arg6[%dma_start3A, %dma_start3A_61] : memref<40x128xi32, #tpu.memory_space<vmem>> -> memref<1x128xi32, #tpu.memory_space<vmem>>
      %dma_start3A_63 = tpu.memref_squeeze %dma_start3A_62 : memref<1x128xi32, #tpu.memory_space<vmem>> -> memref<128xi32, #tpu.memory_space<vmem>>
      %dma_start3A_64 = arith.constant 0 : i32
      %dma_start3A_65 = arith.constant 0 : i32
      %dma_start3A_66 = tpu.memref_slice %arg4[%dma_start3A_64, %dma_start3A_65] : memref<10000x128xf32, #tpu.memory_space<hbm>> -> memref<10000x128xf32, #tpu.memory_space<hbm>>
      tpu.enqueue_indirect_dma source(%dma_start3A_66 : memref<10000x128xf32, #tpu.memory_space<hbm>>) target(%arg8 : memref<128x128xf32, #tpu.memory_space<vmem>>) offsets(%dma_start3A_63 : memref<128xi32, #tpu.memory_space<vmem>>) semaphore(%arg10 : memref<!tpu.dma_semaphore, #tpu.memory_space<semaphore_mem>>)
      %dma_start3A_67 = arith.constant 1 : i32
      %dma_start3A_68 = arith.constant 0 : i32
      %dma_start3A_69 = tpu.memref_slice %arg6[%dma_start3A_67, %dma_start3A_68] : memref<40x128xi32, #tpu.memory_space<vmem>> -> memref<1x128xi32, #tpu.memory_space<vmem>>
      %dma_start3A_70 = tpu.memref_squeeze %dma_start3A_69 : memref<1x128xi32, #tpu.memory_space<vmem>> -> memref<128xi32, #tpu.memory_space<vmem>>
      %dma_start3A_71 = arith.constant 0 : i32
      %dma_start3A_72 = arith.constant 0 : i32
      %dma_start3A_73 = tpu.memref_slice %arg4[%dma_start3A_71, %dma_start3A_72] : memref<10000x128xf32, #tpu.memory_space<hbm>> -> memref<10000x128xf32, #tpu.memory_space<hbm>>
      tpu.enqueue_indirect_dma source(%dma_start3A_73 : memref<10000x128xf32, #tpu.memory_space<hbm>>) target(%arg9 : memref<128x128xf32, #tpu.memory_space<vmem>>) offsets(%dma_start3A_70 : memref<128xi32, #tpu.memory_space<vmem>>) semaphore(%arg11 : memref<!tpu.dma_semaphore, #tpu.memory_space<semaphore_mem>>)
      %scan3A_74 = arith.constant 0 : i32
      %scan3A_75 = arith.constant 0 : i32
      %scan3A_76 = arith.constant 20 : i32
      %scan3A_77 = arith.addi %scan3A_75, %scan3A_76 : i32
      %scan3A_78 = arith.constant 1 : i32
      scf.for %scan3A_80 = %scan3A_75 to %scan3A_77 step %scan3A_78  : i32 {
        %mul3A_81 = arith.constant 2 : i32
        %mul3A_82 = arith.muli %mul3A_81, %scan3A_80 : i32
        %dma_wait3A = arith.constant 0 : i32
        %dma_wait3A_83 = arith.constant 0 : i32
        %dma_wait3A_84 = tpu.memref_slice %arg6[%dma_wait3A, %dma_wait3A_83] : memref<40x128xi32, #tpu.memory_space<vmem>> -> memref<1x128xi32, #tpu.memory_space<vmem>>
        %dma_wait3A_85 = tpu.memref_squeeze %dma_wait3A_84 : memref<1x128xi32, #tpu.memory_space<vmem>> -> memref<128xi32, #tpu.memory_space<vmem>>
        %dma_wait3A_86 = arith.constant 0 : i32
        %dma_wait3A_87 = arith.constant 0 : i32
        %dma_wait3A_88 = tpu.memref_slice %arg4[%dma_wait3A_86, %dma_wait3A_87] : memref<10000x128xf32, #tpu.memory_space<hbm>> -> memref<10000x128xf32, #tpu.memory_space<hbm>>
        tpu.wait_indirect_dma semaphore(%arg10 : memref<!tpu.dma_semaphore, #tpu.memory_space<semaphore_mem>>) src(%dma_wait3A_88 : memref<10000x128xf32, #tpu.memory_space<hbm>>) dst(%arg8 : memref<128x128xf32, #tpu.memory_space<vmem>>)
        "tpu.region"() ({
          %run_scoped3A = tpu.sem_alloc : memref<!tpu.dma_semaphore, #tpu.memory_space<semaphore_mem>>
          %dma_start3A_109 = arith.constant 0 : i32
          %dma_start3A_110 = tpu.memref_slice %arg7[%mul3A_82, %dma_start3A_109] : memref<40x128xi32, #tpu.memory_space<vmem>> -> memref<1x128xi32, #tpu.memory_space<vmem>>
          %dma_start3A_111 = tpu.memref_squeeze %dma_start3A_110 : memref<1x128xi32, #tpu.memory_space<vmem>> -> memref<128xi32, #tpu.memory_space<vmem>>
          %dma_start3A_112 = arith.constant 0 : i32
          %dma_start3A_113 = arith.constant 0 : i32
          %dma_start3A_114 = tpu.memref_slice %arg12[%dma_start3A_112, %dma_start3A_113] : memref<10240x128xf32, #tpu.memory_space<vmem_shared>> -> memref<10240x128xf32, #tpu.memory_space<vmem_shared>>
          tpu.enqueue_indirect_dma source(%arg8 : memref<128x128xf32, #tpu.memory_space<vmem>>) target(%dma_start3A_114 : memref<10240x128xf32, #tpu.memory_space<vmem_shared>>) offsets(%dma_start3A_111 : memref<128xi32, #tpu.memory_space<vmem>>) semaphore(%run_scoped3A : memref<!tpu.dma_semaphore, #tpu.memory_space<semaphore_mem>>) {add = true}
          %dma_wait3A_115 = arith.constant 0 : i32
          %dma_wait3A_116 = tpu.memref_slice %arg7[%mul3A_82, %dma_wait3A_115] : memref<40x128xi32, #tpu.memory_space<vmem>> -> memref<1x128xi32, #tpu.memory_space<vmem>>
          %dma_wait3A_117 = tpu.memref_squeeze %dma_wait3A_116 : memref<1x128xi32, #tpu.memory_space<vmem>> -> memref<128xi32, #tpu.memory_space<vmem>>
          %dma_wait3A_118 = arith.constant 0 : i32
          %dma_wait3A_119 = arith.constant 0 : i32
          %dma_wait3A_120 = tpu.memref_slice %arg12[%dma_wait3A_118, %dma_wait3A_119] : memref<10240x128xf32, #tpu.memory_space<vmem_shared>> -> memref<10240x128xf32, #tpu.memory_space<vmem_shared>>
          tpu.wait_indirect_dma semaphore(%run_scoped3A : memref<!tpu.dma_semaphore, #tpu.memory_space<semaphore_mem>>) src(%arg8 : memref<128x128xf32, #tpu.memory_space<vmem>>) dst(%dma_wait3A_120 : memref<10240x128xf32, #tpu.memory_space<vmem_shared>>)
          tpu.yield
        }) : () -> ()
        %lt3A = arith.constant 19 : i32
        %lt3A_89 = arith.cmpi slt, %scan3A_80, %lt3A : i32
        %convert_element_type3A_90 = arith.extui %lt3A_89 : i1 to i32
        %cond3A_91 = arith.constant 0 : i32
        %cond3A_92 = arith.cmpi ne, %convert_element_type3A_90, %cond3A_91 : i32
        scf.if %cond3A_92 {
          %add3A_109 = arith.constant 2 : i32
          %add3A_110 = arith.addi %mul3A_82, %add3A_109 : i32
          %dma_start3A_111 = arith.constant 0 : i32
          %dma_start3A_112 = tpu.memref_slice %arg6[%add3A_110, %dma_start3A_111] : memref<40x128xi32, #tpu.memory_space<vmem>> -> memref<1x128xi32, #tpu.memory_space<vmem>>
          %dma_start3A_113 = tpu.memref_squeeze %dma_start3A_112 : memref<1x128xi32, #tpu.memory_space<vmem>> -> memref<128xi32, #tpu.memory_space<vmem>>
          %dma_start3A_114 = arith.constant 0 : i32
          %dma_start3A_115 = arith.constant 0 : i32
          %dma_start3A_116 = tpu.memref_slice %arg4[%dma_start3A_114, %dma_start3A_115] : memref<10000x128xf32, #tpu.memory_space<hbm>> -> memref<10000x128xf32, #tpu.memory_space<hbm>>
          tpu.enqueue_indirect_dma source(%dma_start3A_116 : memref<10000x128xf32, #tpu.memory_space<hbm>>) target(%arg8 : memref<128x128xf32, #tpu.memory_space<vmem>>) offsets(%dma_start3A_113 : memref<128xi32, #tpu.memory_space<vmem>>) semaphore(%arg10 : memref<!tpu.dma_semaphore, #tpu.memory_space<semaphore_mem>>)
        } else {
        }
        %mul3A_93 = arith.constant 2 : i32
        %mul3A_94 = arith.muli %mul3A_93, %scan3A_80 : i32
        %add3A_95 = arith.constant 1 : i32
        %add3A_96 = arith.addi %mul3A_94, %add3A_95 : i32
        %dma_wait3A_97 = arith.constant 0 : i32
        %dma_wait3A_98 = arith.constant 0 : i32
        %dma_wait3A_99 = tpu.memref_slice %arg6[%dma_wait3A_97, %dma_wait3A_98] : memref<40x128xi32, #tpu.memory_space<vmem>> -> memref<1x128xi32, #tpu.memory_space<vmem>>
        %dma_wait3A_100 = tpu.memref_squeeze %dma_wait3A_99 : memref<1x128xi32, #tpu.memory_space<vmem>> -> memref<128xi32, #tpu.memory_space<vmem>>
        %dma_wait3A_101 = arith.constant 0 : i32
        %dma_wait3A_102 = arith.constant 0 : i32
        %dma_wait3A_103 = tpu.memref_slice %arg4[%dma_wait3A_101, %dma_wait3A_102] : memref<10000x128xf32, #tpu.memory_space<hbm>> -> memref<10000x128xf32, #tpu.memory_space<hbm>>
        tpu.wait_indirect_dma semaphore(%arg11 : memref<!tpu.dma_semaphore, #tpu.memory_space<semaphore_mem>>) src(%dma_wait3A_103 : memref<10000x128xf32, #tpu.memory_space<hbm>>) dst(%arg9 : memref<128x128xf32, #tpu.memory_space<vmem>>)
        "tpu.region"() ({
          %run_scoped3A = tpu.sem_alloc : memref<!tpu.dma_semaphore, #tpu.memory_space<semaphore_mem>>
          %dma_start3A_109 = arith.constant 0 : i32
          %dma_start3A_110 = tpu.memref_slice %arg7[%add3A_96, %dma_start3A_109] : memref<40x128xi32, #tpu.memory_space<vmem>> -> memref<1x128xi32, #tpu.memory_space<vmem>>
          %dma_start3A_111 = tpu.memref_squeeze %dma_start3A_110 : memref<1x128xi32, #tpu.memory_space<vmem>> -> memref<128xi32, #tpu.memory_space<vmem>>
          %dma_start3A_112 = arith.constant 0 : i32
          %dma_start3A_113 = arith.constant 0 : i32
          %dma_start3A_114 = tpu.memref_slice %arg12[%dma_start3A_112, %dma_start3A_113] : memref<10240x128xf32, #tpu.memory_space<vmem_shared>> -> memref<10240x128xf32, #tpu.memory_space<vmem_shared>>
          tpu.enqueue_indirect_dma source(%arg9 : memref<128x128xf32, #tpu.memory_space<vmem>>) target(%dma_start3A_114 : memref<10240x128xf32, #tpu.memory_space<vmem_shared>>) offsets(%dma_start3A_111 : memref<128xi32, #tpu.memory_space<vmem>>) semaphore(%run_scoped3A : memref<!tpu.dma_semaphore, #tpu.memory_space<semaphore_mem>>) {add = true}
          %dma_wait3A_115 = arith.constant 0 : i32
          %dma_wait3A_116 = tpu.memref_slice %arg7[%add3A_96, %dma_wait3A_115] : memref<40x128xi32, #tpu.memory_space<vmem>> -> memref<1x128xi32, #tpu.memory_space<vmem>>
          %dma_wait3A_117 = tpu.memref_squeeze %dma_wait3A_116 : memref<1x128xi32, #tpu.memory_space<vmem>> -> memref<128xi32, #tpu.memory_space<vmem>>
          %dma_wait3A_118 = arith.constant 0 : i32
          %dma_wait3A_119 = arith.constant 0 : i32
          %dma_wait3A_120 = tpu.memref_slice %arg12[%dma_wait3A_118, %dma_wait3A_119] : memref<10240x128xf32, #tpu.memory_space<vmem_shared>> -> memref<10240x128xf32, #tpu.memory_space<vmem_shared>>
          tpu.wait_indirect_dma semaphore(%run_scoped3A : memref<!tpu.dma_semaphore, #tpu.memory_space<semaphore_mem>>) src(%arg9 : memref<128x128xf32, #tpu.memory_space<vmem>>) dst(%dma_wait3A_120 : memref<10240x128xf32, #tpu.memory_space<vmem_shared>>)
          tpu.yield
        }) : () -> ()
        %lt3A_104 = arith.constant 19 : i32
        %lt3A_105 = arith.cmpi slt, %scan3A_80, %lt3A_104 : i32
        %convert_element_type3A_106 = arith.extui %lt3A_105 : i1 to i32
        %cond3A_107 = arith.constant 0 : i32
        %cond3A_108 = arith.cmpi ne, %convert_element_type3A_106, %cond3A_107 : i32
        scf.if %cond3A_108 {
          %add3A_109 = arith.constant 2 : i32
          %add3A_110 = arith.addi %add3A_96, %add3A_109 : i32
          %dma_start3A_111 = arith.constant 0 : i32
          %dma_start3A_112 = tpu.memref_slice %arg6[%add3A_110, %dma_start3A_111] : memref<40x128xi32, #tpu.memory_space<vmem>> -> memref<1x128xi32, #tpu.memory_space<vmem>>
          %dma_start3A_113 = tpu.memref_squeeze %dma_start3A_112 : memref<1x128xi32, #tpu.memory_space<vmem>> -> memref<128xi32, #tpu.memory_space<vmem>>
          %dma_start3A_114 = arith.constant 0 : i32
          %dma_start3A_115 = arith.constant 0 : i32
          %dma_start3A_116 = tpu.memref_slice %arg4[%dma_start3A_114, %dma_start3A_115] : memref<10000x128xf32, #tpu.memory_space<hbm>> -> memref<10000x128xf32, #tpu.memory_space<hbm>>
          tpu.enqueue_indirect_dma source(%dma_start3A_116 : memref<10000x128xf32, #tpu.memory_space<hbm>>) target(%arg9 : memref<128x128xf32, #tpu.memory_space<vmem>>) offsets(%dma_start3A_113 : memref<128xi32, #tpu.memory_space<vmem>>) semaphore(%arg11 : memref<!tpu.dma_semaphore, #tpu.memory_space<semaphore_mem>>)
        } else {
        }
      }
      %scan3A_79 = arith.constant 20 : i32
    } else {
    }
    %barrier3A_49 = arith.constant 0 : index
    tpu.barrier barrier_id(%barrier3A_49)
    %mul3A_50 = arith.constant 640 : i32
    %mul3A_51 = arith.muli %arg1, %mul3A_50 : i32
    %mul3A_52 = arith.constant 10240 : i32
    %mul3A_53 = arith.muli %arg0, %mul3A_52 : i32
    %mul3A_54 = arith.constant 640 : i32
    %mul3A_55 = arith.muli %arg1, %mul3A_54 : i32
    %add3A_56 = arith.addi %mul3A_53, %mul3A_55 : i32
    "tpu.region"() ({
      %run_scoped3A = tpu.sem_alloc : memref<!tpu.dma_semaphore, #tpu.memory_space<semaphore_mem>>
      %dma_start3A = arith.constant 0 : i32
      %dma_start3A_57 = tpu.memref_slice %arg5[%add3A_56, %dma_start3A] : memref<20480x128xf32, #tpu.memory_space<hbm>> -> memref<640x128xf32, #tpu.memory_space<hbm>>
      %dma_start3A_58 = arith.constant 0 : i32
      %dma_start3A_59 = tpu.memref_slice %arg12[%mul3A_51, %dma_start3A_58] : memref<10240x128xf32, #tpu.memory_space<vmem_shared>> -> memref<640x128xf32, #tpu.memory_space<vmem_shared>>
      tpu.enqueue_dma source(%dma_start3A_59 : memref<640x128xf32, #tpu.memory_space<vmem_shared>>) target(%dma_start3A_57 : memref<640x128xf32, #tpu.memory_space<hbm>>) target_semaphore(%run_scoped3A : memref<!tpu.dma_semaphore, #tpu.memory_space<semaphore_mem>>)
      %dma_wait3A = arith.constant 0 : i32
      %dma_wait3A_60 = tpu.memref_slice %arg5[%add3A_56, %dma_wait3A] : memref<20480x128xf32, #tpu.memory_space<hbm>> -> memref<640x128xf32, #tpu.memory_space<hbm>>
      %dma_wait3A_61 = arith.constant 0 : i32
      %dma_wait3A_62 = tpu.memref_slice %arg12[%mul3A_51, %dma_wait3A_61] : memref<10240x128xf32, #tpu.memory_space<vmem_shared>> -> memref<640x128xf32, #tpu.memory_space<vmem_shared>>
      tpu.wait_dma2 semaphore(%run_scoped3A : memref<!tpu.dma_semaphore, #tpu.memory_space<semaphore_mem>>) src(%dma_wait3A_62 : memref<640x128xf32, #tpu.memory_space<vmem_shared>>) dst(%dma_wait3A_60 : memref<640x128xf32, #tpu.memory_space<hbm>>)
      tpu.yield
    }) : () -> ()
    return
  }
}

#map = affine_map<(d0, d1) -> (0, 0)>
module attributes {stable_mosaic.version = 14 : i64} {
  func.func @_seg_sum_body(%arg0: i32, %arg1: i32, %arg2: memref<2560x128xi32, #tpu.memory_space<hbm>>, %arg3: memref<2560x128xi32, #tpu.memory_space<hbm>>, %arg4: memref<10000x128xf32, #tpu.memory_space<hbm>>, %arg5: memref<20480x128xf32, #tpu.memory_space<hbm>>, %arg6: memref<40x128xi32, #tpu.memory_space<vmem>>, %arg7: memref<40x128xi32, #tpu.memory_space<vmem>>, %arg8: memref<128x128xf32, #tpu.memory_space<vmem>>, %arg9: memref<128x128xf32, #tpu.memory_space<vmem>>, %arg10: memref<!tpu.dma_semaphore, #tpu.memory_space<semaphore_mem>>, %arg11: memref<!tpu.dma_semaphore, #tpu.memory_space<semaphore_mem>>, %arg12: memref<10240x128xf32, #tpu.memory_space<vmem_shared>>) attributes {dimension_semantics = [#tpu.dimension_semantics<core_parallel>, #tpu.dimension_semantics<subcore_parallel>], iteration_bounds = array<i64: 2, 16>, scalar_prefetch = 0 : i64, scratch_operands = 7 : i64, tpu.core_type = #tpu.core_type<sc_vector_subcore>, window_params = [{transform_indices = #map}, {transform_indices = #map}, {transform_indices = #map}, {transform_indices = #map}]} {
    %broadcast_in_dim3A = arith.constant 0.000000e+00 : f32
    %broadcast_in_dim3A_0 = vector.broadcast %broadcast_in_dim3A : f32 to vector<16xf32>
    %broadcast_in_dim3A_1 = arith.constant 1.000000e+00 : f32
    %broadcast_in_dim3A_2 = vector.broadcast %broadcast_in_dim3A_1 : f32 to vector<16xf32>
    %scan3A = arith.constant 0 : i32
    %scan3A_3 = arith.constant 0 : i32
    %scan3A_4 = arith.constant 128 : i32
    %scan3A_5 = arith.addi %scan3A_3, %scan3A_4 : i32
    %scan3A_6 = arith.constant 1 : i32
    scf.for %scan3A_57 = %scan3A_3 to %scan3A_5 step %scan3A_6  : i32 {
      %swap3A = arith.index_cast %scan3A_57 : i32 to index
      %swap3A_58 = arith.constant 0 : index
      %swap3A_59 = tpu.vector_load %arg8[%swap3A, %swap3A_58] {strides = array<i32>} : memref<128x128xf32, #tpu.memory_space<vmem>>, vector<1x16xf32>,
      %swap3A_60 = vector.shape_cast %swap3A_59 : vector<1x16xf32> to vector<16xf32>
      %swap3A_61 = vector.shape_cast %broadcast_in_dim3A_0 : vector<16xf32> to vector<1x16xf32>
      tpu.vector_store %arg8[%swap3A, %swap3A_58], %swap3A_61 {strides = array<i32>} : memref<128x128xf32, #tpu.memory_space<vmem>>, vector<1x16xf32>,
      %swap3A_62 = arith.index_cast %scan3A_57 : i32 to index
      %swap3A_63 = arith.constant 16 : index
      %swap3A_64 = tpu.vector_load %arg8[%swap3A_62, %swap3A_63] {strides = array<i32>} : memref<128x128xf32, #tpu.memory_space<vmem>>, vector<1x16xf32>,
      %swap3A_65 = vector.shape_cast %swap3A_64 : vector<1x16xf32> to vector<16xf32>
      %swap3A_66 = vector.shape_cast %broadcast_in_dim3A_0 : vector<16xf32> to vector<1x16xf32>
      tpu.vector_store %arg8[%swap3A_62, %swap3A_63], %swap3A_66 {strides = array<i32>} : memref<128x128xf32, #tpu.memory_space<vmem>>, vector<1x16xf32>,
      %swap3A_67 = arith.index_cast %scan3A_57 : i32 to index
      %swap3A_68 = arith.constant 32 : index
      %swap3A_69 = tpu.vector_load %arg8[%swap3A_67, %swap3A_68] {strides = array<i32>} : memref<128x128xf32, #tpu.memory_space<vmem>>, vector<1x16xf32>,
      %swap3A_70 = vector.shape_cast %swap3A_69 : vector<1x16xf32> to vector<16xf32>
      %swap3A_71 = vector.shape_cast %broadcast_in_dim3A_0 : vector<16xf32> to vector<1x16xf32>
      tpu.vector_store %arg8[%swap3A_67, %swap3A_68], %swap3A_71 {strides = array<i32>} : memref<128x128xf32, #tpu.memory_space<vmem>>, vector<1x16xf32>,
      %swap3A_72 = arith.index_cast %scan3A_57 : i32 to index
      %swap3A_73 = arith.constant 48 : index
      %swap3A_74 = tpu.vector_load %arg8[%swap3A_72, %swap3A_73] {strides = array<i32>} : memref<128x128xf32, #tpu.memory_space<vmem>>, vector<1x16xf32>,
      %swap3A_75 = vector.shape_cast %swap3A_74 : vector<1x16xf32> to vector<16xf32>
      %swap3A_76 = vector.shape_cast %broadcast_in_dim3A_0 : vector<16xf32> to vector<1x16xf32>
      tpu.vector_store %arg8[%swap3A_72, %swap3A_73], %swap3A_76 {strides = array<i32>} : memref<128x128xf32, #tpu.memory_space<vmem>>, vector<1x16xf32>,
      %swap3A_77 = arith.index_cast %scan3A_57 : i32 to index
      %swap3A_78 = arith.constant 64 : index
      %swap3A_79 = tpu.vector_load %arg8[%swap3A_77, %swap3A_78] {strides = array<i32>} : memref<128x128xf32, #tpu.memory_space<vmem>>, vector<1x16xf32>,
      %swap3A_80 = vector.shape_cast %swap3A_79 : vector<1x16xf32> to vector<16xf32>
      %swap3A_81 = vector.shape_cast %broadcast_in_dim3A_0 : vector<16xf32> to vector<1x16xf32>
      tpu.vector_store %arg8[%swap3A_77, %swap3A_78], %swap3A_81 {strides = array<i32>} : memref<128x128xf32, #tpu.memory_space<vmem>>, vector<1x16xf32>,
      %swap3A_82 = arith.index_cast %scan3A_57 : i32 to index
      %swap3A_83 = arith.constant 80 : index
      %swap3A_84 = tpu.vector_load %arg8[%swap3A_82, %swap3A_83] {strides = array<i32>} : memref<128x128xf32, #tpu.memory_space<vmem>>, vector<1x16xf32>,
      %swap3A_85 = vector.shape_cast %swap3A_84 : vector<1x16xf32> to vector<16xf32>
      %swap3A_86 = vector.shape_cast %broadcast_in_dim3A_0 : vector<16xf32> to vector<1x16xf32>
      tpu.vector_store %arg8[%swap3A_82, %swap3A_83], %swap3A_86 {strides = array<i32>} : memref<128x128xf32, #tpu.memory_space<vmem>>, vector<1x16xf32>,
      %swap3A_87 = arith.index_cast %scan3A_57 : i32 to index
      %swap3A_88 = arith.constant 96 : index
      %swap3A_89 = tpu.vector_load %arg8[%swap3A_87, %swap3A_88] {strides = array<i32>} : memref<128x128xf32, #tpu.memory_space<vmem>>, vector<1x16xf32>,
      %swap3A_90 = vector.shape_cast %swap3A_89 : vector<1x16xf32> to vector<16xf32>
      %swap3A_91 = vector.shape_cast %broadcast_in_dim3A_0 : vector<16xf32> to vector<1x16xf32>
      tpu.vector_store %arg8[%swap3A_87, %swap3A_88], %swap3A_91 {strides = array<i32>} : memref<128x128xf32, #tpu.memory_space<vmem>>, vector<1x16xf32>,
      %swap3A_92 = arith.index_cast %scan3A_57 : i32 to index
      %swap3A_93 = arith.constant 112 : index
      %swap3A_94 = tpu.vector_load %arg8[%swap3A_92, %swap3A_93] {strides = array<i32>} : memref<128x128xf32, #tpu.memory_space<vmem>>, vector<1x16xf32>,
      %swap3A_95 = vector.shape_cast %swap3A_94 : vector<1x16xf32> to vector<16xf32>
      %swap3A_96 = vector.shape_cast %broadcast_in_dim3A_0 : vector<16xf32> to vector<1x16xf32>
      tpu.vector_store %arg8[%swap3A_92, %swap3A_93], %swap3A_96 {strides = array<i32>} : memref<128x128xf32, #tpu.memory_space<vmem>>, vector<1x16xf32>,
    }
    %scan3A_7 = arith.constant 128 : i32
    %mul3A = arith.constant 640 : i32
    %mul3A_8 = arith.muli %arg1, %mul3A : i32
    %add3A = arith.constant 0 : i32
    %add3A_9 = arith.addi %mul3A_8, %add3A : i32
    "tpu.region"() ({
      %run_scoped3A = tpu.sem_alloc : memref<!tpu.dma_semaphore, #tpu.memory_space<semaphore_mem>>
      %dma_start3A = arith.constant 0 : i32
      %dma_start3A_57 = tpu.memref_slice %arg12[%add3A_9, %dma_start3A] : memref<10240x128xf32, #tpu.memory_space<vmem_shared>> -> memref<128x128xf32, #tpu.memory_space<vmem_shared>>
      %dma_start3A_58 = arith.constant 0 : i32
      %dma_start3A_59 = tpu.memref_slice %arg12[%add3A_9, %dma_start3A_58] : memref<10240x128xf32, #tpu.memory_space<vmem_shared>> -> memref<128x128xf32, #tpu.memory_space<vmem_shared>>
      tpu.enqueue_dma source(%arg8 : memref<128x128xf32, #tpu.memory_space<vmem>>) target(%dma_start3A_59 : memref<128x128xf32, #tpu.memory_space<vmem_shared>>) target_semaphore(%run_scoped3A : memref<!tpu.dma_semaphore, #tpu.memory_space<semaphore_mem>>)
      %dma_wait3A = arith.constant 0 : i32
      %dma_wait3A_60 = tpu.memref_slice %arg12[%add3A_9, %dma_wait3A] : memref<10240x128xf32, #tpu.memory_space<vmem_shared>> -> memref<128x128xf32, #tpu.memory_space<vmem_shared>>
      %dma_wait3A_61 = arith.constant 0 : i32
      %dma_wait3A_62 = tpu.memref_slice %arg12[%add3A_9, %dma_wait3A_61] : memref<10240x128xf32, #tpu.memory_space<vmem_shared>> -> memref<128x128xf32, #tpu.memory_space<vmem_shared>>
      tpu.wait_dma2 semaphore(%run_scoped3A : memref<!tpu.dma_semaphore, #tpu.memory_space<semaphore_mem>>) src(%arg8 : memref<128x128xf32, #tpu.memory_space<vmem>>) dst(%dma_wait3A_62 : memref<128x128xf32, #tpu.memory_space<vmem_shared>>)
      tpu.yield
    }) : () -> ()
    %mul3A_10 = arith.constant 640 : i32
    %mul3A_11 = arith.muli %arg1, %mul3A_10 : i32
    %add3A_12 = arith.constant 128 : i32
    %add3A_13 = arith.addi %mul3A_11, %add3A_12 : i32
    "tpu.region"() ({
      %run_scoped3A = tpu.sem_alloc : memref<!tpu.dma_semaphore, #tpu.memory_space<semaphore_mem>>
      %dma_start3A = arith.constant 0 : i32
      %dma_start3A_57 = tpu.memref_slice %arg12[%add3A_13, %dma_start3A] : memref<10240x128xf32, #tpu.memory_space<vmem_shared>> -> memref<128x128xf32, #tpu.memory_space<vmem_shared>>
      %dma_start3A_58 = arith.constant 0 : i32
      %dma_start3A_59 = tpu.memref_slice %arg12[%add3A_13, %dma_start3A_58] : memref<10240x128xf32, #tpu.memory_space<vmem_shared>> -> memref<128x128xf32, #tpu.memory_space<vmem_shared>>
      tpu.enqueue_dma source(%arg8 : memref<128x128xf32, #tpu.memory_space<vmem>>) target(%dma_start3A_59 : memref<128x128xf32, #tpu.memory_space<vmem_shared>>) target_semaphore(%run_scoped3A : memref<!tpu.dma_semaphore, #tpu.memory_space<semaphore_mem>>)
      %dma_wait3A = arith.constant 0 : i32
      %dma_wait3A_60 = tpu.memref_slice %arg12[%add3A_13, %dma_wait3A] : memref<10240x128xf32, #tpu.memory_space<vmem_shared>> -> memref<128x128xf32, #tpu.memory_space<vmem_shared>>
      %dma_wait3A_61 = arith.constant 0 : i32
      %dma_wait3A_62 = tpu.memref_slice %arg12[%add3A_13, %dma_wait3A_61] : memref<10240x128xf32, #tpu.memory_space<vmem_shared>> -> memref<128x128xf32, #tpu.memory_space<vmem_shared>>
      tpu.wait_dma2 semaphore(%run_scoped3A : memref<!tpu.dma_semaphore, #tpu.memory_space<semaphore_mem>>) src(%arg8 : memref<128x128xf32, #tpu.memory_space<vmem>>) dst(%dma_wait3A_62 : memref<128x128xf32, #tpu.memory_space<vmem_shared>>)
      tpu.yield
    }) : () -> ()
    %mul3A_14 = arith.constant 640 : i32
    %mul3A_15 = arith.muli %arg1, %mul3A_14 : i32
    %add3A_16 = arith.constant 256 : i32
    %add3A_17 = arith.addi %mul3A_15, %add3A_16 : i32
    "tpu.region"() ({
      %run_scoped3A = tpu.sem_alloc : memref<!tpu.dma_semaphore, #tpu.memory_space<semaphore_mem>>
      %dma_start3A = arith.constant 0 : i32
      %dma_start3A_57 = tpu.memref_slice %arg12[%add3A_17, %dma_start3A] : memref<10240x128xf32, #tpu.memory_space<vmem_shared>> -> memref<128x128xf32, #tpu.memory_space<vmem_shared>>
      %dma_start3A_58 = arith.constant 0 : i32
      %dma_start3A_59 = tpu.memref_slice %arg12[%add3A_17, %dma_start3A_58] : memref<10240x128xf32, #tpu.memory_space<vmem_shared>> -> memref<128x128xf32, #tpu.memory_space<vmem_shared>>
      tpu.enqueue_dma source(%arg8 : memref<128x128xf32, #tpu.memory_space<vmem>>) target(%dma_start3A_59 : memref<128x128xf32, #tpu.memory_space<vmem_shared>>) target_semaphore(%run_scoped3A : memref<!tpu.dma_semaphore, #tpu.memory_space<semaphore_mem>>)
      %dma_wait3A = arith.constant 0 : i32
      %dma_wait3A_60 = tpu.memref_slice %arg12[%add3A_17, %dma_wait3A] : memref<10240x128xf32, #tpu.memory_space<vmem_shared>> -> memref<128x128xf32, #tpu.memory_space<vmem_shared>>
      %dma_wait3A_61 = arith.constant 0 : i32
      %dma_wait3A_62 = tpu.memref_slice %arg12[%add3A_17, %dma_wait3A_61] : memref<10240x128xf32, #tpu.memory_space<vmem_shared>> -> memref<128x128xf32, #tpu.memory_space<vmem_shared>>
      tpu.wait_dma2 semaphore(%run_scoped3A : memref<!tpu.dma_semaphore, #tpu.memory_space<semaphore_mem>>) src(%arg8 : memref<128x128xf32, #tpu.memory_space<vmem>>) dst(%dma_wait3A_62 : memref<128x128xf32, #tpu.memory_space<vmem_shared>>)
      tpu.yield
    }) : () -> ()
    %mul3A_18 = arith.constant 640 : i32
    %mul3A_19 = arith.muli %arg1, %mul3A_18 : i32
    %add3A_20 = arith.constant 384 : i32
    %add3A_21 = arith.addi %mul3A_19, %add3A_20 : i32
    "tpu.region"() ({
      %run_scoped3A = tpu.sem_alloc : memref<!tpu.dma_semaphore, #tpu.memory_space<semaphore_mem>>
      %dma_start3A = arith.constant 0 : i32
      %dma_start3A_57 = tpu.memref_slice %arg12[%add3A_21, %dma_start3A] : memref<10240x128xf32, #tpu.memory_space<vmem_shared>> -> memref<128x128xf32, #tpu.memory_space<vmem_shared>>
      %dma_start3A_58 = arith.constant 0 : i32
      %dma_start3A_59 = tpu.memref_slice %arg12[%add3A_21, %dma_start3A_58] : memref<10240x128xf32, #tpu.memory_space<vmem_shared>> -> memref<128x128xf32, #tpu.memory_space<vmem_shared>>
      tpu.enqueue_dma source(%arg8 : memref<128x128xf32, #tpu.memory_space<vmem>>) target(%dma_start3A_59 : memref<128x128xf32, #tpu.memory_space<vmem_shared>>) target_semaphore(%run_scoped3A : memref<!tpu.dma_semaphore, #tpu.memory_space<semaphore_mem>>)
      %dma_wait3A = arith.constant 0 : i32
      %dma_wait3A_60 = tpu.memref_slice %arg12[%add3A_21, %dma_wait3A] : memref<10240x128xf32, #tpu.memory_space<vmem_shared>> -> memref<128x128xf32, #tpu.memory_space<vmem_shared>>
      %dma_wait3A_61 = arith.constant 0 : i32
      %dma_wait3A_62 = tpu.memref_slice %arg12[%add3A_21, %dma_wait3A_61] : memref<10240x128xf32, #tpu.memory_space<vmem_shared>> -> memref<128x128xf32, #tpu.memory_space<vmem_shared>>
      tpu.wait_dma2 semaphore(%run_scoped3A : memref<!tpu.dma_semaphore, #tpu.memory_space<semaphore_mem>>) src(%arg8 : memref<128x128xf32, #tpu.memory_space<vmem>>) dst(%dma_wait3A_62 : memref<128x128xf32, #tpu.memory_space<vmem_shared>>)
      tpu.yield
    }) : () -> ()
    %mul3A_22 = arith.constant 640 : i32
    %mul3A_23 = arith.muli %arg1, %mul3A_22 : i32
    %add3A_24 = arith.constant 512 : i32
    %add3A_25 = arith.addi %mul3A_23, %add3A_24 : i32
    "tpu.region"() ({
      %run_scoped3A = tpu.sem_alloc : memref<!tpu.dma_semaphore, #tpu.memory_space<semaphore_mem>>
      %dma_start3A = arith.constant 0 : i32
      %dma_start3A_57 = tpu.memref_slice %arg12[%add3A_25, %dma_start3A] : memref<10240x128xf32, #tpu.memory_space<vmem_shared>> -> memref<128x128xf32, #tpu.memory_space<vmem_shared>>
      %dma_start3A_58 = arith.constant 0 : i32
      %dma_start3A_59 = tpu.memref_slice %arg12[%add3A_25, %dma_start3A_58] : memref<10240x128xf32, #tpu.memory_space<vmem_shared>> -> memref<128x128xf32, #tpu.memory_space<vmem_shared>>
      tpu.enqueue_dma source(%arg8 : memref<128x128xf32, #tpu.memory_space<vmem>>) target(%dma_start3A_59 : memref<128x128xf32, #tpu.memory_space<vmem_shared>>) target_semaphore(%run_scoped3A : memref<!tpu.dma_semaphore, #tpu.memory_space<semaphore_mem>>)
      %dma_wait3A = arith.constant 0 : i32
      %dma_wait3A_60 = tpu.memref_slice %arg12[%add3A_25, %dma_wait3A] : memref<10240x128xf32, #tpu.memory_space<vmem_shared>> -> memref<128x128xf32, #tpu.memory_space<vmem_shared>>
      %dma_wait3A_61 = arith.constant 0 : i32
      %dma_wait3A_62 = tpu.memref_slice %arg12[%add3A_25, %dma_wait3A_61] : memref<10240x128xf32, #tpu.memory_space<vmem_shared>> -> memref<128x128xf32, #tpu.memory_space<vmem_shared>>
      tpu.wait_dma2 semaphore(%run_scoped3A : memref<!tpu.dma_semaphore, #tpu.memory_space<semaphore_mem>>) src(%arg8 : memref<128x128xf32, #tpu.memory_space<vmem>>) dst(%dma_wait3A_62 : memref<128x128xf32, #tpu.memory_space<vmem_shared>>)
      tpu.yield
    }) : () -> ()
    %barrier3A = arith.constant 0 : index
    tpu.barrier barrier_id(%barrier3A)
    %eq3A = arith.constant 0 : i32
    %eq3A_26 = arith.cmpi eq, %arg0, %eq3A : i32
    %mul3A_27 = arith.constant 120 : i32
    %mul3A_28 = arith.muli %arg1, %mul3A_27 : i32
    %mul3A_29 = arith.constant 40 : i32
    %mul3A_30 = arith.muli %arg1, %mul3A_29 : i32
    %add3A_31 = arith.constant 1920 : i32
    %add3A_32 = arith.addi %add3A_31, %mul3A_30 : i32
    %select_n3A = arith.select %eq3A_26, %mul3A_28, %add3A_32 : i32
    %eq3A_33 = arith.constant 0 : i32
    %eq3A_34 = arith.cmpi eq, %arg0, %eq3A_33 : i32
    %jit3A = arith.constant 3 : i32
    %jit3A_35 = arith.constant 1 : i32
    %select_n3A_36 = arith.select %eq3A_34, %jit3A, %jit3A_35 : i32
    %gt3A = arith.constant 0 : i32
    %gt3A_37 = arith.cmpi sgt, %select_n3A_36, %gt3A : i32
    %convert_element_type3A = arith.extui %gt3A_37 : i1 to i32
    %cond3A = arith.constant 0 : i32
    %cond3A_38 = arith.cmpi ne, %convert_element_type3A, %cond3A : i32
    scf.if %cond3A_38 {
      %add3A_57 = arith.constant 0 : i32
      %add3A_58 = arith.addi %select_n3A, %add3A_57 : i32
      "tpu.region"() ({
        %run_scoped3A = tpu.sem_alloc : memref<!tpu.dma_semaphore, #tpu.memory_space<semaphore_mem>>
        %dma_start3A_80 = arith.constant 0 : i32
        %dma_start3A_81 = tpu.memref_slice %arg2[%add3A_58, %dma_start3A_80] : memref<2560x128xi32, #tpu.memory_space<hbm>> -> memref<40x128xi32, #tpu.memory_space<hbm>>
        %dma_start3A_82 = arith.constant 0 : i32
        %dma_start3A_83 = tpu.memref_slice %arg2[%add3A_58, %dma_start3A_82] : memref<2560x128xi32, #tpu.memory_space<hbm>> -> memref<40x128xi32, #tpu.memory_space<hbm>>
        tpu.enqueue_dma source(%dma_start3A_83 : memref<40x128xi32, #tpu.memory_space<hbm>>) target(%arg6 : memref<40x128xi32, #tpu.memory_space<vmem>>) target_semaphore(%run_scoped3A : memref<!tpu.dma_semaphore, #tpu.memory_space<semaphore_mem>>)
        %dma_wait3A = arith.constant 0 : i32
        %dma_wait3A_84 = tpu.memref_slice %arg2[%add3A_58, %dma_wait3A] : memref<2560x128xi32, #tpu.memory_space<hbm>> -> memref<40x128xi32, #tpu.memory_space<hbm>>
        %dma_wait3A_85 = arith.constant 0 : i32
        %dma_wait3A_86 = tpu.memref_slice %arg2[%add3A_58, %dma_wait3A_85] : memref<2560x128xi32, #tpu.memory_space<hbm>> -> memref<40x128xi32, #tpu.memory_space<hbm>>
        tpu.wait_dma2 semaphore(%run_scoped3A : memref<!tpu.dma_semaphore, #tpu.memory_space<semaphore_mem>>) src(%dma_wait3A_86 : memref<40x128xi32, #tpu.memory_space<hbm>>) dst(%arg6 : memref<40x128xi32, #tpu.memory_space<vmem>>)
        tpu.yield
      }) : () -> ()
      %add3A_59 = arith.constant 0 : i32
      %add3A_60 = arith.addi %select_n3A, %add3A_59 : i32
      "tpu.region"() ({
        %run_scoped3A = tpu.sem_alloc : memref<!tpu.dma_semaphore, #tpu.memory_space<semaphore_mem>>
        %dma_start3A_80 = arith.constant 0 : i32
        %dma_start3A_81 = tpu.memref_slice %arg3[%add3A_60, %dma_start3A_80] : memref<2560x128xi32, #tpu.memory_space<hbm>> -> memref<40x128xi32, #tpu.memory_space<hbm>>
        %dma_start3A_82 = arith.constant 0 : i32
        %dma_start3A_83 = tpu.memref_slice %arg3[%add3A_60, %dma_start3A_82] : memref<2560x128xi32, #tpu.memory_space<hbm>> -> memref<40x128xi32, #tpu.memory_space<hbm>>
        tpu.enqueue_dma source(%dma_start3A_83 : memref<40x128xi32, #tpu.memory_space<hbm>>) target(%arg7 : memref<40x128xi32, #tpu.memory_space<vmem>>) target_semaphore(%run_scoped3A : memref<!tpu.dma_semaphore, #tpu.memory_space<semaphore_mem>>)
        %dma_wait3A = arith.constant 0 : i32
        %dma_wait3A_84 = tpu.memref_slice %arg3[%add3A_60, %dma_wait3A] : memref<2560x128xi32, #tpu.memory_space<hbm>> -> memref<40x128xi32, #tpu.memory_space<hbm>>
        %dma_wait3A_85 = arith.constant 0 : i32
        %dma_wait3A_86 = tpu.memref_slice %arg3[%add3A_60, %dma_wait3A_85] : memref<2560x128xi32, #tpu.memory_space<hbm>> -> memref<40x128xi32, #tpu.memory_space<hbm>>
        tpu.wait_dma2 semaphore(%run_scoped3A : memref<!tpu.dma_semaphore, #tpu.memory_space<semaphore_mem>>) src(%dma_wait3A_86 : memref<40x128xi32, #tpu.memory_space<hbm>>) dst(%arg7 : memref<40x128xi32, #tpu.memory_space<vmem>>)
        tpu.yield
      }) : () -> ()
      %dma_start3A = arith.constant 0 : i32
      %dma_start3A_61 = arith.constant 0 : i32
      %dma_start3A_62 = tpu.memref_slice %arg6[%dma_start3A, %dma_start3A_61] : memref<40x128xi32, #tpu.memory_space<vmem>> -> memref<1x128xi32, #tpu.memory_space<vmem>>
      %dma_start3A_63 = tpu.memref_squeeze %dma_start3A_62 : memref<1x128xi32, #tpu.memory_space<vmem>> -> memref<128xi32, #tpu.memory_space<vmem>>
      %dma_start3A_64 = arith.constant 0 : i32
      %dma_start3A_65 = arith.constant 0 : i32
      %dma_start3A_66 = tpu.memref_slice %arg4[%dma_start3A_64, %dma_start3A_65] : memref<10000x128xf32, #tpu.memory_space<hbm>> -> memref<10000x128xf32, #tpu.memory_space<hbm>>
      tpu.enqueue_indirect_dma source(%dma_start3A_66 : memref<10000x128xf32, #tpu.memory_space<hbm>>) target(%arg8 : memref<128x128xf32, #tpu.memory_space<vmem>>) offsets(%dma_start3A_63 : memref<128xi32, #tpu.memory_space<vmem>>) semaphore(%arg10 : memref<!tpu.dma_semaphore, #tpu.memory_space<semaphore_mem>>)
      %dma_start3A_67 = arith.constant 1 : i32
      %dma_start3A_68 = arith.constant 0 : i32
      %dma_start3A_69 = tpu.memref_slice %arg6[%dma_start3A_67, %dma_start3A_68] : memref<40x128xi32, #tpu.memory_space<vmem>> -> memref<1x128xi32, #tpu.memory_space<vmem>>
      %dma_start3A_70 = tpu.memref_squeeze %dma_start3A_69 : memref<1x128xi32, #tpu.memory_space<vmem>> -> memref<128xi32, #tpu.memory_space<vmem>>
      %dma_start3A_71 = arith.constant 0 : i32
      %dma_start3A_72 = arith.constant 0 : i32
      %dma_start3A_73 = tpu.memref_slice %arg4[%dma_start3A_71, %dma_start3A_72] : memref<10000x128xf32, #tpu.memory_space<hbm>> -> memref<10000x128xf32, #tpu.memory_space<hbm>>
      tpu.enqueue_indirect_dma source(%dma_start3A_73 : memref<10000x128xf32, #tpu.memory_space<hbm>>) target(%arg9 : memref<128x128xf32, #tpu.memory_space<vmem>>) offsets(%dma_start3A_70 : memref<128xi32, #tpu.memory_space<vmem>>) semaphore(%arg11 : memref<!tpu.dma_semaphore, #tpu.memory_space<semaphore_mem>>)
      %scan3A_74 = arith.constant 0 : i32
      %scan3A_75 = arith.constant 0 : i32
      %scan3A_76 = arith.constant 20 : i32
      %scan3A_77 = arith.addi %scan3A_75, %scan3A_76 : i32
      %scan3A_78 = arith.constant 1 : i32
      scf.for %scan3A_80 = %scan3A_75 to %scan3A_77 step %scan3A_78  : i32 {
        %mul3A_81 = arith.constant 2 : i32
        %mul3A_82 = arith.muli %mul3A_81, %scan3A_80 : i32
        %dma_wait3A = arith.constant 0 : i32
        %dma_wait3A_83 = arith.constant 0 : i32
        %dma_wait3A_84 = tpu.memref_slice %arg6[%dma_wait3A, %dma_wait3A_83] : memref<40x128xi32, #tpu.memory_space<vmem>> -> memref<1x128xi32, #tpu.memory_space<vmem>>
        %dma_wait3A_85 = tpu.memref_squeeze %dma_wait3A_84 : memref<1x128xi32, #tpu.memory_space<vmem>> -> memref<128xi32, #tpu.memory_space<vmem>>
        %dma_wait3A_86 = arith.constant 0 : i32
        %dma_wait3A_87 = arith.constant 0 : i32
        %dma_wait3A_88 = tpu.memref_slice %arg4[%dma_wait3A_86, %dma_wait3A_87] : memref<10000x128xf32, #tpu.memory_space<hbm>> -> memref<10000x128xf32, #tpu.memory_space<hbm>>
        tpu.wait_indirect_dma semaphore(%arg10 : memref<!tpu.dma_semaphore, #tpu.memory_space<semaphore_mem>>) src(%dma_wait3A_88 : memref<10000x128xf32, #tpu.memory_space<hbm>>) dst(%arg8 : memref<128x128xf32, #tpu.memory_space<vmem>>)
        "tpu.region"() ({
          %run_scoped3A = tpu.sem_alloc : memref<!tpu.dma_semaphore, #tpu.memory_space<semaphore_mem>>
          %dma_start3A_109 = arith.constant 0 : i32
          %dma_start3A_110 = tpu.memref_slice %arg7[%mul3A_82, %dma_start3A_109] : memref<40x128xi32, #tpu.memory_space<vmem>> -> memref<1x128xi32, #tpu.memory_space<vmem>>
          %dma_start3A_111 = tpu.memref_squeeze %dma_start3A_110 : memref<1x128xi32, #tpu.memory_space<vmem>> -> memref<128xi32, #tpu.memory_space<vmem>>
          %dma_start3A_112 = arith.constant 0 : i32
          %dma_start3A_113 = arith.constant 0 : i32
          %dma_start3A_114 = tpu.memref_slice %arg12[%dma_start3A_112, %dma_start3A_113] : memref<10240x128xf32, #tpu.memory_space<vmem_shared>> -> memref<10240x128xf32, #tpu.memory_space<vmem_shared>>
          tpu.enqueue_indirect_dma source(%arg8 : memref<128x128xf32, #tpu.memory_space<vmem>>) target(%dma_start3A_114 : memref<10240x128xf32, #tpu.memory_space<vmem_shared>>) offsets(%dma_start3A_111 : memref<128xi32, #tpu.memory_space<vmem>>) semaphore(%run_scoped3A : memref<!tpu.dma_semaphore, #tpu.memory_space<semaphore_mem>>) {add = true}
          %dma_wait3A_115 = arith.constant 0 : i32
          %dma_wait3A_116 = tpu.memref_slice %arg7[%mul3A_82, %dma_wait3A_115] : memref<40x128xi32, #tpu.memory_space<vmem>> -> memref<1x128xi32, #tpu.memory_space<vmem>>
          %dma_wait3A_117 = tpu.memref_squeeze %dma_wait3A_116 : memref<1x128xi32, #tpu.memory_space<vmem>> -> memref<128xi32, #tpu.memory_space<vmem>>
          %dma_wait3A_118 = arith.constant 0 : i32
          %dma_wait3A_119 = arith.constant 0 : i32
          %dma_wait3A_120 = tpu.memref_slice %arg12[%dma_wait3A_118, %dma_wait3A_119] : memref<10240x128xf32, #tpu.memory_space<vmem_shared>> -> memref<10240x128xf32, #tpu.memory_space<vmem_shared>>
          tpu.wait_indirect_dma semaphore(%run_scoped3A : memref<!tpu.dma_semaphore, #tpu.memory_space<semaphore_mem>>) src(%arg8 : memref<128x128xf32, #tpu.memory_space<vmem>>) dst(%dma_wait3A_120 : memref<10240x128xf32, #tpu.memory_space<vmem_shared>>)
          tpu.yield
        }) : () -> ()
        %lt3A = arith.constant 19 : i32
        %lt3A_89 = arith.cmpi slt, %scan3A_80, %lt3A : i32
        %convert_element_type3A_90 = arith.extui %lt3A_89 : i1 to i32
        %cond3A_91 = arith.constant 0 : i32
        %cond3A_92 = arith.cmpi ne, %convert_element_type3A_90, %cond3A_91 : i32
        scf.if %cond3A_92 {
          %add3A_109 = arith.constant 2 : i32
          %add3A_110 = arith.addi %mul3A_82, %add3A_109 : i32
          %dma_start3A_111 = arith.constant 0 : i32
          %dma_start3A_112 = tpu.memref_slice %arg6[%add3A_110, %dma_start3A_111] : memref<40x128xi32, #tpu.memory_space<vmem>> -> memref<1x128xi32, #tpu.memory_space<vmem>>
          %dma_start3A_113 = tpu.memref_squeeze %dma_start3A_112 : memref<1x128xi32, #tpu.memory_space<vmem>> -> memref<128xi32, #tpu.memory_space<vmem>>
          %dma_start3A_114 = arith.constant 0 : i32
          %dma_start3A_115 = arith.constant 0 : i32
          %dma_start3A_116 = tpu.memref_slice %arg4[%dma_start3A_114, %dma_start3A_115] : memref<10000x128xf32, #tpu.memory_space<hbm>> -> memref<10000x128xf32, #tpu.memory_space<hbm>>
          tpu.enqueue_indirect_dma source(%dma_start3A_116 : memref<10000x128xf32, #tpu.memory_space<hbm>>) target(%arg8 : memref<128x128xf32, #tpu.memory_space<vmem>>) offsets(%dma_start3A_113 : memref<128xi32, #tpu.memory_space<vmem>>) semaphore(%arg10 : memref<!tpu.dma_semaphore, #tpu.memory_space<semaphore_mem>>)
        } else {
        }
        %mul3A_93 = arith.constant 2 : i32
        %mul3A_94 = arith.muli %mul3A_93, %scan3A_80 : i32
        %add3A_95 = arith.constant 1 : i32
        %add3A_96 = arith.addi %mul3A_94, %add3A_95 : i32
        %dma_wait3A_97 = arith.constant 0 : i32
        %dma_wait3A_98 = arith.constant 0 : i32
        %dma_wait3A_99 = tpu.memref_slice %arg6[%dma_wait3A_97, %dma_wait3A_98] : memref<40x128xi32, #tpu.memory_space<vmem>> -> memref<1x128xi32, #tpu.memory_space<vmem>>
        %dma_wait3A_100 = tpu.memref_squeeze %dma_wait3A_99 : memref<1x128xi32, #tpu.memory_space<vmem>> -> memref<128xi32, #tpu.memory_space<vmem>>
        %dma_wait3A_101 = arith.constant 0 : i32
        %dma_wait3A_102 = arith.constant 0 : i32
        %dma_wait3A_103 = tpu.memref_slice %arg4[%dma_wait3A_101, %dma_wait3A_102] : memref<10000x128xf32, #tpu.memory_space<hbm>> -> memref<10000x128xf32, #tpu.memory_space<hbm>>
        tpu.wait_indirect_dma semaphore(%arg11 : memref<!tpu.dma_semaphore, #tpu.memory_space<semaphore_mem>>) src(%dma_wait3A_103 : memref<10000x128xf32, #tpu.memory_space<hbm>>) dst(%arg9 : memref<128x128xf32, #tpu.memory_space<vmem>>)
        "tpu.region"() ({
          %run_scoped3A = tpu.sem_alloc : memref<!tpu.dma_semaphore, #tpu.memory_space<semaphore_mem>>
          %dma_start3A_109 = arith.constant 0 : i32
          %dma_start3A_110 = tpu.memref_slice %arg7[%add3A_96, %dma_start3A_109] : memref<40x128xi32, #tpu.memory_space<vmem>> -> memref<1x128xi32, #tpu.memory_space<vmem>>
          %dma_start3A_111 = tpu.memref_squeeze %dma_start3A_110 : memref<1x128xi32, #tpu.memory_space<vmem>> -> memref<128xi32, #tpu.memory_space<vmem>>
          %dma_start3A_112 = arith.constant 0 : i32
          %dma_start3A_113 = arith.constant 0 : i32
          %dma_start3A_114 = tpu.memref_slice %arg12[%dma_start3A_112, %dma_start3A_113] : memref<10240x128xf32, #tpu.memory_space<vmem_shared>> -> memref<10240x128xf32, #tpu.memory_space<vmem_shared>>
          tpu.enqueue_indirect_dma source(%arg9 : memref<128x128xf32, #tpu.memory_space<vmem>>) target(%dma_start3A_114 : memref<10240x128xf32, #tpu.memory_space<vmem_shared>>) offsets(%dma_start3A_111 : memref<128xi32, #tpu.memory_space<vmem>>) semaphore(%run_scoped3A : memref<!tpu.dma_semaphore, #tpu.memory_space<semaphore_mem>>) {add = true}
          %dma_wait3A_115 = arith.constant 0 : i32
          %dma_wait3A_116 = tpu.memref_slice %arg7[%add3A_96, %dma_wait3A_115] : memref<40x128xi32, #tpu.memory_space<vmem>> -> memref<1x128xi32, #tpu.memory_space<vmem>>
          %dma_wait3A_117 = tpu.memref_squeeze %dma_wait3A_116 : memref<1x128xi32, #tpu.memory_space<vmem>> -> memref<128xi32, #tpu.memory_space<vmem>>
          %dma_wait3A_118 = arith.constant 0 : i32
          %dma_wait3A_119 = arith.constant 0 : i32
          %dma_wait3A_120 = tpu.memref_slice %arg12[%dma_wait3A_118, %dma_wait3A_119] : memref<10240x128xf32, #tpu.memory_space<vmem_shared>> -> memref<10240x128xf32, #tpu.memory_space<vmem_shared>>
          tpu.wait_indirect_dma semaphore(%run_scoped3A : memref<!tpu.dma_semaphore, #tpu.memory_space<semaphore_mem>>) src(%arg9 : memref<128x128xf32, #tpu.memory_space<vmem>>) dst(%dma_wait3A_120 : memref<10240x128xf32, #tpu.memory_space<vmem_shared>>)
          tpu.yield
        }) : () -> ()
        %lt3A_104 = arith.constant 19 : i32
        %lt3A_105 = arith.cmpi slt, %scan3A_80, %lt3A_104 : i32
        %convert_element_type3A_106 = arith.extui %lt3A_105 : i1 to i32
        %cond3A_107 = arith.constant 0 : i32
        %cond3A_108 = arith.cmpi ne, %convert_element_type3A_106, %cond3A_107 : i32
        scf.if %cond3A_108 {
          %add3A_109 = arith.constant 2 : i32
          %add3A_110 = arith.addi %add3A_96, %add3A_109 : i32
          %dma_start3A_111 = arith.constant 0 : i32
          %dma_start3A_112 = tpu.memref_slice %arg6[%add3A_110, %dma_start3A_111] : memref<40x128xi32, #tpu.memory_space<vmem>> -> memref<1x128xi32, #tpu.memory_space<vmem>>
          %dma_start3A_113 = tpu.memref_squeeze %dma_start3A_112 : memref<1x128xi32, #tpu.memory_space<vmem>> -> memref<128xi32, #tpu.memory_space<vmem>>
          %dma_start3A_114 = arith.constant 0 : i32
          %dma_start3A_115 = arith.constant 0 : i32
          %dma_start3A_116 = tpu.memref_slice %arg4[%dma_start3A_114, %dma_start3A_115] : memref<10000x128xf32, #tpu.memory_space<hbm>> -> memref<10000x128xf32, #tpu.memory_space<hbm>>
          tpu.enqueue_indirect_dma source(%dma_start3A_116 : memref<10000x128xf32, #tpu.memory_space<hbm>>) target(%arg9 : memref<128x128xf32, #tpu.memory_space<vmem>>) offsets(%dma_start3A_113 : memref<128xi32, #tpu.memory_space<vmem>>) semaphore(%arg11 : memref<!tpu.dma_semaphore, #tpu.memory_space<semaphore_mem>>)
        } else {
        }
      }
      %scan3A_79 = arith.constant 20 : i32
    } else {
    }
    %gt3A_39 = arith.constant 1 : i32
    %gt3A_40 = arith.cmpi sgt, %select_n3A_36, %gt3A_39 : i32
    %convert_element_type3A_41 = arith.extui %gt3A_40 : i1 to i32
    %cond3A_42 = arith.constant 0 : i32
    %cond3A_43 = arith.cmpi ne, %convert_element_type3A_41, %cond3A_42 : i32
    scf.if %cond3A_43 {
      %add3A_57 = arith.constant 40 : i32
      %add3A_58 = arith.addi %select_n3A, %add3A_57 : i32
      "tpu.region"() ({
        %run_scoped3A = tpu.sem_alloc : memref<!tpu.dma_semaphore, #tpu.memory_space<semaphore_mem>>
        %dma_start3A_80 = arith.constant 0 : i32
        %dma_start3A_81 = tpu.memref_slice %arg2[%add3A_58, %dma_start3A_80] : memref<2560x128xi32, #tpu.memory_space<hbm>> -> memref<40x128xi32, #tpu.memory_space<hbm>>
        %dma_start3A_82 = arith.constant 0 : i32
        %dma_start3A_83 = tpu.memref_slice %arg2[%add3A_58, %dma_start3A_82] : memref<2560x128xi32, #tpu.memory_space<hbm>> -> memref<40x128xi32, #tpu.memory_space<hbm>>
        tpu.enqueue_dma source(%dma_start3A_83 : memref<40x128xi32, #tpu.memory_space<hbm>>) target(%arg6 : memref<40x128xi32, #tpu.memory_space<vmem>>) target_semaphore(%run_scoped3A : memref<!tpu.dma_semaphore, #tpu.memory_space<semaphore_mem>>)
        %dma_wait3A = arith.constant 0 : i32
        %dma_wait3A_84 = tpu.memref_slice %arg2[%add3A_58, %dma_wait3A] : memref<2560x128xi32, #tpu.memory_space<hbm>> -> memref<40x128xi32, #tpu.memory_space<hbm>>
        %dma_wait3A_85 = arith.constant 0 : i32
        %dma_wait3A_86 = tpu.memref_slice %arg2[%add3A_58, %dma_wait3A_85] : memref<2560x128xi32, #tpu.memory_space<hbm>> -> memref<40x128xi32, #tpu.memory_space<hbm>>
        tpu.wait_dma2 semaphore(%run_scoped3A : memref<!tpu.dma_semaphore, #tpu.memory_space<semaphore_mem>>) src(%dma_wait3A_86 : memref<40x128xi32, #tpu.memory_space<hbm>>) dst(%arg6 : memref<40x128xi32, #tpu.memory_space<vmem>>)
        tpu.yield
      }) : () -> ()
      %add3A_59 = arith.constant 40 : i32
      %add3A_60 = arith.addi %select_n3A, %add3A_59 : i32
      "tpu.region"() ({
        %run_scoped3A = tpu.sem_alloc : memref<!tpu.dma_semaphore, #tpu.memory_space<semaphore_mem>>
        %dma_start3A_80 = arith.constant 0 : i32
        %dma_start3A_81 = tpu.memref_slice %arg3[%add3A_60, %dma_start3A_80] : memref<2560x128xi32, #tpu.memory_space<hbm>> -> memref<40x128xi32, #tpu.memory_space<hbm>>
        %dma_start3A_82 = arith.constant 0 : i32
        %dma_start3A_83 = tpu.memref_slice %arg3[%add3A_60, %dma_start3A_82] : memref<2560x128xi32, #tpu.memory_space<hbm>> -> memref<40x128xi32, #tpu.memory_space<hbm>>
        tpu.enqueue_dma source(%dma_start3A_83 : memref<40x128xi32, #tpu.memory_space<hbm>>) target(%arg7 : memref<40x128xi32, #tpu.memory_space<vmem>>) target_semaphore(%run_scoped3A : memref<!tpu.dma_semaphore, #tpu.memory_space<semaphore_mem>>)
        %dma_wait3A = arith.constant 0 : i32
        %dma_wait3A_84 = tpu.memref_slice %arg3[%add3A_60, %dma_wait3A] : memref<2560x128xi32, #tpu.memory_space<hbm>> -> memref<40x128xi32, #tpu.memory_space<hbm>>
        %dma_wait3A_85 = arith.constant 0 : i32
        %dma_wait3A_86 = tpu.memref_slice %arg3[%add3A_60, %dma_wait3A_85] : memref<2560x128xi32, #tpu.memory_space<hbm>> -> memref<40x128xi32, #tpu.memory_space<hbm>>
        tpu.wait_dma2 semaphore(%run_scoped3A : memref<!tpu.dma_semaphore, #tpu.memory_space<semaphore_mem>>) src(%dma_wait3A_86 : memref<40x128xi32, #tpu.memory_space<hbm>>) dst(%arg7 : memref<40x128xi32, #tpu.memory_space<vmem>>)
        tpu.yield
      }) : () -> ()
      %dma_start3A = arith.constant 0 : i32
      %dma_start3A_61 = arith.constant 0 : i32
      %dma_start3A_62 = tpu.memref_slice %arg6[%dma_start3A, %dma_start3A_61] : memref<40x128xi32, #tpu.memory_space<vmem>> -> memref<1x128xi32, #tpu.memory_space<vmem>>
      %dma_start3A_63 = tpu.memref_squeeze %dma_start3A_62 : memref<1x128xi32, #tpu.memory_space<vmem>> -> memref<128xi32, #tpu.memory_space<vmem>>
      %dma_start3A_64 = arith.constant 0 : i32
      %dma_start3A_65 = arith.constant 0 : i32
      %dma_start3A_66 = tpu.memref_slice %arg4[%dma_start3A_64, %dma_start3A_65] : memref<10000x128xf32, #tpu.memory_space<hbm>> -> memref<10000x128xf32, #tpu.memory_space<hbm>>
      tpu.enqueue_indirect_dma source(%dma_start3A_66 : memref<10000x128xf32, #tpu.memory_space<hbm>>) target(%arg8 : memref<128x128xf32, #tpu.memory_space<vmem>>) offsets(%dma_start3A_63 : memref<128xi32, #tpu.memory_space<vmem>>) semaphore(%arg10 : memref<!tpu.dma_semaphore, #tpu.memory_space<semaphore_mem>>)
      %dma_start3A_67 = arith.constant 1 : i32
      %dma_start3A_68 = arith.constant 0 : i32
      %dma_start3A_69 = tpu.memref_slice %arg6[%dma_start3A_67, %dma_start3A_68] : memref<40x128xi32, #tpu.memory_space<vmem>> -> memref<1x128xi32, #tpu.memory_space<vmem>>
      %dma_start3A_70 = tpu.memref_squeeze %dma_start3A_69 : memref<1x128xi32, #tpu.memory_space<vmem>> -> memref<128xi32, #tpu.memory_space<vmem>>
      %dma_start3A_71 = arith.constant 0 : i32
      %dma_start3A_72 = arith.constant 0 : i32
      %dma_start3A_73 = tpu.memref_slice %arg4[%dma_start3A_71, %dma_start3A_72] : memref<10000x128xf32, #tpu.memory_space<hbm>> -> memref<10000x128xf32, #tpu.memory_space<hbm>>
      tpu.enqueue_indirect_dma source(%dma_start3A_73 : memref<10000x128xf32, #tpu.memory_space<hbm>>) target(%arg9 : memref<128x128xf32, #tpu.memory_space<vmem>>) offsets(%dma_start3A_70 : memref<128xi32, #tpu.memory_space<vmem>>) semaphore(%arg11 : memref<!tpu.dma_semaphore, #tpu.memory_space<semaphore_mem>>)
      %scan3A_74 = arith.constant 0 : i32
      %scan3A_75 = arith.constant 0 : i32
      %scan3A_76 = arith.constant 20 : i32
      %scan3A_77 = arith.addi %scan3A_75, %scan3A_76 : i32
      %scan3A_78 = arith.constant 1 : i32
      scf.for %scan3A_80 = %scan3A_75 to %scan3A_77 step %scan3A_78  : i32 {
        %mul3A_81 = arith.constant 2 : i32
        %mul3A_82 = arith.muli %mul3A_81, %scan3A_80 : i32
        %dma_wait3A = arith.constant 0 : i32
        %dma_wait3A_83 = arith.constant 0 : i32
        %dma_wait3A_84 = tpu.memref_slice %arg6[%dma_wait3A, %dma_wait3A_83] : memref<40x128xi32, #tpu.memory_space<vmem>> -> memref<1x128xi32, #tpu.memory_space<vmem>>
        %dma_wait3A_85 = tpu.memref_squeeze %dma_wait3A_84 : memref<1x128xi32, #tpu.memory_space<vmem>> -> memref<128xi32, #tpu.memory_space<vmem>>
        %dma_wait3A_86 = arith.constant 0 : i32
        %dma_wait3A_87 = arith.constant 0 : i32
        %dma_wait3A_88 = tpu.memref_slice %arg4[%dma_wait3A_86, %dma_wait3A_87] : memref<10000x128xf32, #tpu.memory_space<hbm>> -> memref<10000x128xf32, #tpu.memory_space<hbm>>
        tpu.wait_indirect_dma semaphore(%arg10 : memref<!tpu.dma_semaphore, #tpu.memory_space<semaphore_mem>>) src(%dma_wait3A_88 : memref<10000x128xf32, #tpu.memory_space<hbm>>) dst(%arg8 : memref<128x128xf32, #tpu.memory_space<vmem>>)
        "tpu.region"() ({
          %run_scoped3A = tpu.sem_alloc : memref<!tpu.dma_semaphore, #tpu.memory_space<semaphore_mem>>
          %dma_start3A_109 = arith.constant 0 : i32
          %dma_start3A_110 = tpu.memref_slice %arg7[%mul3A_82, %dma_start3A_109] : memref<40x128xi32, #tpu.memory_space<vmem>> -> memref<1x128xi32, #tpu.memory_space<vmem>>
          %dma_start3A_111 = tpu.memref_squeeze %dma_start3A_110 : memref<1x128xi32, #tpu.memory_space<vmem>> -> memref<128xi32, #tpu.memory_space<vmem>>
          %dma_start3A_112 = arith.constant 0 : i32
          %dma_start3A_113 = arith.constant 0 : i32
          %dma_start3A_114 = tpu.memref_slice %arg12[%dma_start3A_112, %dma_start3A_113] : memref<10240x128xf32, #tpu.memory_space<vmem_shared>> -> memref<10240x128xf32, #tpu.memory_space<vmem_shared>>
          tpu.enqueue_indirect_dma source(%arg8 : memref<128x128xf32, #tpu.memory_space<vmem>>) target(%dma_start3A_114 : memref<10240x128xf32, #tpu.memory_space<vmem_shared>>) offsets(%dma_start3A_111 : memref<128xi32, #tpu.memory_space<vmem>>) semaphore(%run_scoped3A : memref<!tpu.dma_semaphore, #tpu.memory_space<semaphore_mem>>) {add = true}
          %dma_wait3A_115 = arith.constant 0 : i32
          %dma_wait3A_116 = tpu.memref_slice %arg7[%mul3A_82, %dma_wait3A_115] : memref<40x128xi32, #tpu.memory_space<vmem>> -> memref<1x128xi32, #tpu.memory_space<vmem>>
          %dma_wait3A_117 = tpu.memref_squeeze %dma_wait3A_116 : memref<1x128xi32, #tpu.memory_space<vmem>> -> memref<128xi32, #tpu.memory_space<vmem>>
          %dma_wait3A_118 = arith.constant 0 : i32
          %dma_wait3A_119 = arith.constant 0 : i32
          %dma_wait3A_120 = tpu.memref_slice %arg12[%dma_wait3A_118, %dma_wait3A_119] : memref<10240x128xf32, #tpu.memory_space<vmem_shared>> -> memref<10240x128xf32, #tpu.memory_space<vmem_shared>>
          tpu.wait_indirect_dma semaphore(%run_scoped3A : memref<!tpu.dma_semaphore, #tpu.memory_space<semaphore_mem>>) src(%arg8 : memref<128x128xf32, #tpu.memory_space<vmem>>) dst(%dma_wait3A_120 : memref<10240x128xf32, #tpu.memory_space<vmem_shared>>)
          tpu.yield
        }) : () -> ()
        %lt3A = arith.constant 19 : i32
        %lt3A_89 = arith.cmpi slt, %scan3A_80, %lt3A : i32
        %convert_element_type3A_90 = arith.extui %lt3A_89 : i1 to i32
        %cond3A_91 = arith.constant 0 : i32
        %cond3A_92 = arith.cmpi ne, %convert_element_type3A_90, %cond3A_91 : i32
        scf.if %cond3A_92 {
          %add3A_109 = arith.constant 2 : i32
          %add3A_110 = arith.addi %mul3A_82, %add3A_109 : i32
          %dma_start3A_111 = arith.constant 0 : i32
          %dma_start3A_112 = tpu.memref_slice %arg6[%add3A_110, %dma_start3A_111] : memref<40x128xi32, #tpu.memory_space<vmem>> -> memref<1x128xi32, #tpu.memory_space<vmem>>
          %dma_start3A_113 = tpu.memref_squeeze %dma_start3A_112 : memref<1x128xi32, #tpu.memory_space<vmem>> -> memref<128xi32, #tpu.memory_space<vmem>>
          %dma_start3A_114 = arith.constant 0 : i32
          %dma_start3A_115 = arith.constant 0 : i32
          %dma_start3A_116 = tpu.memref_slice %arg4[%dma_start3A_114, %dma_start3A_115] : memref<10000x128xf32, #tpu.memory_space<hbm>> -> memref<10000x128xf32, #tpu.memory_space<hbm>>
          tpu.enqueue_indirect_dma source(%dma_start3A_116 : memref<10000x128xf32, #tpu.memory_space<hbm>>) target(%arg8 : memref<128x128xf32, #tpu.memory_space<vmem>>) offsets(%dma_start3A_113 : memref<128xi32, #tpu.memory_space<vmem>>) semaphore(%arg10 : memref<!tpu.dma_semaphore, #tpu.memory_space<semaphore_mem>>)
        } else {
        }
        %mul3A_93 = arith.constant 2 : i32
        %mul3A_94 = arith.muli %mul3A_93, %scan3A_80 : i32
        %add3A_95 = arith.constant 1 : i32
        %add3A_96 = arith.addi %mul3A_94, %add3A_95 : i32
        %dma_wait3A_97 = arith.constant 0 : i32
        %dma_wait3A_98 = arith.constant 0 : i32
        %dma_wait3A_99 = tpu.memref_slice %arg6[%dma_wait3A_97, %dma_wait3A_98] : memref<40x128xi32, #tpu.memory_space<vmem>> -> memref<1x128xi32, #tpu.memory_space<vmem>>
        %dma_wait3A_100 = tpu.memref_squeeze %dma_wait3A_99 : memref<1x128xi32, #tpu.memory_space<vmem>> -> memref<128xi32, #tpu.memory_space<vmem>>
        %dma_wait3A_101 = arith.constant 0 : i32
        %dma_wait3A_102 = arith.constant 0 : i32
        %dma_wait3A_103 = tpu.memref_slice %arg4[%dma_wait3A_101, %dma_wait3A_102] : memref<10000x128xf32, #tpu.memory_space<hbm>> -> memref<10000x128xf32, #tpu.memory_space<hbm>>
        tpu.wait_indirect_dma semaphore(%arg11 : memref<!tpu.dma_semaphore, #tpu.memory_space<semaphore_mem>>) src(%dma_wait3A_103 : memref<10000x128xf32, #tpu.memory_space<hbm>>) dst(%arg9 : memref<128x128xf32, #tpu.memory_space<vmem>>)
        "tpu.region"() ({
          %run_scoped3A = tpu.sem_alloc : memref<!tpu.dma_semaphore, #tpu.memory_space<semaphore_mem>>
          %dma_start3A_109 = arith.constant 0 : i32
          %dma_start3A_110 = tpu.memref_slice %arg7[%add3A_96, %dma_start3A_109] : memref<40x128xi32, #tpu.memory_space<vmem>> -> memref<1x128xi32, #tpu.memory_space<vmem>>
          %dma_start3A_111 = tpu.memref_squeeze %dma_start3A_110 : memref<1x128xi32, #tpu.memory_space<vmem>> -> memref<128xi32, #tpu.memory_space<vmem>>
          %dma_start3A_112 = arith.constant 0 : i32
          %dma_start3A_113 = arith.constant 0 : i32
          %dma_start3A_114 = tpu.memref_slice %arg12[%dma_start3A_112, %dma_start3A_113] : memref<10240x128xf32, #tpu.memory_space<vmem_shared>> -> memref<10240x128xf32, #tpu.memory_space<vmem_shared>>
          tpu.enqueue_indirect_dma source(%arg9 : memref<128x128xf32, #tpu.memory_space<vmem>>) target(%dma_start3A_114 : memref<10240x128xf32, #tpu.memory_space<vmem_shared>>) offsets(%dma_start3A_111 : memref<128xi32, #tpu.memory_space<vmem>>) semaphore(%run_scoped3A : memref<!tpu.dma_semaphore, #tpu.memory_space<semaphore_mem>>) {add = true}
          %dma_wait3A_115 = arith.constant 0 : i32
          %dma_wait3A_116 = tpu.memref_slice %arg7[%add3A_96, %dma_wait3A_115] : memref<40x128xi32, #tpu.memory_space<vmem>> -> memref<1x128xi32, #tpu.memory_space<vmem>>
          %dma_wait3A_117 = tpu.memref_squeeze %dma_wait3A_116 : memref<1x128xi32, #tpu.memory_space<vmem>> -> memref<128xi32, #tpu.memory_space<vmem>>
          %dma_wait3A_118 = arith.constant 0 : i32
          %dma_wait3A_119 = arith.constant 0 : i32
          %dma_wait3A_120 = tpu.memref_slice %arg12[%dma_wait3A_118, %dma_wait3A_119] : memref<10240x128xf32, #tpu.memory_space<vmem_shared>> -> memref<10240x128xf32, #tpu.memory_space<vmem_shared>>
          tpu.wait_indirect_dma semaphore(%run_scoped3A : memref<!tpu.dma_semaphore, #tpu.memory_space<semaphore_mem>>) src(%arg9 : memref<128x128xf32, #tpu.memory_space<vmem>>) dst(%dma_wait3A_120 : memref<10240x128xf32, #tpu.memory_space<vmem_shared>>)
          tpu.yield
        }) : () -> ()
        %lt3A_104 = arith.constant 19 : i32
        %lt3A_105 = arith.cmpi slt, %scan3A_80, %lt3A_104 : i32
        %convert_element_type3A_106 = arith.extui %lt3A_105 : i1 to i32
        %cond3A_107 = arith.constant 0 : i32
        %cond3A_108 = arith.cmpi ne, %convert_element_type3A_106, %cond3A_107 : i32
        scf.if %cond3A_108 {
          %add3A_109 = arith.constant 2 : i32
          %add3A_110 = arith.addi %add3A_96, %add3A_109 : i32
          %dma_start3A_111 = arith.constant 0 : i32
          %dma_start3A_112 = tpu.memref_slice %arg6[%add3A_110, %dma_start3A_111] : memref<40x128xi32, #tpu.memory_space<vmem>> -> memref<1x128xi32, #tpu.memory_space<vmem>>
          %dma_start3A_113 = tpu.memref_squeeze %dma_start3A_112 : memref<1x128xi32, #tpu.memory_space<vmem>> -> memref<128xi32, #tpu.memory_space<vmem>>
          %dma_start3A_114 = arith.constant 0 : i32
          %dma_start3A_115 = arith.constant 0 : i32
          %dma_start3A_116 = tpu.memref_slice %arg4[%dma_start3A_114, %dma_start3A_115] : memref<10000x128xf32, #tpu.memory_space<hbm>> -> memref<10000x128xf32, #tpu.memory_space<hbm>>
          tpu.enqueue_indirect_dma source(%dma_start3A_116 : memref<10000x128xf32, #tpu.memory_space<hbm>>) target(%arg9 : memref<128x128xf32, #tpu.memory_space<vmem>>) offsets(%dma_start3A_113 : memref<128xi32, #tpu.memory_space<vmem>>) semaphore(%arg11 : memref<!tpu.dma_semaphore, #tpu.memory_space<semaphore_mem>>)
        } else {
        }
      }
      %scan3A_79 = arith.constant 20 : i32
    } else {
    }
    %gt3A_44 = arith.constant 2 : i32
    %gt3A_45 = arith.cmpi sgt, %select_n3A_36, %gt3A_44 : i32
    %convert_element_type3A_46 = arith.extui %gt3A_45 : i1 to i32
    %cond3A_47 = arith.constant 0 : i32
    %cond3A_48 = arith.cmpi ne, %convert_element_type3A_46, %cond3A_47 : i32
    scf.if %cond3A_48 {
      %add3A_57 = arith.constant 80 : i32
      %add3A_58 = arith.addi %select_n3A, %add3A_57 : i32
      "tpu.region"() ({
        %run_scoped3A = tpu.sem_alloc : memref<!tpu.dma_semaphore, #tpu.memory_space<semaphore_mem>>
        %dma_start3A_80 = arith.constant 0 : i32
        %dma_start3A_81 = tpu.memref_slice %arg2[%add3A_58, %dma_start3A_80] : memref<2560x128xi32, #tpu.memory_space<hbm>> -> memref<40x128xi32, #tpu.memory_space<hbm>>
        %dma_start3A_82 = arith.constant 0 : i32
        %dma_start3A_83 = tpu.memref_slice %arg2[%add3A_58, %dma_start3A_82] : memref<2560x128xi32, #tpu.memory_space<hbm>> -> memref<40x128xi32, #tpu.memory_space<hbm>>
        tpu.enqueue_dma source(%dma_start3A_83 : memref<40x128xi32, #tpu.memory_space<hbm>>) target(%arg6 : memref<40x128xi32, #tpu.memory_space<vmem>>) target_semaphore(%run_scoped3A : memref<!tpu.dma_semaphore, #tpu.memory_space<semaphore_mem>>)
        %dma_wait3A = arith.constant 0 : i32
        %dma_wait3A_84 = tpu.memref_slice %arg2[%add3A_58, %dma_wait3A] : memref<2560x128xi32, #tpu.memory_space<hbm>> -> memref<40x128xi32, #tpu.memory_space<hbm>>
        %dma_wait3A_85 = arith.constant 0 : i32
        %dma_wait3A_86 = tpu.memref_slice %arg2[%add3A_58, %dma_wait3A_85] : memref<2560x128xi32, #tpu.memory_space<hbm>> -> memref<40x128xi32, #tpu.memory_space<hbm>>
        tpu.wait_dma2 semaphore(%run_scoped3A : memref<!tpu.dma_semaphore, #tpu.memory_space<semaphore_mem>>) src(%dma_wait3A_86 : memref<40x128xi32, #tpu.memory_space<hbm>>) dst(%arg6 : memref<40x128xi32, #tpu.memory_space<vmem>>)
        tpu.yield
      }) : () -> ()
      %add3A_59 = arith.constant 80 : i32
      %add3A_60 = arith.addi %select_n3A, %add3A_59 : i32
      "tpu.region"() ({
        %run_scoped3A = tpu.sem_alloc : memref<!tpu.dma_semaphore, #tpu.memory_space<semaphore_mem>>
        %dma_start3A_80 = arith.constant 0 : i32
        %dma_start3A_81 = tpu.memref_slice %arg3[%add3A_60, %dma_start3A_80] : memref<2560x128xi32, #tpu.memory_space<hbm>> -> memref<40x128xi32, #tpu.memory_space<hbm>>
        %dma_start3A_82 = arith.constant 0 : i32
        %dma_start3A_83 = tpu.memref_slice %arg3[%add3A_60, %dma_start3A_82] : memref<2560x128xi32, #tpu.memory_space<hbm>> -> memref<40x128xi32, #tpu.memory_space<hbm>>
        tpu.enqueue_dma source(%dma_start3A_83 : memref<40x128xi32, #tpu.memory_space<hbm>>) target(%arg7 : memref<40x128xi32, #tpu.memory_space<vmem>>) target_semaphore(%run_scoped3A : memref<!tpu.dma_semaphore, #tpu.memory_space<semaphore_mem>>)
        %dma_wait3A = arith.constant 0 : i32
        %dma_wait3A_84 = tpu.memref_slice %arg3[%add3A_60, %dma_wait3A] : memref<2560x128xi32, #tpu.memory_space<hbm>> -> memref<40x128xi32, #tpu.memory_space<hbm>>
        %dma_wait3A_85 = arith.constant 0 : i32
        %dma_wait3A_86 = tpu.memref_slice %arg3[%add3A_60, %dma_wait3A_85] : memref<2560x128xi32, #tpu.memory_space<hbm>> -> memref<40x128xi32, #tpu.memory_space<hbm>>
        tpu.wait_dma2 semaphore(%run_scoped3A : memref<!tpu.dma_semaphore, #tpu.memory_space<semaphore_mem>>) src(%dma_wait3A_86 : memref<40x128xi32, #tpu.memory_space<hbm>>) dst(%arg7 : memref<40x128xi32, #tpu.memory_space<vmem>>)
        tpu.yield
      }) : () -> ()
      %dma_start3A = arith.constant 0 : i32
      %dma_start3A_61 = arith.constant 0 : i32
      %dma_start3A_62 = tpu.memref_slice %arg6[%dma_start3A, %dma_start3A_61] : memref<40x128xi32, #tpu.memory_space<vmem>> -> memref<1x128xi32, #tpu.memory_space<vmem>>
      %dma_start3A_63 = tpu.memref_squeeze %dma_start3A_62 : memref<1x128xi32, #tpu.memory_space<vmem>> -> memref<128xi32, #tpu.memory_space<vmem>>
      %dma_start3A_64 = arith.constant 0 : i32
      %dma_start3A_65 = arith.constant 0 : i32
      %dma_start3A_66 = tpu.memref_slice %arg4[%dma_start3A_64, %dma_start3A_65] : memref<10000x128xf32, #tpu.memory_space<hbm>> -> memref<10000x128xf32, #tpu.memory_space<hbm>>
      tpu.enqueue_indirect_dma source(%dma_start3A_66 : memref<10000x128xf32, #tpu.memory_space<hbm>>) target(%arg8 : memref<128x128xf32, #tpu.memory_space<vmem>>) offsets(%dma_start3A_63 : memref<128xi32, #tpu.memory_space<vmem>>) semaphore(%arg10 : memref<!tpu.dma_semaphore, #tpu.memory_space<semaphore_mem>>)
      %dma_start3A_67 = arith.constant 1 : i32
      %dma_start3A_68 = arith.constant 0 : i32
      %dma_start3A_69 = tpu.memref_slice %arg6[%dma_start3A_67, %dma_start3A_68] : memref<40x128xi32, #tpu.memory_space<vmem>> -> memref<1x128xi32, #tpu.memory_space<vmem>>
      %dma_start3A_70 = tpu.memref_squeeze %dma_start3A_69 : memref<1x128xi32, #tpu.memory_space<vmem>> -> memref<128xi32, #tpu.memory_space<vmem>>
      %dma_start3A_71 = arith.constant 0 : i32
      %dma_start3A_72 = arith.constant 0 : i32
      %dma_start3A_73 = tpu.memref_slice %arg4[%dma_start3A_71, %dma_start3A_72] : memref<10000x128xf32, #tpu.memory_space<hbm>> -> memref<10000x128xf32, #tpu.memory_space<hbm>>
      tpu.enqueue_indirect_dma source(%dma_start3A_73 : memref<10000x128xf32, #tpu.memory_space<hbm>>) target(%arg9 : memref<128x128xf32, #tpu.memory_space<vmem>>) offsets(%dma_start3A_70 : memref<128xi32, #tpu.memory_space<vmem>>) semaphore(%arg11 : memref<!tpu.dma_semaphore, #tpu.memory_space<semaphore_mem>>)
      %scan3A_74 = arith.constant 0 : i32
      %scan3A_75 = arith.constant 0 : i32
      %scan3A_76 = arith.constant 20 : i32
      %scan3A_77 = arith.addi %scan3A_75, %scan3A_76 : i32
      %scan3A_78 = arith.constant 1 : i32
      scf.for %scan3A_80 = %scan3A_75 to %scan3A_77 step %scan3A_78  : i32 {
        %mul3A_81 = arith.constant 2 : i32
        %mul3A_82 = arith.muli %mul3A_81, %scan3A_80 : i32
        %dma_wait3A = arith.constant 0 : i32
        %dma_wait3A_83 = arith.constant 0 : i32
        %dma_wait3A_84 = tpu.memref_slice %arg6[%dma_wait3A, %dma_wait3A_83] : memref<40x128xi32, #tpu.memory_space<vmem>> -> memref<1x128xi32, #tpu.memory_space<vmem>>
        %dma_wait3A_85 = tpu.memref_squeeze %dma_wait3A_84 : memref<1x128xi32, #tpu.memory_space<vmem>> -> memref<128xi32, #tpu.memory_space<vmem>>
        %dma_wait3A_86 = arith.constant 0 : i32
        %dma_wait3A_87 = arith.constant 0 : i32
        %dma_wait3A_88 = tpu.memref_slice %arg4[%dma_wait3A_86, %dma_wait3A_87] : memref<10000x128xf32, #tpu.memory_space<hbm>> -> memref<10000x128xf32, #tpu.memory_space<hbm>>
        tpu.wait_indirect_dma semaphore(%arg10 : memref<!tpu.dma_semaphore, #tpu.memory_space<semaphore_mem>>) src(%dma_wait3A_88 : memref<10000x128xf32, #tpu.memory_space<hbm>>) dst(%arg8 : memref<128x128xf32, #tpu.memory_space<vmem>>)
        "tpu.region"() ({
          %run_scoped3A = tpu.sem_alloc : memref<!tpu.dma_semaphore, #tpu.memory_space<semaphore_mem>>
          %dma_start3A_109 = arith.constant 0 : i32
          %dma_start3A_110 = tpu.memref_slice %arg7[%mul3A_82, %dma_start3A_109] : memref<40x128xi32, #tpu.memory_space<vmem>> -> memref<1x128xi32, #tpu.memory_space<vmem>>
          %dma_start3A_111 = tpu.memref_squeeze %dma_start3A_110 : memref<1x128xi32, #tpu.memory_space<vmem>> -> memref<128xi32, #tpu.memory_space<vmem>>
          %dma_start3A_112 = arith.constant 0 : i32
          %dma_start3A_113 = arith.constant 0 : i32
          %dma_start3A_114 = tpu.memref_slice %arg12[%dma_start3A_112, %dma_start3A_113] : memref<10240x128xf32, #tpu.memory_space<vmem_shared>> -> memref<10240x128xf32, #tpu.memory_space<vmem_shared>>
          tpu.enqueue_indirect_dma source(%arg8 : memref<128x128xf32, #tpu.memory_space<vmem>>) target(%dma_start3A_114 : memref<10240x128xf32, #tpu.memory_space<vmem_shared>>) offsets(%dma_start3A_111 : memref<128xi32, #tpu.memory_space<vmem>>) semaphore(%run_scoped3A : memref<!tpu.dma_semaphore, #tpu.memory_space<semaphore_mem>>) {add = true}
          %dma_wait3A_115 = arith.constant 0 : i32
          %dma_wait3A_116 = tpu.memref_slice %arg7[%mul3A_82, %dma_wait3A_115] : memref<40x128xi32, #tpu.memory_space<vmem>> -> memref<1x128xi32, #tpu.memory_space<vmem>>
          %dma_wait3A_117 = tpu.memref_squeeze %dma_wait3A_116 : memref<1x128xi32, #tpu.memory_space<vmem>> -> memref<128xi32, #tpu.memory_space<vmem>>
          %dma_wait3A_118 = arith.constant 0 : i32
          %dma_wait3A_119 = arith.constant 0 : i32
          %dma_wait3A_120 = tpu.memref_slice %arg12[%dma_wait3A_118, %dma_wait3A_119] : memref<10240x128xf32, #tpu.memory_space<vmem_shared>> -> memref<10240x128xf32, #tpu.memory_space<vmem_shared>>
          tpu.wait_indirect_dma semaphore(%run_scoped3A : memref<!tpu.dma_semaphore, #tpu.memory_space<semaphore_mem>>) src(%arg8 : memref<128x128xf32, #tpu.memory_space<vmem>>) dst(%dma_wait3A_120 : memref<10240x128xf32, #tpu.memory_space<vmem_shared>>)
          tpu.yield
        }) : () -> ()
        %lt3A = arith.constant 19 : i32
        %lt3A_89 = arith.cmpi slt, %scan3A_80, %lt3A : i32
        %convert_element_type3A_90 = arith.extui %lt3A_89 : i1 to i32
        %cond3A_91 = arith.constant 0 : i32
        %cond3A_92 = arith.cmpi ne, %convert_element_type3A_90, %cond3A_91 : i32
        scf.if %cond3A_92 {
          %add3A_109 = arith.constant 2 : i32
          %add3A_110 = arith.addi %mul3A_82, %add3A_109 : i32
          %dma_start3A_111 = arith.constant 0 : i32
          %dma_start3A_112 = tpu.memref_slice %arg6[%add3A_110, %dma_start3A_111] : memref<40x128xi32, #tpu.memory_space<vmem>> -> memref<1x128xi32, #tpu.memory_space<vmem>>
          %dma_start3A_113 = tpu.memref_squeeze %dma_start3A_112 : memref<1x128xi32, #tpu.memory_space<vmem>> -> memref<128xi32, #tpu.memory_space<vmem>>
          %dma_start3A_114 = arith.constant 0 : i32
          %dma_start3A_115 = arith.constant 0 : i32
          %dma_start3A_116 = tpu.memref_slice %arg4[%dma_start3A_114, %dma_start3A_115] : memref<10000x128xf32, #tpu.memory_space<hbm>> -> memref<10000x128xf32, #tpu.memory_space<hbm>>
          tpu.enqueue_indirect_dma source(%dma_start3A_116 : memref<10000x128xf32, #tpu.memory_space<hbm>>) target(%arg8 : memref<128x128xf32, #tpu.memory_space<vmem>>) offsets(%dma_start3A_113 : memref<128xi32, #tpu.memory_space<vmem>>) semaphore(%arg10 : memref<!tpu.dma_semaphore, #tpu.memory_space<semaphore_mem>>)
        } else {
        }
        %mul3A_93 = arith.constant 2 : i32
        %mul3A_94 = arith.muli %mul3A_93, %scan3A_80 : i32
        %add3A_95 = arith.constant 1 : i32
        %add3A_96 = arith.addi %mul3A_94, %add3A_95 : i32
        %dma_wait3A_97 = arith.constant 0 : i32
        %dma_wait3A_98 = arith.constant 0 : i32
        %dma_wait3A_99 = tpu.memref_slice %arg6[%dma_wait3A_97, %dma_wait3A_98] : memref<40x128xi32, #tpu.memory_space<vmem>> -> memref<1x128xi32, #tpu.memory_space<vmem>>
        %dma_wait3A_100 = tpu.memref_squeeze %dma_wait3A_99 : memref<1x128xi32, #tpu.memory_space<vmem>> -> memref<128xi32, #tpu.memory_space<vmem>>
        %dma_wait3A_101 = arith.constant 0 : i32
        %dma_wait3A_102 = arith.constant 0 : i32
        %dma_wait3A_103 = tpu.memref_slice %arg4[%dma_wait3A_101, %dma_wait3A_102] : memref<10000x128xf32, #tpu.memory_space<hbm>> -> memref<10000x128xf32, #tpu.memory_space<hbm>>
        tpu.wait_indirect_dma semaphore(%arg11 : memref<!tpu.dma_semaphore, #tpu.memory_space<semaphore_mem>>) src(%dma_wait3A_103 : memref<10000x128xf32, #tpu.memory_space<hbm>>) dst(%arg9 : memref<128x128xf32, #tpu.memory_space<vmem>>)
        "tpu.region"() ({
          %run_scoped3A = tpu.sem_alloc : memref<!tpu.dma_semaphore, #tpu.memory_space<semaphore_mem>>
          %dma_start3A_109 = arith.constant 0 : i32
          %dma_start3A_110 = tpu.memref_slice %arg7[%add3A_96, %dma_start3A_109] : memref<40x128xi32, #tpu.memory_space<vmem>> -> memref<1x128xi32, #tpu.memory_space<vmem>>
          %dma_start3A_111 = tpu.memref_squeeze %dma_start3A_110 : memref<1x128xi32, #tpu.memory_space<vmem>> -> memref<128xi32, #tpu.memory_space<vmem>>
          %dma_start3A_112 = arith.constant 0 : i32
          %dma_start3A_113 = arith.constant 0 : i32
          %dma_start3A_114 = tpu.memref_slice %arg12[%dma_start3A_112, %dma_start3A_113] : memref<10240x128xf32, #tpu.memory_space<vmem_shared>> -> memref<10240x128xf32, #tpu.memory_space<vmem_shared>>
          tpu.enqueue_indirect_dma source(%arg9 : memref<128x128xf32, #tpu.memory_space<vmem>>) target(%dma_start3A_114 : memref<10240x128xf32, #tpu.memory_space<vmem_shared>>) offsets(%dma_start3A_111 : memref<128xi32, #tpu.memory_space<vmem>>) semaphore(%run_scoped3A : memref<!tpu.dma_semaphore, #tpu.memory_space<semaphore_mem>>) {add = true}
          %dma_wait3A_115 = arith.constant 0 : i32
          %dma_wait3A_116 = tpu.memref_slice %arg7[%add3A_96, %dma_wait3A_115] : memref<40x128xi32, #tpu.memory_space<vmem>> -> memref<1x128xi32, #tpu.memory_space<vmem>>
          %dma_wait3A_117 = tpu.memref_squeeze %dma_wait3A_116 : memref<1x128xi32, #tpu.memory_space<vmem>> -> memref<128xi32, #tpu.memory_space<vmem>>
          %dma_wait3A_118 = arith.constant 0 : i32
          %dma_wait3A_119 = arith.constant 0 : i32
          %dma_wait3A_120 = tpu.memref_slice %arg12[%dma_wait3A_118, %dma_wait3A_119] : memref<10240x128xf32, #tpu.memory_space<vmem_shared>> -> memref<10240x128xf32, #tpu.memory_space<vmem_shared>>
          tpu.wait_indirect_dma semaphore(%run_scoped3A : memref<!tpu.dma_semaphore, #tpu.memory_space<semaphore_mem>>) src(%arg9 : memref<128x128xf32, #tpu.memory_space<vmem>>) dst(%dma_wait3A_120 : memref<10240x128xf32, #tpu.memory_space<vmem_shared>>)
          tpu.yield
        }) : () -> ()
        %lt3A_104 = arith.constant 19 : i32
        %lt3A_105 = arith.cmpi slt, %scan3A_80, %lt3A_104 : i32
        %convert_element_type3A_106 = arith.extui %lt3A_105 : i1 to i32
        %cond3A_107 = arith.constant 0 : i32
        %cond3A_108 = arith.cmpi ne, %convert_element_type3A_106, %cond3A_107 : i32
        scf.if %cond3A_108 {
          %add3A_109 = arith.constant 2 : i32
          %add3A_110 = arith.addi %add3A_96, %add3A_109 : i32
          %dma_start3A_111 = arith.constant 0 : i32
          %dma_start3A_112 = tpu.memref_slice %arg6[%add3A_110, %dma_start3A_111] : memref<40x128xi32, #tpu.memory_space<vmem>> -> memref<1x128xi32, #tpu.memory_space<vmem>>
          %dma_start3A_113 = tpu.memref_squeeze %dma_start3A_112 : memref<1x128xi32, #tpu.memory_space<vmem>> -> memref<128xi32, #tpu.memory_space<vmem>>
          %dma_start3A_114 = arith.constant 0 : i32
          %dma_start3A_115 = arith.constant 0 : i32
          %dma_start3A_116 = tpu.memref_slice %arg4[%dma_start3A_114, %dma_start3A_115] : memref<10000x128xf32, #tpu.memory_space<hbm>> -> memref<10000x128xf32, #tpu.memory_space<hbm>>
          tpu.enqueue_indirect_dma source(%dma_start3A_116 : memref<10000x128xf32, #tpu.memory_space<hbm>>) target(%arg9 : memref<128x128xf32, #tpu.memory_space<vmem>>) offsets(%dma_start3A_113 : memref<128xi32, #tpu.memory_space<vmem>>) semaphore(%arg11 : memref<!tpu.dma_semaphore, #tpu.memory_space<semaphore_mem>>)
        } else {
        }
      }
      %scan3A_79 = arith.constant 20 : i32
    } else {
    }
    %barrier3A_49 = arith.constant 0 : index
    tpu.barrier barrier_id(%barrier3A_49)
    %mul3A_50 = arith.constant 640 : i32
    %mul3A_51 = arith.muli %arg1, %mul3A_50 : i32
    %mul3A_52 = arith.constant 10240 : i32
    %mul3A_53 = arith.muli %arg0, %mul3A_52 : i32
    %mul3A_54 = arith.constant 640 : i32
    %mul3A_55 = arith.muli %arg1, %mul3A_54 : i32
    %add3A_56 = arith.addi %mul3A_53, %mul3A_55 : i32
    "tpu.region"() ({
      %run_scoped3A = tpu.sem_alloc : memref<!tpu.dma_semaphore, #tpu.memory_space<semaphore_mem>>
      %dma_start3A = arith.constant 0 : i32
      %dma_start3A_57 = tpu.memref_slice %arg5[%add3A_56, %dma_start3A] : memref<20480x128xf32, #tpu.memory_space<hbm>> -> memref<640x128xf32, #tpu.memory_space<hbm>>
      %dma_start3A_58 = arith.constant 0 : i32
      %dma_start3A_59 = tpu.memref_slice %arg12[%mul3A_51, %dma_start3A_58] : memref<10240x128xf32, #tpu.memory_space<vmem_shared>> -> memref<640x128xf32, #tpu.memory_space<vmem_shared>>
      tpu.enqueue_dma source(%dma_start3A_59 : memref<640x128xf32, #tpu.memory_space<vmem_shared>>) target(%dma_start3A_57 : memref<640x128xf32, #tpu.memory_space<hbm>>) target_semaphore(%run_scoped3A : memref<!tpu.dma_semaphore, #tpu.memory_space<semaphore_mem>>)
      %dma_wait3A = arith.constant 0 : i32
      %dma_wait3A_60 = tpu.memref_slice %arg5[%add3A_56, %dma_wait3A] : memref<20480x128xf32, #tpu.memory_space<hbm>> -> memref<640x128xf32, #tpu.memory_space<hbm>>
      %dma_wait3A_61 = arith.constant 0 : i32
      %dma_wait3A_62 = tpu.memref_slice %arg12[%mul3A_51, %dma_wait3A_61] : memref<10240x128xf32, #tpu.memory_space<vmem_shared>> -> memref<640x128xf32, #tpu.memory_space<vmem_shared>>
      tpu.wait_dma2 semaphore(%run_scoped3A : memref<!tpu.dma_semaphore, #tpu.memory_space<semaphore_mem>>) src(%dma_wait3A_62 : memref<640x128xf32, #tpu.memory_space<vmem_shared>>) dst(%dma_wait3A_60 : memref<640x128xf32, #tpu.memory_space<hbm>>)
      tpu.yield
    }) : () -> ()
    return
  }
}

module attributes {stable_mosaic.version = 14 : i64} {
  func.func @body(%arg0: i32, %arg1: memref<400x128xf32, #tpu.memory_space<vmem>>, %arg2: memref<128x256xf32, #tpu.memory_space<vmem>>, %arg3: memref<400x128xf32, #tpu.memory_space<vmem>>, %arg4: memref<400x128xf32, #tpu.memory_space<vmem>>) attributes {dimension_semantics = [#tpu.dimension_semantics<arbitrary>], iteration_bounds = array<i64: 25>, scalar_prefetch = 0 : i64, scratch_operands = 0 : i64, tpu.core_type = #tpu.core_type<tc>, window_params = [{transform_indices = @transform_0, window_bounds = array<i64: 400, 128>}, {pipeline_mode = #tpu.pipeline_mode<synchronous>, transform_indices = @transform_1, window_bounds = array<i64: 128, 256>}, {transform_indices = @transform_2, window_bounds = array<i64: 400, 128>}, {transform_indices = @transform_3, window_bounds = array<i64: 400, 128>}]} {
    %get3A = arith.constant 0 : index
    %get3A_0 = arith.constant 0 : index
    %get3A_1 = vector.load %arg1[%get3A, %get3A_0] : memref<400x128xf32, #tpu.memory_space<vmem>>, vector<400x128xf32>
    %get3A_2 = arith.constant 0 : index
    %get3A_3 = arith.constant 0 : index
    %get3A_4 = vector.load %arg2[%get3A_2, %get3A_3] : memref<128x256xf32, #tpu.memory_space<vmem>>, vector<128x256xf32>
    %dot_general3A = arith.constant dense<0.000000e+00> : vector<400x256xf32>
    %dot_general3A_5 = tpu.matmul %get3A_1, %get3A_4, %dot_general3A {dimension_numbers = #tpu.dot_dimension_numbers<[1], [0], [0], [1], [0, 0, 1, 1], [], []>, transpose_lhs_hint = false} : vector<400x128xf32>, vector<128x256xf32>, vector<400x256xf32> -> vector<400x256xf32>
    %slice3A = vector.extract_strided_slice %dot_general3A_5 {offsets = [0, 0], sizes = [400, 128], strides = [1, 1]} : vector<400x256xf32> to vector<400x128xf32>
    %swap3A = arith.constant 0 : index
    %swap3A_6 = arith.constant 0 : index
    %swap3A_7 = vector.load %arg3[%swap3A, %swap3A_6] : memref<400x128xf32, #tpu.memory_space<vmem>>, vector<400x128xf32>
    tpu.vector_store %arg3[%swap3A, %swap3A_6], %slice3A {strides = array<i32>} : memref<400x128xf32, #tpu.memory_space<vmem>>, vector<400x128xf32>,
    %slice3A_8 = vector.extract_strided_slice %dot_general3A_5 {offsets = [0, 128], sizes = [400, 128], strides = [1, 1]} : vector<400x256xf32> to vector<400x128xf32>
    %swap3A_9 = arith.constant 0 : index
    %swap3A_10 = arith.constant 0 : index
    %swap3A_11 = vector.load %arg4[%swap3A_9, %swap3A_10] : memref<400x128xf32, #tpu.memory_space<vmem>>, vector<400x128xf32>
    tpu.vector_store %arg4[%swap3A_9, %swap3A_10], %slice3A_8 {strides = array<i32>} : memref<400x128xf32, #tpu.memory_space<vmem>>, vector<400x128xf32>,
    return
  }
  func.func @transform_0(%arg0: i32) -> (i32, i32) {
    %c0_i32 = arith.constant 0 : i32
    %c0_i32_0 = arith.constant 0 : i32
    return %arg0, %c0_i32 : i32, i32
  }
  func.func @transform_1(%arg0: i32) -> (i32, i32) {
    %c0_i32 = arith.constant 0 : i32
    %c0_i32_0 = arith.constant 0 : i32
    %c0_i32_1 = arith.constant 0 : i32
    return %c0_i32, %c0_i32_0 : i32, i32
  }
  func.func @transform_2(%arg0: i32) -> (i32, i32) {
    %c0_i32 = arith.constant 0 : i32
    %c0_i32_0 = arith.constant 0 : i32
    return %arg0, %c0_i32 : i32, i32
  }
  func.func @transform_3(%arg0: i32) -> (i32, i32) {
    %c0_i32 = arith.constant 0 : i32
    %c0_i32_0 = arith.constant 0 : i32
    return %arg0, %c0_i32 : i32, i32
  }
}

module attributes {stable_mosaic.version = 14 : i64} {
  func.func @body(%arg0: i32, %arg1: memref<2x400x128xf32, #tpu.memory_space<vmem>>, %arg2: memref<400x1xf32, #tpu.memory_space<vmem>>, %arg3: memref<400x128xf32, #tpu.memory_space<vmem>>, %arg4: memref<128x256xf32, #tpu.memory_space<vmem>>, %arg5: memref<400x128xf32, #tpu.memory_space<vmem>>, %arg6: memref<400x128xf32, #tpu.memory_space<vmem>>) attributes {dimension_semantics = [#tpu.dimension_semantics<arbitrary>], iteration_bounds = array<i64: 25>, scalar_prefetch = 0 : i64, scratch_operands = 0 : i64, tpu.core_type = #tpu.core_type<tc>, window_params = [{transform_indices = @transform_0, window_bounds = array<i64: 2, 400, 128>}, {transform_indices = @transform_1, window_bounds = array<i64: 400, 1>}, {transform_indices = @transform_2, window_bounds = array<i64: 400, 128>}, {pipeline_mode = #tpu.pipeline_mode<synchronous>, transform_indices = @transform_3, window_bounds = array<i64: 128, 256>}, {transform_indices = @transform_4, window_bounds = array<i64: 400, 128>}, {transform_indices = @transform_5, window_bounds = array<i64: 400, 128>}]} {
    %get3A = arith.constant 0 : index
    %get3A_0 = arith.constant 0 : index
    %get3A_1 = vector.load %arg2[%get3A, %get3A_0] : memref<400x1xf32, #tpu.memory_space<vmem>>, vector<400x1xf32>
    %get3A_2 = vector.shape_cast %get3A_1 : vector<400x1xf32> to vector<400xf32>
    %add3A = arith.constant 1.000000e+00 : f32
    %add3A_3 = vector.broadcast %add3A : f32 to vector<400xf32>
    %add3A_4 = arith.addf %get3A_2, %add3A_3 : vector<400xf32>
    %rsqrt3A = math.rsqrt %add3A_4 : vector<400xf32>
    %broadcast_in_dim3A = vector.shape_cast %rsqrt3A : vector<400xf32> to vector<400x1xf32>
    %get3A_5 = arith.constant 0 : index
    %get3A_6 = arith.constant 0 : index
    %get3A_7 = arith.constant 0 : index
    %get3A_8 = vector.load %arg1[%get3A_5, %get3A_6, %get3A_7] : memref<2x400x128xf32, #tpu.memory_space<vmem>>, vector<1x400x128xf32>
    %get3A_9 = vector.shape_cast %get3A_8 : vector<1x400x128xf32> to vector<400x128xf32>
    %get3A_10 = arith.constant 1 : index
    %get3A_11 = arith.constant 0 : index
    %get3A_12 = arith.constant 0 : index
    %get3A_13 = vector.load %arg1[%get3A_10, %get3A_11, %get3A_12] : memref<2x400x128xf32, #tpu.memory_space<vmem>>, vector<1x400x128xf32>
    %get3A_14 = vector.shape_cast %get3A_13 : vector<1x400x128xf32> to vector<400x128xf32>
    %add3A_15 = arith.addf %get3A_9, %get3A_14 : vector<400x128xf32>
    %mul3A = vector.broadcast %broadcast_in_dim3A : vector<400x1xf32> to vector<400x128xf32>
    %mul3A_16 = arith.mulf %mul3A, %add3A_15 : vector<400x128xf32>
    %get3A_17 = arith.constant 0 : index
    %get3A_18 = arith.constant 0 : index
    %get3A_19 = vector.load %arg3[%get3A_17, %get3A_18] : memref<400x128xf32, #tpu.memory_space<vmem>>, vector<400x128xf32>
    %add3A_20 = arith.addf %mul3A_16, %get3A_19 : vector<400x128xf32>
    %max3A = arith.constant 0.000000e+00 : f32
    %max3A_21 = vector.broadcast %max3A : f32 to vector<400x128xf32>
    %max3A_22 = arith.maximumf %add3A_20, %max3A_21 : vector<400x128xf32>
    %get3A_23 = arith.constant 0 : index
    %get3A_24 = arith.constant 0 : index
    %get3A_25 = vector.load %arg4[%get3A_23, %get3A_24] : memref<128x256xf32, #tpu.memory_space<vmem>>, vector<128x256xf32>
    %dot_general3A = arith.constant dense<0.000000e+00> : vector<400x256xf32>
    %dot_general3A_26 = tpu.matmul %max3A_22, %get3A_25, %dot_general3A {dimension_numbers = #tpu.dot_dimension_numbers<[1], [0], [0], [1], [0, 0, 1, 1], [], []>, transpose_lhs_hint = false} : vector<400x128xf32>, vector<128x256xf32>, vector<400x256xf32> -> vector<400x256xf32>
    %slice3A = vector.extract_strided_slice %dot_general3A_26 {offsets = [0, 0], sizes = [400, 128], strides = [1, 1]} : vector<400x256xf32> to vector<400x128xf32>
    %swap3A = arith.constant 0 : index
    %swap3A_27 = arith.constant 0 : index
    %swap3A_28 = vector.load %arg5[%swap3A, %swap3A_27] : memref<400x128xf32, #tpu.memory_space<vmem>>, vector<400x128xf32>
    tpu.vector_store %arg5[%swap3A, %swap3A_27], %slice3A {strides = array<i32>} : memref<400x128xf32, #tpu.memory_space<vmem>>, vector<400x128xf32>,
    %slice3A_29 = vector.extract_strided_slice %dot_general3A_26 {offsets = [0, 128], sizes = [400, 128], strides = [1, 1]} : vector<400x256xf32> to vector<400x128xf32>
    %swap3A_30 = arith.constant 0 : index
    %swap3A_31 = arith.constant 0 : index
    %swap3A_32 = vector.load %arg6[%swap3A_30, %swap3A_31] : memref<400x128xf32, #tpu.memory_space<vmem>>, vector<400x128xf32>
    tpu.vector_store %arg6[%swap3A_30, %swap3A_31], %slice3A_29 {strides = array<i32>} : memref<400x128xf32, #tpu.memory_space<vmem>>, vector<400x128xf32>,
    return
  }
  func.func @transform_0(%arg0: i32) -> (i32, i32, i32) {
    %c0_i32 = arith.constant 0 : i32
    %c0_i32_0 = arith.constant 0 : i32
    %c0_i32_1 = arith.constant 0 : i32
    return %c0_i32, %arg0, %c0_i32_0 : i32, i32, i32
  }
  func.func @transform_1(%arg0: i32) -> (i32, i32) {
    %c0_i32 = arith.constant 0 : i32
    %c0_i32_0 = arith.constant 0 : i32
    return %arg0, %c0_i32 : i32, i32
  }
  func.func @transform_2(%arg0: i32) -> (i32, i32) {
    %c0_i32 = arith.constant 0 : i32
    %c0_i32_0 = arith.constant 0 : i32
    return %arg0, %c0_i32 : i32, i32
  }
  func.func @transform_3(%arg0: i32) -> (i32, i32) {
    %c0_i32 = arith.constant 0 : i32
    %c0_i32_0 = arith.constant 0 : i32
    %c0_i32_1 = arith.constant 0 : i32
    return %c0_i32, %c0_i32_0 : i32, i32
  }
  func.func @transform_4(%arg0: i32) -> (i32, i32) {
    %c0_i32 = arith.constant 0 : i32
    %c0_i32_0 = arith.constant 0 : i32
    return %arg0, %c0_i32 : i32, i32
  }
  func.func @transform_5(%arg0: i32) -> (i32, i32) {
    %c0_i32 = arith.constant 0 : i32
    %c0_i32_0 = arith.constant 0 : i32
    return %arg0, %c0_i32 : i32, i32
  }
}

module attributes {stable_mosaic.version = 14 : i64} {
  func.func @body(%arg0: i32, %arg1: memref<2x400x128xf32, #tpu.memory_space<vmem>>, %arg2: memref<2x400x1xf32, #tpu.memory_space<vmem>>, %arg3: memref<400x128xf32, #tpu.memory_space<vmem>>, %arg4: memref<1x128xf32, #tpu.memory_space<vmem>>, %arg5: memref<128x128xf32, #tpu.memory_space<vmem>>, %arg6: memref<1x128xf32, #tpu.memory_space<vmem>>, %arg7: memref<400x128xf32, #tpu.memory_space<vmem>>, %arg8: memref<400x128xf32, #tpu.memory_space<vmem>>, %arg9: memref<400x1xf32, #tpu.memory_space<vmem>>) attributes {dimension_semantics = [#tpu.dimension_semantics<arbitrary>], iteration_bounds = array<i64: 25>, scalar_prefetch = 0 : i64, scratch_operands = 0 : i64, tpu.core_type = #tpu.core_type<tc>, window_params = [{transform_indices = @transform_0, window_bounds = array<i64: 2, 400, 128>}, {transform_indices = @transform_1, window_bounds = array<i64: 2, 400, 1>}, {transform_indices = @transform_2, window_bounds = array<i64: 400, 128>}, {pipeline_mode = #tpu.pipeline_mode<synchronous>, transform_indices = @transform_3, window_bounds = array<i64: 1, 128>}, {pipeline_mode = #tpu.pipeline_mode<synchronous>, transform_indices = @transform_4, window_bounds = array<i64: 128, 128>}, {pipeline_mode = #tpu.pipeline_mode<synchronous>, transform_indices = @transform_5, window_bounds = array<i64: 1, 128>}, {transform_indices = @transform_6, window_bounds = array<i64: 400, 128>}, {transform_indices = @transform_7, window_bounds = array<i64: 400, 128>}, {transform_indices = @transform_8, window_bounds = array<i64: 400, 1>}]} {
    %get3A = arith.constant 0 : index
    %get3A_0 = arith.constant 0 : index
    %get3A_1 = arith.constant 0 : index
    %get3A_2 = vector.load %arg2[%get3A, %get3A_0, %get3A_1] : memref<2x400x1xf32, #tpu.memory_space<vmem>>, vector<1x400x1xf32>
    %get3A_3 = vector.shape_cast %get3A_2 : vector<1x400x1xf32> to vector<400xf32>
    %get3A_4 = arith.constant 1 : index
    %get3A_5 = arith.constant 0 : index
    %get3A_6 = arith.constant 0 : index
    %get3A_7 = vector.load %arg2[%get3A_4, %get3A_5, %get3A_6] : memref<2x400x1xf32, #tpu.memory_space<vmem>>, vector<1x400x1xf32>
    %get3A_8 = vector.shape_cast %get3A_7 : vector<1x400x1xf32> to vector<400xf32>
    %add3A = arith.addf %get3A_3, %get3A_8 : vector<400xf32>
    %max3A = arith.constant 1.000000e+00 : f32
    %max3A_9 = vector.broadcast %max3A : f32 to vector<400xf32>
    %max3A_10 = arith.maximumf %add3A, %max3A_9 : vector<400xf32>
    %get3A_11 = arith.constant 0 : index
    %get3A_12 = arith.constant 0 : index
    %get3A_13 = arith.constant 0 : index
    %get3A_14 = vector.load %arg1[%get3A_11, %get3A_12, %get3A_13] : memref<2x400x128xf32, #tpu.memory_space<vmem>>, vector<1x400x128xf32>
    %get3A_15 = vector.shape_cast %get3A_14 : vector<1x400x128xf32> to vector<400x128xf32>
    %get3A_16 = arith.constant 1 : index
    %get3A_17 = arith.constant 0 : index
    %get3A_18 = arith.constant 0 : index
    %get3A_19 = vector.load %arg1[%get3A_16, %get3A_17, %get3A_18] : memref<2x400x128xf32, #tpu.memory_space<vmem>>, vector<1x400x128xf32>
    %get3A_20 = vector.shape_cast %get3A_19 : vector<1x400x128xf32> to vector<400x128xf32>
    %add3A_21 = arith.addf %get3A_15, %get3A_20 : vector<400x128xf32>
    %broadcast_in_dim3A = vector.shape_cast %max3A_10 : vector<400xf32> to vector<400x1xf32>
    %div3A = vector.broadcast %broadcast_in_dim3A : vector<400x1xf32> to vector<400x128xf32>
    %div3A_22 = arith.divf %add3A_21, %div3A : vector<400x128xf32>
    %get3A_23 = arith.constant 0 : index
    %get3A_24 = arith.constant 0 : index
    %get3A_25 = vector.load %arg3[%get3A_23, %get3A_24] : memref<400x128xf32, #tpu.memory_space<vmem>>, vector<400x128xf32>
    %add3A_26 = arith.addf %div3A_22, %get3A_25 : vector<400x128xf32>
    %get3A_27 = arith.constant 0 : index
    %get3A_28 = arith.constant 0 : index
    %get3A_29 = vector.load %arg4[%get3A_27, %get3A_28] : memref<1x128xf32, #tpu.memory_space<vmem>>, vector<1x128xf32>
    %add3A_30 = vector.broadcast %get3A_29 : vector<1x128xf32> to vector<400x128xf32>
    %add3A_31 = arith.addf %add3A_26, %add3A_30 : vector<400x128xf32>
    %max3A_32 = arith.constant 0.000000e+00 : f32
    %max3A_33 = vector.broadcast %max3A_32 : f32 to vector<400x128xf32>
    %max3A_34 = arith.maximumf %add3A_31, %max3A_33 : vector<400x128xf32>
    %get3A_35 = arith.constant 0 : index
    %get3A_36 = arith.constant 0 : index
    %get3A_37 = vector.load %arg5[%get3A_35, %get3A_36] : memref<128x128xf32, #tpu.memory_space<vmem>>, vector<128x128xf32>
    %dot_general3A = arith.constant dense<0.000000e+00> : vector<400x128xf32>
    %dot_general3A_38 = tpu.matmul %max3A_34, %get3A_37, %dot_general3A {dimension_numbers = #tpu.dot_dimension_numbers<[1], [0], [0], [1], [0, 0, 1, 1], [], []>, transpose_lhs_hint = false} : vector<400x128xf32>, vector<128x128xf32>, vector<400x128xf32> -> vector<400x128xf32>
    %add3A_39 = arith.constant 1.000000e+00 : f32
    %add3A_40 = vector.broadcast %add3A_39 : f32 to vector<400xf32>
    %add3A_41 = arith.addf %add3A, %add3A_40 : vector<400xf32>
    %rsqrt3A = math.rsqrt %add3A_41 : vector<400xf32>
    %broadcast_in_dim3A_42 = vector.shape_cast %rsqrt3A : vector<400xf32> to vector<400x1xf32>
    %mul3A = vector.broadcast %broadcast_in_dim3A_42 : vector<400x1xf32> to vector<400x128xf32>
    %mul3A_43 = arith.mulf %dot_general3A_38, %mul3A : vector<400x128xf32>
    %swap3A = arith.constant 0 : index
    %swap3A_44 = arith.constant 0 : index
    %swap3A_45 = vector.load %arg7[%swap3A, %swap3A_44] : memref<400x128xf32, #tpu.memory_space<vmem>>, vector<400x128xf32>
    tpu.vector_store %arg7[%swap3A, %swap3A_44], %mul3A_43 {strides = array<i32>} : memref<400x128xf32, #tpu.memory_space<vmem>>, vector<400x128xf32>,
    %mul3A_46 = arith.mulf %rsqrt3A, %rsqrt3A : vector<400xf32>
    %broadcast_in_dim3A_47 = vector.shape_cast %mul3A_46 : vector<400xf32> to vector<400x1xf32>
    %mul3A_48 = vector.broadcast %broadcast_in_dim3A_47 : vector<400x1xf32> to vector<400x128xf32>
    %mul3A_49 = arith.mulf %dot_general3A_38, %mul3A_48 : vector<400x128xf32>
    %get3A_50 = arith.constant 0 : index
    %get3A_51 = arith.constant 0 : index
    %get3A_52 = vector.load %arg6[%get3A_50, %get3A_51] : memref<1x128xf32, #tpu.memory_space<vmem>>, vector<1x128xf32>
    %add3A_53 = vector.broadcast %get3A_52 : vector<1x128xf32> to vector<400x128xf32>
    %add3A_54 = arith.addf %mul3A_49, %add3A_53 : vector<400x128xf32>
    %swap3A_55 = arith.constant 0 : index
    %swap3A_56 = arith.constant 0 : index
    %swap3A_57 = vector.load %arg8[%swap3A_55, %swap3A_56] : memref<400x128xf32, #tpu.memory_space<vmem>>, vector<400x128xf32>
    tpu.vector_store %arg8[%swap3A_55, %swap3A_56], %add3A_54 {strides = array<i32>} : memref<400x128xf32, #tpu.memory_space<vmem>>, vector<400x128xf32>,
    %broadcast_in_dim3A_58 = vector.shape_cast %add3A : vector<400xf32> to vector<400x1xf32>
    %swap3A_59 = arith.constant 0 : index
    %swap3A_60 = arith.constant 0 : index
    %swap3A_61 = vector.load %arg9[%swap3A_59, %swap3A_60] : memref<400x1xf32, #tpu.memory_space<vmem>>, vector<400x1xf32>
    tpu.vector_store %arg9[%swap3A_59, %swap3A_60], %broadcast_in_dim3A_58 {strides = array<i32>} : memref<400x1xf32, #tpu.memory_space<vmem>>, vector<400x1xf32>,
    return
  }
  func.func @transform_0(%arg0: i32) -> (i32, i32, i32) {
    %c0_i32 = arith.constant 0 : i32
    %c0_i32_0 = arith.constant 0 : i32
    %c0_i32_1 = arith.constant 0 : i32
    return %c0_i32, %arg0, %c0_i32_0 : i32, i32, i32
  }
  func.func @transform_1(%arg0: i32) -> (i32, i32, i32) {
    %c0_i32 = arith.constant 0 : i32
    %c0_i32_0 = arith.constant 0 : i32
    %c0_i32_1 = arith.constant 0 : i32
    return %c0_i32, %arg0, %c0_i32_0 : i32, i32, i32
  }
  func.func @transform_2(%arg0: i32) -> (i32, i32) {
    %c0_i32 = arith.constant 0 : i32
    %c0_i32_0 = arith.constant 0 : i32
    return %arg0, %c0_i32 : i32, i32
  }
  func.func @transform_3(%arg0: i32) -> (i32, i32) {
    %c0_i32 = arith.constant 0 : i32
    %c0_i32_0 = arith.constant 0 : i32
    %c0_i32_1 = arith.constant 0 : i32
    return %c0_i32, %c0_i32_0 : i32, i32
  }
  func.func @transform_4(%arg0: i32) -> (i32, i32) {
    %c0_i32 = arith.constant 0 : i32
    %c0_i32_0 = arith.constant 0 : i32
    %c0_i32_1 = arith.constant 0 : i32
    return %c0_i32, %c0_i32_0 : i32, i32
  }
  func.func @transform_5(%arg0: i32) -> (i32, i32) {
    %c0_i32 = arith.constant 0 : i32
    %c0_i32_0 = arith.constant 0 : i32
    %c0_i32_1 = arith.constant 0 : i32
    return %c0_i32, %c0_i32_0 : i32, i32
  }
  func.func @transform_6(%arg0: i32) -> (i32, i32) {
    %c0_i32 = arith.constant 0 : i32
    %c0_i32_0 = arith.constant 0 : i32
    return %arg0, %c0_i32 : i32, i32
  }
  func.func @transform_7(%arg0: i32) -> (i32, i32) {
    %c0_i32 = arith.constant 0 : i32
    %c0_i32_0 = arith.constant 0 : i32
    return %arg0, %c0_i32 : i32, i32
  }
  func.func @transform_8(%arg0: i32) -> (i32, i32) {
    %c0_i32 = arith.constant 0 : i32
    %c0_i32_0 = arith.constant 0 : i32
    return %arg0, %c0_i32 : i32, i32
  }
}

module attributes {stable_mosaic.version = 14 : i64} {
  func.func @body(%arg0: i32, %arg1: memref<2x400x128xf32, #tpu.memory_space<vmem>>, %arg2: memref<400x1xf32, #tpu.memory_space<vmem>>, %arg3: memref<400x128xf32, #tpu.memory_space<vmem>>, %arg4: memref<1x128xf32, #tpu.memory_space<vmem>>, %arg5: memref<128x64xf32, #tpu.memory_space<vmem>>, %arg6: memref<400x128xf32, #tpu.memory_space<vmem>>, %arg7: memref<400x64xf32, #tpu.memory_space<vmem>>) attributes {dimension_semantics = [#tpu.dimension_semantics<arbitrary>], iteration_bounds = array<i64: 25>, scalar_prefetch = 0 : i64, scratch_operands = 0 : i64, tpu.core_type = #tpu.core_type<tc>, window_params = [{transform_indices = @transform_0, window_bounds = array<i64: 2, 400, 128>}, {transform_indices = @transform_1, window_bounds = array<i64: 400, 1>}, {transform_indices = @transform_2, window_bounds = array<i64: 400, 128>}, {pipeline_mode = #tpu.pipeline_mode<synchronous>, transform_indices = @transform_3, window_bounds = array<i64: 1, 128>}, {pipeline_mode = #tpu.pipeline_mode<synchronous>, transform_indices = @transform_4, window_bounds = array<i64: 128, 64>}, {transform_indices = @transform_5, window_bounds = array<i64: 400, 128>}, {transform_indices = @transform_6, window_bounds = array<i64: 400, 64>}]} {
    %get3A = arith.constant 0 : index
    %get3A_0 = arith.constant 0 : index
    %get3A_1 = vector.load %arg2[%get3A, %get3A_0] : memref<400x1xf32, #tpu.memory_space<vmem>>, vector<400x1xf32>
    %get3A_2 = vector.shape_cast %get3A_1 : vector<400x1xf32> to vector<400xf32>
    %max3A = arith.constant 1.000000e+00 : f32
    %max3A_3 = vector.broadcast %max3A : f32 to vector<400xf32>
    %max3A_4 = arith.maximumf %get3A_2, %max3A_3 : vector<400xf32>
    %get3A_5 = arith.constant 0 : index
    %get3A_6 = arith.constant 0 : index
    %get3A_7 = arith.constant 0 : index
    %get3A_8 = vector.load %arg1[%get3A_5, %get3A_6, %get3A_7] : memref<2x400x128xf32, #tpu.memory_space<vmem>>, vector<1x400x128xf32>
    %get3A_9 = vector.shape_cast %get3A_8 : vector<1x400x128xf32> to vector<400x128xf32>
    %get3A_10 = arith.constant 1 : index
    %get3A_11 = arith.constant 0 : index
    %get3A_12 = arith.constant 0 : index
    %get3A_13 = vector.load %arg1[%get3A_10, %get3A_11, %get3A_12] : memref<2x400x128xf32, #tpu.memory_space<vmem>>, vector<1x400x128xf32>
    %get3A_14 = vector.shape_cast %get3A_13 : vector<1x400x128xf32> to vector<400x128xf32>
    %add3A = arith.addf %get3A_9, %get3A_14 : vector<400x128xf32>
    %broadcast_in_dim3A = vector.shape_cast %max3A_4 : vector<400xf32> to vector<400x1xf32>
    %div3A = vector.broadcast %broadcast_in_dim3A : vector<400x1xf32> to vector<400x128xf32>
    %div3A_15 = arith.divf %add3A, %div3A : vector<400x128xf32>
    %get3A_16 = arith.constant 0 : index
    %get3A_17 = arith.constant 0 : index
    %get3A_18 = vector.load %arg3[%get3A_16, %get3A_17] : memref<400x128xf32, #tpu.memory_space<vmem>>, vector<400x128xf32>
    %add3A_19 = arith.addf %div3A_15, %get3A_18 : vector<400x128xf32>
    %get3A_20 = arith.constant 0 : index
    %get3A_21 = arith.constant 0 : index
    %get3A_22 = vector.load %arg4[%get3A_20, %get3A_21] : memref<1x128xf32, #tpu.memory_space<vmem>>, vector<1x128xf32>
    %add3A_23 = vector.broadcast %get3A_22 : vector<1x128xf32> to vector<400x128xf32>
    %add3A_24 = arith.addf %add3A_19, %add3A_23 : vector<400x128xf32>
    %max3A_25 = arith.constant 0.000000e+00 : f32
    %max3A_26 = vector.broadcast %max3A_25 : f32 to vector<400x128xf32>
    %max3A_27 = arith.maximumf %add3A_24, %max3A_26 : vector<400x128xf32>
    %swap3A = arith.constant 0 : index
    %swap3A_28 = arith.constant 0 : index
    %swap3A_29 = vector.load %arg6[%swap3A, %swap3A_28] : memref<400x128xf32, #tpu.memory_space<vmem>>, vector<400x128xf32>
    tpu.vector_store %arg6[%swap3A, %swap3A_28], %max3A_27 {strides = array<i32>} : memref<400x128xf32, #tpu.memory_space<vmem>>, vector<400x128xf32>,
    %get3A_30 = arith.constant 0 : index
    %get3A_31 = arith.constant 0 : index
    %get3A_32 = vector.load %arg5[%get3A_30, %get3A_31] : memref<128x64xf32, #tpu.memory_space<vmem>>, vector<128x64xf32>
    %dot_general3A = arith.constant dense<0.000000e+00> : vector<400x64xf32>
    %dot_general3A_33 = tpu.matmul %max3A_27, %get3A_32, %dot_general3A {dimension_numbers = #tpu.dot_dimension_numbers<[1], [0], [0], [1], [0, 0, 1, 1], [], []>, transpose_lhs_hint = false} : vector<400x128xf32>, vector<128x64xf32>, vector<400x64xf32> -> vector<400x64xf32>
    %swap3A_34 = arith.constant 0 : index
    %swap3A_35 = arith.constant 0 : index
    %swap3A_36 = vector.load %arg7[%swap3A_34, %swap3A_35] : memref<400x64xf32, #tpu.memory_space<vmem>>, vector<400x64xf32>
    tpu.vector_store %arg7[%swap3A_34, %swap3A_35], %dot_general3A_33 {strides = array<i32>} : memref<400x64xf32, #tpu.memory_space<vmem>>, vector<400x64xf32>,
    return
  }
  func.func @transform_0(%arg0: i32) -> (i32, i32, i32) {
    %c0_i32 = arith.constant 0 : i32
    %c0_i32_0 = arith.constant 0 : i32
    %c0_i32_1 = arith.constant 0 : i32
    return %c0_i32, %arg0, %c0_i32_0 : i32, i32, i32
  }
  func.func @transform_1(%arg0: i32) -> (i32, i32) {
    %c0_i32 = arith.constant 0 : i32
    %c0_i32_0 = arith.constant 0 : i32
    return %arg0, %c0_i32 : i32, i32
  }
  func.func @transform_2(%arg0: i32) -> (i32, i32) {
    %c0_i32 = arith.constant 0 : i32
    %c0_i32_0 = arith.constant 0 : i32
    return %arg0, %c0_i32 : i32, i32
  }
  func.func @transform_3(%arg0: i32) -> (i32, i32) {
    %c0_i32 = arith.constant 0 : i32
    %c0_i32_0 = arith.constant 0 : i32
    %c0_i32_1 = arith.constant 0 : i32
    return %c0_i32, %c0_i32_0 : i32, i32
  }
  func.func @transform_4(%arg0: i32) -> (i32, i32) {
    %c0_i32 = arith.constant 0 : i32
    %c0_i32_0 = arith.constant 0 : i32
    %c0_i32_1 = arith.constant 0 : i32
    return %c0_i32, %c0_i32_0 : i32, i32
  }
  func.func @transform_5(%arg0: i32) -> (i32, i32) {
    %c0_i32 = arith.constant 0 : i32
    %c0_i32_0 = arith.constant 0 : i32
    return %arg0, %c0_i32 : i32, i32
  }
  func.func @transform_6(%arg0: i32) -> (i32, i32) {
    %c0_i32 = arith.constant 0 : i32
    %c0_i32_0 = arith.constant 0 : i32
    return %arg0, %c0_i32 : i32, i32
  }
}

module attributes {stable_mosaic.version = 14 : i64} {
  func.func @body(%arg0: i32, %arg1: memref<2x400x128xf32, #tpu.memory_space<vmem>>, %arg2: memref<400x1xf32, #tpu.memory_space<vmem>>, %arg3: memref<400x64xf32, #tpu.memory_space<vmem>>, %arg4: memref<1x64xf32, #tpu.memory_space<vmem>>, %arg5: memref<128x64xf32, #tpu.memory_space<vmem>>, %arg6: memref<400x64xf32, #tpu.memory_space<vmem>>) attributes {dimension_semantics = [#tpu.dimension_semantics<arbitrary>], iteration_bounds = array<i64: 25>, scalar_prefetch = 0 : i64, scratch_operands = 0 : i64, tpu.core_type = #tpu.core_type<tc>, window_params = [{transform_indices = @transform_0, window_bounds = array<i64: 2, 400, 128>}, {transform_indices = @transform_1, window_bounds = array<i64: 400, 1>}, {transform_indices = @transform_2, window_bounds = array<i64: 400, 64>}, {pipeline_mode = #tpu.pipeline_mode<synchronous>, transform_indices = @transform_3, window_bounds = array<i64: 1, 64>}, {pipeline_mode = #tpu.pipeline_mode<synchronous>, transform_indices = @transform_4, window_bounds = array<i64: 128, 64>}, {transform_indices = @transform_5, window_bounds = array<i64: 400, 64>}]} {
    %get3A = arith.constant 0 : index
    %get3A_0 = arith.constant 0 : index
    %get3A_1 = vector.load %arg2[%get3A, %get3A_0] : memref<400x1xf32, #tpu.memory_space<vmem>>, vector<400x1xf32>
    %get3A_2 = vector.shape_cast %get3A_1 : vector<400x1xf32> to vector<400xf32>
    %max3A = arith.constant 1.000000e+00 : f32
    %max3A_3 = vector.broadcast %max3A : f32 to vector<400xf32>
    %max3A_4 = arith.maximumf %get3A_2, %max3A_3 : vector<400xf32>
    %get3A_5 = arith.constant 0 : index
    %get3A_6 = arith.constant 0 : index
    %get3A_7 = arith.constant 0 : index
    %get3A_8 = vector.load %arg1[%get3A_5, %get3A_6, %get3A_7] : memref<2x400x128xf32, #tpu.memory_space<vmem>>, vector<1x400x128xf32>
    %get3A_9 = vector.shape_cast %get3A_8 : vector<1x400x128xf32> to vector<400x128xf32>
    %get3A_10 = arith.constant 1 : index
    %get3A_11 = arith.constant 0 : index
    %get3A_12 = arith.constant 0 : index
    %get3A_13 = vector.load %arg1[%get3A_10, %get3A_11, %get3A_12] : memref<2x400x128xf32, #tpu.memory_space<vmem>>, vector<1x400x128xf32>
    %get3A_14 = vector.shape_cast %get3A_13 : vector<1x400x128xf32> to vector<400x128xf32>
    %add3A = arith.addf %get3A_9, %get3A_14 : vector<400x128xf32>
    %broadcast_in_dim3A = vector.shape_cast %max3A_4 : vector<400xf32> to vector<400x1xf32>
    %div3A = vector.broadcast %broadcast_in_dim3A : vector<400x1xf32> to vector<400x128xf32>
    %div3A_15 = arith.divf %add3A, %div3A : vector<400x128xf32>
    %get3A_16 = arith.constant 0 : index
    %get3A_17 = arith.constant 0 : index
    %get3A_18 = vector.load %arg5[%get3A_16, %get3A_17] : memref<128x64xf32, #tpu.memory_space<vmem>>, vector<128x64xf32>
    %dot_general3A = arith.constant dense<0.000000e+00> : vector<400x64xf32>
    %dot_general3A_19 = tpu.matmul %div3A_15, %get3A_18, %dot_general3A {dimension_numbers = #tpu.dot_dimension_numbers<[1], [0], [0], [1], [0, 0, 1, 1], [], []>, transpose_lhs_hint = false} : vector<400x128xf32>, vector<128x64xf32>, vector<400x64xf32> -> vector<400x64xf32>
    %get3A_20 = arith.constant 0 : index
    %get3A_21 = arith.constant 0 : index
    %get3A_22 = vector.load %arg3[%get3A_20, %get3A_21] : memref<400x64xf32, #tpu.memory_space<vmem>>, vector<400x64xf32>
    %add3A_23 = arith.addf %dot_general3A_19, %get3A_22 : vector<400x64xf32>
    %get3A_24 = arith.constant 0 : index
    %get3A_25 = arith.constant 0 : index
    %get3A_26 = vector.load %arg4[%get3A_24, %get3A_25] : memref<1x64xf32, #tpu.memory_space<vmem>>, vector<1x64xf32>
    %add3A_27 = vector.broadcast %get3A_26 : vector<1x64xf32> to vector<400x64xf32>
    %add3A_28 = arith.addf %add3A_23, %add3A_27 : vector<400x64xf32>
    %reduce_max3A = arith.constant dense<0xFF800000> : vector<400xf32>
    %reduce_max3A_29 = vector.multi_reduction <maximumf>, %add3A_28, %reduce_max3A [1] : vector<400x64xf32> to vector<400xf32>
    %broadcast_in_dim3A_30 = vector.shape_cast %reduce_max3A_29 : vector<400xf32> to vector<400x1xf32>
    %sub3A = vector.broadcast %broadcast_in_dim3A_30 : vector<400x1xf32> to vector<400x64xf32>
    %sub3A_31 = arith.subf %add3A_28, %sub3A : vector<400x64xf32>
    %exp3A = math.exp %sub3A_31 : vector<400x64xf32>
    %reduce_sum3A = arith.constant dense<0.000000e+00> : vector<400xf32>
    %reduce_sum3A_32 = vector.multi_reduction <add>, %exp3A, %reduce_sum3A [1] : vector<400x64xf32> to vector<400xf32>
    %broadcast_in_dim3A_33 = vector.shape_cast %reduce_sum3A_32 : vector<400xf32> to vector<400x1xf32>
    %log3A = math.log %broadcast_in_dim3A_33 : vector<400x1xf32>
    %add3A_34 = arith.addf %log3A, %broadcast_in_dim3A_30 : vector<400x1xf32>
    %sub3A_35 = vector.broadcast %add3A_34 : vector<400x1xf32> to vector<400x64xf32>
    %sub3A_36 = arith.subf %add3A_28, %sub3A_35 : vector<400x64xf32>
    %swap3A = arith.constant 0 : index
    %swap3A_37 = arith.constant 0 : index
    %swap3A_38 = vector.load %arg6[%swap3A, %swap3A_37] : memref<400x64xf32, #tpu.memory_space<vmem>>, vector<400x64xf32>
    tpu.vector_store %arg6[%swap3A, %swap3A_37], %sub3A_36 {strides = array<i32>} : memref<400x64xf32, #tpu.memory_space<vmem>>, vector<400x64xf32>,
    return
  }
  func.func @transform_0(%arg0: i32) -> (i32, i32, i32) {
    %c0_i32 = arith.constant 0 : i32
    %c0_i32_0 = arith.constant 0 : i32
    %c0_i32_1 = arith.constant 0 : i32
    return %c0_i32, %arg0, %c0_i32_0 : i32, i32, i32
  }
  func.func @transform_1(%arg0: i32) -> (i32, i32) {
    %c0_i32 = arith.constant 0 : i32
    %c0_i32_0 = arith.constant 0 : i32
    return %arg0, %c0_i32 : i32, i32
  }
  func.func @transform_2(%arg0: i32) -> (i32, i32) {
    %c0_i32 = arith.constant 0 : i32
    %c0_i32_0 = arith.constant 0 : i32
    return %arg0, %c0_i32 : i32, i32
  }
  func.func @transform_3(%arg0: i32) -> (i32, i32) {
    %c0_i32 = arith.constant 0 : i32
    %c0_i32_0 = arith.constant 0 : i32
    %c0_i32_1 = arith.constant 0 : i32
    return %c0_i32, %c0_i32_0 : i32, i32
  }
  func.func @transform_4(%arg0: i32) -> (i32, i32) {
    %c0_i32 = arith.constant 0 : i32
    %c0_i32_0 = arith.constant 0 : i32
    %c0_i32_1 = arith.constant 0 : i32
    return %c0_i32, %c0_i32_0 : i32, i32
  }
  func.func @transform_5(%arg0: i32) -> (i32, i32) {
    %c0_i32 = arith.constant 0 : i32
    %c0_i32_0 = arith.constant 0 : i32
    return %arg0, %c0_i32 : i32, i32
  }
}

</mosaic_0001>

<sc_bundles>
// kernel: kernel.11.cloned.1.call-start
scs
__scs_entry_jumppad:
0x0: {  	(pc) =	sbr.rel $0x88, $3  }
0x1: {  	(tag) =	ssettag $0x0;
	lr =	simm.s32 $0x1  }
0x2: {  	[smem:$0x3F94] =	sst lr;
	_ =	strace $0xD0000000  }
0x3: {  	_ = 	snop  }
0x4: {  	_ = 	snop  }
0x5: {  	_ = 	snop  }
0x6: {  	_ = 	snop  }
0x7: {  	_ = 	snop  }
__scs_overlays_trampoline_lowered:
0x8: {  	[smem:$0x3FA3] =	sst s0  }
0x9: {  	[smem:$0x3FA4] =	sst s1  }
0xa: {  	[smem:$0x3FA5] =	sst s2  }
0xb: {  	[smem:$0x3FA6] =	sst s3  }
0xc: {  	[smem:$0x3FA7] =	sst s4  }
0xd: {  	[smem:$0x3FA8] =	sst s5  }
0xe: {  	[smem:$0x3FA9] =	sst s6  }
0xf: {  	[smem:$0x3FAA] =	sst s7  }
0x10: {  	[smem:$0x3FAB] =	sst s8  }
0x11: {  	[smem:$0x3FAC] =	sst s9;
	s0 =	simm.s32 @!p0 $0x0  }
0x12: {  	s1 =	sld [smem:$0x3F92];
	s0 =	simm.s32 @p0 $0x1  }
0x13: {  	[smem:$0x3FAD] =	sst s0;
	s0 =	simm.s32 @!p1 $0x0  }
0x14: {  	s2 =	sld [smem:$0x3F91];
	s0 =	simm.s32 @p1 $0x1  }
0x15: {  	[smem:$0x3FAE] =	sst s0;
	s0 =	simm.s32 @!p2 $0x0  }
0x16: {  	s3 =	sld [smem:$0x3FDB];
	s0 =	simm.s32 @p2 $0x1  }
0x17: {  	s4 =	simm.s32 $0x1BF5;
	[smem:$0x3FB0] =	sst s0  }
0x18: {  	s0 =	sld [smem:$0x3F93];
	_ =	swait.ge [sflag:s4], $0x0  }
0x19: {  	s7 =	sld [smem:$0x3F94]  }
0x1a: {  	s8 =	sadd.s32 $0xFFFFE003, lr  }
0x1b: {  	s9 =	sadd.s32 $0xFFFFFEF7, lr;
	s5 =	simm.s32 $0xFFFFFFFF;
	p2 =	slt.u32 s8, $0xFFFFF086  }
0x1c: {  	p1 =	slt.u32 s9, $0xF7A;
	s5 =	simm.s32 @!p2 $0x0  }
0x1d: {  	s5 =	simm.s32 @p1 $0x1;
	p0 =	seq.s32 s7, s2  }
0x1e: {  	s7 =	smul.u32 @!p0 $0xF7A, s2;
	p2 =	seq.s32 @!p0 s5, $0x0  }
0x1f: {  	s9 =	smul.u32 $0xF7A, s1;
	s8 =	simm.s32 @!p0 $0x1BF5;
	p2 =	por !p2, p0  }
0x20: {  	[sflag:s8] =	ssyncset.s32 @!p0 $0xFFFFF086;
	s6 =	sadd.s32 @!p0 s3, s7;
	s7 =	simm.s32 @!p0 $0x108  }
0x21: {  	s3 =	sadd.s32 s3, s9;
	s6 =	sadd.s32 @!p0 $0x88, s6;
	s7 =	simm.s32 @p2 $0x1082  }
0x22: {  	[simem:s7], [sflag:s8] =	dma.local @!p0 [hbm:s6], $0xF7A  }
0x23: {  	s9 =	sor.u32 $0xD0000000, s2;
	s6 =	simm.s32 $0x108;
	_ =	swait.ge @!p0 [sflag:s8], $0x0  }
0x24: {  	s3 =	sadd.s32 $0x88, s3;
	s6 =	simm.s32 @!p1 $0x1082;
	[sflag:s4] =	ssyncset.s32 $0xFFFFF086  }
0x25: {  	[simem:s6], [sflag:s4] =	dma.local [hbm:s3], $0xF7A  }
0x26: {  	[smem:$0x3F94] =	sst s1;
	(tag) =	ssettag s2;
	_ =	strace s9  }
0x27: {  	s1 =	sld [smem:$0x3FA4]  }
0x28: {  	s2 =	sld [smem:$0x3FA5]  }
0x29: {  	s4 =	sld [smem:$0x3FA7]  }
0x2a: {  	p0 =	seq.s32 s5, $0x0;
	s5 =	sld [smem:$0x3FA8]  }
0x2b: {  	s6 =	sld [smem:$0x3FA9]  }
0x2c: {  	s7 =	sld [smem:$0x3FAA]  }
0x2d: {  	s3 =	simm.s32 $0x108;
	s8 =	sld [smem:$0x3FAB]  }
0x2e: {  	s3 =	simm.s32 @!p0 $0x1082;
	s9 =	sld [smem:$0x3FAC]  }
0x2f: {  	lr =	sadd.s32 s0, s3;
	s0 =	sld [smem:$0x3FA3]  }
0x30: {  	s3 =	sld [smem:$0x3FA6]  }
0x31: {  	[smem:$0x3FAF] =	sst s10  }
0x32: {  	s10 =	sld [smem:$0x3FAD];
	_ =	sdelay $0x3  }
0x33: {  	p0 =	seq.s32 s10, $0x1;
	s10 =	sld [smem:$0x3FAF];
	_ =	sdelay $0x3  }
0x34: {  	[smem:$0x3FAF] =	sst s10  }
0x35: {  	s10 =	sld [smem:$0x3FAE];
	_ =	sdelay $0x3  }
0x36: {  	p1 =	seq.s32 s10, $0x1;
	s10 =	sld [smem:$0x3FAF];
	_ =	sdelay $0x3  }
0x37: {  	[smem:$0x3FAF] =	sst s10  }
0x38: {  	s10 =	sld [smem:$0x3FB0]  }
0x39: {  	_ = 	snop;
	(pc) =	sbr.ind lr, $3  }
0x3a: {  	_ = 	snop  }
0x3b: {  	_ = 	snop  }
0x3c: {  	p2 =	seq.s32 s10, $0x1;
	s10 =	sld [smem:$0x3FAF]  }
0x3d: {  	_ =	shalt  }
0x3e: {  	_ =	shalt  }
0x3f: {  	_ =	shalt  }
0x40: {  	_ =	shalt  }
0x41: {  	_ =	shalt  }
0x42: {  	_ =	shalt  }
0x43: {  	_ =	shalt  }
0x44: {  	_ =	shalt  }
0x45: {  	_ =	shalt  }
0x46: {  	_ =	shalt  }
0x47: {  	_ =	shalt  }
0x48: {  	_ =	shalt  }
0x49: {  	_ =	shalt  }
0x4a: {  	_ =	shalt  }
0x4b: {  	_ =	shalt  }
0x4c: {  	_ =	shalt  }
0x4d: {  	_ =	shalt  }
0x4e: {  	_ =	shalt  }
0x4f: {  	_ =	shalt  }
0x50: {  	_ =	shalt  }
0x51: {  	_ =	shalt  }
0x52: {  	_ =	shalt  }
0x53: {  	_ =	shalt  }
0x54: {  	_ =	shalt  }
0x55: {  	_ =	shalt  }
0x56: {  	_ =	shalt  }
0x57: {  	_ =	shalt  }
0x58: {  	_ =	shalt  }
0x59: {  	_ =	shalt  }
0x5a: {  	_ =	shalt  }
0x5b: {  	_ =	shalt  }
0x5c: {  	_ =	shalt  }
0x5d: {  	_ =	shalt  }
0x5e: {  	_ =	shalt  }
0x5f: {  	_ =	shalt  }
0x60: {  	_ =	shalt  }
0x61: {  	_ =	shalt  }
0x62: {  	_ =	shalt  }
0x63: {  	_ =	shalt  }
0x64: {  	_ =	shalt  }
0x65: {  	_ =	shalt  }
0x66: {  	_ =	shalt  }
0x67: {  	_ =	shalt  }
0x68: {  	_ =	shalt  }
0x69: {  	_ =	shalt  }
0x6a: {  	_ =	shalt  }
0x6b: {  	_ =	shalt  }
0x6c: {  	_ =	shalt  }
0x6d: {  	_ =	shalt  }
0x6e: {  	_ =	shalt  }
0x6f: {  	_ =	shalt  }
0x70: {  	_ =	shalt  }
0x71: {  	_ =	shalt  }
0x72: {  	_ =	shalt  }
0x73: {  	_ =	shalt  }
0x74: {  	_ =	shalt  }
0x75: {  	_ =	shalt  }
0x76: {  	_ =	shalt  }
0x77: {  	_ =	shalt  }
0x78: {  	_ =	shalt  }
0x79: {  	_ =	shalt  }
0x7a: {  	_ =	shalt  }
0x7b: {  	_ =	shalt  }
0x7c: {  	_ =	shalt  }
0x7d: {  	_ =	shalt  }
0x7e: {  	_ =	shalt  }
0x7f: {  	_ =	shalt  }
0x80: {  	_ =	shalt  }
0x81: {  	_ =	shalt  }
0x82: {  	_ =	shalt  }
0x83: {  	_ =	shalt  }
0x84: {  	_ =	shalt  }
0x85: {  	_ =	shalt  }
0x86: {  	_ =	shalt  }
0x87: {  	_ =	shalt  }
.Lfunc_end0:
.L_simem_size_0:
called_computation_lowered:
.L_overlay_start_0:
0x88: {  	s2 =	sld [smem:$0x3FD9]  }
0x89: {  	s3 =	sld [smem:$0x3FFE];
	_ =	sdelay $0x1  }
0x8a: {  	s1 =	srdreg.scid  }
0x8b: {  	s0 =	sand.u32 $0x1, s1  }
0x8c: {  	s17 =	sshll.u32 s0, $0xA;
	s2 =	sadd.s32 s3, s2  }
0x8d: {  	s2 =	sadd.s32 s2, s17  }
0x8e: {  	[smem:$0x3FBB] =	sst s2  }
0x8f: {  	_ = 	snop  }
0x90: {  	s2 =	sld [smem:$0x3FD0];
	(tm) =	ssettm $0x1  }
0x91: {  	s18 =	sld [smem:$0x3FFB];
	_ =	sdelay $0x3  }
0x92: {  	_ =	strace s18  }
0x93: {  	s3 =	sld [smem:$0x3FFC];
	_ =	sdelay $0x3  }
0x94: {  	_ =	strace s3  }
0x95: {  	s3 =	sld [smem:$0x3FFD];
	_ =	sdelay $0x3  }
0x96: {  	_ =	strace s3  }
0x97: {  	_ =	strace $0x8FFFFFFF  }
0x98: {  	s19 =	sld [smem:$0x3FDB];
	_ =	sdelay $0x1  }
0x99: {  	s4 =	simm.s32 $_scs_section_size  }
0x9a: {  	s5 =	simm.s32 $_size__tile_overlayer_lowered;
	s6 =	simm.s32 $_tile_overlayer_lowered  }
0x9b: {  	s22 =	simm.s32 $0x1BFF;
	s21 =	sshll.u32 s6, $0x1;
	s3 =	sadd.s32 s4, s19  }
0x9c: {  	s7 =	simm.s32 $0x0;
	s20 =	sshll.u32 s5, $0x1;
	s5 =	sadd.s32 s21, s3  }
0x9d: {  	[timem:s7], [sflag:s22] =	dma.local [hbm:s5], s20  }
0x9e: {  	_ =	swait.ge [sflag:s22], s20  }
0x9f: {  	s4 =	ssub.s32 $0x0, s20;
	[sflag:s22] =	ssyncset.done $0x0  }
0xa0: {  	[sflag:s22] =	ssyncadd.s32 s4;
	_ =	sdelay $0x1  }
0xa1: {  	s23 =	simm.s32 $0x1B8B  }
0xa2: {  	_ =	swait.ge [sflag:s23], $0x1  }
0xa3: {  	[sflag:s23] =	ssyncset.done $0x0  }
0xa4: {  	s25 =	simm.s32 $0x1B8E;
	s24 =	sld [smem:$0x3FFE];
	[sflag:s23] =	ssyncadd.s32 $0xFFFFFFFF  }
0xa5: {  	s26 =	simm.s32 $execute0_lowered;
	[smem:$0x3FD2] =	sst s25  }
0xa6: {  	s5 =	sshll.u32 s26, $0x1;
	_ =	strace $0x80000046;
	[dreg:$0x1] =	wrdreg $0xFFFFFFFF  }
0xa7: {  	s28 =	simm.s32 $_size_execute0_lowered;
	s3 =	sadd.s32 s3, s5;
	[dreg:$0x0] =	wrdreg $0x0  }
0xa8: {  	s5 =	sshll.u32 s28, $0x1;
	[dreg:$0x2] =	wrdreg s3  }
0xa9: {  	[dreg:$0x3] =	wrdreg s5  }
0xaa: {  	[dreg:$0x4] =	wrdreg $0xC0  }
0xab: {  	_ =	task [dreg:s7], $0x5FFFF  }
0xac: {  	[dreg:$0x1] =	wrdreg $0xFFFFFFFF  }
0xad: {  	[dreg:$0x0] =	wrdreg $0x60  }
0xae: {  	[dreg:$0x2] =	wrdreg s24  }
0xaf: {  	[dreg:$0x3] =	wrdreg s2  }
0xb0: {  	[dreg:$0x4] =	wrdreg $0xA8000  }
0xb1: {  	[dreg:$0x5] =	wrdreg $0x1EB000  }
0xb2: {  	[dreg:$0x6] =	wrdreg $0x9  }
0xb3: {  	_ =	task.clear_ibuf [dreg:s7], $0x7FFFF;
	_ =	strace $0x90000046  }
0xb4: {  	s29 =	simm.s32 $0x9;
	_ =	strace $0x80000048  }
0xb5: {  	_ =	swait.ge [sflag:s29], $0x1  }
0xb6: {  	[sflag:s29] =	ssyncadd.s32 $0xFFFFFFFF  }
0xb7: {  	_ =	strace $0x90000048  }
0xb8: {  	_ =	sfence  }
0xb9: {  	s30 =	sld [smem:$0x0];
	_ =	sdelay $0x2  }
0xba: {  	s31 =	sshll.u32 s1, $0xD;
	s1 =	sshrl.u32 s1, $0x2  }
0xbb: {  	s3 =	sand.u32 $0x4000, s31;
	s1 =	sadd.s32 s1, s30  }
0xbc: {  	s0 =	sor.u32 s3, s0;
	s1 =	sshll.u32 s1, $0x11  }
0xbd: {  	s0 =	sor.u32 s1, s0  }
0xbe: {  	s0 =	sadd.s32 $0x8F2B, s0  }
0xbf: {  	[sflag:s0] =	ssyncadd.remote.s32 $0x1  }
0xc0: {  	_ =	sfence.sel $0xFFFF  }
0xc1: {  	[dreg:$0x0] =	wrdreg $0xFFFFFFFF;
	(pc) =	sbr.abs _section_cstart, $3  }
0xc2: {  	[dreg:$0x1] =	wrdreg $0xFFFFFFFF  }
0xc3: {  	_ =	task.clear_ibuf [dreg:s7], $0x2FFFF;
	_ =	strace $0x9FFFFFFF  }
0xc4: {  	(tm) =	ssettm $0x7FFFFFFF  }
0xc5: {  	_ =	shalt  }
tec
execute0_lowered:
.L_overlay_start_1:
0x0: {  	(tag) =	ssettag $0x1  }
0x1: {  	s1 =	rddreg [dreg:$0x0]  }
0x2: {  	s14 =	rddreg [dreg:$0x1]  }
0x3: {  	s2 =	rddreg [dreg:$0x2]  }
0x4: {  	s4 =	srdreg.scid;
	s0 =	stileid.u32  }
0x5: {  	s3 =	rddreg [dreg:$0x3];
	s22 =	simm.s32 $0x4;
	s11 =	smul.u32 $0x280, s0  }
0x6: {  	s24 =	simm.s32 $0x1400;
	s28 =	simm.s32 $0x1;
	s8 =	smul.u32 $0x50000, s0  }
0x7: {  	s29 =	simm.s32 $0x1E800;
	s30 =	simm.s32 $0x2;
	s9 =	smul.u32 $0x28, s0  }
0x8: {  	s31 =	simm.s32 $0x2700;
	s23 =	simm.s32 $0x3;
	s12 =	smul.u32 $0x78, s0  }
0x9: {  	s15 =	sand.u32 $0x1, s4;
	s4 =	simm.s32 $0x0;
	s17 =	smul.u32 $0x3C00, s0  }
0xa: {  	s16 =	sadd.s32 $0x3600, s1;
	s5 =	smul.u32 $0x2800, s15;
	[smem:$0x7FF] =	sst s4  }
0xb: {  	s25 =	ssub.s32 $0x2, s15;
	p0 =	seq.s32 s15, $0x0;
	_ =	strace $0x80000047  }
0xc: {  	s26 =	sshrl.u32 s25, $0x1;
	s8 =	sshrl.u32 s8, $0x2;
	s13 =	sadd.s32 $0x780, s9  }
0xd: {  	s17 =	sshrl.u32 s17, $0x3;
	s6 =	sadd.s32 s11, s5;
	s5 =	sadd.s32 $0xD600, s1  }
0xe: {  	s20 =	ssub.s32 s25, s26;
	s13 =	smov.u32 @p0 s12;
	s11 =	sadd.s32 s11, s3  }
0xf: {  	s19 =	sadd.s32 $0x280, s17;
	s17 =	sadd.s32 $0x500, s17;
	p0 =	sne.s32 s15, $0x0  }
0x10: {  	s25 =	simm.s32 $0x80;
	s26 =	simm.s32 $0x6800;
	s7 =	sshll.u32 s6, $0x4  }
0x11: {  	s6 =	sshrl.u32 s6, $0x3;
	s13 =	sshll.u32 s13, $0x4;
	s21 =	sadd.s32 s16, s19  }
0x12: {  	s19 =	sadd.s32 s14, s19;
	s20 =	smax.u32 s20, $0x1;
	s18 =	sadd.s32 s7, s1  }
0x13: {  	s1 =	sadd.s32 s6, s1;
	s6 =	sadd.s32 s8, s2;
	s12 =	sadd.s32 s16, s13  }
.Ltmp0:
0x14: {  	s13 =	sadd.s32 s14, s13;
	[dreg:$0x5] =	wrdreg s21;
	(pc) =	sbr.rel .LBB2_1-.Ltmp0, $4  }
0x15: {  	[dreg:$0x6] =	wrdreg s19;
	s16 =	sadd.s32 s16, s17;
	s17 =	sadd.s32 s14, s17  }
0x16: {  	s21 =	simm.s32 $0x2800;
	s7 =	sadd.s32 $0x4000, s6;
	s8 =	sadd.s32 $0x8000, s6  }
0x17: {  	s9 =	sadd.s32 $0xC000, s6;
	s10 =	sadd.s32 $0x10000, s6;
	[dreg:$0x7] =	wrdreg s16  }
0x18: {  	v0 =	vimm.f32 $0.0e+00;
	v1 =	vimm.f32 $1.000000000e+00;
	s18 =	sadd.s32 $0x35200, s18;
	s19 =	sadd.s32 $0x34800, s1;
	s1 =	simm.s32 $0x2780  }
.LBB2_16:
0x19: {  	[sflag:s23] =	ssyncadd.s32 $0xFFFFFF80  }
.LBB2_17:
0x1a: {  	s14 =	sshll.u32 s0, $0x6  }
0x1b: {  	[bflag:$0x0] =	sbarrier.arrive $0xFFFF;
	s15 =	sshrl.u32 s6, $0x3;
	s14 =	sor.u32 $0x1C04, s14  }
0x1c: {  	[hbm:s18], [sflag:s14] =	dma.local [spmem:s15], $0x2800  }
0x1d: {  	s4 =	sadd.s32 $0x1, s4;
	_ =	swait.ge [sflag:s22], $0x2800  }
0x1e: {  	p1 =	sne.s32 s4, s20;
	[sflag:s22] =	ssyncset.done $0x0  }
.Ltmp1:
0x1f: {  	s16 =	sshrl.u32 s11, $0x3;
	[sflag:s22] =	ssyncadd.s32 $0xFFFFD800;
	(pc) =	sbr.rel @!p1 .LBB2_18-.Ltmp1, $4  }
0x20: {  	[hbm:s19], [sflag:s14] =	dma.local [spmem:s16], $0x50  }
0x21: {  	_ =	swait.ge [sflag:s22], $0x50  }
0x22: {  	[sflag:s22] =	ssyncset.done $0x0  }
0x23: {  	[sflag:s22] =	ssyncadd.s32 $0xFFFFFFB0  }
.LBB2_1:
0x24: {  	s14 =	simm.s32 $0x0;
	s15 =	simm.s32 $0x200  }
.LBB2_2:
0x25: {  	p1 =	sne.s32 s15, $0xFE00;
	[tilespmem:s14+$0x2870] =	vst v0  }
0x26: {  	[tilespmem:s14+$0x2800] =	vst v0  }
0x27: {  	[tilespmem:s14+$0x2810] =	vst v0  }
.Ltmp2:
0x28: {  	[tilespmem:s14+$0x2820] =	vst v0;
	(pc) =	sbr.rel @p1 .LBB2_2-.Ltmp2, $4  }
0x29: {  	[tilespmem:s14+$0x2830] =	vst v0  }
0x2a: {  	[tilespmem:s14+$0x2840] =	vst v0  }
0x2b: {  	[tilespmem:s14+$0x2850] =	vst v0  }
0x2c: {  	[tilespmem:s14+$0x2860] =	vst v0;
	s14 =	sshra.s32 s15, $0x2;
	s15 =	sadd.s32 $0x200, s15  }
0x2d: {  	[tilespmem:s14+$0x2870] =	vst v0  }
0x2e: {  	[tilespmem:s14+$0x2800] =	vst v0  }
0x2f: {  	[tilespmem:s14+$0x2810] =	vst v0  }
0x30: {  	[tilespmem:s14+$0x2820] =	vst v0  }
0x31: {  	[tilespmem:s14+$0x2830] =	vst v0  }
0x32: {  	[tilespmem:s14+$0x2840] =	vst v0  }
0x33: {  	[tilespmem:s14+$0x2850] =	vst v0  }
0x34: {  	[tilespmem:s14+$0x2860] =	vst v0  }
0x35: {  	[spmem:s6] =	stream.linear.scatter [tilespmem:s21], [sflag:$0x4], $0x4000, $0x38;
	[tilespmem:$0x1ED80] =	vst v63  }
0x36: {  	_ =	swait.ge [sflag:s22], $0x4000  }
0x37: {  	[sflag:s22] =	ssyncset.done $0x0  }
0x38: {  	[sflag:s22] =	ssyncadd.s32 $0xFFFFC000  }
0x39: {  	[spmem:s7] =	stream.linear.scatter [tilespmem:s21], [sflag:$0x4], $0x4000, $0x38;
	[tilespmem:$0x1ED80] =	vst v63  }
0x3a: {  	_ =	swait.ge [sflag:s22], $0x4000  }
0x3b: {  	[sflag:s22] =	ssyncset.done $0x0  }
0x3c: {  	[sflag:s22] =	ssyncadd.s32 $0xFFFFC000  }
0x3d: {  	[spmem:s8] =	stream.linear.scatter [tilespmem:s21], [sflag:$0x4], $0x4000, $0x38;
	[tilespmem:$0x1ED80] =	vst v63  }
0x3e: {  	_ =	swait.ge [sflag:s22], $0x4000  }
0x3f: {  	[sflag:s22] =	ssyncset.done $0x0  }
0x40: {  	[sflag:s22] =	ssyncadd.s32 $0xFFFFC000  }
0x41: {  	[spmem:s9] =	stream.linear.scatter [tilespmem:s21], [sflag:$0x4], $0x4000, $0x38;
	[tilespmem:$0x1ED80] =	vst v63  }
0x42: {  	_ =	swait.ge [sflag:s22], $0x4000  }
0x43: {  	[sflag:s22] =	ssyncset.done $0x0  }
0x44: {  	[sflag:s22] =	ssyncadd.s32 $0xFFFFC000  }
0x45: {  	[spmem:s10] =	stream.linear.scatter [tilespmem:s21], [sflag:$0x4], $0x4000, $0x38;
	[tilespmem:$0x1ED80] =	vst v63  }
0x46: {  	_ =	swait.ge [sflag:s22], $0x4000  }
0x47: {  	[sflag:s22] =	ssyncset.done $0x0  }
0x48: {  	[sflag:s22] =	ssyncadd.s32 $0xFFFFC000  }
0x49: {  	[tilespmem:$0x1E880] =	vst v0  }
0x4a: {  	[tilespmem:$0x1E890] =	vst v0  }
0x4b: {  	[tilespmem:$0x1E8A0] =	vst v0  }
0x4c: {  	[tilespmem:$0x1E8B0] =	vst v0  }
0x4d: {  	[tilespmem:$0x1E8C0] =	vst v0  }
0x4e: {  	[tilespmem:$0x1E8D0] =	vst v0  }
0x4f: {  	[tilespmem:$0x1E8E0] =	vst v0  }
0x50: {  	[tilespmem:$0x1E8F0] =	vst v0  }
0x51: {  	[tilespmem:$0x1E900] =	vst v0  }
0x52: {  	[tilespmem:$0x1E910] =	vst v0  }
0x53: {  	[tilespmem:$0x1E920] =	vst v0  }
0x54: {  	[tilespmem:$0x1E930] =	vst v0  }
0x55: {  	[tilespmem:$0x1E940] =	vst v0  }
0x56: {  	[tilespmem:$0x1E950] =	vst v0  }
0x57: {  	[tilespmem:$0x1E960] =	vst v0  }
0x58: {  	[tilespmem:$0x1E970] =	vst v0  }
0x59: {  	[tilespmem:$0x1E980] =	vst v0  }
0x5a: {  	[tilespmem:$0x1E990] =	vst v0  }
0x5b: {  	[tilespmem:$0x1E9A0] =	vst v0  }
0x5c: {  	[tilespmem:$0x1E9B0] =	vst v0  }
0x5d: {  	[tilespmem:$0x1E9C0] =	vst v0  }
0x5e: {  	[tilespmem:$0x1E9D0] =	vst v0  }
0x5f: {  	[tilespmem:$0x1E9E0] =	vst v0  }
0x60: {  	[tilespmem:$0x1E9F0] =	vst v0  }
0x61: {  	[tilespmem:$0x1EA00] =	vst v0  }
0x62: {  	[tilespmem:$0x1EA10] =	vst v0  }
0x63: {  	[tilespmem:$0x1EA20] =	vst v0  }
0x64: {  	[tilespmem:$0x1EA30] =	vst v0  }
0x65: {  	[tilespmem:$0x1EA40] =	vst v0  }
0x66: {  	[tilespmem:$0x1EA50] =	vst v0  }
0x67: {  	[tilespmem:$0x1EA60] =	vst v0  }
0x68: {  	[tilespmem:$0x1EA70] =	vst v0  }
0x69: {  	[tilespmem:$0x1EA80] =	vst v0  }
0x6a: {  	[tilespmem:$0x1EA90] =	vst v0  }
0x6b: {  	[tilespmem:$0x1EAA0] =	vst v0  }
0x6c: {  	[tilespmem:$0x1EAB0] =	vst v0  }
0x6d: {  	[tilespmem:$0x1EAC0] =	vst v0  }
0x6e: {  	[tilespmem:$0x1EAD0] =	vst v0  }
0x6f: {  	[tilespmem:$0x1EAE0] =	vst v0  }
0x70: {  	s16 =	simm.s32 $0x1E880;
	[tilespmem:$0x1EAF0] =	vst v0  }
0x71: {  	[spmem:s11] =	stream.linear.scatter [tilespmem:s16], [sflag:$0x4], $0x280, $0x38;
	[tilespmem:$0x1ED80] =	vst v63  }
0x72: {  	_ =	swait.ge [sflag:s22], $0x280  }
0x73: {  	[sflag:s22] =	ssyncset.done $0x0  }
0x74: {  	[sflag:s22] =	ssyncadd.s32 $0xFFFFFD80  }
0x75: {  	[tilespmem:$0x1E800] =	vst v1  }
0x76: {  	[tilespmem:$0x1E810] =	vst v1  }
0x77: {  	[tilespmem:$0x1E820] =	vst v1  }
0x78: {  	[tilespmem:$0x1E830] =	vst v1  }
0x79: {  	[tilespmem:$0x1E840] =	vst v1  }
0x7a: {  	[tilespmem:$0x1E850] =	vst v1  }
0x7b: {  	[tilespmem:$0x1E860] =	vst v1  }
0x7c: {  	[tilespmem:$0x1E870] =	vst v1  }
0x7d: {  	s15 =	simm.s32 $0x0;
	[bflag:$0x0] =	sbarrier.arrive $0xFFFF  }
0x7e: {  	[tilespmem:s15], [sflag:$0x4] =	stream.linear.gather [hbm4b:s12+s15], $0x1400, $0x38;
	[tilespmem:$0x1ED80] =	vst v63  }
0x7f: {  	_ =	swait.ge [sflag:s22], $0x1400  }
0x80: {  	[sflag:s22] =	ssyncset.done $0x0  }
0x81: {  	[sflag:s22] =	ssyncadd.s32 $0xFFFFEC00  }
0x82: {  	[tilespmem:s24], [sflag:$0x4] =	stream.linear.gather [hbm4b:s13+s15], $0x1400, $0x38;
	[tilespmem:$0x1ED80] =	vst v63  }
0x83: {  	_ =	swait.ge [sflag:s22], $0x1400  }
0x84: {  	[sflag:s22] =	ssyncset.done $0x0  }
0x85: {  	[sflag:s22] =	ssyncadd.s32 $0xFFFFEC00  }
0x86: {  	[tilespmem:s21], [sflag:$0x1] =	stream.indirect.gather [hbm4b:s5+s25], $0x80, s15, s25, $0xb8;
	[tilespmem:$0x1ED80] =	vst v63  }
0x87: {  	_ = 	snop  }
0x88: {  	[tilespmem:s26], [sflag:$0x2] =	stream.indirect.gather [hbm4b:s5+s25], $0x80, s25, s25, $0xb8;
	[tilespmem:$0x1ED80] =	vst v63  }
0x89: {  	_ =	swait.ge [sflag:s28], $0x4000  }
0x8a: {  	[sflag:s28] =	ssyncset.done $0x0  }
0x8b: {  	s16 =	simm.s32 $0x1400;
	[sflag:s28] =	ssyncadd.s32 $0xFFFFC000  }
0x8c: {  	[spmem:s2] =	stream.indirect.scatter.add.f32 [tilespmem:s21], [sflag:$0x4], $0x80, s16, s25, $0xb8;
	[tilespmem:$0x1ED80] =	vst v63  }
0x8d: {  	_ =	swait.ge [sflag:s22], $0x4000  }
0x8e: {  	[sflag:s22] =	ssyncset.done $0x0  }
0x8f: {  	[sflag:s22] =	ssyncadd.s32 $0xFFFFC000  }
0x90: {  	[spmem:s3] =	stream.indirect.scatter.add.f32 [tilespmem:s29], [sflag:$0x3], $0x1, s16, s25, $0xb8;
	[tilespmem:$0x1ED80] =	vst v63  }
0x91: {  	s15 =	simm.s32 $0x100  }
0x92: {  	[tilespmem:s21], [sflag:$0x1] =	stream.indirect.gather [hbm4b:s5+s25], $0x80, s15, s25, $0xb8;
	[tilespmem:$0x1ED80] =	vst v63  }
0x93: {  	_ =	swait.ge [sflag:s30], $0x4000  }
0x94: {  	[sflag:s30] =	ssyncset.done $0x0  }
0x95: {  	s16 =	simm.s32 $0x1480;
	[sflag:s30] =	ssyncadd.s32 $0xFFFFC000  }
0x96: {  	[spmem:s2] =	stream.indirect.scatter.add.f32 [tilespmem:s26], [sflag:$0x4], $0x80, s16, s25, $0xb8;
	[tilespmem:$0x1ED80] =	vst v63  }
0x97: {  	_ =	swait.ge [sflag:s22], $0x4000  }
0x98: {  	[sflag:s22] =	ssyncset.done $0x0  }
0x99: {  	s14 =	simm.s32 $0x400;
	s15 =	simm.s32 $0x180;
	[sflag:s22] =	ssyncadd.s32 $0xFFFFC000  }
0x9a: {  	[spmem:s3] =	stream.indirect.scatter.add.f32 [tilespmem:s29], [sflag:$0x3], $0x1, s16, s25, $0xb8;
	[tilespmem:$0x1ED80] =	vst v63  }
.LBB2_4:
0x9b: {  	[tilespmem:s26], [sflag:$0x2] =	stream.indirect.gather [hbm4b:s5+s25], $0x80, s15, s25, $0xb8;
	[tilespmem:$0x1ED80] =	vst v63  }
0x9c: {  	s15 =	smov.u32 s14  }
0x9d: {  	p1 =	sne.s32 s14, $0x4800;
	s14 =	sadd.s32 $0x400, s14;
	_ =	swait.ge [sflag:s28], $0x4000  }
0x9e: {  	s15 =	sshra.s32 s15, $0x2;
	[sflag:s28] =	ssyncset.done $0x0  }
0x9f: {  	s16 =	sadd.s32 $0x1400, s15;
	[sflag:s28] =	ssyncadd.s32 $0xFFFFC000  }
0xa0: {  	[spmem:s2] =	stream.indirect.scatter.add.f32 [tilespmem:s21], [sflag:$0x4], $0x80, s16, s25, $0xb8;
	[tilespmem:$0x1ED80] =	vst v63  }
0xa1: {  	_ =	swait.ge [sflag:s22], $0x4000  }
0xa2: {  	[sflag:s22] =	ssyncset.done $0x0  }
0xa3: {  	[sflag:s22] =	ssyncadd.s32 $0xFFFFC000  }
0xa4: {  	[spmem:s3] =	stream.indirect.scatter.add.f32 [tilespmem:s29], [sflag:$0x3], $0x1, s16, s25, $0xb8;
	[tilespmem:$0x1ED80] =	vst v63  }
0xa5: {  	s16 =	sadd.s32 $0x100, s15  }
0xa6: {  	[tilespmem:s21], [sflag:$0x1] =	stream.indirect.gather [hbm4b:s5+s25], $0x80, s16, s25, $0xb8;
	[tilespmem:$0x1ED80] =	vst v63  }
0xa7: {  	_ =	swait.ge [sflag:s30], $0x4000  }
0xa8: {  	[sflag:s30] =	ssyncset.done $0x0  }
0xa9: {  	s16 =	sadd.s32 $0x1480, s15;
	[sflag:s30] =	ssyncadd.s32 $0xFFFFC000  }
0xaa: {  	[spmem:s2] =	stream.indirect.scatter.add.f32 [tilespmem:s26], [sflag:$0x4], $0x80, s16, s25, $0xb8;
	[tilespmem:$0x1ED80] =	vst v63  }
.Ltmp3:
0xab: {  	_ =	swait.ge [sflag:s22], $0x4000;
	(pc) =	sbr.rel @p1 .LBB2_4-.Ltmp3, $4  }
0xac: {  	[sflag:s22] =	ssyncset.done $0x0  }
0xad: {  	[sflag:s22] =	ssyncadd.s32 $0xFFFFC000  }
0xae: {  	[spmem:s3] =	stream.indirect.scatter.add.f32 [tilespmem:s29], [sflag:$0x3], $0x1, s16, s25, $0xb8;
	[tilespmem:$0x1ED80] =	vst v63  }
0xaf: {  	s15 =	sadd.s32 $0x180, s15  }
0xb0: {  	[tilespmem:s26], [sflag:$0x2] =	stream.indirect.gather [hbm4b:s5+s25], $0x80, s15, s25, $0xb8;
	[tilespmem:$0x1ED80] =	vst v63  }
0xb1: {  	_ =	swait.ge [sflag:s28], $0x4000  }
0xb2: {  	[sflag:s28] =	ssyncset.done $0x0  }
0xb3: {  	[sflag:s28] =	ssyncadd.s32 $0xFFFFC000  }
0xb4: {  	[spmem:s2] =	stream.indirect.scatter.add.f32 [tilespmem:s21], [sflag:$0x4], $0x80, s31, s25, $0xb8;
	[tilespmem:$0x1ED80] =	vst v63  }
0xb5: {  	_ =	swait.ge [sflag:s22], $0x4000  }
0xb6: {  	[sflag:s22] =	ssyncset.done $0x0  }
0xb7: {  	[sflag:s22] =	ssyncadd.s32 $0xFFFFC000  }
0xb8: {  	[spmem:s3] =	stream.indirect.scatter.add.f32 [tilespmem:s29], [sflag:$0x3], $0x1, s31, s25, $0xb8;
	[tilespmem:$0x1ED80] =	vst v63  }
0xb9: {  	_ =	swait.ge [sflag:s30], $0x4000  }
0xba: {  	[sflag:s30] =	ssyncset.done $0x0  }
0xbb: {  	[sflag:s30] =	ssyncadd.s32 $0xFFFFC000  }
0xbc: {  	[spmem:s2] =	stream.indirect.scatter.add.f32 [tilespmem:s26], [sflag:$0x4], $0x80, s1, s25, $0xb8;
	[tilespmem:$0x1ED80] =	vst v63  }
0xbd: {  	_ =	swait.ge [sflag:s22], $0x4000  }
0xbe: {  	[sflag:s22] =	ssyncset.done $0x0  }
0xbf: {  	[sflag:s22] =	ssyncadd.s32 $0xFFFFC000  }
0xc0: {  	[spmem:s3] =	stream.indirect.scatter.add.f32 [tilespmem:s29], [sflag:$0x3], $0x1, s1, s25, $0xb8;
	[tilespmem:$0x1ED80] =	vst v63  }
0xc1: {  	_ =	swait.ge [sflag:s23], $0x80  }
0xc2: {  	s14 =	simm.s32 $0x27;
	[sflag:s23] =	ssyncset.done $0x0  }
.LBB2_6:
0xc3: {  	p1 =	sne.s32 s14, $0x1;
	s14 =	sadd.s32 $0xFFFFFFFF, s14;
	[sflag:s23] =	ssyncadd.s32 $0xFFFFFF80  }
.Ltmp4:
0xc4: {  	(pc) =	sbr.rel @p1 .LBB2_6-.Ltmp4, $3  }
0xc5: {  	_ =	sdelay $0x1  }
0xc6: {  	_ =	swait.ge [sflag:s23], $0x80  }
0xc7: {  	[sflag:s23] =	ssyncset.done $0x0  }
.Ltmp5:
0xc8: {  	(pc) =	sbr.rel @p0 .LBB2_17-.Ltmp5, $2  }
0xc9: {  	_ =	sdelay $0x2  }
0xca: {  	[sflag:s23] =	ssyncadd.s32 $0xFFFFFF80  }
0xcb: {  	s14 =	simm.s32 $0x0;
	s15 =	rddreg [dreg:$0x5]  }
0xcc: {  	[tilespmem:s14], [sflag:$0x4] =	stream.linear.gather [hbm4b:s15+s14], $0x1400, $0x38;
	[tilespmem:$0x1ED80] =	vst v63  }
0xcd: {  	_ =	swait.ge [sflag:s22], $0x1400  }
0xce: {  	[sflag:s22] =	ssyncset.done $0x0  }
0xcf: {  	s16 =	rddreg [dreg:$0x6];
	[sflag:s22] =	ssyncadd.s32 $0xFFFFEC00  }
0xd0: {  	[tilespmem:s24], [sflag:$0x4] =	stream.linear.gather [hbm4b:s16+s14], $0x1400, $0x38;
	[tilespmem:$0x1ED80] =	vst v63  }
0xd1: {  	_ =	swait.ge [sflag:s22], $0x1400  }
0xd2: {  	[sflag:s22] =	ssyncset.done $0x0  }
0xd3: {  	[sflag:s22] =	ssyncadd.s32 $0xFFFFEC00  }
0xd4: {  	[tilespmem:s21], [sflag:$0x1] =	stream.indirect.gather [hbm4b:s5+s25], $0x80, s14, s25, $0xb8;
	[tilespmem:$0x1ED80] =	vst v63  }
0xd5: {  	_ = 	snop  }
0xd6: {  	[tilespmem:s26], [sflag:$0x2] =	stream.indirect.gather [hbm4b:s5+s25], $0x80, s25, s25, $0xb8;
	[tilespmem:$0x1ED80] =	vst v63  }
0xd7: {  	_ =	swait.ge [sflag:s28], $0x4000  }
0xd8: {  	[sflag:s28] =	ssyncset.done $0x0  }
0xd9: {  	s16 =	simm.s32 $0x1400;
	[sflag:s28] =	ssyncadd.s32 $0xFFFFC000  }
0xda: {  	[spmem:s2] =	stream.indirect.scatter.add.f32 [tilespmem:s21], [sflag:$0x4], $0x80, s16, s25, $0xb8;
	[tilespmem:$0x1ED80] =	vst v63  }
0xdb: {  	_ =	swait.ge [sflag:s22], $0x4000  }
0xdc: {  	[sflag:s22] =	ssyncset.done $0x0  }
0xdd: {  	[sflag:s22] =	ssyncadd.s32 $0xFFFFC000  }
0xde: {  	[spmem:s3] =	stream.indirect.scatter.add.f32 [tilespmem:s29], [sflag:$0x3], $0x1, s16, s25, $0xb8;
	[tilespmem:$0x1ED80] =	vst v63  }
0xdf: {  	s15 =	simm.s32 $0x100  }
0xe0: {  	[tilespmem:s21], [sflag:$0x1] =	stream.indirect.gather [hbm4b:s5+s25], $0x80, s15, s25, $0xb8;
	[tilespmem:$0x1ED80] =	vst v63  }
0xe1: {  	_ =	swait.ge [sflag:s30], $0x4000  }
0xe2: {  	[sflag:s30] =	ssyncset.done $0x0  }
0xe3: {  	s16 =	simm.s32 $0x1480;
	[sflag:s30] =	ssyncadd.s32 $0xFFFFC000  }
0xe4: {  	[spmem:s2] =	stream.indirect.scatter.add.f32 [tilespmem:s26], [sflag:$0x4], $0x80, s16, s25, $0xb8;
	[tilespmem:$0x1ED80] =	vst v63  }
0xe5: {  	_ =	swait.ge [sflag:s22], $0x4000  }
0xe6: {  	[sflag:s22] =	ssyncset.done $0x0  }
0xe7: {  	s14 =	simm.s32 $0x400;
	s15 =	simm.s32 $0x180;
	[sflag:s22] =	ssyncadd.s32 $0xFFFFC000  }
0xe8: {  	[spmem:s3] =	stream.indirect.scatter.add.f32 [tilespmem:s29], [sflag:$0x3], $0x1, s16, s25, $0xb8;
	[tilespmem:$0x1ED80] =	vst v63  }
.LBB2_9:
0xe9: {  	[tilespmem:s26], [sflag:$0x2] =	stream.indirect.gather [hbm4b:s5+s25], $0x80, s15, s25, $0xb8;
	[tilespmem:$0x1ED80] =	vst v63  }
0xea: {  	s15 =	smov.u32 s14  }
0xeb: {  	p1 =	sne.s32 s14, $0x4800;
	s14 =	sadd.s32 $0x400, s14;
	_ =	swait.ge [sflag:s28], $0x4000  }
0xec: {  	s15 =	sshra.s32 s15, $0x2;
	[sflag:s28] =	ssyncset.done $0x0  }
0xed: {  	s16 =	sadd.s32 $0x1400, s15;
	[sflag:s28] =	ssyncadd.s32 $0xFFFFC000  }
0xee: {  	[spmem:s2] =	stream.indirect.scatter.add.f32 [tilespmem:s21], [sflag:$0x4], $0x80, s16, s25, $0xb8;
	[tilespmem:$0x1ED80] =	vst v63  }
0xef: {  	_ =	swait.ge [sflag:s22], $0x4000  }
0xf0: {  	[sflag:s22] =	ssyncset.done $0x0  }
0xf1: {  	[sflag:s22] =	ssyncadd.s32 $0xFFFFC000  }
0xf2: {  	[spmem:s3] =	stream.indirect.scatter.add.f32 [tilespmem:s29], [sflag:$0x3], $0x1, s16, s25, $0xb8;
	[tilespmem:$0x1ED80] =	vst v63  }
0xf3: {  	s16 =	sadd.s32 $0x100, s15  }
0xf4: {  	[tilespmem:s21], [sflag:$0x1] =	stream.indirect.gather [hbm4b:s5+s25], $0x80, s16, s25, $0xb8;
	[tilespmem:$0x1ED80] =	vst v63  }
0xf5: {  	_ =	swait.ge [sflag:s30], $0x4000  }
0xf6: {  	[sflag:s30] =	ssyncset.done $0x0  }
0xf7: {  	s16 =	sadd.s32 $0x1480, s15;
	[sflag:s30] =	ssyncadd.s32 $0xFFFFC000  }
0xf8: {  	[spmem:s2] =	stream.indirect.scatter.add.f32 [tilespmem:s26], [sflag:$0x4], $0x80, s16, s25, $0xb8;
	[tilespmem:$0x1ED80] =	vst v63  }
.Ltmp6:
0xf9: {  	_ =	swait.ge [sflag:s22], $0x4000;
	(pc) =	sbr.rel @p1 .LBB2_9-.Ltmp6, $4  }
0xfa: {  	[sflag:s22] =	ssyncset.done $0x0  }
0xfb: {  	[sflag:s22] =	ssyncadd.s32 $0xFFFFC000  }
0xfc: {  	[spmem:s3] =	stream.indirect.scatter.add.f32 [tilespmem:s29], [sflag:$0x3], $0x1, s16, s25, $0xb8;
	[tilespmem:$0x1ED80] =	vst v63  }
0xfd: {  	s15 =	sadd.s32 $0x180, s15  }
0xfe: {  	[tilespmem:s26], [sflag:$0x2] =	stream.indirect.gather [hbm4b:s5+s25], $0x80, s15, s25, $0xb8;
	[tilespmem:$0x1ED80] =	vst v63  }
0xff: {  	_ =	swait.ge [sflag:s28], $0x4000  }
0x100: {  	[sflag:s28] =	ssyncset.done $0x0  }
0x101: {  	[sflag:s28] =	ssyncadd.s32 $0xFFFFC000  }
0x102: {  	[spmem:s2] =	stream.indirect.scatter.add.f32 [tilespmem:s21], [sflag:$0x4], $0x80, s31, s25, $0xb8;
	[tilespmem:$0x1ED80] =	vst v63  }
0x103: {  	_ =	swait.ge [sflag:s22], $0x4000  }
0x104: {  	[sflag:s22] =	ssyncset.done $0x0  }
0x105: {  	[sflag:s22] =	ssyncadd.s32 $0xFFFFC000  }
0x106: {  	[spmem:s3] =	stream.indirect.scatter.add.f32 [tilespmem:s29], [sflag:$0x3], $0x1, s31, s25, $0xb8;
	[tilespmem:$0x1ED80] =	vst v63  }
0x107: {  	_ =	swait.ge [sflag:s30], $0x4000  }
0x108: {  	[sflag:s30] =	ssyncset.done $0x0  }
0x109: {  	[sflag:s30] =	ssyncadd.s32 $0xFFFFC000  }
0x10a: {  	[spmem:s2] =	stream.indirect.scatter.add.f32 [tilespmem:s26], [sflag:$0x4], $0x80, s1, s25, $0xb8;
	[tilespmem:$0x1ED80] =	vst v63  }
0x10b: {  	_ =	swait.ge [sflag:s22], $0x4000  }
0x10c: {  	[sflag:s22] =	ssyncset.done $0x0  }
0x10d: {  	[sflag:s22] =	ssyncadd.s32 $0xFFFFC000  }
0x10e: {  	[spmem:s3] =	stream.indirect.scatter.add.f32 [tilespmem:s29], [sflag:$0x3], $0x1, s1, s25, $0xb8;
	[tilespmem:$0x1ED80] =	vst v63  }
0x10f: {  	_ =	swait.ge [sflag:s23], $0x80  }
0x110: {  	s14 =	simm.s32 $0x27;
	[sflag:s23] =	ssyncset.done $0x0  }
.LBB2_11:
0x111: {  	p1 =	sne.s32 s14, $0x1;
	s14 =	sadd.s32 $0xFFFFFFFF, s14;
	[sflag:s23] =	ssyncadd.s32 $0xFFFFFF80  }
.Ltmp7:
0x112: {  	(pc) =	sbr.rel @p1 .LBB2_11-.Ltmp7, $3  }
0x113: {  	_ =	sdelay $0x1  }
0x114: {  	_ =	swait.ge [sflag:s23], $0x80  }
0x115: {  	[sflag:s23] =	ssyncset.done $0x0  }
0x116: {  	[sflag:s23] =	ssyncadd.s32 $0xFFFFFF80;
	s14 =	simm.s32 $0x0;
	s15 =	rddreg [dreg:$0x7]  }
0x117: {  	[tilespmem:s14], [sflag:$0x4] =	stream.linear.gather [hbm4b:s15+s14], $0x1400, $0x38;
	[tilespmem:$0x1ED80] =	vst v63  }
0x118: {  	_ =	swait.ge [sflag:s22], $0x1400  }
0x119: {  	[sflag:s22] =	ssyncset.done $0x0  }
0x11a: {  	[sflag:s22] =	ssyncadd.s32 $0xFFFFEC00  }
0x11b: {  	[tilespmem:s24], [sflag:$0x4] =	stream.linear.gather [hbm4b:s17+s14], $0x1400, $0x38;
	[tilespmem:$0x1ED80] =	vst v63  }
0x11c: {  	_ =	swait.ge [sflag:s22], $0x1400  }
0x11d: {  	[sflag:s22] =	ssyncset.done $0x0  }
0x11e: {  	[sflag:s22] =	ssyncadd.s32 $0xFFFFEC00  }
0x11f: {  	[tilespmem:s21], [sflag:$0x1] =	stream.indirect.gather [hbm4b:s5+s25], $0x80, s14, s25, $0xb8;
	[tilespmem:$0x1ED80] =	vst v63  }
0x120: {  	_ = 	snop  }
0x121: {  	[tilespmem:s26], [sflag:$0x2] =	stream.indirect.gather [hbm4b:s5+s25], $0x80, s25, s25, $0xb8;
	[tilespmem:$0x1ED80] =	vst v63  }
0x122: {  	_ =	swait.ge [sflag:s28], $0x4000  }
0x123: {  	[sflag:s28] =	ssyncset.done $0x0  }
0x124: {  	s16 =	simm.s32 $0x1400;
	[sflag:s28] =	ssyncadd.s32 $0xFFFFC000  }
0x125: {  	[spmem:s2] =	stream.indirect.scatter.add.f32 [tilespmem:s21], [sflag:$0x4], $0x80, s16, s25, $0xb8;
	[tilespmem:$0x1ED80] =	vst v63  }
0x126: {  	_ =	swait.ge [sflag:s22], $0x4000  }
0x127: {  	[sflag:s22] =	ssyncset.done $0x0  }
0x128: {  	[sflag:s22] =	ssyncadd.s32 $0xFFFFC000  }
0x129: {  	[spmem:s3] =	stream.indirect.scatter.add.f32 [tilespmem:s29], [sflag:$0x3], $0x1, s16, s25, $0xb8;
	[tilespmem:$0x1ED80] =	vst v63  }
0x12a: {  	s15 =	simm.s32 $0x100  }
0x12b: {  	[tilespmem:s21], [sflag:$0x1] =	stream.indirect.gather [hbm4b:s5+s25], $0x80, s15, s25, $0xb8;
	[tilespmem:$0x1ED80] =	vst v63  }
0x12c: {  	_ =	swait.ge [sflag:s30], $0x4000  }
0x12d: {  	[sflag:s30] =	ssyncset.done $0x0  }
0x12e: {  	s16 =	simm.s32 $0x1480;
	[sflag:s30] =	ssyncadd.s32 $0xFFFFC000  }
0x12f: {  	[spmem:s2] =	stream.indirect.scatter.add.f32 [tilespmem:s26], [sflag:$0x4], $0x80, s16, s25, $0xb8;
	[tilespmem:$0x1ED80] =	vst v63  }
0x130: {  	_ =	swait.ge [sflag:s22], $0x4000  }
0x131: {  	[sflag:s22] =	ssyncset.done $0x0  }
0x132: {  	s14 =	simm.s32 $0x400;
	s15 =	simm.s32 $0x180;
	[sflag:s22] =	ssyncadd.s32 $0xFFFFC000  }
0x133: {  	[spmem:s3] =	stream.indirect.scatter.add.f32 [tilespmem:s29], [sflag:$0x3], $0x1, s16, s25, $0xb8;
	[tilespmem:$0x1ED80] =	vst v63  }
.LBB2_13:
0x134: {  	[tilespmem:s26], [sflag:$0x2] =	stream.indirect.gather [hbm4b:s5+s25], $0x80, s15, s25, $0xb8;
	[tilespmem:$0x1ED80] =	vst v63  }
0x135: {  	s15 =	smov.u32 s14  }
0x136: {  	p1 =	sne.s32 s14, $0x4800;
	s14 =	sadd.s32 $0x400, s14;
	_ =	swait.ge [sflag:s28], $0x4000  }
0x137: {  	s15 =	sshra.s32 s15, $0x2;
	[sflag:s28] =	ssyncset.done $0x0  }
0x138: {  	s16 =	sadd.s32 $0x1400, s15;
	[sflag:s28] =	ssyncadd.s32 $0xFFFFC000  }
0x139: {  	[spmem:s2] =	stream.indirect.scatter.add.f32 [tilespmem:s21], [sflag:$0x4], $0x80, s16, s25, $0xb8;
	[tilespmem:$0x1ED80] =	vst v63  }
0x13a: {  	_ =	swait.ge [sflag:s22], $0x4000  }
0x13b: {  	[sflag:s22] =	ssyncset.done $0x0  }
0x13c: {  	[sflag:s22] =	ssyncadd.s32 $0xFFFFC000  }
0x13d: {  	[spmem:s3] =	stream.indirect.scatter.add.f32 [tilespmem:s29], [sflag:$0x3], $0x1, s16, s25, $0xb8;
	[tilespmem:$0x1ED80] =	vst v63  }
0x13e: {  	s16 =	sadd.s32 $0x100, s15  }
0x13f: {  	[tilespmem:s21], [sflag:$0x1] =	stream.indirect.gather [hbm4b:s5+s25], $0x80, s16, s25, $0xb8;
	[tilespmem:$0x1ED80] =	vst v63  }
0x140: {  	_ =	swait.ge [sflag:s30], $0x4000  }
0x141: {  	[sflag:s30] =	ssyncset.done $0x0  }
0x142: {  	s16 =	sadd.s32 $0x1480, s15;
	[sflag:s30] =	ssyncadd.s32 $0xFFFFC000  }
0x143: {  	[spmem:s2] =	stream.indirect.scatter.add.f32 [tilespmem:s26], [sflag:$0x4], $0x80, s16, s25, $0xb8;
	[tilespmem:$0x1ED80] =	vst v63  }
.Ltmp8:
0x144: {  	_ =	swait.ge [sflag:s22], $0x4000;
	(pc) =	sbr.rel @p1 .LBB2_13-.Ltmp8, $4  }
0x145: {  	[sflag:s22] =	ssyncset.done $0x0  }
0x146: {  	[sflag:s22] =	ssyncadd.s32 $0xFFFFC000  }
0x147: {  	[spmem:s3] =	stream.indirect.scatter.add.f32 [tilespmem:s29], [sflag:$0x3], $0x1, s16, s25, $0xb8;
	[tilespmem:$0x1ED80] =	vst v63  }
0x148: {  	s15 =	sadd.s32 $0x180, s15  }
0x149: {  	[tilespmem:s26], [sflag:$0x2] =	stream.indirect.gather [hbm4b:s5+s25], $0x80, s15, s25, $0xb8;
	[tilespmem:$0x1ED80] =	vst v63  }
0x14a: {  	_ =	swait.ge [sflag:s28], $0x4000  }
0x14b: {  	[sflag:s28] =	ssyncset.done $0x0  }
0x14c: {  	[sflag:s28] =	ssyncadd.s32 $0xFFFFC000  }
0x14d: {  	[spmem:s2] =	stream.indirect.scatter.add.f32 [tilespmem:s21], [sflag:$0x4], $0x80, s31, s25, $0xb8;
	[tilespmem:$0x1ED80] =	vst v63  }
0x14e: {  	_ =	swait.ge [sflag:s22], $0x4000  }
0x14f: {  	[sflag:s22] =	ssyncset.done $0x0  }
0x150: {  	[sflag:s22] =	ssyncadd.s32 $0xFFFFC000  }
0x151: {  	[spmem:s3] =	stream.indirect.scatter.add.f32 [tilespmem:s29], [sflag:$0x3], $0x1, s31, s25, $0xb8;
	[tilespmem:$0x1ED80] =	vst v63  }
0x152: {  	_ =	swait.ge [sflag:s30], $0x4000  }
0x153: {  	[sflag:s30] =	ssyncset.done $0x0  }
0x154: {  	[sflag:s30] =	ssyncadd.s32 $0xFFFFC000  }
0x155: {  	[spmem:s2] =	stream.indirect.scatter.add.f32 [tilespmem:s26], [sflag:$0x4], $0x80, s1, s25, $0xb8;
	[tilespmem:$0x1ED80] =	vst v63  }
0x156: {  	_ =	swait.ge [sflag:s22], $0x4000  }
0x157: {  	[sflag:s22] =	ssyncset.done $0x0  }
0x158: {  	[sflag:s22] =	ssyncadd.s32 $0xFFFFC000  }
0x159: {  	[spmem:s3] =	stream.indirect.scatter.add.f32 [tilespmem:s29], [sflag:$0x3], $0x1, s1, s25, $0xb8;
	[tilespmem:$0x1ED80] =	vst v63  }
0x15a: {  	_ =	swait.ge [sflag:s23], $0x80  }
0x15b: {  	s14 =	simm.s32 $0x27;
	[sflag:s23] =	ssyncset.done $0x0  }
.LBB2_15:
0x15c: {  	p1 =	sne.s32 s14, $0x1;
	s14 =	sadd.s32 $0xFFFFFFFF, s14;
	[sflag:s23] =	ssyncadd.s32 $0xFFFFFF80  }
.Ltmp9:
0x15d: {  	(pc) =	sbr.rel @p1 .LBB2_15-.Ltmp9, $3  }
0x15e: {  	_ =	sdelay $0x1  }
0x15f: {  	_ =	swait.ge [sflag:s23], $0x80  }
0x160: {  	[sflag:s23] =	ssyncset.done $0x0  }
.Ltmp10:
0x161: {  	_ = 	snop;
	(pc) =	sbr.rel .LBB2_16-.Ltmp10, $1  }
0x162: {  	_ =	sdelay $0x3  }
.LBB2_18:
0x163: {  	_ =	sfence.sel $0x180000  }
0x164: {  	[bflag:$0x0] =	sbarrier.arrive $0xFFFF  }
0x165: {  	_ =	strace $0x90000047  }
0x166: {  	[bflag:$0x2] =	sbarrier.arrive $0xFFFF  }
0x167: {  	p0 =	sne.s32 s0, $0x0;
	s0 =	rddreg [dreg:$0x4]  }
0x168: {  	s0 =	sadd.s32 @!p0 $0x100000, s0  }
0x169: {  	[sflag:s0] =	ssyncadd.tile.s32 @!p0 $0x1;
	_ =	shalt  }
.Lfunc_end2:
_tile_overlayer_lowered:
.L_overlay_start_2:
0x16a: {  	(tag) =	ssettag $0x2  }
0x16b: {  	s0 =	rddreg [dreg:$0x0];
	s2 =	stileid.u32  }
0x16c: {  	s1 =	rddreg [dreg:$0x1];
	p0 =	sne.s32 s2, $0x0  }
0x16d: {  	s3 =	rddreg [dreg:$0x2];
	[bflag:$0x3] =	sbarrier.arrive $0xFFFF;
	s2 =	simm.s32 @!p0 $0x1C04  }
0x16e: {  	[timem:s3], [sflag:s2] =	dma.local @!p0 [hbm:s0], s1  }
0x16f: {  	s0 =	simm.s32 @!p0 $0x4  }
0x170: {  	_ =	swait.ge @!p0 [sflag:s0], s1  }
0x171: {  	s1 =	ssub.s32 @!p0 $0x0, s1;
	[sflag:s0] =	ssyncset.done @!p0 $0x0  }
0x172: {  	[sflag:s0] =	ssyncadd.s32 @!p0 s1  }
0x173: {  	[bflag:$0x3] =	sbarrier.arrive $0xFFFF  }
0x174: {  	_ =	shalt  }

// kernel: kernel.14.cloned.1.call-start
scs
__scs_entry_jumppad:
0x0: {  	(pc) =	sbr.rel $0x88, $3  }
0x1: {  	(tag) =	ssettag $0x0;
	lr =	simm.s32 $0x1  }
0x2: {  	[smem:$0x3F94] =	sst lr;
	_ =	strace $0xD0000000  }
0x3: {  	_ = 	snop  }
0x4: {  	_ = 	snop  }
0x5: {  	_ = 	snop  }
0x6: {  	_ = 	snop  }
0x7: {  	_ = 	snop  }
__scs_overlays_trampoline_lowered:
0x8: {  	[smem:$0x3FA3] =	sst s0  }
0x9: {  	[smem:$0x3FA4] =	sst s1  }
0xa: {  	[smem:$0x3FA5] =	sst s2  }
0xb: {  	[smem:$0x3FA6] =	sst s3  }
0xc: {  	[smem:$0x3FA7] =	sst s4  }
0xd: {  	[smem:$0x3FA8] =	sst s5  }
0xe: {  	[smem:$0x3FA9] =	sst s6  }
0xf: {  	[smem:$0x3FAA] =	sst s7  }
0x10: {  	[smem:$0x3FAB] =	sst s8  }
0x11: {  	[smem:$0x3FAC] =	sst s9;
	s0 =	simm.s32 @!p0 $0x0  }
0x12: {  	s1 =	sld [smem:$0x3F92];
	s0 =	simm.s32 @p0 $0x1  }
0x13: {  	[smem:$0x3FAD] =	sst s0;
	s0 =	simm.s32 @!p1 $0x0  }
0x14: {  	s2 =	sld [smem:$0x3F91];
	s0 =	simm.s32 @p1 $0x1  }
0x15: {  	[smem:$0x3FAE] =	sst s0;
	s0 =	simm.s32 @!p2 $0x0  }
0x16: {  	s3 =	sld [smem:$0x3FDB];
	s0 =	simm.s32 @p2 $0x1  }
0x17: {  	s4 =	simm.s32 $0x1BF5;
	[smem:$0x3FB0] =	sst s0  }
0x18: {  	s0 =	sld [smem:$0x3F93];
	_ =	swait.ge [sflag:s4], $0x0  }
0x19: {  	s7 =	sld [smem:$0x3F94]  }
0x1a: {  	s8 =	sadd.s32 $0xFFFFE003, lr  }
0x1b: {  	s9 =	sadd.s32 $0xFFFFFEF7, lr;
	s5 =	simm.s32 $0xFFFFFFFF;
	p2 =	slt.u32 s8, $0xFFFFF086  }
0x1c: {  	p1 =	slt.u32 s9, $0xF7A;
	s5 =	simm.s32 @!p2 $0x0  }
0x1d: {  	s5 =	simm.s32 @p1 $0x1;
	p0 =	seq.s32 s7, s2  }
0x1e: {  	s7 =	smul.u32 @!p0 $0xF7A, s2;
	p2 =	seq.s32 @!p0 s5, $0x0  }
0x1f: {  	s9 =	smul.u32 $0xF7A, s1;
	s8 =	simm.s32 @!p0 $0x1BF5;
	p2 =	por !p2, p0  }
0x20: {  	[sflag:s8] =	ssyncset.s32 @!p0 $0xFFFFF086;
	s6 =	sadd.s32 @!p0 s3, s7;
	s7 =	simm.s32 @!p0 $0x108  }
0x21: {  	s3 =	sadd.s32 s3, s9;
	s6 =	sadd.s32 @!p0 $0x88, s6;
	s7 =	simm.s32 @p2 $0x1082  }
0x22: {  	[simem:s7], [sflag:s8] =	dma.local @!p0 [hbm:s6], $0xF7A  }
0x23: {  	s9 =	sor.u32 $0xD0000000, s2;
	s6 =	simm.s32 $0x108;
	_ =	swait.ge @!p0 [sflag:s8], $0x0  }
0x24: {  	s3 =	sadd.s32 $0x88, s3;
	s6 =	simm.s32 @!p1 $0x1082;
	[sflag:s4] =	ssyncset.s32 $0xFFFFF086  }
0x25: {  	[simem:s6], [sflag:s4] =	dma.local [hbm:s3], $0xF7A  }
0x26: {  	[smem:$0x3F94] =	sst s1;
	(tag) =	ssettag s2;
	_ =	strace s9  }
0x27: {  	s1 =	sld [smem:$0x3FA4]  }
0x28: {  	s2 =	sld [smem:$0x3FA5]  }
0x29: {  	s4 =	sld [smem:$0x3FA7]  }
0x2a: {  	p0 =	seq.s32 s5, $0x0;
	s5 =	sld [smem:$0x3FA8]  }
0x2b: {  	s6 =	sld [smem:$0x3FA9]  }
0x2c: {  	s7 =	sld [smem:$0x3FAA]  }
0x2d: {  	s3 =	simm.s32 $0x108;
	s8 =	sld [smem:$0x3FAB]  }
0x2e: {  	s3 =	simm.s32 @!p0 $0x1082;
	s9 =	sld [smem:$0x3FAC]  }
0x2f: {  	lr =	sadd.s32 s0, s3;
	s0 =	sld [smem:$0x3FA3]  }
0x30: {  	s3 =	sld [smem:$0x3FA6]  }
0x31: {  	[smem:$0x3FAF] =	sst s10  }
0x32: {  	s10 =	sld [smem:$0x3FAD];
	_ =	sdelay $0x3  }
0x33: {  	p0 =	seq.s32 s10, $0x1;
	s10 =	sld [smem:$0x3FAF];
	_ =	sdelay $0x3  }
0x34: {  	[smem:$0x3FAF] =	sst s10  }
0x35: {  	s10 =	sld [smem:$0x3FAE];
	_ =	sdelay $0x3  }
0x36: {  	p1 =	seq.s32 s10, $0x1;
	s10 =	sld [smem:$0x3FAF];
	_ =	sdelay $0x3  }
0x37: {  	[smem:$0x3FAF] =	sst s10  }
0x38: {  	s10 =	sld [smem:$0x3FB0]  }
0x39: {  	_ = 	snop;
	(pc) =	sbr.ind lr, $3  }
0x3a: {  	_ = 	snop  }
0x3b: {  	_ = 	snop  }
0x3c: {  	p2 =	seq.s32 s10, $0x1;
	s10 =	sld [smem:$0x3FAF]  }
0x3d: {  	_ =	shalt  }
0x3e: {  	_ =	shalt  }
0x3f: {  	_ =	shalt  }
0x40: {  	_ =	shalt  }
0x41: {  	_ =	shalt  }
0x42: {  	_ =	shalt  }
0x43: {  	_ =	shalt  }
0x44: {  	_ =	shalt  }
0x45: {  	_ =	shalt  }
0x46: {  	_ =	shalt  }
0x47: {  	_ =	shalt  }
0x48: {  	_ =	shalt  }
0x49: {  	_ =	shalt  }
0x4a: {  	_ =	shalt  }
0x4b: {  	_ =	shalt  }
0x4c: {  	_ =	shalt  }
0x4d: {  	_ =	shalt  }
0x4e: {  	_ =	shalt  }
0x4f: {  	_ =	shalt  }
0x50: {  	_ =	shalt  }
0x51: {  	_ =	shalt  }
0x52: {  	_ =	shalt  }
0x53: {  	_ =	shalt  }
0x54: {  	_ =	shalt  }
0x55: {  	_ =	shalt  }
0x56: {  	_ =	shalt  }
0x57: {  	_ =	shalt  }
0x58: {  	_ =	shalt  }
0x59: {  	_ =	shalt  }
0x5a: {  	_ =	shalt  }
0x5b: {  	_ =	shalt  }
0x5c: {  	_ =	shalt  }
0x5d: {  	_ =	shalt  }
0x5e: {  	_ =	shalt  }
0x5f: {  	_ =	shalt  }
0x60: {  	_ =	shalt  }
0x61: {  	_ =	shalt  }
0x62: {  	_ =	shalt  }
0x63: {  	_ =	shalt  }
0x64: {  	_ =	shalt  }
0x65: {  	_ =	shalt  }
0x66: {  	_ =	shalt  }
0x67: {  	_ =	shalt  }
0x68: {  	_ =	shalt  }
0x69: {  	_ =	shalt  }
0x6a: {  	_ =	shalt  }
0x6b: {  	_ =	shalt  }
0x6c: {  	_ =	shalt  }
0x6d: {  	_ =	shalt  }
0x6e: {  	_ =	shalt  }
0x6f: {  	_ =	shalt  }
0x70: {  	_ =	shalt  }
0x71: {  	_ =	shalt  }
0x72: {  	_ =	shalt  }
0x73: {  	_ =	shalt  }
0x74: {  	_ =	shalt  }
0x75: {  	_ =	shalt  }
0x76: {  	_ =	shalt  }
0x77: {  	_ =	shalt  }
0x78: {  	_ =	shalt  }
0x79: {  	_ =	shalt  }
0x7a: {  	_ =	shalt  }
0x7b: {  	_ =	shalt  }
0x7c: {  	_ =	shalt  }
0x7d: {  	_ =	shalt  }
0x7e: {  	_ =	shalt  }
0x7f: {  	_ =	shalt  }
0x80: {  	_ =	shalt  }
0x81: {  	_ =	shalt  }
0x82: {  	_ =	shalt  }
0x83: {  	_ =	shalt  }
0x84: {  	_ =	shalt  }
0x85: {  	_ =	shalt  }
0x86: {  	_ =	shalt  }
0x87: {  	_ =	shalt  }
.Lfunc_end0:
.L_simem_size_0:
called_computation.1_lowered:
.L_overlay_start_0:
0x88: {  	s2 =	sld [smem:$0x3FD9]  }
0x89: {  	s3 =	sld [smem:$0x3FFE];
	_ =	sdelay $0x1  }
0x8a: {  	s1 =	srdreg.scid  }
0x8b: {  	s0 =	sand.u32 $0x1, s1  }
0x8c: {  	s17 =	sshll.u32 s0, $0xA;
	s2 =	sadd.s32 s3, s2  }
0x8d: {  	s2 =	sadd.s32 s2, s17  }
0x8e: {  	[smem:$0x3FBB] =	sst s2  }
0x8f: {  	_ = 	snop  }
0x90: {  	s2 =	sld [smem:$0x3FD0];
	(tm) =	ssettm $0x1  }
0x91: {  	s18 =	sld [smem:$0x3FFB];
	_ =	sdelay $0x3  }
0x92: {  	_ =	strace s18  }
0x93: {  	s3 =	sld [smem:$0x3FFC];
	_ =	sdelay $0x3  }
0x94: {  	_ =	strace s3  }
0x95: {  	s3 =	sld [smem:$0x3FFD];
	_ =	sdelay $0x3  }
0x96: {  	_ =	strace s3  }
0x97: {  	_ =	strace $0x8FFFFFFF  }
0x98: {  	s19 =	sld [smem:$0x3FDB];
	_ =	sdelay $0x1  }
0x99: {  	s4 =	simm.s32 $_scs_section_size  }
0x9a: {  	s5 =	simm.s32 $_size__tile_overlayer_lowered;
	s6 =	simm.s32 $_tile_overlayer_lowered  }
0x9b: {  	s22 =	simm.s32 $0x1BFF;
	s21 =	sshll.u32 s6, $0x1;
	s3 =	sadd.s32 s4, s19  }
0x9c: {  	s7 =	simm.s32 $0x0;
	s20 =	sshll.u32 s5, $0x1;
	s5 =	sadd.s32 s21, s3  }
0x9d: {  	[timem:s7], [sflag:s22] =	dma.local [hbm:s5], s20  }
0x9e: {  	_ =	swait.ge [sflag:s22], s20  }
0x9f: {  	s4 =	ssub.s32 $0x0, s20;
	[sflag:s22] =	ssyncset.done $0x0  }
0xa0: {  	[sflag:s22] =	ssyncadd.s32 s4;
	_ =	sdelay $0x1  }
0xa1: {  	s23 =	simm.s32 $0x1B8B  }
0xa2: {  	_ =	swait.ge [sflag:s23], $0x1  }
0xa3: {  	[sflag:s23] =	ssyncset.done $0x0  }
0xa4: {  	s25 =	simm.s32 $0x1B8E;
	s24 =	sld [smem:$0x3FFE];
	[sflag:s23] =	ssyncadd.s32 $0xFFFFFFFF  }
0xa5: {  	s26 =	simm.s32 $execute0_lowered;
	[smem:$0x3FD2] =	sst s25  }
0xa6: {  	s5 =	sshll.u32 s26, $0x1;
	_ =	strace $0x80000049;
	[dreg:$0x1] =	wrdreg $0xFFFFFFFF  }
0xa7: {  	s28 =	simm.s32 $_size_execute0_lowered;
	s3 =	sadd.s32 s3, s5;
	[dreg:$0x0] =	wrdreg $0x0  }
0xa8: {  	s5 =	sshll.u32 s28, $0x1;
	[dreg:$0x2] =	wrdreg s3  }
0xa9: {  	[dreg:$0x3] =	wrdreg s5  }
0xaa: {  	[dreg:$0x4] =	wrdreg $0xC0  }
0xab: {  	_ =	task [dreg:s7], $0x5FFFF  }
0xac: {  	[dreg:$0x1] =	wrdreg $0xFFFFFFFF  }
0xad: {  	[dreg:$0x0] =	wrdreg $0x60  }
0xae: {  	[dreg:$0x2] =	wrdreg s24  }
0xaf: {  	[dreg:$0x3] =	wrdreg s2  }
0xb0: {  	[dreg:$0x4] =	wrdreg $0xA8000  }
0xb1: {  	[dreg:$0x5] =	wrdreg $0x9  }
0xb2: {  	_ =	task.clear_ibuf [dreg:s7], $0x6FFFF;
	_ =	strace $0x90000049  }
0xb3: {  	s29 =	simm.s32 $0x9;
	_ =	strace $0x8000004B  }
0xb4: {  	_ =	swait.ge [sflag:s29], $0x1  }
0xb5: {  	[sflag:s29] =	ssyncadd.s32 $0xFFFFFFFF  }
0xb6: {  	_ =	strace $0x9000004B  }
0xb7: {  	_ =	sfence  }
0xb8: {  	s30 =	sld [smem:$0x0];
	_ =	sdelay $0x2  }
0xb9: {  	s31 =	sshll.u32 s1, $0xD;
	s1 =	sshrl.u32 s1, $0x2  }
0xba: {  	s3 =	sand.u32 $0x4000, s31;
	s1 =	sadd.s32 s1, s30  }
0xbb: {  	s0 =	sor.u32 s3, s0;
	s1 =	sshll.u32 s1, $0x11  }
0xbc: {  	s0 =	sor.u32 s1, s0  }
0xbd: {  	s0 =	sadd.s32 $0x8F2B, s0  }
0xbe: {  	[sflag:s0] =	ssyncadd.remote.s32 $0x1  }
0xbf: {  	_ =	sfence.sel $0xFFFF  }
0xc0: {  	[dreg:$0x0] =	wrdreg $0xFFFFFFFF;
	(pc) =	sbr.abs _section_cstart, $3  }
0xc1: {  	[dreg:$0x1] =	wrdreg $0xFFFFFFFF  }
0xc2: {  	_ =	task.clear_ibuf [dreg:s7], $0x2FFFF;
	_ =	strace $0x9FFFFFFF  }
0xc3: {  	(tm) =	ssettm $0x7FFFFFFF  }
tec
execute0_lowered:
.L_overlay_start_1:
0x0: {  	(tag) =	ssettag $0x1  }
0x1: {  	s5 =	rddreg [dreg:$0x0]  }
0x2: {  	s15 =	rddreg [dreg:$0x1]  }
0x3: {  	s2 =	rddreg [dreg:$0x2]  }
0x4: {  	s0 =	rddreg [dreg:$0x3]  }
0x5: {  	s4 =	srdreg.scid;
	s1 =	stileid.u32;
	s3 =	simm.s32 $0x0  }
0x6: {  	s20 =	simm.s32 $0x1400;
	s21 =	simm.s32 $0x80;
	s29 =	smul.u32 $0x2800, s1  }
0x7: {  	s22 =	simm.s32 $0x6800;
	s23 =	simm.s32 $0x1;
	s7 =	smul.u32 $0x50000, s1  }
0x8: {  	s24 =	simm.s32 $0x2;
	s26 =	simm.s32 $0x2780;
	s8 =	smul.u32 $0x28, s1  }
0x9: {  	s25 =	sand.u32 $0x1, s4;
	[smem:$0x7FF] =	sst s3;
	s9 =	smul.u32 $0x78, s1  }
0xa: {  	s14 =	sadd.s32 $0x3600, s5;
	s4 =	sadd.s32 $0xD600, s5;
	s11 =	smul.u32 $0x3C00, s1  }
0xb: {  	s6 =	smul.u32 $0x28000, s25;
	_ =	strace $0x8000004A;
	s30 =	ssub.s32 $0x2, s25  }
0xc: {  	p0 =	seq.s32 s25, $0x0;
	s31 =	sshrl.u32 s30, $0x1;
	s7 =	sshrl.u32 s7, $0x2  }
0xd: {  	s10 =	sadd.s32 $0x780, s8;
	s13 =	sshrl.u32 s11, $0x3;
	s6 =	sadd.s32 s29, s6  }
0xe: {  	s17 =	ssub.s32 s30, s31;
	s10 =	smov.u32 @p0 s9;
	s18 =	sadd.s32 $0x280, s13  }
0xf: {  	s19 =	sadd.s32 $0x500, s13;
	p0 =	sne.s32 s25, $0x0;
	s25 =	simm.s32 $0x2700  }
0x10: {  	s16 =	sadd.s32 s6, s5;
	s5 =	sadd.s32 s7, s2;
	s12 =	sshll.u32 s10, $0x4  }
.Ltmp0:
0x11: {  	s13 =	sadd.s32 s15, s18;
	s17 =	smax.u32 s17, $0x1;
	(pc) =	sbr.rel .LBB2_1-.Ltmp0, $4  }
0x12: {  	s6 =	sadd.s32 $0x4000, s5;
	s7 =	sadd.s32 $0x8000, s5;
	s8 =	sadd.s32 $0xC000, s5  }
0x13: {  	s9 =	sadd.s32 $0x10000, s5;
	s10 =	sadd.s32 s14, s12;
	s11 =	sadd.s32 s15, s12  }
0x14: {  	s12 =	sadd.s32 s14, s18;
	s14 =	sadd.s32 s14, s19;
	s15 =	sadd.s32 s15, s19  }
0x15: {  	v0 =	vimm.f32 $0.0e+00;
	s16 =	sadd.s32 $0x34800, s16;
	s18 =	simm.s32 $0x2800;
	s19 =	simm.s32 $0x3  }
.LBB2_10:
0x16: {  	[tilespmem:s22], [sflag:$0x2] =	stream.indirect.gather [hbm4b:s4+s21], $0x80, s29, s21, $0xb8;
	[tilespmem:$0x1E800] =	vst v63  }
0x17: {  	_ =	swait.ge [sflag:s23], $0x4000  }
0x18: {  	[sflag:s23] =	ssyncset.done $0x0  }
0x19: {  	[sflag:s23] =	ssyncadd.s32 $0xFFFFC000  }
0x1a: {  	[spmem:s2] =	stream.indirect.scatter.add.f32 [tilespmem:s18], [sflag:$0x3], $0x80, s25, s21, $0xb8;
	[tilespmem:$0x1E800] =	vst v63  }
0x1b: {  	_ =	swait.ge [sflag:s19], $0x4000  }
0x1c: {  	[sflag:s19] =	ssyncset.done $0x0  }
0x1d: {  	[sflag:s19] =	ssyncadd.s32 $0xFFFFC000  }
0x1e: {  	_ =	swait.ge [sflag:s24], $0x4000  }
0x1f: {  	[sflag:s24] =	ssyncset.done $0x0  }
0x20: {  	[sflag:s24] =	ssyncadd.s32 $0xFFFFC000  }
0x21: {  	[spmem:s2] =	stream.indirect.scatter.add.f32 [tilespmem:s22], [sflag:$0x3], $0x80, s26, s21, $0xb8;
	[tilespmem:$0x1E800] =	vst v63  }
0x22: {  	_ =	swait.ge [sflag:s19], $0x4000  }
0x23: {  	[sflag:s19] =	ssyncset.done $0x0  }
0x24: {  	[sflag:s19] =	ssyncadd.s32 $0xFFFFC000  }
.LBB2_11:
0x25: {  	s3 =	sadd.s32 $0x1, s3  }
0x26: {  	s28 =	sshll.u32 s1, $0x6;
	[bflag:$0x0] =	sbarrier.arrive $0xFFFF;
	p1 =	sne.s32 s3, s17  }
.Ltmp1:
0x27: {  	s29 =	sshrl.u32 s5, $0x3;
	s28 =	sor.u32 $0x1C03, s28;
	(pc) =	sbr.rel @!p1 .LBB2_12-.Ltmp1, $4  }
0x28: {  	[hbm:s16], [sflag:s28] =	dma.local [spmem:s29], $0x2800  }
0x29: {  	_ =	swait.ge [sflag:s19], $0x2800  }
0x2a: {  	[sflag:s19] =	ssyncset.done $0x0  }
0x2b: {  	[sflag:s19] =	ssyncadd.s32 $0xFFFFD800  }
.LBB2_1:
0x2c: {  	s28 =	simm.s32 $0x0;
	s29 =	simm.s32 $0x200  }
.LBB2_2:
0x2d: {  	p1 =	sne.s32 s29, $0xFE00;
	[tilespmem:s28+$0x2870] =	vst v0  }
0x2e: {  	[tilespmem:s28+$0x2800] =	vst v0  }
0x2f: {  	[tilespmem:s28+$0x2810] =	vst v0  }
.Ltmp2:
0x30: {  	[tilespmem:s28+$0x2820] =	vst v0;
	(pc) =	sbr.rel @p1 .LBB2_2-.Ltmp2, $4  }
0x31: {  	[tilespmem:s28+$0x2830] =	vst v0  }
0x32: {  	[tilespmem:s28+$0x2840] =	vst v0  }
0x33: {  	[tilespmem:s28+$0x2850] =	vst v0  }
0x34: {  	[tilespmem:s28+$0x2860] =	vst v0;
	s28 =	sshra.s32 s29, $0x2;
	s29 =	sadd.s32 $0x200, s29  }
0x35: {  	[tilespmem:s28+$0x2870] =	vst v0  }
0x36: {  	[tilespmem:s28+$0x2800] =	vst v0  }
0x37: {  	[tilespmem:s28+$0x2810] =	vst v0  }
0x38: {  	[tilespmem:s28+$0x2820] =	vst v0  }
0x39: {  	[tilespmem:s28+$0x2830] =	vst v0  }
0x3a: {  	[tilespmem:s28+$0x2840] =	vst v0  }
0x3b: {  	[tilespmem:s28+$0x2850] =	vst v0  }
0x3c: {  	[tilespmem:s28+$0x2860] =	vst v0  }
0x3d: {  	[spmem:s5] =	stream.linear.scatter [tilespmem:s18], [sflag:$0x3], $0x4000, $0x38;
	[tilespmem:$0x1E800] =	vst v63  }
0x3e: {  	_ =	swait.ge [sflag:s19], $0x4000  }
0x3f: {  	[sflag:s19] =	ssyncset.done $0x0  }
0x40: {  	[sflag:s19] =	ssyncadd.s32 $0xFFFFC000  }
0x41: {  	[spmem:s6] =	stream.linear.scatter [tilespmem:s18], [sflag:$0x3], $0x4000, $0x38;
	[tilespmem:$0x1E800] =	vst v63  }
0x42: {  	_ =	swait.ge [sflag:s19], $0x4000  }
0x43: {  	[sflag:s19] =	ssyncset.done $0x0  }
0x44: {  	[sflag:s19] =	ssyncadd.s32 $0xFFFFC000  }
0x45: {  	[spmem:s7] =	stream.linear.scatter [tilespmem:s18], [sflag:$0x3], $0x4000, $0x38;
	[tilespmem:$0x1E800] =	vst v63  }
0x46: {  	_ =	swait.ge [sflag:s19], $0x4000  }
0x47: {  	[sflag:s19] =	ssyncset.done $0x0  }
0x48: {  	[sflag:s19] =	ssyncadd.s32 $0xFFFFC000  }
0x49: {  	[spmem:s8] =	stream.linear.scatter [tilespmem:s18], [sflag:$0x3], $0x4000, $0x38;
	[tilespmem:$0x1E800] =	vst v63  }
0x4a: {  	_ =	swait.ge [sflag:s19], $0x4000  }
0x4b: {  	[sflag:s19] =	ssyncset.done $0x0  }
0x4c: {  	[sflag:s19] =	ssyncadd.s32 $0xFFFFC000  }
0x4d: {  	[spmem:s9] =	stream.linear.scatter [tilespmem:s18], [sflag:$0x3], $0x4000, $0x38;
	[tilespmem:$0x1E800] =	vst v63  }
0x4e: {  	_ =	swait.ge [sflag:s19], $0x4000  }
0x4f: {  	[sflag:s19] =	ssyncset.done $0x0  }
0x50: {  	[sflag:s19] =	ssyncadd.s32 $0xFFFFC000  }
0x51: {  	s28 =	simm.s32 $0x0;
	[bflag:$0x0] =	sbarrier.arrive $0xFFFF  }
0x52: {  	[tilespmem:s28], [sflag:$0x3] =	stream.linear.gather [hbm4b:s10+s28], $0x1400, $0x38;
	[tilespmem:$0x1E800] =	vst v63  }
0x53: {  	_ =	swait.ge [sflag:s19], $0x1400  }
0x54: {  	[sflag:s19] =	ssyncset.done $0x0  }
0x55: {  	[sflag:s19] =	ssyncadd.s32 $0xFFFFEC00  }
0x56: {  	[tilespmem:s20], [sflag:$0x3] =	stream.linear.gather [hbm4b:s11+s28], $0x1400, $0x38;
	[tilespmem:$0x1E800] =	vst v63  }
0x57: {  	_ =	swait.ge [sflag:s19], $0x1400  }
0x58: {  	[sflag:s19] =	ssyncset.done $0x0  }
0x59: {  	[sflag:s19] =	ssyncadd.s32 $0xFFFFEC00  }
0x5a: {  	[tilespmem:s18], [sflag:$0x1] =	stream.indirect.gather [hbm4b:s4+s21], $0x80, s28, s21, $0xb8;
	[tilespmem:$0x1E800] =	vst v63  }
0x5b: {  	_ = 	snop  }
0x5c: {  	[tilespmem:s22], [sflag:$0x2] =	stream.indirect.gather [hbm4b:s4+s21], $0x80, s21, s21, $0xb8;
	[tilespmem:$0x1E800] =	vst v63  }
0x5d: {  	_ =	swait.ge [sflag:s23], $0x4000  }
0x5e: {  	[sflag:s23] =	ssyncset.done $0x0  }
0x5f: {  	s28 =	simm.s32 $0x1400;
	[sflag:s23] =	ssyncadd.s32 $0xFFFFC000  }
0x60: {  	[spmem:s2] =	stream.indirect.scatter.add.f32 [tilespmem:s18], [sflag:$0x3], $0x80, s28, s21, $0xb8;
	[tilespmem:$0x1E800] =	vst v63  }
0x61: {  	_ =	swait.ge [sflag:s19], $0x4000  }
0x62: {  	[sflag:s19] =	ssyncset.done $0x0  }
0x63: {  	s28 =	simm.s32 $0x100;
	[sflag:s19] =	ssyncadd.s32 $0xFFFFC000  }
0x64: {  	[tilespmem:s18], [sflag:$0x1] =	stream.indirect.gather [hbm4b:s4+s21], $0x80, s28, s21, $0xb8;
	[tilespmem:$0x1E800] =	vst v63  }
0x65: {  	_ =	swait.ge [sflag:s24], $0x4000  }
0x66: {  	[sflag:s24] =	ssyncset.done $0x0  }
0x67: {  	s28 =	simm.s32 $0x1480;
	[sflag:s24] =	ssyncadd.s32 $0xFFFFC000  }
0x68: {  	[spmem:s2] =	stream.indirect.scatter.add.f32 [tilespmem:s22], [sflag:$0x3], $0x80, s28, s21, $0xb8;
	[tilespmem:$0x1E800] =	vst v63  }
0x69: {  	_ =	swait.ge [sflag:s19], $0x4000  }
0x6a: {  	[sflag:s19] =	ssyncset.done $0x0  }
0x6b: {  	s29 =	simm.s32 $0x180;
	s28 =	simm.s32 $0x400;
	[sflag:s19] =	ssyncadd.s32 $0xFFFFC000  }
.LBB2_4:
0x6c: {  	[tilespmem:s22], [sflag:$0x2] =	stream.indirect.gather [hbm4b:s4+s21], $0x80, s29, s21, $0xb8;
	[tilespmem:$0x1E800] =	vst v63  }
0x6d: {  	s29 =	smov.u32 s28  }
0x6e: {  	p1 =	sne.s32 s28, $0x4800;
	s28 =	sadd.s32 $0x400, s28;
	_ =	swait.ge [sflag:s23], $0x4000  }
0x6f: {  	s29 =	sshra.s32 s29, $0x2;
	[sflag:s23] =	ssyncset.done $0x0  }
0x70: {  	s30 =	sadd.s32 $0x1400, s29;
	[sflag:s23] =	ssyncadd.s32 $0xFFFFC000  }
0x71: {  	[spmem:s2] =	stream.indirect.scatter.add.f32 [tilespmem:s18], [sflag:$0x3], $0x80, s30, s21, $0xb8;
	[tilespmem:$0x1E800] =	vst v63  }
0x72: {  	_ =	swait.ge [sflag:s19], $0x4000  }
0x73: {  	[sflag:s19] =	ssyncset.done $0x0  }
0x74: {  	s30 =	sadd.s32 $0x100, s29;
	[sflag:s19] =	ssyncadd.s32 $0xFFFFC000  }
0x75: {  	[tilespmem:s18], [sflag:$0x1] =	stream.indirect.gather [hbm4b:s4+s21], $0x80, s30, s21, $0xb8;
	[tilespmem:$0x1E800] =	vst v63  }
0x76: {  	_ =	swait.ge [sflag:s24], $0x4000  }
0x77: {  	[sflag:s24] =	ssyncset.done $0x0  }
.Ltmp3:
0x78: {  	s30 =	sadd.s32 $0x1480, s29;
	[sflag:s24] =	ssyncadd.s32 $0xFFFFC000;
	(pc) =	sbr.rel @p1 .LBB2_4-.Ltmp3, $4  }
0x79: {  	[spmem:s2] =	stream.indirect.scatter.add.f32 [tilespmem:s22], [sflag:$0x3], $0x80, s30, s21, $0xb8;
	[tilespmem:$0x1E800] =	vst v63  }
0x7a: {  	_ =	swait.ge [sflag:s19], $0x4000  }
0x7b: {  	[sflag:s19] =	ssyncset.done $0x0  }
0x7c: {  	s29 =	sadd.s32 $0x180, s29;
	[sflag:s19] =	ssyncadd.s32 $0xFFFFC000  }
0x7d: {  	[tilespmem:s22], [sflag:$0x2] =	stream.indirect.gather [hbm4b:s4+s21], $0x80, s29, s21, $0xb8;
	[tilespmem:$0x1E800] =	vst v63  }
0x7e: {  	_ =	swait.ge [sflag:s23], $0x4000  }
0x7f: {  	[sflag:s23] =	ssyncset.done $0x0  }
0x80: {  	[sflag:s23] =	ssyncadd.s32 $0xFFFFC000  }
0x81: {  	[spmem:s2] =	stream.indirect.scatter.add.f32 [tilespmem:s18], [sflag:$0x3], $0x80, s25, s21, $0xb8;
	[tilespmem:$0x1E800] =	vst v63  }
0x82: {  	_ =	swait.ge [sflag:s19], $0x4000  }
0x83: {  	[sflag:s19] =	ssyncset.done $0x0  }
0x84: {  	[sflag:s19] =	ssyncadd.s32 $0xFFFFC000  }
0x85: {  	_ =	swait.ge [sflag:s24], $0x4000  }
0x86: {  	[sflag:s24] =	ssyncset.done $0x0  }
.Ltmp4:
0x87: {  	[sflag:s24] =	ssyncadd.s32 $0xFFFFC000;
	(pc) =	sbr.rel @p0 .LBB2_11-.Ltmp4, $4  }
0x88: {  	[spmem:s2] =	stream.indirect.scatter.add.f32 [tilespmem:s22], [sflag:$0x3], $0x80, s26, s21, $0xb8;
	[tilespmem:$0x1E800] =	vst v63  }
0x89: {  	_ =	swait.ge [sflag:s19], $0x4000  }
0x8a: {  	[sflag:s19] =	ssyncset.done $0x0  }
0x8b: {  	[sflag:s19] =	ssyncadd.s32 $0xFFFFC000  }
0x8c: {  	s28 =	simm.s32 $0x0  }
0x8d: {  	[tilespmem:s28], [sflag:$0x3] =	stream.linear.gather [hbm4b:s12+s28], $0x1400, $0x38;
	[tilespmem:$0x1E800] =	vst v63  }
0x8e: {  	_ =	swait.ge [sflag:s19], $0x1400  }
0x8f: {  	[sflag:s19] =	ssyncset.done $0x0  }
0x90: {  	[sflag:s19] =	ssyncadd.s32 $0xFFFFEC00  }
0x91: {  	[tilespmem:s20], [sflag:$0x3] =	stream.linear.gather [hbm4b:s13+s28], $0x1400, $0x38;
	[tilespmem:$0x1E800] =	vst v63  }
0x92: {  	_ =	swait.ge [sflag:s19], $0x1400  }
0x93: {  	[sflag:s19] =	ssyncset.done $0x0  }
0x94: {  	[sflag:s19] =	ssyncadd.s32 $0xFFFFEC00  }
0x95: {  	[tilespmem:s18], [sflag:$0x1] =	stream.indirect.gather [hbm4b:s4+s21], $0x80, s28, s21, $0xb8;
	[tilespmem:$0x1E800] =	vst v63  }
0x96: {  	_ = 	snop  }
0x97: {  	[tilespmem:s22], [sflag:$0x2] =	stream.indirect.gather [hbm4b:s4+s21], $0x80, s21, s21, $0xb8;
	[tilespmem:$0x1E800] =	vst v63  }
0x98: {  	_ =	swait.ge [sflag:s23], $0x4000  }
0x99: {  	[sflag:s23] =	ssyncset.done $0x0  }
0x9a: {  	s28 =	simm.s32 $0x1400;
	[sflag:s23] =	ssyncadd.s32 $0xFFFFC000  }
0x9b: {  	[spmem:s2] =	stream.indirect.scatter.add.f32 [tilespmem:s18], [sflag:$0x3], $0x80, s28, s21, $0xb8;
	[tilespmem:$0x1E800] =	vst v63  }
0x9c: {  	_ =	swait.ge [sflag:s19], $0x4000  }
0x9d: {  	[sflag:s19] =	ssyncset.done $0x0  }
0x9e: {  	s28 =	simm.s32 $0x100;
	[sflag:s19] =	ssyncadd.s32 $0xFFFFC000  }
0x9f: {  	[tilespmem:s18], [sflag:$0x1] =	stream.indirect.gather [hbm4b:s4+s21], $0x80, s28, s21, $0xb8;
	[tilespmem:$0x1E800] =	vst v63  }
0xa0: {  	_ =	swait.ge [sflag:s24], $0x4000  }
0xa1: {  	[sflag:s24] =	ssyncset.done $0x0  }
0xa2: {  	s28 =	simm.s32 $0x1480;
	[sflag:s24] =	ssyncadd.s32 $0xFFFFC000  }
0xa3: {  	[spmem:s2] =	stream.indirect.scatter.add.f32 [tilespmem:s22], [sflag:$0x3], $0x80, s28, s21, $0xb8;
	[tilespmem:$0x1E800] =	vst v63  }
0xa4: {  	_ =	swait.ge [sflag:s19], $0x4000  }
0xa5: {  	[sflag:s19] =	ssyncset.done $0x0  }
0xa6: {  	s29 =	simm.s32 $0x180;
	s28 =	simm.s32 $0x400;
	[sflag:s19] =	ssyncadd.s32 $0xFFFFC000  }
.LBB2_7:
0xa7: {  	[tilespmem:s22], [sflag:$0x2] =	stream.indirect.gather [hbm4b:s4+s21], $0x80, s29, s21, $0xb8;
	[tilespmem:$0x1E800] =	vst v63  }
0xa8: {  	s29 =	smov.u32 s28  }
0xa9: {  	p1 =	sne.s32 s28, $0x4800;
	s28 =	sadd.s32 $0x400, s28;
	_ =	swait.ge [sflag:s23], $0x4000  }
0xaa: {  	s29 =	sshra.s32 s29, $0x2;
	[sflag:s23] =	ssyncset.done $0x0  }
0xab: {  	s30 =	sadd.s32 $0x1400, s29;
	[sflag:s23] =	ssyncadd.s32 $0xFFFFC000  }
0xac: {  	[spmem:s2] =	stream.indirect.scatter.add.f32 [tilespmem:s18], [sflag:$0x3], $0x80, s30, s21, $0xb8;
	[tilespmem:$0x1E800] =	vst v63  }
0xad: {  	_ =	swait.ge [sflag:s19], $0x4000  }
0xae: {  	[sflag:s19] =	ssyncset.done $0x0  }
0xaf: {  	s30 =	sadd.s32 $0x100, s29;
	[sflag:s19] =	ssyncadd.s32 $0xFFFFC000  }
0xb0: {  	[tilespmem:s18], [sflag:$0x1] =	stream.indirect.gather [hbm4b:s4+s21], $0x80, s30, s21, $0xb8;
	[tilespmem:$0x1E800] =	vst v63  }
0xb1: {  	_ =	swait.ge [sflag:s24], $0x4000  }
0xb2: {  	[sflag:s24] =	ssyncset.done $0x0  }
.Ltmp5:
0xb3: {  	s30 =	sadd.s32 $0x1480, s29;
	[sflag:s24] =	ssyncadd.s32 $0xFFFFC000;
	(pc) =	sbr.rel @p1 .LBB2_7-.Ltmp5, $4  }
0xb4: {  	[spmem:s2] =	stream.indirect.scatter.add.f32 [tilespmem:s22], [sflag:$0x3], $0x80, s30, s21, $0xb8;
	[tilespmem:$0x1E800] =	vst v63  }
0xb5: {  	_ =	swait.ge [sflag:s19], $0x4000  }
0xb6: {  	[sflag:s19] =	ssyncset.done $0x0  }
0xb7: {  	s29 =	sadd.s32 $0x180, s29;
	[sflag:s19] =	ssyncadd.s32 $0xFFFFC000  }
0xb8: {  	[tilespmem:s22], [sflag:$0x2] =	stream.indirect.gather [hbm4b:s4+s21], $0x80, s29, s21, $0xb8;
	[tilespmem:$0x1E800] =	vst v63  }
0xb9: {  	_ =	swait.ge [sflag:s23], $0x4000  }
0xba: {  	[sflag:s23] =	ssyncset.done $0x0  }
0xbb: {  	[sflag:s23] =	ssyncadd.s32 $0xFFFFC000  }
0xbc: {  	[spmem:s2] =	stream.indirect.scatter.add.f32 [tilespmem:s18], [sflag:$0x3], $0x80, s25, s21, $0xb8;
	[tilespmem:$0x1E800] =	vst v63  }
0xbd: {  	_ =	swait.ge [sflag:s19], $0x4000  }
0xbe: {  	[sflag:s19] =	ssyncset.done $0x0  }
0xbf: {  	[sflag:s19] =	ssyncadd.s32 $0xFFFFC000  }
0xc0: {  	_ =	swait.ge [sflag:s24], $0x4000  }
0xc1: {  	[sflag:s24] =	ssyncset.done $0x0  }
0xc2: {  	[sflag:s24] =	ssyncadd.s32 $0xFFFFC000  }
0xc3: {  	[spmem:s2] =	stream.indirect.scatter.add.f32 [tilespmem:s22], [sflag:$0x3], $0x80, s26, s21, $0xb8;
	[tilespmem:$0x1E800] =	vst v63  }
0xc4: {  	_ =	swait.ge [sflag:s19], $0x4000  }
0xc5: {  	[sflag:s19] =	ssyncset.done $0x0  }
0xc6: {  	s28 =	simm.s32 $0x0;
	[sflag:s19] =	ssyncadd.s32 $0xFFFFC000  }
0xc7: {  	[tilespmem:s28], [sflag:$0x3] =	stream.linear.gather [hbm4b:s14+s28], $0x1400, $0x38;
	[tilespmem:$0x1E800] =	vst v63  }
0xc8: {  	_ =	swait.ge [sflag:s19], $0x1400  }
0xc9: {  	[sflag:s19] =	ssyncset.done $0x0  }
0xca: {  	[sflag:s19] =	ssyncadd.s32 $0xFFFFEC00  }
0xcb: {  	[tilespmem:s20], [sflag:$0x3] =	stream.linear.gather [hbm4b:s15+s28], $0x1400, $0x38;
	[tilespmem:$0x1E800] =	vst v63  }
0xcc: {  	_ =	swait.ge [sflag:s19], $0x1400  }
0xcd: {  	[sflag:s19] =	ssyncset.done $0x0  }
0xce: {  	[sflag:s19] =	ssyncadd.s32 $0xFFFFEC00  }
0xcf: {  	[tilespmem:s18], [sflag:$0x1] =	stream.indirect.gather [hbm4b:s4+s21], $0x80, s28, s21, $0xb8;
	[tilespmem:$0x1E800] =	vst v63  }
0xd0: {  	_ = 	snop  }
0xd1: {  	[tilespmem:s22], [sflag:$0x2] =	stream.indirect.gather [hbm4b:s4+s21], $0x80, s21, s21, $0xb8;
	[tilespmem:$0x1E800] =	vst v63  }
0xd2: {  	_ =	swait.ge [sflag:s23], $0x4000  }
0xd3: {  	[sflag:s23] =	ssyncset.done $0x0  }
0xd4: {  	s28 =	simm.s32 $0x1400;
	[sflag:s23] =	ssyncadd.s32 $0xFFFFC000  }
0xd5: {  	[spmem:s2] =	stream.indirect.scatter.add.f32 [tilespmem:s18], [sflag:$0x3], $0x80, s28, s21, $0xb8;
	[tilespmem:$0x1E800] =	vst v63  }
0xd6: {  	_ =	swait.ge [sflag:s19], $0x4000  }
0xd7: {  	[sflag:s19] =	ssyncset.done $0x0  }
0xd8: {  	s28 =	simm.s32 $0x100;
	[sflag:s19] =	ssyncadd.s32 $0xFFFFC000  }
0xd9: {  	[tilespmem:s18], [sflag:$0x1] =	stream.indirect.gather [hbm4b:s4+s21], $0x80, s28, s21, $0xb8;
	[tilespmem:$0x1E800] =	vst v63  }
0xda: {  	_ =	swait.ge [sflag:s24], $0x4000  }
0xdb: {  	[sflag:s24] =	ssyncset.done $0x0  }
0xdc: {  	s28 =	simm.s32 $0x1480;
	[sflag:s24] =	ssyncadd.s32 $0xFFFFC000  }
0xdd: {  	[spmem:s2] =	stream.indirect.scatter.add.f32 [tilespmem:s22], [sflag:$0x3], $0x80, s28, s21, $0xb8;
	[tilespmem:$0x1E800] =	vst v63  }
0xde: {  	_ =	swait.ge [sflag:s19], $0x4000  }
0xdf: {  	[sflag:s19] =	ssyncset.done $0x0  }
0xe0: {  	s29 =	simm.s32 $0x180;
	s28 =	simm.s32 $0x400;
	[sflag:s19] =	ssyncadd.s32 $0xFFFFC000  }
.LBB2_9:
0xe1: {  	[tilespmem:s22], [sflag:$0x2] =	stream.indirect.gather [hbm4b:s4+s21], $0x80, s29, s21, $0xb8;
	[tilespmem:$0x1E800] =	vst v63  }
0xe2: {  	s29 =	smov.u32 s28  }
0xe3: {  	p1 =	sne.s32 s28, $0x4800;
	s28 =	sadd.s32 $0x400, s28;
	_ =	swait.ge [sflag:s23], $0x4000  }
0xe4: {  	s29 =	sshra.s32 s29, $0x2;
	[sflag:s23] =	ssyncset.done $0x0  }
0xe5: {  	s30 =	sadd.s32 $0x1400, s29;
	[sflag:s23] =	ssyncadd.s32 $0xFFFFC000  }
0xe6: {  	[spmem:s2] =	stream.indirect.scatter.add.f32 [tilespmem:s18], [sflag:$0x3], $0x80, s30, s21, $0xb8;
	[tilespmem:$0x1E800] =	vst v63  }
0xe7: {  	_ =	swait.ge [sflag:s19], $0x4000  }
0xe8: {  	[sflag:s19] =	ssyncset.done $0x0  }
0xe9: {  	s30 =	sadd.s32 $0x100, s29;
	[sflag:s19] =	ssyncadd.s32 $0xFFFFC000  }
0xea: {  	[tilespmem:s18], [sflag:$0x1] =	stream.indirect.gather [hbm4b:s4+s21], $0x80, s30, s21, $0xb8;
	[tilespmem:$0x1E800] =	vst v63  }
0xeb: {  	_ =	swait.ge [sflag:s24], $0x4000  }
0xec: {  	[sflag:s24] =	ssyncset.done $0x0  }
.Ltmp6:
0xed: {  	s30 =	sadd.s32 $0x1480, s29;
	[sflag:s24] =	ssyncadd.s32 $0xFFFFC000;
	(pc) =	sbr.rel @p1 .LBB2_9-.Ltmp6, $4  }
0xee: {  	[spmem:s2] =	stream.indirect.scatter.add.f32 [tilespmem:s22], [sflag:$0x3], $0x80, s30, s21, $0xb8;
	[tilespmem:$0x1E800] =	vst v63  }
0xef: {  	_ =	swait.ge [sflag:s19], $0x4000  }
0xf0: {  	[sflag:s19] =	ssyncset.done $0x0  }
0xf1: {  	s29 =	sadd.s32 $0x180, s29;
	[sflag:s19] =	ssyncadd.s32 $0xFFFFC000  }
.Ltmp7:
0xf2: {  	_ = 	snop;
	(pc) =	sbr.rel .LBB2_10-.Ltmp7, $1  }
0xf3: {  	_ =	sdelay $0x3  }
.LBB2_12:
0xf4: {  	_ =	sfence.sel $0x180000  }
0xf5: {  	[bflag:$0x0] =	sbarrier.arrive $0xFFFF  }
0xf6: {  	p0 =	sne.s32 s1, $0x0;
	_ =	strace $0x9000004A  }
0xf7: {  	s0 =	sadd.s32 @!p0 $0x100000, s0;
	[bflag:$0x2] =	sbarrier.arrive $0xFFFF  }
0xf8: {  	[sflag:s0] =	ssyncadd.tile.s32 @!p0 $0x1;
	_ =	shalt  }
.Lfunc_end2:
_tile_overlayer_lowered:
.L_overlay_start_2:
0xf9: {  	(tag) =	ssettag $0x2  }
0xfa: {  	s0 =	rddreg [dreg:$0x0];
	s2 =	stileid.u32  }
0xfb: {  	s1 =	rddreg [dreg:$0x1];
	p0 =	sne.s32 s2, $0x0  }
0xfc: {  	s3 =	rddreg [dreg:$0x2];
	[bflag:$0x3] =	sbarrier.arrive $0xFFFF;
	s2 =	simm.s32 @!p0 $0x1C03  }
0xfd: {  	[timem:s3], [sflag:s2] =	dma.local @!p0 [hbm:s0], s1  }
0xfe: {  	s0 =	simm.s32 @!p0 $0x3  }
0xff: {  	_ =	swait.ge @!p0 [sflag:s0], s1  }
0x100: {  	s1 =	ssub.s32 @!p0 $0x0, s1;
	[sflag:s0] =	ssyncset.done @!p0 $0x0  }
0x101: {  	[sflag:s0] =	ssyncadd.s32 @!p0 s1  }
0x102: {  	[bflag:$0x3] =	sbarrier.arrive $0xFFFF  }
0x103: {  	_ =	shalt  }

// kernel: kernel.17.cloned.1.call-start
scs
__scs_entry_jumppad:
0x0: {  	(pc) =	sbr.rel $0x88, $3  }
0x1: {  	(tag) =	ssettag $0x0;
	lr =	simm.s32 $0x1  }
0x2: {  	[smem:$0x3F94] =	sst lr;
	_ =	strace $0xD0000000  }
0x3: {  	_ = 	snop  }
0x4: {  	_ = 	snop  }
0x5: {  	_ = 	snop  }
0x6: {  	_ = 	snop  }
0x7: {  	_ = 	snop  }
__scs_overlays_trampoline_lowered:
0x8: {  	[smem:$0x3FA3] =	sst s0  }
0x9: {  	[smem:$0x3FA4] =	sst s1  }
0xa: {  	[smem:$0x3FA5] =	sst s2  }
0xb: {  	[smem:$0x3FA6] =	sst s3  }
0xc: {  	[smem:$0x3FA7] =	sst s4  }
0xd: {  	[smem:$0x3FA8] =	sst s5  }
0xe: {  	[smem:$0x3FA9] =	sst s6  }
0xf: {  	[smem:$0x3FAA] =	sst s7  }
0x10: {  	[smem:$0x3FAB] =	sst s8  }
0x11: {  	[smem:$0x3FAC] =	sst s9;
	s0 =	simm.s32 @!p0 $0x0  }
0x12: {  	s1 =	sld [smem:$0x3F92];
	s0 =	simm.s32 @p0 $0x1  }
0x13: {  	[smem:$0x3FAD] =	sst s0;
	s0 =	simm.s32 @!p1 $0x0  }
0x14: {  	s2 =	sld [smem:$0x3F91];
	s0 =	simm.s32 @p1 $0x1  }
0x15: {  	[smem:$0x3FAE] =	sst s0;
	s0 =	simm.s32 @!p2 $0x0  }
0x16: {  	s3 =	sld [smem:$0x3FDB];
	s0 =	simm.s32 @p2 $0x1  }
0x17: {  	s4 =	simm.s32 $0x1BF5;
	[smem:$0x3FB0] =	sst s0  }
0x18: {  	s0 =	sld [smem:$0x3F93];
	_ =	swait.ge [sflag:s4], $0x0  }
0x19: {  	s7 =	sld [smem:$0x3F94]  }
0x1a: {  	s8 =	sadd.s32 $0xFFFFE003, lr  }
0x1b: {  	s9 =	sadd.s32 $0xFFFFFEF7, lr;
	s5 =	simm.s32 $0xFFFFFFFF;
	p2 =	slt.u32 s8, $0xFFFFF086  }
0x1c: {  	p1 =	slt.u32 s9, $0xF7A;
	s5 =	simm.s32 @!p2 $0x0  }
0x1d: {  	s5 =	simm.s32 @p1 $0x1;
	p0 =	seq.s32 s7, s2  }
0x1e: {  	s7 =	smul.u32 @!p0 $0xF7A, s2;
	p2 =	seq.s32 @!p0 s5, $0x0  }
0x1f: {  	s9 =	smul.u32 $0xF7A, s1;
	s8 =	simm.s32 @!p0 $0x1BF5;
	p2 =	por !p2, p0  }
0x20: {  	[sflag:s8] =	ssyncset.s32 @!p0 $0xFFFFF086;
	s6 =	sadd.s32 @!p0 s3, s7;
	s7 =	simm.s32 @!p0 $0x108  }
0x21: {  	s3 =	sadd.s32 s3, s9;
	s6 =	sadd.s32 @!p0 $0x88, s6;
	s7 =	simm.s32 @p2 $0x1082  }
0x22: {  	[simem:s7], [sflag:s8] =	dma.local @!p0 [hbm:s6], $0xF7A  }
0x23: {  	s9 =	sor.u32 $0xD0000000, s2;
	s6 =	simm.s32 $0x108;
	_ =	swait.ge @!p0 [sflag:s8], $0x0  }
0x24: {  	s3 =	sadd.s32 $0x88, s3;
	s6 =	simm.s32 @!p1 $0x1082;
	[sflag:s4] =	ssyncset.s32 $0xFFFFF086  }
0x25: {  	[simem:s6], [sflag:s4] =	dma.local [hbm:s3], $0xF7A  }
0x26: {  	[smem:$0x3F94] =	sst s1;
	(tag) =	ssettag s2;
	_ =	strace s9  }
0x27: {  	s1 =	sld [smem:$0x3FA4]  }
0x28: {  	s2 =	sld [smem:$0x3FA5]  }
0x29: {  	s4 =	sld [smem:$0x3FA7]  }
0x2a: {  	p0 =	seq.s32 s5, $0x0;
	s5 =	sld [smem:$0x3FA8]  }
0x2b: {  	s6 =	sld [smem:$0x3FA9]  }
0x2c: {  	s7 =	sld [smem:$0x3FAA]  }
0x2d: {  	s3 =	simm.s32 $0x108;
	s8 =	sld [smem:$0x3FAB]  }
0x2e: {  	s3 =	simm.s32 @!p0 $0x1082;
	s9 =	sld [smem:$0x3FAC]  }
0x2f: {  	lr =	sadd.s32 s0, s3;
	s0 =	sld [smem:$0x3FA3]  }
0x30: {  	s3 =	sld [smem:$0x3FA6]  }
0x31: {  	[smem:$0x3FAF] =	sst s10  }
0x32: {  	s10 =	sld [smem:$0x3FAD];
	_ =	sdelay $0x3  }
0x33: {  	p0 =	seq.s32 s10, $0x1;
	s10 =	sld [smem:$0x3FAF];
	_ =	sdelay $0x3  }
0x34: {  	[smem:$0x3FAF] =	sst s10  }
0x35: {  	s10 =	sld [smem:$0x3FAE];
	_ =	sdelay $0x3  }
0x36: {  	p1 =	seq.s32 s10, $0x1;
	s10 =	sld [smem:$0x3FAF];
	_ =	sdelay $0x3  }
0x37: {  	[smem:$0x3FAF] =	sst s10  }
0x38: {  	s10 =	sld [smem:$0x3FB0]  }
0x39: {  	_ = 	snop;
	(pc) =	sbr.ind lr, $3  }
0x3a: {  	_ = 	snop  }
0x3b: {  	_ = 	snop  }
0x3c: {  	p2 =	seq.s32 s10, $0x1;
	s10 =	sld [smem:$0x3FAF]  }
0x3d: {  	_ =	shalt  }
0x3e: {  	_ =	shalt  }
0x3f: {  	_ =	shalt  }
0x40: {  	_ =	shalt  }
0x41: {  	_ =	shalt  }
0x42: {  	_ =	shalt  }
0x43: {  	_ =	shalt  }
0x44: {  	_ =	shalt  }
0x45: {  	_ =	shalt  }
0x46: {  	_ =	shalt  }
0x47: {  	_ =	shalt  }
0x48: {  	_ =	shalt  }
0x49: {  	_ =	shalt  }
0x4a: {  	_ =	shalt  }
0x4b: {  	_ =	shalt  }
0x4c: {  	_ =	shalt  }
0x4d: {  	_ =	shalt  }
0x4e: {  	_ =	shalt  }
0x4f: {  	_ =	shalt  }
0x50: {  	_ =	shalt  }
0x51: {  	_ =	shalt  }
0x52: {  	_ =	shalt  }
0x53: {  	_ =	shalt  }
0x54: {  	_ =	shalt  }
0x55: {  	_ =	shalt  }
0x56: {  	_ =	shalt  }
0x57: {  	_ =	shalt  }
0x58: {  	_ =	shalt  }
0x59: {  	_ =	shalt  }
0x5a: {  	_ =	shalt  }
0x5b: {  	_ =	shalt  }
0x5c: {  	_ =	shalt  }
0x5d: {  	_ =	shalt  }
0x5e: {  	_ =	shalt  }
0x5f: {  	_ =	shalt  }
0x60: {  	_ =	shalt  }
0x61: {  	_ =	shalt  }
0x62: {  	_ =	shalt  }
0x63: {  	_ =	shalt  }
0x64: {  	_ =	shalt  }
0x65: {  	_ =	shalt  }
0x66: {  	_ =	shalt  }
0x67: {  	_ =	shalt  }
0x68: {  	_ =	shalt  }
0x69: {  	_ =	shalt  }
0x6a: {  	_ =	shalt  }
0x6b: {  	_ =	shalt  }
0x6c: {  	_ =	shalt  }
0x6d: {  	_ =	shalt  }
0x6e: {  	_ =	shalt  }
0x6f: {  	_ =	shalt  }
0x70: {  	_ =	shalt  }
0x71: {  	_ =	shalt  }
0x72: {  	_ =	shalt  }
0x73: {  	_ =	shalt  }
0x74: {  	_ =	shalt  }
0x75: {  	_ =	shalt  }
0x76: {  	_ =	shalt  }
0x77: {  	_ =	shalt  }
0x78: {  	_ =	shalt  }
0x79: {  	_ =	shalt  }
0x7a: {  	_ =	shalt  }
0x7b: {  	_ =	shalt  }
0x7c: {  	_ =	shalt  }
0x7d: {  	_ =	shalt  }
0x7e: {  	_ =	shalt  }
0x7f: {  	_ =	shalt  }
0x80: {  	_ =	shalt  }
0x81: {  	_ =	shalt  }
0x82: {  	_ =	shalt  }
0x83: {  	_ =	shalt  }
0x84: {  	_ =	shalt  }
0x85: {  	_ =	shalt  }
0x86: {  	_ =	shalt  }
0x87: {  	_ =	shalt  }
.Lfunc_end0:
.L_simem_size_0:
called_computation.2_lowered:
.L_overlay_start_0:
0x88: {  	s2 =	sld [smem:$0x3FD9]  }
0x89: {  	s3 =	sld [smem:$0x3FFE];
	_ =	sdelay $0x1  }
0x8a: {  	s1 =	srdreg.scid  }
0x8b: {  	s0 =	sand.u32 $0x1, s1  }
0x8c: {  	s17 =	sshll.u32 s0, $0xA;
	s2 =	sadd.s32 s3, s2  }
0x8d: {  	s2 =	sadd.s32 s2, s17  }
0x8e: {  	[smem:$0x3FBB] =	sst s2  }
0x8f: {  	_ = 	snop  }
0x90: {  	s2 =	sld [smem:$0x3FD0];
	(tm) =	ssettm $0x1  }
0x91: {  	s18 =	sld [smem:$0x3FFB];
	_ =	sdelay $0x3  }
0x92: {  	_ =	strace s18  }
0x93: {  	s3 =	sld [smem:$0x3FFC];
	_ =	sdelay $0x3  }
0x94: {  	_ =	strace s3  }
0x95: {  	s3 =	sld [smem:$0x3FFD];
	_ =	sdelay $0x3  }
0x96: {  	_ =	strace s3  }
0x97: {  	_ =	strace $0x8FFFFFFF  }
0x98: {  	s19 =	sld [smem:$0x3FDB];
	_ =	sdelay $0x1  }
0x99: {  	s4 =	simm.s32 $_scs_section_size  }
0x9a: {  	s5 =	simm.s32 $_size__tile_overlayer_lowered;
	s6 =	simm.s32 $_tile_overlayer_lowered  }
0x9b: {  	s22 =	simm.s32 $0x1BFF;
	s21 =	sshll.u32 s6, $0x1;
	s3 =	sadd.s32 s4, s19  }
0x9c: {  	s7 =	simm.s32 $0x0;
	s20 =	sshll.u32 s5, $0x1;
	s5 =	sadd.s32 s21, s3  }
0x9d: {  	[timem:s7], [sflag:s22] =	dma.local [hbm:s5], s20  }
0x9e: {  	_ =	swait.ge [sflag:s22], s20  }
0x9f: {  	s4 =	ssub.s32 $0x0, s20;
	[sflag:s22] =	ssyncset.done $0x0  }
0xa0: {  	[sflag:s22] =	ssyncadd.s32 s4;
	_ =	sdelay $0x1  }
0xa1: {  	s23 =	simm.s32 $0x1B8B  }
0xa2: {  	_ =	swait.ge [sflag:s23], $0x1  }
0xa3: {  	[sflag:s23] =	ssyncset.done $0x0  }
0xa4: {  	s25 =	simm.s32 $0x1B8E;
	s24 =	sld [smem:$0x3FFE];
	[sflag:s23] =	ssyncadd.s32 $0xFFFFFFFF  }
0xa5: {  	s26 =	simm.s32 $execute0_lowered;
	[smem:$0x3FD2] =	sst s25  }
0xa6: {  	s5 =	sshll.u32 s26, $0x1;
	_ =	strace $0x8000004C;
	[dreg:$0x1] =	wrdreg $0xFFFFFFFF  }
0xa7: {  	s28 =	simm.s32 $_size_execute0_lowered;
	s3 =	sadd.s32 s3, s5;
	[dreg:$0x0] =	wrdreg $0x0  }
0xa8: {  	s5 =	sshll.u32 s28, $0x1;
	[dreg:$0x2] =	wrdreg s3  }
0xa9: {  	[dreg:$0x3] =	wrdreg s5  }
0xaa: {  	[dreg:$0x4] =	wrdreg $0xC0  }
0xab: {  	_ =	task [dreg:s7], $0x5FFFF  }
0xac: {  	[dreg:$0x1] =	wrdreg $0xFFFFFFFF  }
0xad: {  	[dreg:$0x0] =	wrdreg $0x60  }
0xae: {  	[dreg:$0x2] =	wrdreg s24  }
0xaf: {  	[dreg:$0x3] =	wrdreg s2  }
0xb0: {  	[dreg:$0x4] =	wrdreg $0xA8000  }
0xb1: {  	[dreg:$0x5] =	wrdreg $0x9  }
0xb2: {  	_ =	task.clear_ibuf [dreg:s7], $0x6FFFF;
	_ =	strace $0x9000004C  }
0xb3: {  	s29 =	simm.s32 $0x9;
	_ =	strace $0x8000004E  }
0xb4: {  	_ =	swait.ge [sflag:s29], $0x1  }
0xb5: {  	[sflag:s29] =	ssyncadd.s32 $0xFFFFFFFF  }
0xb6: {  	_ =	strace $0x9000004E  }
0xb7: {  	_ =	sfence  }
0xb8: {  	s30 =	sld [smem:$0x0];
	_ =	sdelay $0x2  }
0xb9: {  	s31 =	sshll.u32 s1, $0xD;
	s1 =	sshrl.u32 s1, $0x2  }
0xba: {  	s3 =	sand.u32 $0x4000, s31;
	s1 =	sadd.s32 s1, s30  }
0xbb: {  	s0 =	sor.u32 s3, s0;
	s1 =	sshll.u32 s1, $0x11  }
0xbc: {  	s0 =	sor.u32 s1, s0  }
0xbd: {  	s0 =	sadd.s32 $0x8F2B, s0  }
0xbe: {  	[sflag:s0] =	ssyncadd.remote.s32 $0x1  }
0xbf: {  	_ =	sfence.sel $0xFFFF  }
0xc0: {  	[dreg:$0x0] =	wrdreg $0xFFFFFFFF;
	(pc) =	sbr.abs _section_cstart, $3  }
0xc1: {  	[dreg:$0x1] =	wrdreg $0xFFFFFFFF  }
0xc2: {  	_ =	task.clear_ibuf [dreg:s7], $0x2FFFF;
	_ =	strace $0x9FFFFFFF  }
0xc3: {  	(tm) =	ssettm $0x7FFFFFFF  }
tec
execute0_lowered:
.L_overlay_start_1:
0x0: {  	(tag) =	ssettag $0x1  }
0x1: {  	s5 =	rddreg [dreg:$0x0]  }
0x2: {  	s15 =	rddreg [dreg:$0x1]  }
0x3: {  	s2 =	rddreg [dreg:$0x2]  }
0x4: {  	s0 =	rddreg [dreg:$0x3]  }
0x5: {  	s4 =	srdreg.scid;
	s1 =	stileid.u32;
	s3 =	simm.s32 $0x0  }
0x6: {  	s20 =	simm.s32 $0x1400;
	s21 =	simm.s32 $0x80;
	s29 =	smul.u32 $0x2800, s1  }
0x7: {  	s22 =	simm.s32 $0x6800;
	s23 =	simm.s32 $0x1;
	s7 =	smul.u32 $0x50000, s1  }
0x8: {  	s24 =	simm.s32 $0x2;
	s26 =	simm.s32 $0x2780;
	s8 =	smul.u32 $0x28, s1  }
0x9: {  	s25 =	sand.u32 $0x1, s4;
	[smem:$0x7FF] =	sst s3;
	s9 =	smul.u32 $0x78, s1  }
0xa: {  	s14 =	sadd.s32 $0x3600, s5;
	s4 =	sadd.s32 $0xD600, s5;
	s11 =	smul.u32 $0x3C00, s1  }
0xb: {  	s6 =	smul.u32 $0x28000, s25;
	_ =	strace $0x8000004D;
	s30 =	ssub.s32 $0x2, s25  }
0xc: {  	p0 =	seq.s32 s25, $0x0;
	s31 =	sshrl.u32 s30, $0x1;
	s7 =	sshrl.u32 s7, $0x2  }
0xd: {  	s10 =	sadd.s32 $0x780, s8;
	s13 =	sshrl.u32 s11, $0x3;
	s6 =	sadd.s32 s29, s6  }
0xe: {  	s17 =	ssub.s32 s30, s31;
	s10 =	smov.u32 @p0 s9;
	s18 =	sadd.s32 $0x280, s13  }
0xf: {  	s19 =	sadd.s32 $0x500, s13;
	p0 =	sne.s32 s25, $0x0;
	s25 =	simm.s32 $0x2700  }
0x10: {  	s16 =	sadd.s32 s6, s5;
	s5 =	sadd.s32 s7, s2;
	s12 =	sshll.u32 s10, $0x4  }
.Ltmp0:
0x11: {  	s13 =	sadd.s32 s15, s18;
	s17 =	smax.u32 s17, $0x1;
	(pc) =	sbr.rel .LBB2_1-.Ltmp0, $4  }
0x12: {  	s6 =	sadd.s32 $0x4000, s5;
	s7 =	sadd.s32 $0x8000, s5;
	s8 =	sadd.s32 $0xC000, s5  }
0x13: {  	s9 =	sadd.s32 $0x10000, s5;
	s10 =	sadd.s32 s14, s12;
	s11 =	sadd.s32 s15, s12  }
0x14: {  	s12 =	sadd.s32 s14, s18;
	s14 =	sadd.s32 s14, s19;
	s15 =	sadd.s32 s15, s19  }
0x15: {  	v0 =	vimm.f32 $0.0e+00;
	s16 =	sadd.s32 $0x34800, s16;
	s18 =	simm.s32 $0x2800;
	s19 =	simm.s32 $0x3  }
.LBB2_10:
0x16: {  	[tilespmem:s22], [sflag:$0x2] =	stream.indirect.gather [hbm4b:s4+s21], $0x80, s29, s21, $0xb8;
	[tilespmem:$0x1E800] =	vst v63  }
0x17: {  	_ =	swait.ge [sflag:s23], $0x4000  }
0x18: {  	[sflag:s23] =	ssyncset.done $0x0  }
0x19: {  	[sflag:s23] =	ssyncadd.s32 $0xFFFFC000  }
0x1a: {  	[spmem:s2] =	stream.indirect.scatter.add.f32 [tilespmem:s18], [sflag:$0x3], $0x80, s25, s21, $0xb8;
	[tilespmem:$0x1E800] =	vst v63  }
0x1b: {  	_ =	swait.ge [sflag:s19], $0x4000  }
0x1c: {  	[sflag:s19] =	ssyncset.done $0x0  }
0x1d: {  	[sflag:s19] =	ssyncadd.s32 $0xFFFFC000  }
0x1e: {  	_ =	swait.ge [sflag:s24], $0x4000  }
0x1f: {  	[sflag:s24] =	ssyncset.done $0x0  }
0x20: {  	[sflag:s24] =	ssyncadd.s32 $0xFFFFC000  }
0x21: {  	[spmem:s2] =	stream.indirect.scatter.add.f32 [tilespmem:s22], [sflag:$0x3], $0x80, s26, s21, $0xb8;
	[tilespmem:$0x1E800] =	vst v63  }
0x22: {  	_ =	swait.ge [sflag:s19], $0x4000  }
0x23: {  	[sflag:s19] =	ssyncset.done $0x0  }
0x24: {  	[sflag:s19] =	ssyncadd.s32 $0xFFFFC000  }
.LBB2_11:
0x25: {  	s3 =	sadd.s32 $0x1, s3  }
0x26: {  	s28 =	sshll.u32 s1, $0x6;
	[bflag:$0x0] =	sbarrier.arrive $0xFFFF;
	p1 =	sne.s32 s3, s17  }
.Ltmp1:
0x27: {  	s29 =	sshrl.u32 s5, $0x3;
	s28 =	sor.u32 $0x1C03, s28;
	(pc) =	sbr.rel @!p1 .LBB2_12-.Ltmp1, $4  }
0x28: {  	[hbm:s16], [sflag:s28] =	dma.local [spmem:s29], $0x2800  }
0x29: {  	_ =	swait.ge [sflag:s19], $0x2800  }
0x2a: {  	[sflag:s19] =	ssyncset.done $0x0  }
0x2b: {  	[sflag:s19] =	ssyncadd.s32 $0xFFFFD800  }
.LBB2_1:
0x2c: {  	s28 =	simm.s32 $0x0;
	s29 =	simm.s32 $0x200  }
.LBB2_2:
0x2d: {  	p1 =	sne.s32 s29, $0xFE00;
	[tilespmem:s28+$0x2870] =	vst v0  }
0x2e: {  	[tilespmem:s28+$0x2800] =	vst v0  }
0x2f: {  	[tilespmem:s28+$0x2810] =	vst v0  }
.Ltmp2:
0x30: {  	[tilespmem:s28+$0x2820] =	vst v0;
	(pc) =	sbr.rel @p1 .LBB2_2-.Ltmp2, $4  }
0x31: {  	[tilespmem:s28+$0x2830] =	vst v0  }
0x32: {  	[tilespmem:s28+$0x2840] =	vst v0  }
0x33: {  	[tilespmem:s28+$0x2850] =	vst v0  }
0x34: {  	[tilespmem:s28+$0x2860] =	vst v0;
	s28 =	sshra.s32 s29, $0x2;
	s29 =	sadd.s32 $0x200, s29  }
0x35: {  	[tilespmem:s28+$0x2870] =	vst v0  }
0x36: {  	[tilespmem:s28+$0x2800] =	vst v0  }
0x37: {  	[tilespmem:s28+$0x2810] =	vst v0  }
0x38: {  	[tilespmem:s28+$0x2820] =	vst v0  }
0x39: {  	[tilespmem:s28+$0x2830] =	vst v0  }
0x3a: {  	[tilespmem:s28+$0x2840] =	vst v0  }
0x3b: {  	[tilespmem:s28+$0x2850] =	vst v0  }
0x3c: {  	[tilespmem:s28+$0x2860] =	vst v0  }
0x3d: {  	[spmem:s5] =	stream.linear.scatter [tilespmem:s18], [sflag:$0x3], $0x4000, $0x38;
	[tilespmem:$0x1E800] =	vst v63  }
0x3e: {  	_ =	swait.ge [sflag:s19], $0x4000  }
0x3f: {  	[sflag:s19] =	ssyncset.done $0x0  }
0x40: {  	[sflag:s19] =	ssyncadd.s32 $0xFFFFC000  }
0x41: {  	[spmem:s6] =	stream.linear.scatter [tilespmem:s18], [sflag:$0x3], $0x4000, $0x38;
	[tilespmem:$0x1E800] =	vst v63  }
0x42: {  	_ =	swait.ge [sflag:s19], $0x4000  }
0x43: {  	[sflag:s19] =	ssyncset.done $0x0  }
0x44: {  	[sflag:s19] =	ssyncadd.s32 $0xFFFFC000  }
0x45: {  	[spmem:s7] =	stream.linear.scatter [tilespmem:s18], [sflag:$0x3], $0x4000, $0x38;
	[tilespmem:$0x1E800] =	vst v63  }
0x46: {  	_ =	swait.ge [sflag:s19], $0x4000  }
0x47: {  	[sflag:s19] =	ssyncset.done $0x0  }
0x48: {  	[sflag:s19] =	ssyncadd.s32 $0xFFFFC000  }
0x49: {  	[spmem:s8] =	stream.linear.scatter [tilespmem:s18], [sflag:$0x3], $0x4000, $0x38;
	[tilespmem:$0x1E800] =	vst v63  }
0x4a: {  	_ =	swait.ge [sflag:s19], $0x4000  }
0x4b: {  	[sflag:s19] =	ssyncset.done $0x0  }
0x4c: {  	[sflag:s19] =	ssyncadd.s32 $0xFFFFC000  }
0x4d: {  	[spmem:s9] =	stream.linear.scatter [tilespmem:s18], [sflag:$0x3], $0x4000, $0x38;
	[tilespmem:$0x1E800] =	vst v63  }
0x4e: {  	_ =	swait.ge [sflag:s19], $0x4000  }
0x4f: {  	[sflag:s19] =	ssyncset.done $0x0  }
0x50: {  	[sflag:s19] =	ssyncadd.s32 $0xFFFFC000  }
0x51: {  	s28 =	simm.s32 $0x0;
	[bflag:$0x0] =	sbarrier.arrive $0xFFFF  }
0x52: {  	[tilespmem:s28], [sflag:$0x3] =	stream.linear.gather [hbm4b:s10+s28], $0x1400, $0x38;
	[tilespmem:$0x1E800] =	vst v63  }
0x53: {  	_ =	swait.ge [sflag:s19], $0x1400  }
0x54: {  	[sflag:s19] =	ssyncset.done $0x0  }
0x55: {  	[sflag:s19] =	ssyncadd.s32 $0xFFFFEC00  }
0x56: {  	[tilespmem:s20], [sflag:$0x3] =	stream.linear.gather [hbm4b:s11+s28], $0x1400, $0x38;
	[tilespmem:$0x1E800] =	vst v63  }
0x57: {  	_ =	swait.ge [sflag:s19], $0x1400  }
0x58: {  	[sflag:s19] =	ssyncset.done $0x0  }
0x59: {  	[sflag:s19] =	ssyncadd.s32 $0xFFFFEC00  }
0x5a: {  	[tilespmem:s18], [sflag:$0x1] =	stream.indirect.gather [hbm4b:s4+s21], $0x80, s28, s21, $0xb8;
	[tilespmem:$0x1E800] =	vst v63  }
0x5b: {  	_ = 	snop  }
0x5c: {  	[tilespmem:s22], [sflag:$0x2] =	stream.indirect.gather [hbm4b:s4+s21], $0x80, s21, s21, $0xb8;
	[tilespmem:$0x1E800] =	vst v63  }
0x5d: {  	_ =	swait.ge [sflag:s23], $0x4000  }
0x5e: {  	[sflag:s23] =	ssyncset.done $0x0  }
0x5f: {  	s28 =	simm.s32 $0x1400;
	[sflag:s23] =	ssyncadd.s32 $0xFFFFC000  }
0x60: {  	[spmem:s2] =	stream.indirect.scatter.add.f32 [tilespmem:s18], [sflag:$0x3], $0x80, s28, s21, $0xb8;
	[tilespmem:$0x1E800] =	vst v63  }
0x61: {  	_ =	swait.ge [sflag:s19], $0x4000  }
0x62: {  	[sflag:s19] =	ssyncset.done $0x0  }
0x63: {  	s28 =	simm.s32 $0x100;
	[sflag:s19] =	ssyncadd.s32 $0xFFFFC000  }
0x64: {  	[tilespmem:s18], [sflag:$0x1] =	stream.indirect.gather [hbm4b:s4+s21], $0x80, s28, s21, $0xb8;
	[tilespmem:$0x1E800] =	vst v63  }
0x65: {  	_ =	swait.ge [sflag:s24], $0x4000  }
0x66: {  	[sflag:s24] =	ssyncset.done $0x0  }
0x67: {  	s28 =	simm.s32 $0x1480;
	[sflag:s24] =	ssyncadd.s32 $0xFFFFC000  }
0x68: {  	[spmem:s2] =	stream.indirect.scatter.add.f32 [tilespmem:s22], [sflag:$0x3], $0x80, s28, s21, $0xb8;
	[tilespmem:$0x1E800] =	vst v63  }
0x69: {  	_ =	swait.ge [sflag:s19], $0x4000  }
0x6a: {  	[sflag:s19] =	ssyncset.done $0x0  }
0x6b: {  	s29 =	simm.s32 $0x180;
	s28 =	simm.s32 $0x400;
	[sflag:s19] =	ssyncadd.s32 $0xFFFFC000  }
.LBB2_4:
0x6c: {  	[tilespmem:s22], [sflag:$0x2] =	stream.indirect.gather [hbm4b:s4+s21], $0x80, s29, s21, $0xb8;
	[tilespmem:$0x1E800] =	vst v63  }
0x6d: {  	s29 =	smov.u32 s28  }
0x6e: {  	p1 =	sne.s32 s28, $0x4800;
	s28 =	sadd.s32 $0x400, s28;
	_ =	swait.ge [sflag:s23], $0x4000  }
0x6f: {  	s29 =	sshra.s32 s29, $0x2;
	[sflag:s23] =	ssyncset.done $0x0  }
0x70: {  	s30 =	sadd.s32 $0x1400, s29;
	[sflag:s23] =	ssyncadd.s32 $0xFFFFC000  }
0x71: {  	[spmem:s2] =	stream.indirect.scatter.add.f32 [tilespmem:s18], [sflag:$0x3], $0x80, s30, s21, $0xb8;
	[tilespmem:$0x1E800] =	vst v63  }
0x72: {  	_ =	swait.ge [sflag:s19], $0x4000  }
0x73: {  	[sflag:s19] =	ssyncset.done $0x0  }
0x74: {  	s30 =	sadd.s32 $0x100, s29;
	[sflag:s19] =	ssyncadd.s32 $0xFFFFC000  }
0x75: {  	[tilespmem:s18], [sflag:$0x1] =	stream.indirect.gather [hbm4b:s4+s21], $0x80, s30, s21, $0xb8;
	[tilespmem:$0x1E800] =	vst v63  }
0x76: {  	_ =	swait.ge [sflag:s24], $0x4000  }
0x77: {  	[sflag:s24] =	ssyncset.done $0x0  }
.Ltmp3:
0x78: {  	s30 =	sadd.s32 $0x1480, s29;
	[sflag:s24] =	ssyncadd.s32 $0xFFFFC000;
	(pc) =	sbr.rel @p1 .LBB2_4-.Ltmp3, $4  }
0x79: {  	[spmem:s2] =	stream.indirect.scatter.add.f32 [tilespmem:s22], [sflag:$0x3], $0x80, s30, s21, $0xb8;
	[tilespmem:$0x1E800] =	vst v63  }
0x7a: {  	_ =	swait.ge [sflag:s19], $0x4000  }
0x7b: {  	[sflag:s19] =	ssyncset.done $0x0  }
0x7c: {  	s29 =	sadd.s32 $0x180, s29;
	[sflag:s19] =	ssyncadd.s32 $0xFFFFC000  }
0x7d: {  	[tilespmem:s22], [sflag:$0x2] =	stream.indirect.gather [hbm4b:s4+s21], $0x80, s29, s21, $0xb8;
	[tilespmem:$0x1E800] =	vst v63  }
0x7e: {  	_ =	swait.ge [sflag:s23], $0x4000  }
0x7f: {  	[sflag:s23] =	ssyncset.done $0x0  }
0x80: {  	[sflag:s23] =	ssyncadd.s32 $0xFFFFC000  }
0x81: {  	[spmem:s2] =	stream.indirect.scatter.add.f32 [tilespmem:s18], [sflag:$0x3], $0x80, s25, s21, $0xb8;
	[tilespmem:$0x1E800] =	vst v63  }
0x82: {  	_ =	swait.ge [sflag:s19], $0x4000  }
0x83: {  	[sflag:s19] =	ssyncset.done $0x0  }
0x84: {  	[sflag:s19] =	ssyncadd.s32 $0xFFFFC000  }
0x85: {  	_ =	swait.ge [sflag:s24], $0x4000  }
0x86: {  	[sflag:s24] =	ssyncset.done $0x0  }
.Ltmp4:
0x87: {  	[sflag:s24] =	ssyncadd.s32 $0xFFFFC000;
	(pc) =	sbr.rel @p0 .LBB2_11-.Ltmp4, $4  }
0x88: {  	[spmem:s2] =	stream.indirect.scatter.add.f32 [tilespmem:s22], [sflag:$0x3], $0x80, s26, s21, $0xb8;
	[tilespmem:$0x1E800] =	vst v63  }
0x89: {  	_ =	swait.ge [sflag:s19], $0x4000  }
0x8a: {  	[sflag:s19] =	ssyncset.done $0x0  }
0x8b: {  	[sflag:s19] =	ssyncadd.s32 $0xFFFFC000  }
0x8c: {  	s28 =	simm.s32 $0x0  }
0x8d: {  	[tilespmem:s28], [sflag:$0x3] =	stream.linear.gather [hbm4b:s12+s28], $0x1400, $0x38;
	[tilespmem:$0x1E800] =	vst v63  }
0x8e: {  	_ =	swait.ge [sflag:s19], $0x1400  }
0x8f: {  	[sflag:s19] =	ssyncset.done $0x0  }
0x90: {  	[sflag:s19] =	ssyncadd.s32 $0xFFFFEC00  }
0x91: {  	[tilespmem:s20], [sflag:$0x3] =	stream.linear.gather [hbm4b:s13+s28], $0x1400, $0x38;
	[tilespmem:$0x1E800] =	vst v63  }
0x92: {  	_ =	swait.ge [sflag:s19], $0x1400  }
0x93: {  	[sflag:s19] =	ssyncset.done $0x0  }
0x94: {  	[sflag:s19] =	ssyncadd.s32 $0xFFFFEC00  }
0x95: {  	[tilespmem:s18], [sflag:$0x1] =	stream.indirect.gather [hbm4b:s4+s21], $0x80, s28, s21, $0xb8;
	[tilespmem:$0x1E800] =	vst v63  }
0x96: {  	_ = 	snop  }
0x97: {  	[tilespmem:s22], [sflag:$0x2] =	stream.indirect.gather [hbm4b:s4+s21], $0x80, s21, s21, $0xb8;
	[tilespmem:$0x1E800] =	vst v63  }
0x98: {  	_ =	swait.ge [sflag:s23], $0x4000  }
0x99: {  	[sflag:s23] =	ssyncset.done $0x0  }
0x9a: {  	s28 =	simm.s32 $0x1400;
	[sflag:s23] =	ssyncadd.s32 $0xFFFFC000  }
0x9b: {  	[spmem:s2] =	stream.indirect.scatter.add.f32 [tilespmem:s18], [sflag:$0x3], $0x80, s28, s21, $0xb8;
	[tilespmem:$0x1E800] =	vst v63  }
0x9c: {  	_ =	swait.ge [sflag:s19], $0x4000  }
0x9d: {  	[sflag:s19] =	ssyncset.done $0x0  }
0x9e: {  	s28 =	simm.s32 $0x100;
	[sflag:s19] =	ssyncadd.s32 $0xFFFFC000  }
0x9f: {  	[tilespmem:s18], [sflag:$0x1] =	stream.indirect.gather [hbm4b:s4+s21], $0x80, s28, s21, $0xb8;
	[tilespmem:$0x1E800] =	vst v63  }
0xa0: {  	_ =	swait.ge [sflag:s24], $0x4000  }
0xa1: {  	[sflag:s24] =	ssyncset.done $0x0  }
0xa2: {  	s28 =	simm.s32 $0x1480;
	[sflag:s24] =	ssyncadd.s32 $0xFFFFC000  }
0xa3: {  	[spmem:s2] =	stream.indirect.scatter.add.f32 [tilespmem:s22], [sflag:$0x3], $0x80, s28, s21, $0xb8;
	[tilespmem:$0x1E800] =	vst v63  }
0xa4: {  	_ =	swait.ge [sflag:s19], $0x4000  }
0xa5: {  	[sflag:s19] =	ssyncset.done $0x0  }
0xa6: {  	s29 =	simm.s32 $0x180;
	s28 =	simm.s32 $0x400;
	[sflag:s19] =	ssyncadd.s32 $0xFFFFC000  }
.LBB2_7:
0xa7: {  	[tilespmem:s22], [sflag:$0x2] =	stream.indirect.gather [hbm4b:s4+s21], $0x80, s29, s21, $0xb8;
	[tilespmem:$0x1E800] =	vst v63  }
0xa8: {  	s29 =	smov.u32 s28  }
0xa9: {  	p1 =	sne.s32 s28, $0x4800;
	s28 =	sadd.s32 $0x400, s28;
	_ =	swait.ge [sflag:s23], $0x4000  }
0xaa: {  	s29 =	sshra.s32 s29, $0x2;
	[sflag:s23] =	ssyncset.done $0x0  }
0xab: {  	s30 =	sadd.s32 $0x1400, s29;
	[sflag:s23] =	ssyncadd.s32 $0xFFFFC000  }
0xac: {  	[spmem:s2] =	stream.indirect.scatter.add.f32 [tilespmem:s18], [sflag:$0x3], $0x80, s30, s21, $0xb8;
	[tilespmem:$0x1E800] =	vst v63  }
0xad: {  	_ =	swait.ge [sflag:s19], $0x4000  }
0xae: {  	[sflag:s19] =	ssyncset.done $0x0  }
0xaf: {  	s30 =	sadd.s32 $0x100, s29;
	[sflag:s19] =	ssyncadd.s32 $0xFFFFC000  }
0xb0: {  	[tilespmem:s18], [sflag:$0x1] =	stream.indirect.gather [hbm4b:s4+s21], $0x80, s30, s21, $0xb8;
	[tilespmem:$0x1E800] =	vst v63  }
0xb1: {  	_ =	swait.ge [sflag:s24], $0x4000  }
0xb2: {  	[sflag:s24] =	ssyncset.done $0x0  }
.Ltmp5:
0xb3: {  	s30 =	sadd.s32 $0x1480, s29;
	[sflag:s24] =	ssyncadd.s32 $0xFFFFC000;
	(pc) =	sbr.rel @p1 .LBB2_7-.Ltmp5, $4  }
0xb4: {  	[spmem:s2] =	stream.indirect.scatter.add.f32 [tilespmem:s22], [sflag:$0x3], $0x80, s30, s21, $0xb8;
	[tilespmem:$0x1E800] =	vst v63  }
0xb5: {  	_ =	swait.ge [sflag:s19], $0x4000  }
0xb6: {  	[sflag:s19] =	ssyncset.done $0x0  }
0xb7: {  	s29 =	sadd.s32 $0x180, s29;
	[sflag:s19] =	ssyncadd.s32 $0xFFFFC000  }
0xb8: {  	[tilespmem:s22], [sflag:$0x2] =	stream.indirect.gather [hbm4b:s4+s21], $0x80, s29, s21, $0xb8;
	[tilespmem:$0x1E800] =	vst v63  }
0xb9: {  	_ =	swait.ge [sflag:s23], $0x4000  }
0xba: {  	[sflag:s23] =	ssyncset.done $0x0  }
0xbb: {  	[sflag:s23] =	ssyncadd.s32 $0xFFFFC000  }
0xbc: {  	[spmem:s2] =	stream.indirect.scatter.add.f32 [tilespmem:s18], [sflag:$0x3], $0x80, s25, s21, $0xb8;
	[tilespmem:$0x1E800] =	vst v63  }
0xbd: {  	_ =	swait.ge [sflag:s19], $0x4000  }
0xbe: {  	[sflag:s19] =	ssyncset.done $0x0  }
0xbf: {  	[sflag:s19] =	ssyncadd.s32 $0xFFFFC000  }
0xc0: {  	_ =	swait.ge [sflag:s24], $0x4000  }
0xc1: {  	[sflag:s24] =	ssyncset.done $0x0  }
0xc2: {  	[sflag:s24] =	ssyncadd.s32 $0xFFFFC000  }
0xc3: {  	[spmem:s2] =	stream.indirect.scatter.add.f32 [tilespmem:s22], [sflag:$0x3], $0x80, s26, s21, $0xb8;
	[tilespmem:$0x1E800] =	vst v63  }
0xc4: {  	_ =	swait.ge [sflag:s19], $0x4000  }
0xc5: {  	[sflag:s19] =	ssyncset.done $0x0  }
0xc6: {  	s28 =	simm.s32 $0x0;
	[sflag:s19] =	ssyncadd.s32 $0xFFFFC000  }
0xc7: {  	[tilespmem:s28], [sflag:$0x3] =	stream.linear.gather [hbm4b:s14+s28], $0x1400, $0x38;
	[tilespmem:$0x1E800] =	vst v63  }
0xc8: {  	_ =	swait.ge [sflag:s19], $0x1400  }
0xc9: {  	[sflag:s19] =	ssyncset.done $0x0  }
0xca: {  	[sflag:s19] =	ssyncadd.s32 $0xFFFFEC00  }
0xcb: {  	[tilespmem:s20], [sflag:$0x3] =	stream.linear.gather [hbm4b:s15+s28], $0x1400, $0x38;
	[tilespmem:$0x1E800] =	vst v63  }
0xcc: {  	_ =	swait.ge [sflag:s19], $0x1400  }
0xcd: {  	[sflag:s19] =	ssyncset.done $0x0  }
0xce: {  	[sflag:s19] =	ssyncadd.s32 $0xFFFFEC00  }
0xcf: {  	[tilespmem:s18], [sflag:$0x1] =	stream.indirect.gather [hbm4b:s4+s21], $0x80, s28, s21, $0xb8;
	[tilespmem:$0x1E800] =	vst v63  }
0xd0: {  	_ = 	snop  }
0xd1: {  	[tilespmem:s22], [sflag:$0x2] =	stream.indirect.gather [hbm4b:s4+s21], $0x80, s21, s21, $0xb8;
	[tilespmem:$0x1E800] =	vst v63  }
0xd2: {  	_ =	swait.ge [sflag:s23], $0x4000  }
0xd3: {  	[sflag:s23] =	ssyncset.done $0x0  }
0xd4: {  	s28 =	simm.s32 $0x1400;
	[sflag:s23] =	ssyncadd.s32 $0xFFFFC000  }
0xd5: {  	[spmem:s2] =	stream.indirect.scatter.add.f32 [tilespmem:s18], [sflag:$0x3], $0x80, s28, s21, $0xb8;
	[tilespmem:$0x1E800] =	vst v63  }
0xd6: {  	_ =	swait.ge [sflag:s19], $0x4000  }
0xd7: {  	[sflag:s19] =	ssyncset.done $0x0  }
0xd8: {  	s28 =	simm.s32 $0x100;
	[sflag:s19] =	ssyncadd.s32 $0xFFFFC000  }
0xd9: {  	[tilespmem:s18], [sflag:$0x1] =	stream.indirect.gather [hbm4b:s4+s21], $0x80, s28, s21, $0xb8;
	[tilespmem:$0x1E800] =	vst v63  }
0xda: {  	_ =	swait.ge [sflag:s24], $0x4000  }
0xdb: {  	[sflag:s24] =	ssyncset.done $0x0  }
0xdc: {  	s28 =	simm.s32 $0x1480;
	[sflag:s24] =	ssyncadd.s32 $0xFFFFC000  }
0xdd: {  	[spmem:s2] =	stream.indirect.scatter.add.f32 [tilespmem:s22], [sflag:$0x3], $0x80, s28, s21, $0xb8;
	[tilespmem:$0x1E800] =	vst v63  }
0xde: {  	_ =	swait.ge [sflag:s19], $0x4000  }
0xdf: {  	[sflag:s19] =	ssyncset.done $0x0  }
0xe0: {  	s29 =	simm.s32 $0x180;
	s28 =	simm.s32 $0x400;
	[sflag:s19] =	ssyncadd.s32 $0xFFFFC000  }
.LBB2_9:
0xe1: {  	[tilespmem:s22], [sflag:$0x2] =	stream.indirect.gather [hbm4b:s4+s21], $0x80, s29, s21, $0xb8;
	[tilespmem:$0x1E800] =	vst v63  }
0xe2: {  	s29 =	smov.u32 s28  }
0xe3: {  	p1 =	sne.s32 s28, $0x4800;
	s28 =	sadd.s32 $0x400, s28;
	_ =	swait.ge [sflag:s23], $0x4000  }
0xe4: {  	s29 =	sshra.s32 s29, $0x2;
	[sflag:s23] =	ssyncset.done $0x0  }
0xe5: {  	s30 =	sadd.s32 $0x1400, s29;
	[sflag:s23] =	ssyncadd.s32 $0xFFFFC000  }
0xe6: {  	[spmem:s2] =	stream.indirect.scatter.add.f32 [tilespmem:s18], [sflag:$0x3], $0x80, s30, s21, $0xb8;
	[tilespmem:$0x1E800] =	vst v63  }
0xe7: {  	_ =	swait.ge [sflag:s19], $0x4000  }
0xe8: {  	[sflag:s19] =	ssyncset.done $0x0  }
0xe9: {  	s30 =	sadd.s32 $0x100, s29;
	[sflag:s19] =	ssyncadd.s32 $0xFFFFC000  }
0xea: {  	[tilespmem:s18], [sflag:$0x1] =	stream.indirect.gather [hbm4b:s4+s21], $0x80, s30, s21, $0xb8;
	[tilespmem:$0x1E800] =	vst v63  }
0xeb: {  	_ =	swait.ge [sflag:s24], $0x4000  }
0xec: {  	[sflag:s24] =	ssyncset.done $0x0  }
.Ltmp6:
0xed: {  	s30 =	sadd.s32 $0x1480, s29;
	[sflag:s24] =	ssyncadd.s32 $0xFFFFC000;
	(pc) =	sbr.rel @p1 .LBB2_9-.Ltmp6, $4  }
0xee: {  	[spmem:s2] =	stream.indirect.scatter.add.f32 [tilespmem:s22], [sflag:$0x3], $0x80, s30, s21, $0xb8;
	[tilespmem:$0x1E800] =	vst v63  }
0xef: {  	_ =	swait.ge [sflag:s19], $0x4000  }
0xf0: {  	[sflag:s19] =	ssyncset.done $0x0  }
0xf1: {  	s29 =	sadd.s32 $0x180, s29;
	[sflag:s19] =	ssyncadd.s32 $0xFFFFC000  }
.Ltmp7:
0xf2: {  	_ = 	snop;
	(pc) =	sbr.rel .LBB2_10-.Ltmp7, $1  }
0xf3: {  	_ =	sdelay $0x3  }
.LBB2_12:
0xf4: {  	_ =	sfence.sel $0x180000  }
0xf5: {  	[bflag:$0x0] =	sbarrier.arrive $0xFFFF  }
0xf6: {  	p0 =	sne.s32 s1, $0x0;
	_ =	strace $0x9000004D  }
0xf7: {  	s0 =	sadd.s32 @!p0 $0x100000, s0;
	[bflag:$0x2] =	sbarrier.arrive $0xFFFF  }
0xf8: {  	[sflag:s0] =	ssyncadd.tile.s32 @!p0 $0x1;
	_ =	shalt  }
.Lfunc_end2:
_tile_overlayer_lowered:
.L_overlay_start_2:
0xf9: {  	(tag) =	ssettag $0x2  }
0xfa: {  	s0 =	rddreg [dreg:$0x0];
	s2 =	stileid.u32  }
0xfb: {  	s1 =	rddreg [dreg:$0x1];
	p0 =	sne.s32 s2, $0x0  }
0xfc: {  	s3 =	rddreg [dreg:$0x2];
	[bflag:$0x3] =	sbarrier.arrive $0xFFFF;
	s2 =	simm.s32 @!p0 $0x1C03  }
0xfd: {  	[timem:s3], [sflag:s2] =	dma.local @!p0 [hbm:s0], s1  }
0xfe: {  	s0 =	simm.s32 @!p0 $0x3  }
0xff: {  	_ =	swait.ge @!p0 [sflag:s0], s1  }
0x100: {  	s1 =	ssub.s32 @!p0 $0x0, s1;
	[sflag:s0] =	ssyncset.done @!p0 $0x0  }
0x101: {  	[sflag:s0] =	ssyncadd.s32 @!p0 s1  }
0x102: {  	[bflag:$0x3] =	sbarrier.arrive $0xFFFF  }
0x103: {  	_ =	shalt  }

// kernel: kernel.20.cloned.1.call-start
scs
__scs_entry_jumppad:
0x0: {  	(pc) =	sbr.rel $0x88, $3  }
0x1: {  	(tag) =	ssettag $0x0;
	lr =	simm.s32 $0x1  }
0x2: {  	[smem:$0x3F94] =	sst lr;
	_ =	strace $0xD0000000  }
0x3: {  	_ = 	snop  }
0x4: {  	_ = 	snop  }
0x5: {  	_ = 	snop  }
0x6: {  	_ = 	snop  }
0x7: {  	_ = 	snop  }
__scs_overlays_trampoline_lowered:
0x8: {  	[smem:$0x3FA3] =	sst s0  }
0x9: {  	[smem:$0x3FA4] =	sst s1  }
0xa: {  	[smem:$0x3FA5] =	sst s2  }
0xb: {  	[smem:$0x3FA6] =	sst s3  }
0xc: {  	[smem:$0x3FA7] =	sst s4  }
0xd: {  	[smem:$0x3FA8] =	sst s5  }
0xe: {  	[smem:$0x3FA9] =	sst s6  }
0xf: {  	[smem:$0x3FAA] =	sst s7  }
0x10: {  	[smem:$0x3FAB] =	sst s8  }
0x11: {  	[smem:$0x3FAC] =	sst s9;
	s0 =	simm.s32 @!p0 $0x0  }
0x12: {  	s1 =	sld [smem:$0x3F92];
	s0 =	simm.s32 @p0 $0x1  }
0x13: {  	[smem:$0x3FAD] =	sst s0;
	s0 =	simm.s32 @!p1 $0x0  }
0x14: {  	s2 =	sld [smem:$0x3F91];
	s0 =	simm.s32 @p1 $0x1  }
0x15: {  	[smem:$0x3FAE] =	sst s0;
	s0 =	simm.s32 @!p2 $0x0  }
0x16: {  	s3 =	sld [smem:$0x3FDB];
	s0 =	simm.s32 @p2 $0x1  }
0x17: {  	s4 =	simm.s32 $0x1BF5;
	[smem:$0x3FB0] =	sst s0  }
0x18: {  	s0 =	sld [smem:$0x3F93];
	_ =	swait.ge [sflag:s4], $0x0  }
0x19: {  	s7 =	sld [smem:$0x3F94]  }
0x1a: {  	s8 =	sadd.s32 $0xFFFFE003, lr  }
0x1b: {  	s9 =	sadd.s32 $0xFFFFFEF7, lr;
	s5 =	simm.s32 $0xFFFFFFFF;
	p2 =	slt.u32 s8, $0xFFFFF086  }
0x1c: {  	p1 =	slt.u32 s9, $0xF7A;
	s5 =	simm.s32 @!p2 $0x0  }
0x1d: {  	s5 =	simm.s32 @p1 $0x1;
	p0 =	seq.s32 s7, s2  }
0x1e: {  	s7 =	smul.u32 @!p0 $0xF7A, s2;
	p2 =	seq.s32 @!p0 s5, $0x0  }
0x1f: {  	s9 =	smul.u32 $0xF7A, s1;
	s8 =	simm.s32 @!p0 $0x1BF5;
	p2 =	por !p2, p0  }
0x20: {  	[sflag:s8] =	ssyncset.s32 @!p0 $0xFFFFF086;
	s6 =	sadd.s32 @!p0 s3, s7;
	s7 =	simm.s32 @!p0 $0x108  }
0x21: {  	s3 =	sadd.s32 s3, s9;
	s6 =	sadd.s32 @!p0 $0x88, s6;
	s7 =	simm.s32 @p2 $0x1082  }
0x22: {  	[simem:s7], [sflag:s8] =	dma.local @!p0 [hbm:s6], $0xF7A  }
0x23: {  	s9 =	sor.u32 $0xD0000000, s2;
	s6 =	simm.s32 $0x108;
	_ =	swait.ge @!p0 [sflag:s8], $0x0  }
0x24: {  	s3 =	sadd.s32 $0x88, s3;
	s6 =	simm.s32 @!p1 $0x1082;
	[sflag:s4] =	ssyncset.s32 $0xFFFFF086  }
0x25: {  	[simem:s6], [sflag:s4] =	dma.local [hbm:s3], $0xF7A  }
0x26: {  	[smem:$0x3F94] =	sst s1;
	(tag) =	ssettag s2;
	_ =	strace s9  }
0x27: {  	s1 =	sld [smem:$0x3FA4]  }
0x28: {  	s2 =	sld [smem:$0x3FA5]  }
0x29: {  	s4 =	sld [smem:$0x3FA7]  }
0x2a: {  	p0 =	seq.s32 s5, $0x0;
	s5 =	sld [smem:$0x3FA8]  }
0x2b: {  	s6 =	sld [smem:$0x3FA9]  }
0x2c: {  	s7 =	sld [smem:$0x3FAA]  }
0x2d: {  	s3 =	simm.s32 $0x108;
	s8 =	sld [smem:$0x3FAB]  }
0x2e: {  	s3 =	simm.s32 @!p0 $0x1082;
	s9 =	sld [smem:$0x3FAC]  }
0x2f: {  	lr =	sadd.s32 s0, s3;
	s0 =	sld [smem:$0x3FA3]  }
0x30: {  	s3 =	sld [smem:$0x3FA6]  }
0x31: {  	[smem:$0x3FAF] =	sst s10  }
0x32: {  	s10 =	sld [smem:$0x3FAD];
	_ =	sdelay $0x3  }
0x33: {  	p0 =	seq.s32 s10, $0x1;
	s10 =	sld [smem:$0x3FAF];
	_ =	sdelay $0x3  }
0x34: {  	[smem:$0x3FAF] =	sst s10  }
0x35: {  	s10 =	sld [smem:$0x3FAE];
	_ =	sdelay $0x3  }
0x36: {  	p1 =	seq.s32 s10, $0x1;
	s10 =	sld [smem:$0x3FAF];
	_ =	sdelay $0x3  }
0x37: {  	[smem:$0x3FAF] =	sst s10  }
0x38: {  	s10 =	sld [smem:$0x3FB0]  }
0x39: {  	_ = 	snop;
	(pc) =	sbr.ind lr, $3  }
0x3a: {  	_ = 	snop  }
0x3b: {  	_ = 	snop  }
0x3c: {  	p2 =	seq.s32 s10, $0x1;
	s10 =	sld [smem:$0x3FAF]  }
0x3d: {  	_ =	shalt  }
0x3e: {  	_ =	shalt  }
0x3f: {  	_ =	shalt  }
0x40: {  	_ =	shalt  }
0x41: {  	_ =	shalt  }
0x42: {  	_ =	shalt  }
0x43: {  	_ =	shalt  }
0x44: {  	_ =	shalt  }
0x45: {  	_ =	shalt  }
0x46: {  	_ =	shalt  }
0x47: {  	_ =	shalt  }
0x48: {  	_ =	shalt  }
0x49: {  	_ =	shalt  }
0x4a: {  	_ =	shalt  }
0x4b: {  	_ =	shalt  }
0x4c: {  	_ =	shalt  }
0x4d: {  	_ =	shalt  }
0x4e: {  	_ =	shalt  }
0x4f: {  	_ =	shalt  }
0x50: {  	_ =	shalt  }
0x51: {  	_ =	shalt  }
0x52: {  	_ =	shalt  }
0x53: {  	_ =	shalt  }
0x54: {  	_ =	shalt  }
0x55: {  	_ =	shalt  }
0x56: {  	_ =	shalt  }
0x57: {  	_ =	shalt  }
0x58: {  	_ =	shalt  }
0x59: {  	_ =	shalt  }
0x5a: {  	_ =	shalt  }
0x5b: {  	_ =	shalt  }
0x5c: {  	_ =	shalt  }
0x5d: {  	_ =	shalt  }
0x5e: {  	_ =	shalt  }
0x5f: {  	_ =	shalt  }
0x60: {  	_ =	shalt  }
0x61: {  	_ =	shalt  }
0x62: {  	_ =	shalt  }
0x63: {  	_ =	shalt  }
0x64: {  	_ =	shalt  }
0x65: {  	_ =	shalt  }
0x66: {  	_ =	shalt  }
0x67: {  	_ =	shalt  }
0x68: {  	_ =	shalt  }
0x69: {  	_ =	shalt  }
0x6a: {  	_ =	shalt  }
0x6b: {  	_ =	shalt  }
0x6c: {  	_ =	shalt  }
0x6d: {  	_ =	shalt  }
0x6e: {  	_ =	shalt  }
0x6f: {  	_ =	shalt  }
0x70: {  	_ =	shalt  }
0x71: {  	_ =	shalt  }
0x72: {  	_ =	shalt  }
0x73: {  	_ =	shalt  }
0x74: {  	_ =	shalt  }
0x75: {  	_ =	shalt  }
0x76: {  	_ =	shalt  }
0x77: {  	_ =	shalt  }
0x78: {  	_ =	shalt  }
0x79: {  	_ =	shalt  }
0x7a: {  	_ =	shalt  }
0x7b: {  	_ =	shalt  }
0x7c: {  	_ =	shalt  }
0x7d: {  	_ =	shalt  }
0x7e: {  	_ =	shalt  }
0x7f: {  	_ =	shalt  }
0x80: {  	_ =	shalt  }
0x81: {  	_ =	shalt  }
0x82: {  	_ =	shalt  }
0x83: {  	_ =	shalt  }
0x84: {  	_ =	shalt  }
0x85: {  	_ =	shalt  }
0x86: {  	_ =	shalt  }
0x87: {  	_ =	shalt  }
.Lfunc_end0:
.L_simem_size_0:
called_computation.3_lowered:
.L_overlay_start_0:
0x88: {  	s2 =	sld [smem:$0x3FD9]  }
0x89: {  	s3 =	sld [smem:$0x3FFE];
	_ =	sdelay $0x1  }
0x8a: {  	s1 =	srdreg.scid  }
0x8b: {  	s0 =	sand.u32 $0x1, s1  }
0x8c: {  	s17 =	sshll.u32 s0, $0xA;
	s2 =	sadd.s32 s3, s2  }
0x8d: {  	s2 =	sadd.s32 s2, s17  }
0x8e: {  	[smem:$0x3FBB] =	sst s2  }
0x8f: {  	_ = 	snop  }
0x90: {  	s2 =	sld [smem:$0x3FD0];
	(tm) =	ssettm $0x1  }
0x91: {  	s18 =	sld [smem:$0x3FFB];
	_ =	sdelay $0x3  }
0x92: {  	_ =	strace s18  }
0x93: {  	s3 =	sld [smem:$0x3FFC];
	_ =	sdelay $0x3  }
0x94: {  	_ =	strace s3  }
0x95: {  	s3 =	sld [smem:$0x3FFD];
	_ =	sdelay $0x3  }
0x96: {  	_ =	strace s3  }
0x97: {  	_ =	strace $0x8FFFFFFF  }
0x98: {  	s19 =	sld [smem:$0x3FDB];
	_ =	sdelay $0x1  }
0x99: {  	s4 =	simm.s32 $_scs_section_size  }
0x9a: {  	s5 =	simm.s32 $_size__tile_overlayer_lowered;
	s6 =	simm.s32 $_tile_overlayer_lowered  }
0x9b: {  	s22 =	simm.s32 $0x1BFF;
	s21 =	sshll.u32 s6, $0x1;
	s3 =	sadd.s32 s4, s19  }
0x9c: {  	s7 =	simm.s32 $0x0;
	s20 =	sshll.u32 s5, $0x1;
	s5 =	sadd.s32 s21, s3  }
0x9d: {  	[timem:s7], [sflag:s22] =	dma.local [hbm:s5], s20  }
0x9e: {  	_ =	swait.ge [sflag:s22], s20  }
0x9f: {  	s4 =	ssub.s32 $0x0, s20;
	[sflag:s22] =	ssyncset.done $0x0  }
0xa0: {  	[sflag:s22] =	ssyncadd.s32 s4;
	_ =	sdelay $0x1  }
0xa1: {  	s23 =	simm.s32 $0x1B8B  }
0xa2: {  	_ =	swait.ge [sflag:s23], $0x1  }
0xa3: {  	[sflag:s23] =	ssyncset.done $0x0  }
0xa4: {  	s25 =	simm.s32 $0x1B8E;
	s24 =	sld [smem:$0x3FFE];
	[sflag:s23] =	ssyncadd.s32 $0xFFFFFFFF  }
0xa5: {  	s26 =	simm.s32 $execute0_lowered;
	[smem:$0x3FD2] =	sst s25  }
0xa6: {  	s5 =	sshll.u32 s26, $0x1;
	_ =	strace $0x8000004F;
	[dreg:$0x1] =	wrdreg $0xFFFFFFFF  }
0xa7: {  	s28 =	simm.s32 $_size_execute0_lowered;
	s3 =	sadd.s32 s3, s5;
	[dreg:$0x0] =	wrdreg $0x0  }
0xa8: {  	s5 =	sshll.u32 s28, $0x1;
	[dreg:$0x2] =	wrdreg s3  }
0xa9: {  	[dreg:$0x3] =	wrdreg s5  }
0xaa: {  	[dreg:$0x4] =	wrdreg $0xC0  }
0xab: {  	_ =	task [dreg:s7], $0x5FFFF  }
0xac: {  	[dreg:$0x1] =	wrdreg $0xFFFFFFFF  }
0xad: {  	[dreg:$0x0] =	wrdreg $0x60  }
0xae: {  	[dreg:$0x2] =	wrdreg s24  }
0xaf: {  	[dreg:$0x3] =	wrdreg s2  }
0xb0: {  	[dreg:$0x4] =	wrdreg $0xA8000  }
0xb1: {  	[dreg:$0x5] =	wrdreg $0x9  }
0xb2: {  	_ =	task.clear_ibuf [dreg:s7], $0x6FFFF;
	_ =	strace $0x9000004F  }
0xb3: {  	s29 =	simm.s32 $0x9;
	_ =	strace $0x80000051  }
0xb4: {  	_ =	swait.ge [sflag:s29], $0x1  }
0xb5: {  	[sflag:s29] =	ssyncadd.s32 $0xFFFFFFFF  }
0xb6: {  	_ =	strace $0x90000051  }
0xb7: {  	_ =	sfence  }
0xb8: {  	s30 =	sld [smem:$0x0];
	_ =	sdelay $0x2  }
0xb9: {  	s31 =	sshll.u32 s1, $0xD;
	s1 =	sshrl.u32 s1, $0x2  }
0xba: {  	s3 =	sand.u32 $0x4000, s31;
	s1 =	sadd.s32 s1, s30  }
0xbb: {  	s0 =	sor.u32 s3, s0;
	s1 =	sshll.u32 s1, $0x11  }
0xbc: {  	s0 =	sor.u32 s1, s0  }
0xbd: {  	s0 =	sadd.s32 $0x8F2B, s0  }
0xbe: {  	[sflag:s0] =	ssyncadd.remote.s32 $0x1  }
0xbf: {  	_ =	sfence.sel $0xFFFF  }
0xc0: {  	[dreg:$0x0] =	wrdreg $0xFFFFFFFF;
	(pc) =	sbr.abs _section_cstart, $3  }
0xc1: {  	[dreg:$0x1] =	wrdreg $0xFFFFFFFF  }
0xc2: {  	_ =	task.clear_ibuf [dreg:s7], $0x2FFFF;
	_ =	strace $0x9FFFFFFF  }
0xc3: {  	(tm) =	ssettm $0x7FFFFFFF  }
tec
execute0_lowered:
.L_overlay_start_1:
0x0: {  	(tag) =	ssettag $0x1  }
0x1: {  	s5 =	rddreg [dreg:$0x0]  }
0x2: {  	s15 =	rddreg [dreg:$0x1]  }
0x3: {  	s2 =	rddreg [dreg:$0x2]  }
0x4: {  	s0 =	rddreg [dreg:$0x3]  }
0x5: {  	s4 =	srdreg.scid;
	s1 =	stileid.u32;
	s3 =	simm.s32 $0x0  }
0x6: {  	s20 =	simm.s32 $0x1400;
	s21 =	simm.s32 $0x80;
	s29 =	smul.u32 $0x2800, s1  }
0x7: {  	s22 =	simm.s32 $0x6800;
	s23 =	simm.s32 $0x1;
	s7 =	smul.u32 $0x50000, s1  }
0x8: {  	s24 =	simm.s32 $0x2;
	s26 =	simm.s32 $0x2780;
	s8 =	smul.u32 $0x28, s1  }
0x9: {  	s25 =	sand.u32 $0x1, s4;
	[smem:$0x7FF] =	sst s3;
	s9 =	smul.u32 $0x78, s1  }
0xa: {  	s14 =	sadd.s32 $0x3600, s5;
	s4 =	sadd.s32 $0xD600, s5;
	s11 =	smul.u32 $0x3C00, s1  }
0xb: {  	s6 =	smul.u32 $0x28000, s25;
	_ =	strace $0x80000050;
	s30 =	ssub.s32 $0x2, s25  }
0xc: {  	p0 =	seq.s32 s25, $0x0;
	s31 =	sshrl.u32 s30, $0x1;
	s7 =	sshrl.u32 s7, $0x2  }
0xd: {  	s10 =	sadd.s32 $0x780, s8;
	s13 =	sshrl.u32 s11, $0x3;
	s6 =	sadd.s32 s29, s6  }
0xe: {  	s17 =	ssub.s32 s30, s31;
	s10 =	smov.u32 @p0 s9;
	s18 =	sadd.s32 $0x280, s13  }
0xf: {  	s19 =	sadd.s32 $0x500, s13;
	p0 =	sne.s32 s25, $0x0;
	s25 =	simm.s32 $0x2700  }
0x10: {  	s16 =	sadd.s32 s6, s5;
	s5 =	sadd.s32 s7, s2;
	s12 =	sshll.u32 s10, $0x4  }
.Ltmp0:
0x11: {  	s13 =	sadd.s32 s15, s18;
	s17 =	smax.u32 s17, $0x1;
	(pc) =	sbr.rel .LBB2_1-.Ltmp0, $4  }
0x12: {  	s6 =	sadd.s32 $0x4000, s5;
	s7 =	sadd.s32 $0x8000, s5;
	s8 =	sadd.s32 $0xC000, s5  }
0x13: {  	s9 =	sadd.s32 $0x10000, s5;
	s10 =	sadd.s32 s14, s12;
	s11 =	sadd.s32 s15, s12  }
0x14: {  	s12 =	sadd.s32 s14, s18;
	s14 =	sadd.s32 s14, s19;
	s15 =	sadd.s32 s15, s19  }
0x15: {  	v0 =	vimm.f32 $0.0e+00;
	s16 =	sadd.s32 $0x34800, s16;
	s18 =	simm.s32 $0x2800;
	s19 =	simm.s32 $0x3  }
.LBB2_10:
0x16: {  	[tilespmem:s22], [sflag:$0x2] =	stream.indirect.gather [hbm4b:s4+s21], $0x80, s29, s21, $0xb8;
	[tilespmem:$0x1E800] =	vst v63  }
0x17: {  	_ =	swait.ge [sflag:s23], $0x4000  }
0x18: {  	[sflag:s23] =	ssyncset.done $0x0  }
0x19: {  	[sflag:s23] =	ssyncadd.s32 $0xFFFFC000  }
0x1a: {  	[spmem:s2] =	stream.indirect.scatter.add.f32 [tilespmem:s18], [sflag:$0x3], $0x80, s25, s21, $0xb8;
	[tilespmem:$0x1E800] =	vst v63  }
0x1b: {  	_ =	swait.ge [sflag:s19], $0x4000  }
0x1c: {  	[sflag:s19] =	ssyncset.done $0x0  }
0x1d: {  	[sflag:s19] =	ssyncadd.s32 $0xFFFFC000  }
0x1e: {  	_ =	swait.ge [sflag:s24], $0x4000  }
0x1f: {  	[sflag:s24] =	ssyncset.done $0x0  }
0x20: {  	[sflag:s24] =	ssyncadd.s32 $0xFFFFC000  }
0x21: {  	[spmem:s2] =	stream.indirect.scatter.add.f32 [tilespmem:s22], [sflag:$0x3], $0x80, s26, s21, $0xb8;
	[tilespmem:$0x1E800] =	vst v63  }
0x22: {  	_ =	swait.ge [sflag:s19], $0x4000  }
0x23: {  	[sflag:s19] =	ssyncset.done $0x0  }
0x24: {  	[sflag:s19] =	ssyncadd.s32 $0xFFFFC000  }
.LBB2_11:
0x25: {  	s3 =	sadd.s32 $0x1, s3  }
0x26: {  	s28 =	sshll.u32 s1, $0x6;
	[bflag:$0x0] =	sbarrier.arrive $0xFFFF;
	p1 =	sne.s32 s3, s17  }
.Ltmp1:
0x27: {  	s29 =	sshrl.u32 s5, $0x3;
	s28 =	sor.u32 $0x1C03, s28;
	(pc) =	sbr.rel @!p1 .LBB2_12-.Ltmp1, $4  }
0x28: {  	[hbm:s16], [sflag:s28] =	dma.local [spmem:s29], $0x2800  }
0x29: {  	_ =	swait.ge [sflag:s19], $0x2800  }
0x2a: {  	[sflag:s19] =	ssyncset.done $0x0  }
0x2b: {  	[sflag:s19] =	ssyncadd.s32 $0xFFFFD800  }
.LBB2_1:
0x2c: {  	s28 =	simm.s32 $0x0;
	s29 =	simm.s32 $0x200  }
.LBB2_2:
0x2d: {  	p1 =	sne.s32 s29, $0xFE00;
	[tilespmem:s28+$0x2870] =	vst v0  }
0x2e: {  	[tilespmem:s28+$0x2800] =	vst v0  }
0x2f: {  	[tilespmem:s28+$0x2810] =	vst v0  }
.Ltmp2:
0x30: {  	[tilespmem:s28+$0x2820] =	vst v0;
	(pc) =	sbr.rel @p1 .LBB2_2-.Ltmp2, $4  }
0x31: {  	[tilespmem:s28+$0x2830] =	vst v0  }
0x32: {  	[tilespmem:s28+$0x2840] =	vst v0  }
0x33: {  	[tilespmem:s28+$0x2850] =	vst v0  }
0x34: {  	[tilespmem:s28+$0x2860] =	vst v0;
	s28 =	sshra.s32 s29, $0x2;
	s29 =	sadd.s32 $0x200, s29  }
0x35: {  	[tilespmem:s28+$0x2870] =	vst v0  }
0x36: {  	[tilespmem:s28+$0x2800] =	vst v0  }
0x37: {  	[tilespmem:s28+$0x2810] =	vst v0  }
0x38: {  	[tilespmem:s28+$0x2820] =	vst v0  }
0x39: {  	[tilespmem:s28+$0x2830] =	vst v0  }
0x3a: {  	[tilespmem:s28+$0x2840] =	vst v0  }
0x3b: {  	[tilespmem:s28+$0x2850] =	vst v0  }
0x3c: {  	[tilespmem:s28+$0x2860] =	vst v0  }
0x3d: {  	[spmem:s5] =	stream.linear.scatter [tilespmem:s18], [sflag:$0x3], $0x4000, $0x38;
	[tilespmem:$0x1E800] =	vst v63  }
0x3e: {  	_ =	swait.ge [sflag:s19], $0x4000  }
0x3f: {  	[sflag:s19] =	ssyncset.done $0x0  }
0x40: {  	[sflag:s19] =	ssyncadd.s32 $0xFFFFC000  }
0x41: {  	[spmem:s6] =	stream.linear.scatter [tilespmem:s18], [sflag:$0x3], $0x4000, $0x38;
	[tilespmem:$0x1E800] =	vst v63  }
0x42: {  	_ =	swait.ge [sflag:s19], $0x4000  }
0x43: {  	[sflag:s19] =	ssyncset.done $0x0  }
0x44: {  	[sflag:s19] =	ssyncadd.s32 $0xFFFFC000  }
0x45: {  	[spmem:s7] =	stream.linear.scatter [tilespmem:s18], [sflag:$0x3], $0x4000, $0x38;
	[tilespmem:$0x1E800] =	vst v63  }
0x46: {  	_ =	swait.ge [sflag:s19], $0x4000  }
0x47: {  	[sflag:s19] =	ssyncset.done $0x0  }
0x48: {  	[sflag:s19] =	ssyncadd.s32 $0xFFFFC000  }
0x49: {  	[spmem:s8] =	stream.linear.scatter [tilespmem:s18], [sflag:$0x3], $0x4000, $0x38;
	[tilespmem:$0x1E800] =	vst v63  }
0x4a: {  	_ =	swait.ge [sflag:s19], $0x4000  }
0x4b: {  	[sflag:s19] =	ssyncset.done $0x0  }
0x4c: {  	[sflag:s19] =	ssyncadd.s32 $0xFFFFC000  }
0x4d: {  	[spmem:s9] =	stream.linear.scatter [tilespmem:s18], [sflag:$0x3], $0x4000, $0x38;
	[tilespmem:$0x1E800] =	vst v63  }
0x4e: {  	_ =	swait.ge [sflag:s19], $0x4000  }
0x4f: {  	[sflag:s19] =	ssyncset.done $0x0  }
0x50: {  	[sflag:s19] =	ssyncadd.s32 $0xFFFFC000  }
0x51: {  	s28 =	simm.s32 $0x0;
	[bflag:$0x0] =	sbarrier.arrive $0xFFFF  }
0x52: {  	[tilespmem:s28], [sflag:$0x3] =	stream.linear.gather [hbm4b:s10+s28], $0x1400, $0x38;
	[tilespmem:$0x1E800] =	vst v63  }
0x53: {  	_ =	swait.ge [sflag:s19], $0x1400  }
0x54: {  	[sflag:s19] =	ssyncset.done $0x0  }
0x55: {  	[sflag:s19] =	ssyncadd.s32 $0xFFFFEC00  }
0x56: {  	[tilespmem:s20], [sflag:$0x3] =	stream.linear.gather [hbm4b:s11+s28], $0x1400, $0x38;
	[tilespmem:$0x1E800] =	vst v63  }
0x57: {  	_ =	swait.ge [sflag:s19], $0x1400  }
0x58: {  	[sflag:s19] =	ssyncset.done $0x0  }
0x59: {  	[sflag:s19] =	ssyncadd.s32 $0xFFFFEC00  }
0x5a: {  	[tilespmem:s18], [sflag:$0x1] =	stream.indirect.gather [hbm4b:s4+s21], $0x80, s28, s21, $0xb8;
	[tilespmem:$0x1E800] =	vst v63  }
0x5b: {  	_ = 	snop  }
0x5c: {  	[tilespmem:s22], [sflag:$0x2] =	stream.indirect.gather [hbm4b:s4+s21], $0x80, s21, s21, $0xb8;
	[tilespmem:$0x1E800] =	vst v63  }
0x5d: {  	_ =	swait.ge [sflag:s23], $0x4000  }
0x5e: {  	[sflag:s23] =	ssyncset.done $0x0  }
0x5f: {  	s28 =	simm.s32 $0x1400;
	[sflag:s23] =	ssyncadd.s32 $0xFFFFC000  }
0x60: {  	[spmem:s2] =	stream.indirect.scatter.add.f32 [tilespmem:s18], [sflag:$0x3], $0x80, s28, s21, $0xb8;
	[tilespmem:$0x1E800] =	vst v63  }
0x61: {  	_ =	swait.ge [sflag:s19], $0x4000  }
0x62: {  	[sflag:s19] =	ssyncset.done $0x0  }
0x63: {  	s28 =	simm.s32 $0x100;
	[sflag:s19] =	ssyncadd.s32 $0xFFFFC000  }
0x64: {  	[tilespmem:s18], [sflag:$0x1] =	stream.indirect.gather [hbm4b:s4+s21], $0x80, s28, s21, $0xb8;
	[tilespmem:$0x1E800] =	vst v63  }
0x65: {  	_ =	swait.ge [sflag:s24], $0x4000  }
0x66: {  	[sflag:s24] =	ssyncset.done $0x0  }
0x67: {  	s28 =	simm.s32 $0x1480;
	[sflag:s24] =	ssyncadd.s32 $0xFFFFC000  }
0x68: {  	[spmem:s2] =	stream.indirect.scatter.add.f32 [tilespmem:s22], [sflag:$0x3], $0x80, s28, s21, $0xb8;
	[tilespmem:$0x1E800] =	vst v63  }
0x69: {  	_ =	swait.ge [sflag:s19], $0x4000  }
0x6a: {  	[sflag:s19] =	ssyncset.done $0x0  }
0x6b: {  	s29 =	simm.s32 $0x180;
	s28 =	simm.s32 $0x400;
	[sflag:s19] =	ssyncadd.s32 $0xFFFFC000  }
.LBB2_4:
0x6c: {  	[tilespmem:s22], [sflag:$0x2] =	stream.indirect.gather [hbm4b:s4+s21], $0x80, s29, s21, $0xb8;
	[tilespmem:$0x1E800] =	vst v63  }
0x6d: {  	s29 =	smov.u32 s28  }
0x6e: {  	p1 =	sne.s32 s28, $0x4800;
	s28 =	sadd.s32 $0x400, s28;
	_ =	swait.ge [sflag:s23], $0x4000  }
0x6f: {  	s29 =	sshra.s32 s29, $0x2;
	[sflag:s23] =	ssyncset.done $0x0  }
0x70: {  	s30 =	sadd.s32 $0x1400, s29;
	[sflag:s23] =	ssyncadd.s32 $0xFFFFC000  }
0x71: {  	[spmem:s2] =	stream.indirect.scatter.add.f32 [tilespmem:s18], [sflag:$0x3], $0x80, s30, s21, $0xb8;
	[tilespmem:$0x1E800] =	vst v63  }
0x72: {  	_ =	swait.ge [sflag:s19], $0x4000  }
0x73: {  	[sflag:s19] =	ssyncset.done $0x0  }
0x74: {  	s30 =	sadd.s32 $0x100, s29;
	[sflag:s19] =	ssyncadd.s32 $0xFFFFC000  }
0x75: {  	[tilespmem:s18], [sflag:$0x1] =	stream.indirect.gather [hbm4b:s4+s21], $0x80, s30, s21, $0xb8;
	[tilespmem:$0x1E800] =	vst v63  }
0x76: {  	_ =	swait.ge [sflag:s24], $0x4000  }
0x77: {  	[sflag:s24] =	ssyncset.done $0x0  }
.Ltmp3:
0x78: {  	s30 =	sadd.s32 $0x1480, s29;
	[sflag:s24] =	ssyncadd.s32 $0xFFFFC000;
	(pc) =	sbr.rel @p1 .LBB2_4-.Ltmp3, $4  }
0x79: {  	[spmem:s2] =	stream.indirect.scatter.add.f32 [tilespmem:s22], [sflag:$0x3], $0x80, s30, s21, $0xb8;
	[tilespmem:$0x1E800] =	vst v63  }
0x7a: {  	_ =	swait.ge [sflag:s19], $0x4000  }
0x7b: {  	[sflag:s19] =	ssyncset.done $0x0  }
0x7c: {  	s29 =	sadd.s32 $0x180, s29;
	[sflag:s19] =	ssyncadd.s32 $0xFFFFC000  }
0x7d: {  	[tilespmem:s22], [sflag:$0x2] =	stream.indirect.gather [hbm4b:s4+s21], $0x80, s29, s21, $0xb8;
	[tilespmem:$0x1E800] =	vst v63  }
0x7e: {  	_ =	swait.ge [sflag:s23], $0x4000  }
0x7f: {  	[sflag:s23] =	ssyncset.done $0x0  }
0x80: {  	[sflag:s23] =	ssyncadd.s32 $0xFFFFC000  }
0x81: {  	[spmem:s2] =	stream.indirect.scatter.add.f32 [tilespmem:s18], [sflag:$0x3], $0x80, s25, s21, $0xb8;
	[tilespmem:$0x1E800] =	vst v63  }
0x82: {  	_ =	swait.ge [sflag:s19], $0x4000  }
0x83: {  	[sflag:s19] =	ssyncset.done $0x0  }
0x84: {  	[sflag:s19] =	ssyncadd.s32 $0xFFFFC000  }
0x85: {  	_ =	swait.ge [sflag:s24], $0x4000  }
0x86: {  	[sflag:s24] =	ssyncset.done $0x0  }
.Ltmp4:
0x87: {  	[sflag:s24] =	ssyncadd.s32 $0xFFFFC000;
	(pc) =	sbr.rel @p0 .LBB2_11-.Ltmp4, $4  }
0x88: {  	[spmem:s2] =	stream.indirect.scatter.add.f32 [tilespmem:s22], [sflag:$0x3], $0x80, s26, s21, $0xb8;
	[tilespmem:$0x1E800] =	vst v63  }
0x89: {  	_ =	swait.ge [sflag:s19], $0x4000  }
0x8a: {  	[sflag:s19] =	ssyncset.done $0x0  }
0x8b: {  	[sflag:s19] =	ssyncadd.s32 $0xFFFFC000  }
0x8c: {  	s28 =	simm.s32 $0x0  }
0x8d: {  	[tilespmem:s28], [sflag:$0x3] =	stream.linear.gather [hbm4b:s12+s28], $0x1400, $0x38;
	[tilespmem:$0x1E800] =	vst v63  }
0x8e: {  	_ =	swait.ge [sflag:s19], $0x1400  }
0x8f: {  	[sflag:s19] =	ssyncset.done $0x0  }
0x90: {  	[sflag:s19] =	ssyncadd.s32 $0xFFFFEC00  }
0x91: {  	[tilespmem:s20], [sflag:$0x3] =	stream.linear.gather [hbm4b:s13+s28], $0x1400, $0x38;
	[tilespmem:$0x1E800] =	vst v63  }
0x92: {  	_ =	swait.ge [sflag:s19], $0x1400  }
0x93: {  	[sflag:s19] =	ssyncset.done $0x0  }
0x94: {  	[sflag:s19] =	ssyncadd.s32 $0xFFFFEC00  }
0x95: {  	[tilespmem:s18], [sflag:$0x1] =	stream.indirect.gather [hbm4b:s4+s21], $0x80, s28, s21, $0xb8;
	[tilespmem:$0x1E800] =	vst v63  }
0x96: {  	_ = 	snop  }
0x97: {  	[tilespmem:s22], [sflag:$0x2] =	stream.indirect.gather [hbm4b:s4+s21], $0x80, s21, s21, $0xb8;
	[tilespmem:$0x1E800] =	vst v63  }
0x98: {  	_ =	swait.ge [sflag:s23], $0x4000  }
0x99: {  	[sflag:s23] =	ssyncset.done $0x0  }
0x9a: {  	s28 =	simm.s32 $0x1400;
	[sflag:s23] =	ssyncadd.s32 $0xFFFFC000  }
0x9b: {  	[spmem:s2] =	stream.indirect.scatter.add.f32 [tilespmem:s18], [sflag:$0x3], $0x80, s28, s21, $0xb8;
	[tilespmem:$0x1E800] =	vst v63  }
0x9c: {  	_ =	swait.ge [sflag:s19], $0x4000  }
0x9d: {  	[sflag:s19] =	ssyncset.done $0x0  }
0x9e: {  	s28 =	simm.s32 $0x100;
	[sflag:s19] =	ssyncadd.s32 $0xFFFFC000  }
0x9f: {  	[tilespmem:s18], [sflag:$0x1] =	stream.indirect.gather [hbm4b:s4+s21], $0x80, s28, s21, $0xb8;
	[tilespmem:$0x1E800] =	vst v63  }
0xa0: {  	_ =	swait.ge [sflag:s24], $0x4000  }
0xa1: {  	[sflag:s24] =	ssyncset.done $0x0  }
0xa2: {  	s28 =	simm.s32 $0x1480;
	[sflag:s24] =	ssyncadd.s32 $0xFFFFC000  }
0xa3: {  	[spmem:s2] =	stream.indirect.scatter.add.f32 [tilespmem:s22], [sflag:$0x3], $0x80, s28, s21, $0xb8;
	[tilespmem:$0x1E800] =	vst v63  }
0xa4: {  	_ =	swait.ge [sflag:s19], $0x4000  }
0xa5: {  	[sflag:s19] =	ssyncset.done $0x0  }
0xa6: {  	s29 =	simm.s32 $0x180;
	s28 =	simm.s32 $0x400;
	[sflag:s19] =	ssyncadd.s32 $0xFFFFC000  }
.LBB2_7:
0xa7: {  	[tilespmem:s22], [sflag:$0x2] =	stream.indirect.gather [hbm4b:s4+s21], $0x80, s29, s21, $0xb8;
	[tilespmem:$0x1E800] =	vst v63  }
0xa8: {  	s29 =	smov.u32 s28  }
0xa9: {  	p1 =	sne.s32 s28, $0x4800;
	s28 =	sadd.s32 $0x400, s28;
	_ =	swait.ge [sflag:s23], $0x4000  }
0xaa: {  	s29 =	sshra.s32 s29, $0x2;
	[sflag:s23] =	ssyncset.done $0x0  }
0xab: {  	s30 =	sadd.s32 $0x1400, s29;
	[sflag:s23] =	ssyncadd.s32 $0xFFFFC000  }
0xac: {  	[spmem:s2] =	stream.indirect.scatter.add.f32 [tilespmem:s18], [sflag:$0x3], $0x80, s30, s21, $0xb8;
	[tilespmem:$0x1E800] =	vst v63  }
0xad: {  	_ =	swait.ge [sflag:s19], $0x4000  }
0xae: {  	[sflag:s19] =	ssyncset.done $0x0  }
0xaf: {  	s30 =	sadd.s32 $0x100, s29;
	[sflag:s19] =	ssyncadd.s32 $0xFFFFC000  }
0xb0: {  	[tilespmem:s18], [sflag:$0x1] =	stream.indirect.gather [hbm4b:s4+s21], $0x80, s30, s21, $0xb8;
	[tilespmem:$0x1E800] =	vst v63  }
0xb1: {  	_ =	swait.ge [sflag:s24], $0x4000  }
0xb2: {  	[sflag:s24] =	ssyncset.done $0x0  }
.Ltmp5:
0xb3: {  	s30 =	sadd.s32 $0x1480, s29;
	[sflag:s24] =	ssyncadd.s32 $0xFFFFC000;
	(pc) =	sbr.rel @p1 .LBB2_7-.Ltmp5, $4  }
0xb4: {  	[spmem:s2] =	stream.indirect.scatter.add.f32 [tilespmem:s22], [sflag:$0x3], $0x80, s30, s21, $0xb8;
	[tilespmem:$0x1E800] =	vst v63  }
0xb5: {  	_ =	swait.ge [sflag:s19], $0x4000  }
0xb6: {  	[sflag:s19] =	ssyncset.done $0x0  }
0xb7: {  	s29 =	sadd.s32 $0x180, s29;
	[sflag:s19] =	ssyncadd.s32 $0xFFFFC000  }
0xb8: {  	[tilespmem:s22], [sflag:$0x2] =	stream.indirect.gather [hbm4b:s4+s21], $0x80, s29, s21, $0xb8;
	[tilespmem:$0x1E800] =	vst v63  }
0xb9: {  	_ =	swait.ge [sflag:s23], $0x4000  }
0xba: {  	[sflag:s23] =	ssyncset.done $0x0  }
0xbb: {  	[sflag:s23] =	ssyncadd.s32 $0xFFFFC000  }
0xbc: {  	[spmem:s2] =	stream.indirect.scatter.add.f32 [tilespmem:s18], [sflag:$0x3], $0x80, s25, s21, $0xb8;
	[tilespmem:$0x1E800] =	vst v63  }
0xbd: {  	_ =	swait.ge [sflag:s19], $0x4000  }
0xbe: {  	[sflag:s19] =	ssyncset.done $0x0  }
0xbf: {  	[sflag:s19] =	ssyncadd.s32 $0xFFFFC000  }
0xc0: {  	_ =	swait.ge [sflag:s24], $0x4000  }
0xc1: {  	[sflag:s24] =	ssyncset.done $0x0  }
0xc2: {  	[sflag:s24] =	ssyncadd.s32 $0xFFFFC000  }
0xc3: {  	[spmem:s2] =	stream.indirect.scatter.add.f32 [tilespmem:s22], [sflag:$0x3], $0x80, s26, s21, $0xb8;
	[tilespmem:$0x1E800] =	vst v63  }
0xc4: {  	_ =	swait.ge [sflag:s19], $0x4000  }
0xc5: {  	[sflag:s19] =	ssyncset.done $0x0  }
0xc6: {  	s28 =	simm.s32 $0x0;
	[sflag:s19] =	ssyncadd.s32 $0xFFFFC000  }
0xc7: {  	[tilespmem:s28], [sflag:$0x3] =	stream.linear.gather [hbm4b:s14+s28], $0x1400, $0x38;
	[tilespmem:$0x1E800] =	vst v63  }
0xc8: {  	_ =	swait.ge [sflag:s19], $0x1400  }
0xc9: {  	[sflag:s19] =	ssyncset.done $0x0  }
0xca: {  	[sflag:s19] =	ssyncadd.s32 $0xFFFFEC00  }
0xcb: {  	[tilespmem:s20], [sflag:$0x3] =	stream.linear.gather [hbm4b:s15+s28], $0x1400, $0x38;
	[tilespmem:$0x1E800] =	vst v63  }
0xcc: {  	_ =	swait.ge [sflag:s19], $0x1400  }
0xcd: {  	[sflag:s19] =	ssyncset.done $0x0  }
0xce: {  	[sflag:s19] =	ssyncadd.s32 $0xFFFFEC00  }
0xcf: {  	[tilespmem:s18], [sflag:$0x1] =	stream.indirect.gather [hbm4b:s4+s21], $0x80, s28, s21, $0xb8;
	[tilespmem:$0x1E800] =	vst v63  }
0xd0: {  	_ = 	snop  }
0xd1: {  	[tilespmem:s22], [sflag:$0x2] =	stream.indirect.gather [hbm4b:s4+s21], $0x80, s21, s21, $0xb8;
	[tilespmem:$0x1E800] =	vst v63  }
0xd2: {  	_ =	swait.ge [sflag:s23], $0x4000  }
0xd3: {  	[sflag:s23] =	ssyncset.done $0x0  }
0xd4: {  	s28 =	simm.s32 $0x1400;
	[sflag:s23] =	ssyncadd.s32 $0xFFFFC000  }
0xd5: {  	[spmem:s2] =	stream.indirect.scatter.add.f32 [tilespmem:s18], [sflag:$0x3], $0x80, s28, s21, $0xb8;
	[tilespmem:$0x1E800] =	vst v63  }
0xd6: {  	_ =	swait.ge [sflag:s19], $0x4000  }
0xd7: {  	[sflag:s19] =	ssyncset.done $0x0  }
0xd8: {  	s28 =	simm.s32 $0x100;
	[sflag:s19] =	ssyncadd.s32 $0xFFFFC000  }
0xd9: {  	[tilespmem:s18], [sflag:$0x1] =	stream.indirect.gather [hbm4b:s4+s21], $0x80, s28, s21, $0xb8;
	[tilespmem:$0x1E800] =	vst v63  }
0xda: {  	_ =	swait.ge [sflag:s24], $0x4000  }
0xdb: {  	[sflag:s24] =	ssyncset.done $0x0  }
0xdc: {  	s28 =	simm.s32 $0x1480;
	[sflag:s24] =	ssyncadd.s32 $0xFFFFC000  }
0xdd: {  	[spmem:s2] =	stream.indirect.scatter.add.f32 [tilespmem:s22], [sflag:$0x3], $0x80, s28, s21, $0xb8;
	[tilespmem:$0x1E800] =	vst v63  }
0xde: {  	_ =	swait.ge [sflag:s19], $0x4000  }
0xdf: {  	[sflag:s19] =	ssyncset.done $0x0  }
0xe0: {  	s29 =	simm.s32 $0x180;
	s28 =	simm.s32 $0x400;
	[sflag:s19] =	ssyncadd.s32 $0xFFFFC000  }
.LBB2_9:
0xe1: {  	[tilespmem:s22], [sflag:$0x2] =	stream.indirect.gather [hbm4b:s4+s21], $0x80, s29, s21, $0xb8;
	[tilespmem:$0x1E800] =	vst v63  }
0xe2: {  	s29 =	smov.u32 s28  }
0xe3: {  	p1 =	sne.s32 s28, $0x4800;
	s28 =	sadd.s32 $0x400, s28;
	_ =	swait.ge [sflag:s23], $0x4000  }
0xe4: {  	s29 =	sshra.s32 s29, $0x2;
	[sflag:s23] =	ssyncset.done $0x0  }
0xe5: {  	s30 =	sadd.s32 $0x1400, s29;
	[sflag:s23] =	ssyncadd.s32 $0xFFFFC000  }
0xe6: {  	[spmem:s2] =	stream.indirect.scatter.add.f32 [tilespmem:s18], [sflag:$0x3], $0x80, s30, s21, $0xb8;
	[tilespmem:$0x1E800] =	vst v63  }
0xe7: {  	_ =	swait.ge [sflag:s19], $0x4000  }
0xe8: {  	[sflag:s19] =	ssyncset.done $0x0  }
0xe9: {  	s30 =	sadd.s32 $0x100, s29;
	[sflag:s19] =	ssyncadd.s32 $0xFFFFC000  }
0xea: {  	[tilespmem:s18], [sflag:$0x1] =	stream.indirect.gather [hbm4b:s4+s21], $0x80, s30, s21, $0xb8;
	[tilespmem:$0x1E800] =	vst v63  }
0xeb: {  	_ =	swait.ge [sflag:s24], $0x4000  }
0xec: {  	[sflag:s24] =	ssyncset.done $0x0  }
.Ltmp6:
0xed: {  	s30 =	sadd.s32 $0x1480, s29;
	[sflag:s24] =	ssyncadd.s32 $0xFFFFC000;
	(pc) =	sbr.rel @p1 .LBB2_9-.Ltmp6, $4  }
0xee: {  	[spmem:s2] =	stream.indirect.scatter.add.f32 [tilespmem:s22], [sflag:$0x3], $0x80, s30, s21, $0xb8;
	[tilespmem:$0x1E800] =	vst v63  }
0xef: {  	_ =	swait.ge [sflag:s19], $0x4000  }
0xf0: {  	[sflag:s19] =	ssyncset.done $0x0  }
0xf1: {  	s29 =	sadd.s32 $0x180, s29;
	[sflag:s19] =	ssyncadd.s32 $0xFFFFC000  }
.Ltmp7:
0xf2: {  	_ = 	snop;
	(pc) =	sbr.rel .LBB2_10-.Ltmp7, $1  }
0xf3: {  	_ =	sdelay $0x3  }
.LBB2_12:
0xf4: {  	_ =	sfence.sel $0x180000  }
0xf5: {  	[bflag:$0x0] =	sbarrier.arrive $0xFFFF  }
0xf6: {  	p0 =	sne.s32 s1, $0x0;
	_ =	strace $0x90000050  }
0xf7: {  	s0 =	sadd.s32 @!p0 $0x100000, s0;
	[bflag:$0x2] =	sbarrier.arrive $0xFFFF  }
0xf8: {  	[sflag:s0] =	ssyncadd.tile.s32 @!p0 $0x1;
	_ =	shalt  }
.Lfunc_end2:
_tile_overlayer_lowered:
.L_overlay_start_2:
0xf9: {  	(tag) =	ssettag $0x2  }
0xfa: {  	s0 =	rddreg [dreg:$0x0];
	s2 =	stileid.u32  }
0xfb: {  	s1 =	rddreg [dreg:$0x1];
	p0 =	sne.s32 s2, $0x0  }
0xfc: {  	s3 =	rddreg [dreg:$0x2];
	[bflag:$0x3] =	sbarrier.arrive $0xFFFF;
	s2 =	simm.s32 @!p0 $0x1C03  }
0xfd: {  	[timem:s3], [sflag:s2] =	dma.local @!p0 [hbm:s0], s1  }
0xfe: {  	s0 =	simm.s32 @!p0 $0x3  }
0xff: {  	_ =	swait.ge @!p0 [sflag:s0], s1  }
0x100: {  	s1 =	ssub.s32 @!p0 $0x0, s1;
	[sflag:s0] =	ssyncset.done @!p0 $0x0  }
0x101: {  	[sflag:s0] =	ssyncadd.s32 @!p0 s1  }
0x102: {  	[bflag:$0x3] =	sbarrier.arrive $0xFFFF  }
0x103: {  	_ =	shalt  }

</sc_bundles>
